<compile_context>
chip_gen: v7x
topology: tpu7x:2x2x1
jax: 0.10.2.dev20260603
libtpu: 0.0.44.dev20260713+nightly
codegen_flags: <defaults>
</compile_context>

<pallas_src>
import functools
import math

import jax
import jax.numpy as jnp
from jax import lax
from jax.experimental import pallas as pl
from jax.experimental.pallas import tpu as pltpu
from jax.experimental.pallas import tpu_sc as plsc

NC = 2
NS = 16
NW = NC * NS
LN = 16

CUTOFF = 5.0
LOG2 = math.log(2.0)


def _ssp(x):
    return jnp.maximum(x, 0.0) + jnp.log1p(jnp.exp(-jnp.abs(x))) - LOG2



def _build_geom(N, E, H, NB, CK):
    EPT = E // NW
    n_ech = EPT // CK
    n_nch = N // CK
    n_rounds = (n_nch + NW - 1) // NW
    mesh = plsc.VectorSubcoreMesh(core_axis_name="c", subcore_axis_name="s")

    @functools.partial(
        pl.kernel,
        out_type=(jax.ShapeDtypeStruct((E,), jnp.float32),
                  jax.ShapeDtypeStruct((N, H), jnp.float32)),
        mesh=mesh,
        compiler_params=pltpu.CompilerParams(needs_layout_passes=False),
        scratch_types=[
            pltpu.VMEM((N,), jnp.float32),
            pltpu.VMEM((N,), jnp.float32),
            pltpu.VMEM((N,), jnp.float32),
            pltpu.VMEM((N,), jnp.int32),
            pltpu.VMEM((NB * 9,), jnp.float32),
            pltpu.VMEM((CK,), jnp.int32),
            pltpu.VMEM((CK,), jnp.int32),
            pltpu.VMEM((CK,), jnp.float32),
            pltpu.VMEM((CK,), jnp.float32),
            pltpu.VMEM((CK,), jnp.float32),
            pltpu.VMEM((CK,), jnp.float32),
            pltpu.VMEM((CK,), jnp.int32),
            pltpu.VMEM((CK, H), jnp.float32),
            pltpu.SemaphoreType.DMA,
        ],
    )
    def geom(posx_h, posy_h, posz_h, batch_h, cellf_h, src_h, dst_h,
             sx_h, sy_h, sz_h, z_h, emb_h,
             d2_h, h0_h,
             posx_v, posy_v, posz_v, batch_v, cell_v,
             srcb, dstb, sxb, syb, szb, d2b, zb, embb, sem):
        c = lax.axis_index("c")
        s = lax.axis_index("s")
        wid = s * NC + c
        pltpu.sync_copy(posx_h, posx_v)
        pltpu.sync_copy(posy_h, posy_v)
        pltpu.sync_copy(posz_h, posz_v)
        pltpu.sync_copy(batch_h, batch_v)
        pltpu.sync_copy(cellf_h, cell_v)
        base = wid * EPT

        def echunk(ch, carry):
            off = base + ch * CK
            pltpu.sync_copy(src_h.at[pl.ds(off, CK)], srcb)
            pltpu.sync_copy(dst_h.at[pl.ds(off, CK)], dstb)
            pltpu.sync_copy(sx_h.at[pl.ds(off, CK)], sxb)
            pltpu.sync_copy(sy_h.at[pl.ds(off, CK)], syb)
            pltpu.sync_copy(sz_h.at[pl.ds(off, CK)], szb)
            for g in range(CK // LN):
                sl = pl.ds(g * LN, LN)
                s16 = srcb[sl]
                t16 = dstb[sl]
                pxs = plsc.load_gather(posx_v, [s16])
                pys = plsc.load_gather(posy_v, [s16])
                pzs = plsc.load_gather(posz_v, [s16])
                pxt = plsc.load_gather(posx_v, [t16])
                pyt = plsc.load_gather(posy_v, [t16])
                pzt = plsc.load_gather(posz_v, [t16])
                b16 = plsc.load_gather(batch_v, [s16]) * 9
                cm = [plsc.load_gather(cell_v, [b16 + k]) for k in range(9)]
                sx = sxb[sl]
                sy = syb[sl]
                sz = szb[sl]
                ex = pxt - pxs + sx * cm[0] + sy * cm[3] + sz * cm[6]
                ey = pyt - pys + sx * cm[1] + sy * cm[4] + sz * cm[7]
                ez = pzt - pzs + sx * cm[2] + sy * cm[5] + sz * cm[8]
                d2 = jnp.maximum(ex * ex + ey * ey + ez * ez, 1e-12)
                d2b[sl] = d2
            pltpu.sync_copy(d2b, d2_h.at[pl.ds(off, CK)])
            return carry

        lax.fori_loop(0, n_ech, echunk, 0)

        for r in range(n_rounds):
            cid = wid + NW * r

            def emb_round(cid=cid):
                off = cid * CK
                pltpu.sync_copy(z_h.at[pl.ds(off, CK)], zb)
                pltpu.async_copy(emb_h.at[zb], embb, sem).wait()
                pltpu.sync_copy(embb, h0_h.at[pl.ds(off, CK)])

            pl.when(cid < n_nch)(emb_round)

    return geom



def _build_filter(E, G, F, BE):
    grid = E // BE
    gstep = CUTOFF / (G - 1)
    coeff = -0.5 / gstep ** 2

    def body(d2_ref, w1_ref, b1_ref, w2_ref, b2_ref, o0_ref, o1_ref, o2_ref):
        d2 = d2_ref[...]
        d = jnp.sqrt(d2)
        offs = lax.broadcasted_iota(jnp.int32, (1, G), 1).astype(jnp.float32) * gstep
        ea = jnp.exp(coeff * (d - offs) ** 2)
        s2 = d2 * (1.0 / (CUTOFF * CUTOFF))
        inside = s2 < 1.0
        denom = jnp.where(inside, jnp.maximum(1.0 - s2, 1e-3), 1.0)
        env = jnp.where(inside, jnp.exp(1.0 - 1.0 / denom), 0.0)
        ea = ea * env
        Cf = 0.5 * (jnp.cos(d * (math.pi / CUTOFF)) + 1.0)
        w1 = w1_ref[...]
        b1 = b1_ref[...]
        w2 = w2_ref[...]
        b2 = b2_ref[...]
        outs = (o0_ref, o1_ref, o2_ref)
        for t in range(3):
            W = jnp.dot(ea, w1[t], preferred_element_type=jnp.float32) + b1[t][None, :]
            W = _ssp(W)
            W = jnp.dot(W, w2[t], preferred_element_type=jnp.float32) + b2[t][None, :]
            outs[t][...] = W * Cf

    return pl.pallas_call(
        body,
        grid=(grid,),
        in_specs=[
            pl.BlockSpec((BE, 1), lambda i: (i, 0)),
            pl.BlockSpec((3, G, F), lambda i: (0, 0, 0)),
            pl.BlockSpec((3, F), lambda i: (0, 0)),
            pl.BlockSpec((3, F, F), lambda i: (0, 0, 0)),
            pl.BlockSpec((3, F), lambda i: (0, 0)),
        ],
        out_specs=[pl.BlockSpec((BE, F), lambda i: (i, 0))] * 3,
        out_shape=[jax.ShapeDtypeStruct((E, F), jnp.float32)] * 3,
    )



def _build_mp(N, E, H, CK):
    EPT = E // NW
    n_ch = EPT // CK
    CHR = 200
    n_rch = N // CHR
    n_rrounds = (n_rch + NS - 1) // NS
    mesh = plsc.VectorSubcoreMesh(core_axis_name="c", subcore_axis_name="s")

    @functools.partial(
        pl.kernel,
        out_type=jax.ShapeDtypeStruct((NC, N, H), jnp.float32),
        mesh=mesh,
        compiler_params=pltpu.CompilerParams(needs_layout_passes=False),
        scratch_types=[
            pltpu.VMEM_SHARED((N, H), jnp.float32),
            pltpu.VMEM((CK,), jnp.int32),
            pltpu.VMEM((CK,), jnp.int32),
            pltpu.VMEM((CK, H), jnp.float32),
            pltpu.VMEM((CK, H), jnp.float32),
            pltpu.VMEM((CHR, H), jnp.float32),
            pltpu.SemaphoreType.DMA,
        ],
    )
    def mp(hh_h, w_h, src_h, dst_h, out_h, acc, srcb, dstb, hhb, wb, zrows, sem):
        c = lax.axis_index("c")
        s = lax.axis_index("s")
        wid = s * NC + c

        def zr(i, carry):
            for k in range(H // LN):
                zrows[i, pl.ds(k * LN, LN)] = jnp.zeros((LN,), jnp.float32)
            return carry

        lax.fori_loop(0, CHR, zr, 0)
        for r in range(n_rrounds):
            cid = s + NS * r

            def zero_round(cid=cid):
                pltpu.sync_copy(zrows, acc.at[pl.ds(cid * CHR, CHR)])

            pl.when(cid < n_rch)(zero_round)
        plsc.subcore_barrier()

        base = wid * EPT

        def chunk(ch, carry):
            off = base + ch * CK
            pltpu.sync_copy(src_h.at[pl.ds(off, CK)], srcb)
            pltpu.sync_copy(dst_h.at[pl.ds(off, CK)], dstb)
            pltpu.sync_copy(w_h.at[pl.ds(off, CK)], wb)
            pltpu.async_copy(hh_h.at[srcb], hhb, sem).wait()

            def mul(e, carry2):
                for k in range(H // LN):
                    sl = pl.ds(k * LN, LN)
                    hhb[e, sl] = hhb[e, sl] * wb[e, sl]
                return carry2

            lax.fori_loop(0, CK, mul, 0)
            pltpu.sync_copy(hhb, acc.at[dstb], add=True)
            return carry

        lax.fori_loop(0, n_ch, chunk, 0)
        plsc.subcore_barrier()
        for r in range(n_rrounds):
            cid = s + NS * r

            def out_round(cid=cid):
                r0 = cid * CHR
                pltpu.sync_copy(acc.at[pl.ds(r0, CHR)], zrows)
                pltpu.sync_copy(zrows, out_h.at[c, pl.ds(r0, CHR)])

            pl.when(cid < n_rch)(out_round)

    return mp



def _build_matmul(N, H, BN):
    def body(h_ref, w_ref, o_ref):
        o_ref[...] = jnp.dot(h_ref[...], w_ref[...],
                             preferred_element_type=jnp.float32)

    return pl.pallas_call(
        body,
        grid=(N // BN,),
        in_specs=[
            pl.BlockSpec((BN, H), lambda i: (i, 0)),
            pl.BlockSpec((H, H), lambda i: (0, 0)),
        ],
        out_specs=pl.BlockSpec((BN, H), lambda i: (i, 0)),
        out_shape=jax.ShapeDtypeStruct((N, H), jnp.float32),
    )


def _build_node(N, H, BN):
    def body(agg_ref, h_ref, w2_ref, b2_ref, iw_ref, ib_ref, nw_ref,
             hn_ref, hh_ref):
        agg = agg_ref[0] + agg_ref[1]
        x = jnp.dot(agg, w2_ref[...], preferred_element_type=jnp.float32)
        x = _ssp(x + b2_ref[...])
        x = jnp.dot(x, iw_ref[...], preferred_element_type=jnp.float32)
        hn = h_ref[...] + x + ib_ref[...]
        hn_ref[...] = hn
        hh_ref[...] = jnp.dot(hn, nw_ref[...],
                              preferred_element_type=jnp.float32)

    return pl.pallas_call(
        body,
        grid=(N // BN,),
        in_specs=[
            pl.BlockSpec((NC, BN, H), lambda i: (0, i, 0)),
            pl.BlockSpec((BN, H), lambda i: (i, 0)),
            pl.BlockSpec((H, H), lambda i: (0, 0)),
            pl.BlockSpec((1, H), lambda i: (0, 0)),
            pl.BlockSpec((H, H), lambda i: (0, 0)),
            pl.BlockSpec((1, H), lambda i: (0, 0)),
            pl.BlockSpec((H, H), lambda i: (0, 0)),
        ],
        out_specs=[pl.BlockSpec((BN, H), lambda i: (i, 0))] * 2,
        out_shape=[jax.ShapeDtypeStruct((N, H), jnp.float32)] * 2,
    )


def _build_readout(N, H, NB, BN):
    def body(h_ref, bt_ref, w1_ref, b1_ref, w2_ref, b2_ref, o_ref):
        h = h_ref[...]
        y = _ssp(jnp.dot(h, w1_ref[...], preferred_element_type=jnp.float32)
                 + b1_ref[...])
        y = jnp.dot(y, w2_ref[...], preferred_element_type=jnp.float32) \
            + b2_ref[...]
        bt = bt_ref[...]
        oh = (bt == lax.broadcasted_iota(jnp.int32, (1, NB), 1))
        part = jnp.sum(y * oh.astype(jnp.float32), axis=0, keepdims=True)

        @pl.when(pl.program_id(0) == 0)
        def _():
            o_ref[...] = jnp.zeros_like(o_ref)

        o_ref[...] += part

    return pl.pallas_call(
        body,
        grid=(N // BN,),
        in_specs=[
            pl.BlockSpec((BN, H), lambda i: (i, 0)),
            pl.BlockSpec((BN, 1), lambda i: (i, 0)),
            pl.BlockSpec((H, H // 2), lambda i: (0, 0)),
            pl.BlockSpec((1, H // 2), lambda i: (0, 0)),
            pl.BlockSpec((H // 2, 1), lambda i: (0, 0)),
            pl.BlockSpec((1, 1), lambda i: (0, 0)),
        ],
        out_specs=pl.BlockSpec((1, NB), lambda i: (0, 0)),
        out_shape=jax.ShapeDtypeStruct((1, NB), jnp.float32),
    )



def kernel(z, pos, edge_index, shifts, cell, batch, emb,
           mlp_w1, mlp_b1, mlp_w2, mlp_b2,
           cf_w1, cf_w2, cf_b2, int_w, int_b,
           lin1_w, lin1_b, lin2_w, lin2_b):
    N = pos.shape[0]
    E = edge_index.shape[1]
    H = emb.shape[1]
    NB = cell.shape[0]
    G = mlp_w1.shape[1]
    F = mlp_w1.shape[2]
    CK = 80

    src = edge_index[0].astype(jnp.int32)
    dst = edge_index[1].astype(jnp.int32)
    posx = pos[:, 0].astype(jnp.float32)
    posy = pos[:, 1].astype(jnp.float32)
    posz = pos[:, 2].astype(jnp.float32)
    sx = shifts[:, 0].astype(jnp.float32)
    sy = shifts[:, 1].astype(jnp.float32)
    sz = shifts[:, 2].astype(jnp.float32)
    cellf = cell.reshape(-1).astype(jnp.float32)
    batch32 = batch.astype(jnp.int32)
    z32 = z.astype(jnp.int32)

    geom = _build_geom(N, E, H, NB, CK)
    d2, h0 = geom(posx, posy, posz, batch32, cellf, src, dst,
                  sx, sy, sz, z32, emb)

    filt = _build_filter(E, G, F, BE=512)
    Ws = filt(d2.reshape(E, 1), mlp_w1, mlp_b1, mlp_w2, mlp_b2)

    mp = _build_mp(N, E, H, CK)
    node = _build_node(N, H, BN=1000)
    hh = _build_matmul(N, H, BN=1000)(h0, cf_w1[0])
    h = h0
    for t in range(3):
        parts = mp(hh, Ws[t], src, dst)
        h, hh = node(parts, h, cf_w2[t], cf_b2[t].reshape(1, H),
                     int_w[t], int_b[t].reshape(1, H), cf_w1[(t + 1) % 3])

    ro = _build_readout(N, H, NB, BN=1000)
    energy = ro(h, batch32.reshape(N, 1), lin1_w, lin1_b.reshape(1, -1),
                lin2_w, lin2_b.reshape(1, 1))
    return energy.reshape(NB, 1)

# --- scband reference (transcript-rebuilt; emitter-appended) ---
"""Pipeline reference for scband-torch-sch-net-16819091931689 (READ-ONLY COPY).

The authoritative reference and input builder live on the scoring server;
editing this copy changes nothing except your own understanding.
"""

import jax, jax.numpy as jnp
import numpy as np

N = 10000
E = 320000
B = 64
H = 128
F = 128
G = 50
T = 3
CUTOFF = 5.0


def ssp(x):
    return jax.nn.softplus(x) - jnp.log(2.0)


def setup_inputs(seed: int = 0) -> dict:
    key = jax.random.key(seed)
    ks = jax.random.split(key, 20)
    s = 0.1
    return {
        "z": jax.random.randint(ks[0], (N,), 0, 100),
        "pos": jax.random.normal(ks[1], (N, 3), jnp.float32),
        "edge_index": jax.random.randint(ks[2], (2, E), 0, N),
        "shifts": jax.random.normal(ks[3], (E, 3), jnp.float32),
        "cell": jax.random.normal(ks[4], (B, 3, 3), jnp.float32),
        "batch": jnp.sort(jax.random.randint(ks[5], (N,), 0, B)),
        "emb": jax.random.normal(ks[6], (100, H), jnp.float32) * s,
        "mlp_w1": jax.random.normal(ks[7], (T, G, F), jnp.float32) * s,
        "mlp_b1": jnp.zeros((T, F), jnp.float32),
        "mlp_w2": jax.random.normal(ks[8], (T, F, F), jnp.float32) * s,
        "mlp_b2": jnp.zeros((T, F), jnp.float32),
        "cf_w1": jax.random.normal(ks[9], (T, H, F), jnp.float32) * s,
        "cf_w2": jax.random.normal(ks[10], (T, F, H), jnp.float32) * s,
        "cf_b2": jnp.zeros((T, H), jnp.float32),
        "int_w": jax.random.normal(ks[11], (T, H, H), jnp.float32) * s,
        "int_b": jnp.zeros((T, H), jnp.float32),
        "lin1_w": jax.random.normal(ks[12], (H, H // 2), jnp.float32) * s,
        "lin1_b": jnp.zeros((H // 2,), jnp.float32),
        "lin2_w": jax.random.normal(ks[13], (H // 2, 1), jnp.float32) * s,
        "lin2_b": jnp.zeros((1,), jnp.float32),
    }


def _forward(z, pos, edge_index, shifts, cell, batch, emb, mlp_w1, mlp_b1, mlp_w2, mlp_b2, cf_w1, cf_w2, cf_b2, int_w, int_b, lin1_w, lin1_b, lin2_w, lin2_b):
    src = edge_index[0]
    dst = edge_index[1]
    # compute_edge_geometry: PBC-shifted edge vectors and lengths
    edge_vec = pos[dst] - pos[src] + jnp.einsum("ei,eij->ej", shifts, cell[batch[src]])
    d = jnp.sqrt(jnp.maximum(jnp.sum(edge_vec * edge_vec, axis=-1), 1e-12))
    # GaussianSmearing(0, cutoff, num_gaussians)
    offset = jnp.linspace(0.0, CUTOFF, G)
    coeff = -0.5 / (offset[1] - offset[0]) ** 2
    ea = jnp.exp(coeff * (d[:, None] - offset[None, :]) ** 2)
    # SmoothBumpEnvelope: exp(1 - 1/(1 - (d/cutoff)^2)) inside cutoff, 0 outside
    sc = d / CUTOFF
    s2 = sc * sc
    inside = s2 < 1.0
    denom = jnp.where(inside, jnp.maximum(1.0 - s2, 1e-3), 1.0)
    env = jnp.where(inside, jnp.exp(1.0 - 1.0 / denom), 0.0)
    ea = ea * env[:, None]
    # CFConv cosine cutoff factor
    C = 0.5 * (jnp.cos(d * jnp.pi / CUTOFF) + 1.0)
    h = emb[z]
    for i in range(T):
        # InteractionBlock: conv (CFConv) -> act -> lin, residual add in forward_energy
        W = ssp(ea @ mlp_w1[i] + mlp_b1[i]) @ mlp_w2[i] + mlp_b2[i]
        W = W * C[:, None]
        msg = (h @ cf_w1[i])[src] * W
        agg = jnp.zeros((h.shape[0], F), h.dtype).at[dst].add(msg)
        x = agg @ cf_w2[i] + cf_b2[i]
        x = ssp(x)
        x = x @ int_w[i] + int_b[i]
        h = h + x
    h = ssp(h @ lin1_w + lin1_b)
    h = h @ lin2_w + lin2_b
    energy = jax.ops.segment_sum(h, batch, num_segments=B)
    return energy


def reference(z, pos, edge_index, shifts, cell, batch, emb, mlp_w1, mlp_b1, mlp_w2, mlp_b2, cf_w1, cf_w2, cf_b2, int_w, int_b, lin1_w, lin1_b, lin2_w, lin2_b):
    return _forward(z, pos, edge_index, shifts, cell, batch, emb, mlp_w1, mlp_b1, mlp_w2, mlp_b2, cf_w1, cf_w2, cf_b2, int_w, int_b, lin1_w, lin1_b, lin2_w, lin2_b)

if __name__ == "__main__":
    import jax
    _d = setup_inputs()
    print(jax.jit(kernel)(*tuple(_d.values())))

</pallas_src>

<mosaic_0001>
#map = affine_map<(d0, d1) -> (0, 0)>
#map1 = affine_map<(d0, d1) -> (0)>
#map2 = affine_map<(d0, d1) -> (0, 0, 0)>
module attributes {stable_mosaic.version = 14 : i64} {
  func.func @mp(%arg0: i32, %arg1: i32, %arg2: memref<10000x128xf32, #tpu.memory_space<hbm>>, %arg3: memref<320000x128xf32, #tpu.memory_space<hbm>>, %arg4: memref<320000xi32, #tpu.memory_space<hbm>>, %arg5: memref<320000xi32, #tpu.memory_space<hbm>>, %arg6: memref<2x10000x128xf32, #tpu.memory_space<hbm>>, %arg7: memref<10000x128xf32, #tpu.memory_space<vmem_shared>>, %arg8: memref<80xi32, #tpu.memory_space<vmem>>, %arg9: memref<80xi32, #tpu.memory_space<vmem>>, %arg10: memref<80x128xf32, #tpu.memory_space<vmem>>, %arg11: memref<80x128xf32, #tpu.memory_space<vmem>>, %arg12: memref<200x128xf32, #tpu.memory_space<vmem>>, %arg13: memref<!tpu.dma_semaphore, #tpu.memory_space<semaphore_mem>>) attributes {dimension_semantics = [#tpu.dimension_semantics<core_parallel>, #tpu.dimension_semantics<subcore_parallel>], iteration_bounds = array<i64: 2, 16>, scalar_prefetch = 0 : i64, scratch_operands = 7 : i64, tpu.core_type = #tpu.core_type<sc_vector_subcore>, window_params = [{transform_indices = #map}, {transform_indices = #map}, {transform_indices = #map1}, {transform_indices = #map1}, {transform_indices = #map2}]} {
    %mul3A = arith.constant 2 : i32
    %mul3A_0 = arith.muli %arg1, %mul3A : i32
    %add3A = arith.addi %mul3A_0, %arg0 : i32
    %scan3A = arith.constant 0 : i32
    %scan3A_1 = arith.constant 0 : i32
    %scan3A_2 = arith.constant 200 : i32
    %scan3A_3 = arith.addi %scan3A_1, %scan3A_2 : i32
    %scan3A_4 = arith.constant 1 : i32
    scf.for %scan3A_68 = %scan3A_1 to %scan3A_3 step %scan3A_4  : i32 {
      %broadcast_in_dim3A = arith.constant 0.000000e+00 : f32
      %broadcast_in_dim3A_69 = vector.broadcast %broadcast_in_dim3A : f32 to vector<16xf32>
      %swap3A = arith.index_cast %scan3A_68 : i32 to index
      %swap3A_70 = arith.constant 0 : index
      %swap3A_71 = tpu.vector_load %arg12[%swap3A, %swap3A_70] {strides = array<i32>} : memref<200x128xf32, #tpu.memory_space<vmem>>, vector<16xf32>,
      tpu.vector_store %arg12[%swap3A, %swap3A_70], %broadcast_in_dim3A_69 {strides = array<i32>} : memref<200x128xf32, #tpu.memory_space<vmem>>, vector<16xf32>,
      %broadcast_in_dim3A_72 = arith.constant 0.000000e+00 : f32
      %broadcast_in_dim3A_73 = vector.broadcast %broadcast_in_dim3A_72 : f32 to vector<16xf32>
      %swap3A_74 = arith.index_cast %scan3A_68 : i32 to index
      %swap3A_75 = arith.constant 16 : index
      %swap3A_76 = tpu.vector_load %arg12[%swap3A_74, %swap3A_75] {strides = array<i32>} : memref<200x128xf32, #tpu.memory_space<vmem>>, vector<16xf32>,
      tpu.vector_store %arg12[%swap3A_74, %swap3A_75], %broadcast_in_dim3A_73 {strides = array<i32>} : memref<200x128xf32, #tpu.memory_space<vmem>>, vector<16xf32>,
      %broadcast_in_dim3A_77 = arith.constant 0.000000e+00 : f32
      %broadcast_in_dim3A_78 = vector.broadcast %broadcast_in_dim3A_77 : f32 to vector<16xf32>
      %swap3A_79 = arith.index_cast %scan3A_68 : i32 to index
      %swap3A_80 = arith.constant 32 : index
      %swap3A_81 = tpu.vector_load %arg12[%swap3A_79, %swap3A_80] {strides = array<i32>} : memref<200x128xf32, #tpu.memory_space<vmem>>, vector<16xf32>,
      tpu.vector_store %arg12[%swap3A_79, %swap3A_80], %broadcast_in_dim3A_78 {strides = array<i32>} : memref<200x128xf32, #tpu.memory_space<vmem>>, vector<16xf32>,
      %broadcast_in_dim3A_82 = arith.constant 0.000000e+00 : f32
      %broadcast_in_dim3A_83 = vector.broadcast %broadcast_in_dim3A_82 : f32 to vector<16xf32>
      %swap3A_84 = arith.index_cast %scan3A_68 : i32 to index
      %swap3A_85 = arith.constant 48 : index
      %swap3A_86 = tpu.vector_load %arg12[%swap3A_84, %swap3A_85] {strides = array<i32>} : memref<200x128xf32, #tpu.memory_space<vmem>>, vector<16xf32>,
      tpu.vector_store %arg12[%swap3A_84, %swap3A_85], %broadcast_in_dim3A_83 {strides = array<i32>} : memref<200x128xf32, #tpu.memory_space<vmem>>, vector<16xf32>,
      %broadcast_in_dim3A_87 = arith.constant 0.000000e+00 : f32
      %broadcast_in_dim3A_88 = vector.broadcast %broadcast_in_dim3A_87 : f32 to vector<16xf32>
      %swap3A_89 = arith.index_cast %scan3A_68 : i32 to index
      %swap3A_90 = arith.constant 64 : index
      %swap3A_91 = tpu.vector_load %arg12[%swap3A_89, %swap3A_90] {strides = array<i32>} : memref<200x128xf32, #tpu.memory_space<vmem>>, vector<16xf32>,
      tpu.vector_store %arg12[%swap3A_89, %swap3A_90], %broadcast_in_dim3A_88 {strides = array<i32>} : memref<200x128xf32, #tpu.memory_space<vmem>>, vector<16xf32>,
      %broadcast_in_dim3A_92 = arith.constant 0.000000e+00 : f32
      %broadcast_in_dim3A_93 = vector.broadcast %broadcast_in_dim3A_92 : f32 to vector<16xf32>
      %swap3A_94 = arith.index_cast %scan3A_68 : i32 to index
      %swap3A_95 = arith.constant 80 : index
      %swap3A_96 = tpu.vector_load %arg12[%swap3A_94, %swap3A_95] {strides = array<i32>} : memref<200x128xf32, #tpu.memory_space<vmem>>, vector<16xf32>,
      tpu.vector_store %arg12[%swap3A_94, %swap3A_95], %broadcast_in_dim3A_93 {strides = array<i32>} : memref<200x128xf32, #tpu.memory_space<vmem>>, vector<16xf32>,
      %broadcast_in_dim3A_97 = arith.constant 0.000000e+00 : f32
      %broadcast_in_dim3A_98 = vector.broadcast %broadcast_in_dim3A_97 : f32 to vector<16xf32>
      %swap3A_99 = arith.index_cast %scan3A_68 : i32 to index
      %swap3A_100 = arith.constant 96 : index
      %swap3A_101 = tpu.vector_load %arg12[%swap3A_99, %swap3A_100] {strides = array<i32>} : memref<200x128xf32, #tpu.memory_space<vmem>>, vector<16xf32>,
      tpu.vector_store %arg12[%swap3A_99, %swap3A_100], %broadcast_in_dim3A_98 {strides = array<i32>} : memref<200x128xf32, #tpu.memory_space<vmem>>, vector<16xf32>,
      %broadcast_in_dim3A_102 = arith.constant 0.000000e+00 : f32
      %broadcast_in_dim3A_103 = vector.broadcast %broadcast_in_dim3A_102 : f32 to vector<16xf32>
      %swap3A_104 = arith.index_cast %scan3A_68 : i32 to index
      %swap3A_105 = arith.constant 112 : index
      %swap3A_106 = tpu.vector_load %arg12[%swap3A_104, %swap3A_105] {strides = array<i32>} : memref<200x128xf32, #tpu.memory_space<vmem>>, vector<16xf32>,
      tpu.vector_store %arg12[%swap3A_104, %swap3A_105], %broadcast_in_dim3A_103 {strides = array<i32>} : memref<200x128xf32, #tpu.memory_space<vmem>>, vector<16xf32>,
    }
    %scan3A_5 = arith.constant 200 : i32
    %add3A_6 = arith.constant 0 : i32
    %add3A_7 = arith.addi %arg1, %add3A_6 : i32
    %lt3A = arith.constant 50 : i32
    %lt3A_8 = arith.cmpi slt, %add3A_7, %lt3A : i32
    %convert_element_type3A = arith.extui %lt3A_8 : i1 to i32
    %cond3A = arith.constant 0 : i32
    %cond3A_9 = arith.cmpi ne, %convert_element_type3A, %cond3A : i32
    scf.if %cond3A_9 {
      %mul3A_68 = arith.constant 200 : i32
      %mul3A_69 = arith.muli %add3A_7, %mul3A_68 : i32
      "tpu.region"() ({
        %run_scoped3A = tpu.sem_alloc : memref<!tpu.dma_semaphore, #tpu.memory_space<semaphore_mem>>
        %dma_start3A = arith.constant 0 : i32
        %dma_start3A_70 = tpu.memref_slice %arg7[%mul3A_69, %dma_start3A] : memref<10000x128xf32, #tpu.memory_space<vmem_shared>> -> memref<200x128xf32, #tpu.memory_space<vmem_shared>>
        %dma_start3A_71 = arith.constant 0 : i32
        %dma_start3A_72 = tpu.memref_slice %arg7[%mul3A_69, %dma_start3A_71] : memref<10000x128xf32, #tpu.memory_space<vmem_shared>> -> memref<200x128xf32, #tpu.memory_space<vmem_shared>>
        tpu.enqueue_dma source(%arg12 : memref<200x128xf32, #tpu.memory_space<vmem>>) target(%dma_start3A_72 : memref<200x128xf32, #tpu.memory_space<vmem_shared>>) target_semaphore(%run_scoped3A : memref<!tpu.dma_semaphore, #tpu.memory_space<semaphore_mem>>)
        %dma_wait3A = arith.constant 0 : i32
        %dma_wait3A_73 = tpu.memref_slice %arg7[%mul3A_69, %dma_wait3A] : memref<10000x128xf32, #tpu.memory_space<vmem_shared>> -> memref<200x128xf32, #tpu.memory_space<vmem_shared>>
        %dma_wait3A_74 = arith.constant 0 : i32
        %dma_wait3A_75 = tpu.memref_slice %arg7[%mul3A_69, %dma_wait3A_74] : memref<10000x128xf32, #tpu.memory_space<vmem_shared>> -> memref<200x128xf32, #tpu.memory_space<vmem_shared>>
        tpu.wait_dma2 semaphore(%run_scoped3A : memref<!tpu.dma_semaphore, #tpu.memory_space<semaphore_mem>>) src(%arg12 : memref<200x128xf32, #tpu.memory_space<vmem>>) dst(%dma_wait3A_75 : memref<200x128xf32, #tpu.memory_space<vmem_shared>>)
        tpu.yield
      }) : () -> ()
    } else {
    }
    %add3A_10 = arith.constant 16 : i32
    %add3A_11 = arith.addi %arg1, %add3A_10 : i32
    %lt3A_12 = arith.constant 50 : i32
    %lt3A_13 = arith.cmpi slt, %add3A_11, %lt3A_12 : i32
    %convert_element_type3A_14 = arith.extui %lt3A_13 : i1 to i32
    %cond3A_15 = arith.constant 0 : i32
    %cond3A_16 = arith.cmpi ne, %convert_element_type3A_14, %cond3A_15 : i32
    scf.if %cond3A_16 {
      %mul3A_68 = arith.constant 200 : i32
      %mul3A_69 = arith.muli %add3A_11, %mul3A_68 : i32
      "tpu.region"() ({
        %run_scoped3A = tpu.sem_alloc : memref<!tpu.dma_semaphore, #tpu.memory_space<semaphore_mem>>
        %dma_start3A = arith.constant 0 : i32
        %dma_start3A_70 = tpu.memref_slice %arg7[%mul3A_69, %dma_start3A] : memref<10000x128xf32, #tpu.memory_space<vmem_shared>> -> memref<200x128xf32, #tpu.memory_space<vmem_shared>>
        %dma_start3A_71 = arith.constant 0 : i32
        %dma_start3A_72 = tpu.memref_slice %arg7[%mul3A_69, %dma_start3A_71] : memref<10000x128xf32, #tpu.memory_space<vmem_shared>> -> memref<200x128xf32, #tpu.memory_space<vmem_shared>>
        tpu.enqueue_dma source(%arg12 : memref<200x128xf32, #tpu.memory_space<vmem>>) target(%dma_start3A_72 : memref<200x128xf32, #tpu.memory_space<vmem_shared>>) target_semaphore(%run_scoped3A : memref<!tpu.dma_semaphore, #tpu.memory_space<semaphore_mem>>)
        %dma_wait3A = arith.constant 0 : i32
        %dma_wait3A_73 = tpu.memref_slice %arg7[%mul3A_69, %dma_wait3A] : memref<10000x128xf32, #tpu.memory_space<vmem_shared>> -> memref<200x128xf32, #tpu.memory_space<vmem_shared>>
        %dma_wait3A_74 = arith.constant 0 : i32
        %dma_wait3A_75 = tpu.memref_slice %arg7[%mul3A_69, %dma_wait3A_74] : memref<10000x128xf32, #tpu.memory_space<vmem_shared>> -> memref<200x128xf32, #tpu.memory_space<vmem_shared>>
        tpu.wait_dma2 semaphore(%run_scoped3A : memref<!tpu.dma_semaphore, #tpu.memory_space<semaphore_mem>>) src(%arg12 : memref<200x128xf32, #tpu.memory_space<vmem>>) dst(%dma_wait3A_75 : memref<200x128xf32, #tpu.memory_space<vmem_shared>>)
        tpu.yield
      }) : () -> ()
    } else {
    }
    %add3A_17 = arith.constant 32 : i32
    %add3A_18 = arith.addi %arg1, %add3A_17 : i32
    %lt3A_19 = arith.constant 50 : i32
    %lt3A_20 = arith.cmpi slt, %add3A_18, %lt3A_19 : i32
    %convert_element_type3A_21 = arith.extui %lt3A_20 : i1 to i32
    %cond3A_22 = arith.constant 0 : i32
    %cond3A_23 = arith.cmpi ne, %convert_element_type3A_21, %cond3A_22 : i32
    scf.if %cond3A_23 {
      %mul3A_68 = arith.constant 200 : i32
      %mul3A_69 = arith.muli %add3A_18, %mul3A_68 : i32
      "tpu.region"() ({
        %run_scoped3A = tpu.sem_alloc : memref<!tpu.dma_semaphore, #tpu.memory_space<semaphore_mem>>
        %dma_start3A = arith.constant 0 : i32
        %dma_start3A_70 = tpu.memref_slice %arg7[%mul3A_69, %dma_start3A] : memref<10000x128xf32, #tpu.memory_space<vmem_shared>> -> memref<200x128xf32, #tpu.memory_space<vmem_shared>>
        %dma_start3A_71 = arith.constant 0 : i32
        %dma_start3A_72 = tpu.memref_slice %arg7[%mul3A_69, %dma_start3A_71] : memref<10000x128xf32, #tpu.memory_space<vmem_shared>> -> memref<200x128xf32, #tpu.memory_space<vmem_shared>>
        tpu.enqueue_dma source(%arg12 : memref<200x128xf32, #tpu.memory_space<vmem>>) target(%dma_start3A_72 : memref<200x128xf32, #tpu.memory_space<vmem_shared>>) target_semaphore(%run_scoped3A : memref<!tpu.dma_semaphore, #tpu.memory_space<semaphore_mem>>)
        %dma_wait3A = arith.constant 0 : i32
        %dma_wait3A_73 = tpu.memref_slice %arg7[%mul3A_69, %dma_wait3A] : memref<10000x128xf32, #tpu.memory_space<vmem_shared>> -> memref<200x128xf32, #tpu.memory_space<vmem_shared>>
        %dma_wait3A_74 = arith.constant 0 : i32
        %dma_wait3A_75 = tpu.memref_slice %arg7[%mul3A_69, %dma_wait3A_74] : memref<10000x128xf32, #tpu.memory_space<vmem_shared>> -> memref<200x128xf32, #tpu.memory_space<vmem_shared>>
        tpu.wait_dma2 semaphore(%run_scoped3A : memref<!tpu.dma_semaphore, #tpu.memory_space<semaphore_mem>>) src(%arg12 : memref<200x128xf32, #tpu.memory_space<vmem>>) dst(%dma_wait3A_75 : memref<200x128xf32, #tpu.memory_space<vmem_shared>>)
        tpu.yield
      }) : () -> ()
    } else {
    }
    %add3A_24 = arith.constant 48 : i32
    %add3A_25 = arith.addi %arg1, %add3A_24 : i32
    %lt3A_26 = arith.constant 50 : i32
    %lt3A_27 = arith.cmpi slt, %add3A_25, %lt3A_26 : i32
    %convert_element_type3A_28 = arith.extui %lt3A_27 : i1 to i32
    %cond3A_29 = arith.constant 0 : i32
    %cond3A_30 = arith.cmpi ne, %convert_element_type3A_28, %cond3A_29 : i32
    scf.if %cond3A_30 {
      %mul3A_68 = arith.constant 200 : i32
      %mul3A_69 = arith.muli %add3A_25, %mul3A_68 : i32
      "tpu.region"() ({
        %run_scoped3A = tpu.sem_alloc : memref<!tpu.dma_semaphore, #tpu.memory_space<semaphore_mem>>
        %dma_start3A = arith.constant 0 : i32
        %dma_start3A_70 = tpu.memref_slice %arg7[%mul3A_69, %dma_start3A] : memref<10000x128xf32, #tpu.memory_space<vmem_shared>> -> memref<200x128xf32, #tpu.memory_space<vmem_shared>>
        %dma_start3A_71 = arith.constant 0 : i32
        %dma_start3A_72 = tpu.memref_slice %arg7[%mul3A_69, %dma_start3A_71] : memref<10000x128xf32, #tpu.memory_space<vmem_shared>> -> memref<200x128xf32, #tpu.memory_space<vmem_shared>>
        tpu.enqueue_dma source(%arg12 : memref<200x128xf32, #tpu.memory_space<vmem>>) target(%dma_start3A_72 : memref<200x128xf32, #tpu.memory_space<vmem_shared>>) target_semaphore(%run_scoped3A : memref<!tpu.dma_semaphore, #tpu.memory_space<semaphore_mem>>)
        %dma_wait3A = arith.constant 0 : i32
        %dma_wait3A_73 = tpu.memref_slice %arg7[%mul3A_69, %dma_wait3A] : memref<10000x128xf32, #tpu.memory_space<vmem_shared>> -> memref<200x128xf32, #tpu.memory_space<vmem_shared>>
        %dma_wait3A_74 = arith.constant 0 : i32
        %dma_wait3A_75 = tpu.memref_slice %arg7[%mul3A_69, %dma_wait3A_74] : memref<10000x128xf32, #tpu.memory_space<vmem_shared>> -> memref<200x128xf32, #tpu.memory_space<vmem_shared>>
        tpu.wait_dma2 semaphore(%run_scoped3A : memref<!tpu.dma_semaphore, #tpu.memory_space<semaphore_mem>>) src(%arg12 : memref<200x128xf32, #tpu.memory_space<vmem>>) dst(%dma_wait3A_75 : memref<200x128xf32, #tpu.memory_space<vmem_shared>>)
        tpu.yield
      }) : () -> ()
    } else {
    }
    %barrier3A = arith.constant 0 : index
    tpu.barrier barrier_id(%barrier3A)
    %mul3A_31 = arith.constant 10000 : i32
    %mul3A_32 = arith.muli %add3A, %mul3A_31 : i32
    %scan3A_33 = arith.constant 0 : i32
    %scan3A_34 = arith.constant 0 : i32
    %scan3A_35 = arith.constant 125 : i32
    %scan3A_36 = arith.addi %scan3A_34, %scan3A_35 : i32
    %scan3A_37 = arith.constant 1 : i32
    scf.for %scan3A_68 = %scan3A_34 to %scan3A_36 step %scan3A_37  : i32 {
      %mul3A_69 = arith.constant 80 : i32
      %mul3A_70 = arith.muli %scan3A_68, %mul3A_69 : i32
      %add3A_71 = arith.addi %mul3A_32, %mul3A_70 : i32
      "tpu.region"() ({
        %run_scoped3A = tpu.sem_alloc : memref<!tpu.dma_semaphore, #tpu.memory_space<semaphore_mem>>
        %dma_start3A_82 = tpu.memref_slice %arg4[%add3A_71] : memref<320000xi32, #tpu.memory_space<hbm>> -> memref<80xi32, #tpu.memory_space<hbm>>
        %dma_start3A_83 = tpu.memref_slice %arg4[%add3A_71] : memref<320000xi32, #tpu.memory_space<hbm>> -> memref<80xi32, #tpu.memory_space<hbm>>
        tpu.enqueue_dma source(%dma_start3A_83 : memref<80xi32, #tpu.memory_space<hbm>>) target(%arg8 : memref<80xi32, #tpu.memory_space<vmem>>) target_semaphore(%run_scoped3A : memref<!tpu.dma_semaphore, #tpu.memory_space<semaphore_mem>>)
        %dma_wait3A_84 = tpu.memref_slice %arg4[%add3A_71] : memref<320000xi32, #tpu.memory_space<hbm>> -> memref<80xi32, #tpu.memory_space<hbm>>
        %dma_wait3A_85 = tpu.memref_slice %arg4[%add3A_71] : memref<320000xi32, #tpu.memory_space<hbm>> -> memref<80xi32, #tpu.memory_space<hbm>>
        tpu.wait_dma2 semaphore(%run_scoped3A : memref<!tpu.dma_semaphore, #tpu.memory_space<semaphore_mem>>) src(%dma_wait3A_85 : memref<80xi32, #tpu.memory_space<hbm>>) dst(%arg8 : memref<80xi32, #tpu.memory_space<vmem>>)
        tpu.yield
      }) : () -> ()
      "tpu.region"() ({
        %run_scoped3A = tpu.sem_alloc : memref<!tpu.dma_semaphore, #tpu.memory_space<semaphore_mem>>
        %dma_start3A_82 = tpu.memref_slice %arg5[%add3A_71] : memref<320000xi32, #tpu.memory_space<hbm>> -> memref<80xi32, #tpu.memory_space<hbm>>
        %dma_start3A_83 = tpu.memref_slice %arg5[%add3A_71] : memref<320000xi32, #tpu.memory_space<hbm>> -> memref<80xi32, #tpu.memory_space<hbm>>
        tpu.enqueue_dma source(%dma_start3A_83 : memref<80xi32, #tpu.memory_space<hbm>>) target(%arg9 : memref<80xi32, #tpu.memory_space<vmem>>) target_semaphore(%run_scoped3A : memref<!tpu.dma_semaphore, #tpu.memory_space<semaphore_mem>>)
        %dma_wait3A_84 = tpu.memref_slice %arg5[%add3A_71] : memref<320000xi32, #tpu.memory_space<hbm>> -> memref<80xi32, #tpu.memory_space<hbm>>
        %dma_wait3A_85 = tpu.memref_slice %arg5[%add3A_71] : memref<320000xi32, #tpu.memory_space<hbm>> -> memref<80xi32, #tpu.memory_space<hbm>>
        tpu.wait_dma2 semaphore(%run_scoped3A : memref<!tpu.dma_semaphore, #tpu.memory_space<semaphore_mem>>) src(%dma_wait3A_85 : memref<80xi32, #tpu.memory_space<hbm>>) dst(%arg9 : memref<80xi32, #tpu.memory_space<vmem>>)
        tpu.yield
      }) : () -> ()
      "tpu.region"() ({
        %run_scoped3A = tpu.sem_alloc : memref<!tpu.dma_semaphore, #tpu.memory_space<semaphore_mem>>
        %dma_start3A_82 = arith.constant 0 : i32
        %dma_start3A_83 = tpu.memref_slice %arg3[%add3A_71, %dma_start3A_82] : memref<320000x128xf32, #tpu.memory_space<hbm>> -> memref<80x128xf32, #tpu.memory_space<hbm>>
        %dma_start3A_84 = arith.constant 0 : i32
        %dma_start3A_85 = tpu.memref_slice %arg3[%add3A_71, %dma_start3A_84] : memref<320000x128xf32, #tpu.memory_space<hbm>> -> memref<80x128xf32, #tpu.memory_space<hbm>>
        tpu.enqueue_dma source(%dma_start3A_85 : memref<80x128xf32, #tpu.memory_space<hbm>>) target(%arg11 : memref<80x128xf32, #tpu.memory_space<vmem>>) target_semaphore(%run_scoped3A : memref<!tpu.dma_semaphore, #tpu.memory_space<semaphore_mem>>)
        %dma_wait3A_86 = arith.constant 0 : i32
        %dma_wait3A_87 = tpu.memref_slice %arg3[%add3A_71, %dma_wait3A_86] : memref<320000x128xf32, #tpu.memory_space<hbm>> -> memref<80x128xf32, #tpu.memory_space<hbm>>
        %dma_wait3A_88 = arith.constant 0 : i32
        %dma_wait3A_89 = tpu.memref_slice %arg3[%add3A_71, %dma_wait3A_88] : memref<320000x128xf32, #tpu.memory_space<hbm>> -> memref<80x128xf32, #tpu.memory_space<hbm>>
        tpu.wait_dma2 semaphore(%run_scoped3A : memref<!tpu.dma_semaphore, #tpu.memory_space<semaphore_mem>>) src(%dma_wait3A_89 : memref<80x128xf32, #tpu.memory_space<hbm>>) dst(%arg11 : memref<80x128xf32, #tpu.memory_space<vmem>>)
        tpu.yield
      }) : () -> ()
      %dma_start3A = arith.constant 0 : i32
      %dma_start3A_72 = arith.constant 0 : i32
      %dma_start3A_73 = tpu.memref_slice %arg2[%dma_start3A, %dma_start3A_72] : memref<10000x128xf32, #tpu.memory_space<hbm>> -> memref<10000x128xf32, #tpu.memory_space<hbm>>
      tpu.enqueue_indirect_dma source(%dma_start3A_73 : memref<10000x128xf32, #tpu.memory_space<hbm>>) target(%arg10 : memref<80x128xf32, #tpu.memory_space<vmem>>) offsets(%arg8 : memref<80xi32, #tpu.memory_space<vmem>>) semaphore(%arg13 : memref<!tpu.dma_semaphore, #tpu.memory_space<semaphore_mem>>)
      %dma_wait3A = arith.constant 0 : i32
      %dma_wait3A_74 = arith.constant 0 : i32
      %dma_wait3A_75 = tpu.memref_slice %arg2[%dma_wait3A, %dma_wait3A_74] : memref<10000x128xf32, #tpu.memory_space<hbm>> -> memref<10000x128xf32, #tpu.memory_space<hbm>>
      tpu.wait_indirect_dma semaphore(%arg13 : memref<!tpu.dma_semaphore, #tpu.memory_space<semaphore_mem>>) src(%dma_wait3A_75 : memref<10000x128xf32, #tpu.memory_space<hbm>>) dst(%arg10 : memref<80x128xf32, #tpu.memory_space<vmem>>)
      %scan3A_76 = arith.constant 0 : i32
      %scan3A_77 = arith.constant 0 : i32
      %scan3A_78 = arith.constant 80 : i32
      %scan3A_79 = arith.addi %scan3A_77, %scan3A_78 : i32
      %scan3A_80 = arith.constant 1 : i32
      scf.for %scan3A_82 = %scan3A_77 to %scan3A_79 step %scan3A_80  : i32 {
        %get3A = arith.index_cast %scan3A_82 : i32 to index
        %get3A_83 = arith.constant 0 : index
        %get3A_84 = tpu.vector_load %arg10[%get3A, %get3A_83] {strides = array<i32>} : memref<80x128xf32, #tpu.memory_space<vmem>>, vector<16xf32>,
        %get3A_85 = arith.index_cast %scan3A_82 : i32 to index
        %get3A_86 = arith.constant 0 : index
        %get3A_87 = tpu.vector_load %arg11[%get3A_85, %get3A_86] {strides = array<i32>} : memref<80x128xf32, #tpu.memory_space<vmem>>, vector<16xf32>,
        %mul3A_88 = arith.mulf %get3A_84, %get3A_87 : vector<16xf32>
        %swap3A = arith.index_cast %scan3A_82 : i32 to index
        %swap3A_89 = arith.constant 0 : index
        %swap3A_90 = tpu.vector_load %arg10[%swap3A, %swap3A_89] {strides = array<i32>} : memref<80x128xf32, #tpu.memory_space<vmem>>, vector<16xf32>,
        tpu.vector_store %arg10[%swap3A, %swap3A_89], %mul3A_88 {strides = array<i32>} : memref<80x128xf32, #tpu.memory_space<vmem>>, vector<16xf32>,
        %get3A_91 = arith.index_cast %scan3A_82 : i32 to index
        %get3A_92 = arith.constant 16 : index
        %get3A_93 = tpu.vector_load %arg10[%get3A_91, %get3A_92] {strides = array<i32>} : memref<80x128xf32, #tpu.memory_space<vmem>>, vector<16xf32>,
        %get3A_94 = arith.index_cast %scan3A_82 : i32 to index
        %get3A_95 = arith.constant 16 : index
        %get3A_96 = tpu.vector_load %arg11[%get3A_94, %get3A_95] {strides = array<i32>} : memref<80x128xf32, #tpu.memory_space<vmem>>, vector<16xf32>,
        %mul3A_97 = arith.mulf %get3A_93, %get3A_96 : vector<16xf32>
        %swap3A_98 = arith.index_cast %scan3A_82 : i32 to index
        %swap3A_99 = arith.constant 16 : index
        %swap3A_100 = tpu.vector_load %arg10[%swap3A_98, %swap3A_99] {strides = array<i32>} : memref<80x128xf32, #tpu.memory_space<vmem>>, vector<16xf32>,
        tpu.vector_store %arg10[%swap3A_98, %swap3A_99], %mul3A_97 {strides = array<i32>} : memref<80x128xf32, #tpu.memory_space<vmem>>, vector<16xf32>,
        %get3A_101 = arith.index_cast %scan3A_82 : i32 to index
        %get3A_102 = arith.constant 32 : index
        %get3A_103 = tpu.vector_load %arg10[%get3A_101, %get3A_102] {strides = array<i32>} : memref<80x128xf32, #tpu.memory_space<vmem>>, vector<16xf32>,
        %get3A_104 = arith.index_cast %scan3A_82 : i32 to index
        %get3A_105 = arith.constant 32 : index
        %get3A_106 = tpu.vector_load %arg11[%get3A_104, %get3A_105] {strides = array<i32>} : memref<80x128xf32, #tpu.memory_space<vmem>>, vector<16xf32>,
        %mul3A_107 = arith.mulf %get3A_103, %get3A_106 : vector<16xf32>
        %swap3A_108 = arith.index_cast %scan3A_82 : i32 to index
        %swap3A_109 = arith.constant 32 : index
        %swap3A_110 = tpu.vector_load %arg10[%swap3A_108, %swap3A_109] {strides = array<i32>} : memref<80x128xf32, #tpu.memory_space<vmem>>, vector<16xf32>,
        tpu.vector_store %arg10[%swap3A_108, %swap3A_109], %mul3A_107 {strides = array<i32>} : memref<80x128xf32, #tpu.memory_space<vmem>>, vector<16xf32>,
        %get3A_111 = arith.index_cast %scan3A_82 : i32 to index
        %get3A_112 = arith.constant 48 : index
        %get3A_113 = tpu.vector_load %arg10[%get3A_111, %get3A_112] {strides = array<i32>} : memref<80x128xf32, #tpu.memory_space<vmem>>, vector<16xf32>,
        %get3A_114 = arith.index_cast %scan3A_82 : i32 to index
        %get3A_115 = arith.constant 48 : index
        %get3A_116 = tpu.vector_load %arg11[%get3A_114, %get3A_115] {strides = array<i32>} : memref<80x128xf32, #tpu.memory_space<vmem>>, vector<16xf32>,
        %mul3A_117 = arith.mulf %get3A_113, %get3A_116 : vector<16xf32>
        %swap3A_118 = arith.index_cast %scan3A_82 : i32 to index
        %swap3A_119 = arith.constant 48 : index
        %swap3A_120 = tpu.vector_load %arg10[%swap3A_118, %swap3A_119] {strides = array<i32>} : memref<80x128xf32, #tpu.memory_space<vmem>>, vector<16xf32>,
        tpu.vector_store %arg10[%swap3A_118, %swap3A_119], %mul3A_117 {strides = array<i32>} : memref<80x128xf32, #tpu.memory_space<vmem>>, vector<16xf32>,
        %get3A_121 = arith.index_cast %scan3A_82 : i32 to index
        %get3A_122 = arith.constant 64 : index
        %get3A_123 = tpu.vector_load %arg10[%get3A_121, %get3A_122] {strides = array<i32>} : memref<80x128xf32, #tpu.memory_space<vmem>>, vector<16xf32>,
        %get3A_124 = arith.index_cast %scan3A_82 : i32 to index
        %get3A_125 = arith.constant 64 : index
        %get3A_126 = tpu.vector_load %arg11[%get3A_124, %get3A_125] {strides = array<i32>} : memref<80x128xf32, #tpu.memory_space<vmem>>, vector<16xf32>,
        %mul3A_127 = arith.mulf %get3A_123, %get3A_126 : vector<16xf32>
        %swap3A_128 = arith.index_cast %scan3A_82 : i32 to index
        %swap3A_129 = arith.constant 64 : index
        %swap3A_130 = tpu.vector_load %arg10[%swap3A_128, %swap3A_129] {strides = array<i32>} : memref<80x128xf32, #tpu.memory_space<vmem>>, vector<16xf32>,
        tpu.vector_store %arg10[%swap3A_128, %swap3A_129], %mul3A_127 {strides = array<i32>} : memref<80x128xf32, #tpu.memory_space<vmem>>, vector<16xf32>,
        %get3A_131 = arith.index_cast %scan3A_82 : i32 to index
        %get3A_132 = arith.constant 80 : index
        %get3A_133 = tpu.vector_load %arg10[%get3A_131, %get3A_132] {strides = array<i32>} : memref<80x128xf32, #tpu.memory_space<vmem>>, vector<16xf32>,
        %get3A_134 = arith.index_cast %scan3A_82 : i32 to index
        %get3A_135 = arith.constant 80 : index
        %get3A_136 = tpu.vector_load %arg11[%get3A_134, %get3A_135] {strides = array<i32>} : memref<80x128xf32, #tpu.memory_space<vmem>>, vector<16xf32>,
        %mul3A_137 = arith.mulf %get3A_133, %get3A_136 : vector<16xf32>
        %swap3A_138 = arith.index_cast %scan3A_82 : i32 to index
        %swap3A_139 = arith.constant 80 : index
        %swap3A_140 = tpu.vector_load %arg10[%swap3A_138, %swap3A_139] {strides = array<i32>} : memref<80x128xf32, #tpu.memory_space<vmem>>, vector<16xf32>,
        tpu.vector_store %arg10[%swap3A_138, %swap3A_139], %mul3A_137 {strides = array<i32>} : memref<80x128xf32, #tpu.memory_space<vmem>>, vector<16xf32>,
        %get3A_141 = arith.index_cast %scan3A_82 : i32 to index
        %get3A_142 = arith.constant 96 : index
        %get3A_143 = tpu.vector_load %arg10[%get3A_141, %get3A_142] {strides = array<i32>} : memref<80x128xf32, #tpu.memory_space<vmem>>, vector<16xf32>,
        %get3A_144 = arith.index_cast %scan3A_82 : i32 to index
        %get3A_145 = arith.constant 96 : index
        %get3A_146 = tpu.vector_load %arg11[%get3A_144, %get3A_145] {strides = array<i32>} : memref<80x128xf32, #tpu.memory_space<vmem>>, vector<16xf32>,
        %mul3A_147 = arith.mulf %get3A_143, %get3A_146 : vector<16xf32>
        %swap3A_148 = arith.index_cast %scan3A_82 : i32 to index
        %swap3A_149 = arith.constant 96 : index
        %swap3A_150 = tpu.vector_load %arg10[%swap3A_148, %swap3A_149] {strides = array<i32>} : memref<80x128xf32, #tpu.memory_space<vmem>>, vector<16xf32>,
        tpu.vector_store %arg10[%swap3A_148, %swap3A_149], %mul3A_147 {strides = array<i32>} : memref<80x128xf32, #tpu.memory_space<vmem>>, vector<16xf32>,
        %get3A_151 = arith.index_cast %scan3A_82 : i32 to index
        %get3A_152 = arith.constant 112 : index
        %get3A_153 = tpu.vector_load %arg10[%get3A_151, %get3A_152] {strides = array<i32>} : memref<80x128xf32, #tpu.memory_space<vmem>>, vector<16xf32>,
        %get3A_154 = arith.index_cast %scan3A_82 : i32 to index
        %get3A_155 = arith.constant 112 : index
        %get3A_156 = tpu.vector_load %arg11[%get3A_154, %get3A_155] {strides = array<i32>} : memref<80x128xf32, #tpu.memory_space<vmem>>, vector<16xf32>,
        %mul3A_157 = arith.mulf %get3A_153, %get3A_156 : vector<16xf32>
        %swap3A_158 = arith.index_cast %scan3A_82 : i32 to index
        %swap3A_159 = arith.constant 112 : index
        %swap3A_160 = tpu.vector_load %arg10[%swap3A_158, %swap3A_159] {strides = array<i32>} : memref<80x128xf32, #tpu.memory_space<vmem>>, vector<16xf32>,
        tpu.vector_store %arg10[%swap3A_158, %swap3A_159], %mul3A_157 {strides = array<i32>} : memref<80x128xf32, #tpu.memory_space<vmem>>, vector<16xf32>,
      }
      %scan3A_81 = arith.constant 80 : i32
      "tpu.region"() ({
        %run_scoped3A = tpu.sem_alloc : memref<!tpu.dma_semaphore, #tpu.memory_space<semaphore_mem>>
        %dma_start3A_82 = arith.constant 0 : i32
        %dma_start3A_83 = arith.constant 0 : i32
        %dma_start3A_84 = tpu.memref_slice %arg7[%dma_start3A_82, %dma_start3A_83] : memref<10000x128xf32, #tpu.memory_space<vmem_shared>> -> memref<10000x128xf32, #tpu.memory_space<vmem_shared>>
        tpu.enqueue_indirect_dma source(%arg10 : memref<80x128xf32, #tpu.memory_space<vmem>>) target(%dma_start3A_84 : memref<10000x128xf32, #tpu.memory_space<vmem_shared>>) offsets(%arg9 : memref<80xi32, #tpu.memory_space<vmem>>) semaphore(%run_scoped3A : memref<!tpu.dma_semaphore, #tpu.memory_space<semaphore_mem>>) {add = true}
        %dma_wait3A_85 = arith.constant 0 : i32
        %dma_wait3A_86 = arith.constant 0 : i32
        %dma_wait3A_87 = tpu.memref_slice %arg7[%dma_wait3A_85, %dma_wait3A_86] : memref<10000x128xf32, #tpu.memory_space<vmem_shared>> -> memref<10000x128xf32, #tpu.memory_space<vmem_shared>>
        tpu.wait_indirect_dma semaphore(%run_scoped3A : memref<!tpu.dma_semaphore, #tpu.memory_space<semaphore_mem>>) src(%arg10 : memref<80x128xf32, #tpu.memory_space<vmem>>) dst(%dma_wait3A_87 : memref<10000x128xf32, #tpu.memory_space<vmem_shared>>)
        tpu.yield
      }) : () -> ()
    }
    %scan3A_38 = arith.constant 125 : i32
    %barrier3A_39 = arith.constant 0 : index
    tpu.barrier barrier_id(%barrier3A_39)
    %add3A_40 = arith.constant 0 : i32
    %add3A_41 = arith.addi %arg1, %add3A_40 : i32
    %lt3A_42 = arith.constant 50 : i32
    %lt3A_43 = arith.cmpi slt, %add3A_41, %lt3A_42 : i32
    %convert_element_type3A_44 = arith.extui %lt3A_43 : i1 to i32
    %cond3A_45 = arith.constant 0 : i32
    %cond3A_46 = arith.cmpi ne, %convert_element_type3A_44, %cond3A_45 : i32
    scf.if %cond3A_46 {
      %mul3A_68 = arith.constant 200 : i32
      %mul3A_69 = arith.muli %add3A_41, %mul3A_68 : i32
      "tpu.region"() ({
        %run_scoped3A = tpu.sem_alloc : memref<!tpu.dma_semaphore, #tpu.memory_space<semaphore_mem>>
        %dma_start3A = arith.constant 0 : i32
        %dma_start3A_70 = tpu.memref_slice %arg7[%mul3A_69, %dma_start3A] : memref<10000x128xf32, #tpu.memory_space<vmem_shared>> -> memref<200x128xf32, #tpu.memory_space<vmem_shared>>
        %dma_start3A_71 = arith.constant 0 : i32
        %dma_start3A_72 = tpu.memref_slice %arg7[%mul3A_69, %dma_start3A_71] : memref<10000x128xf32, #tpu.memory_space<vmem_shared>> -> memref<200x128xf32, #tpu.memory_space<vmem_shared>>
        tpu.enqueue_dma source(%dma_start3A_72 : memref<200x128xf32, #tpu.memory_space<vmem_shared>>) target(%arg12 : memref<200x128xf32, #tpu.memory_space<vmem>>) target_semaphore(%run_scoped3A : memref<!tpu.dma_semaphore, #tpu.memory_space<semaphore_mem>>)
        %dma_wait3A = arith.constant 0 : i32
        %dma_wait3A_73 = tpu.memref_slice %arg7[%mul3A_69, %dma_wait3A] : memref<10000x128xf32, #tpu.memory_space<vmem_shared>> -> memref<200x128xf32, #tpu.memory_space<vmem_shared>>
        %dma_wait3A_74 = arith.constant 0 : i32
        %dma_wait3A_75 = tpu.memref_slice %arg7[%mul3A_69, %dma_wait3A_74] : memref<10000x128xf32, #tpu.memory_space<vmem_shared>> -> memref<200x128xf32, #tpu.memory_space<vmem_shared>>
        tpu.wait_dma2 semaphore(%run_scoped3A : memref<!tpu.dma_semaphore, #tpu.memory_space<semaphore_mem>>) src(%dma_wait3A_75 : memref<200x128xf32, #tpu.memory_space<vmem_shared>>) dst(%arg12 : memref<200x128xf32, #tpu.memory_space<vmem>>)
        tpu.yield
      }) : () -> ()
      "tpu.region"() ({
        %run_scoped3A = tpu.sem_alloc : memref<!tpu.dma_semaphore, #tpu.memory_space<semaphore_mem>>
        %dma_start3A = arith.constant 0 : i32
        %dma_start3A_70 = tpu.memref_slice %arg6[%arg0, %mul3A_69, %dma_start3A] : memref<2x10000x128xf32, #tpu.memory_space<hbm>> -> memref<1x200x128xf32, #tpu.memory_space<hbm>>
        %dma_start3A_71 = tpu.memref_squeeze %dma_start3A_70 : memref<1x200x128xf32, #tpu.memory_space<hbm>> -> memref<200x128xf32, #tpu.memory_space<hbm>>
        %dma_start3A_72 = arith.constant 0 : i32
        %dma_start3A_73 = tpu.memref_slice %arg6[%arg0, %mul3A_69, %dma_start3A_72] : memref<2x10000x128xf32, #tpu.memory_space<hbm>> -> memref<1x200x128xf32, #tpu.memory_space<hbm>>
        %dma_start3A_74 = tpu.memref_squeeze %dma_start3A_73 : memref<1x200x128xf32, #tpu.memory_space<hbm>> -> memref<200x128xf32, #tpu.memory_space<hbm>>
        tpu.enqueue_dma source(%arg12 : memref<200x128xf32, #tpu.memory_space<vmem>>) target(%dma_start3A_74 : memref<200x128xf32, #tpu.memory_space<hbm>>) target_semaphore(%run_scoped3A : memref<!tpu.dma_semaphore, #tpu.memory_space<semaphore_mem>>)
        %dma_wait3A = arith.constant 0 : i32
        %dma_wait3A_75 = tpu.memref_slice %arg6[%arg0, %mul3A_69, %dma_wait3A] : memref<2x10000x128xf32, #tpu.memory_space<hbm>> -> memref<1x200x128xf32, #tpu.memory_space<hbm>>
        %dma_wait3A_76 = tpu.memref_squeeze %dma_wait3A_75 : memref<1x200x128xf32, #tpu.memory_space<hbm>> -> memref<200x128xf32, #tpu.memory_space<hbm>>
        %dma_wait3A_77 = arith.constant 0 : i32
        %dma_wait3A_78 = tpu.memref_slice %arg6[%arg0, %mul3A_69, %dma_wait3A_77] : memref<2x10000x128xf32, #tpu.memory_space<hbm>> -> memref<1x200x128xf32, #tpu.memory_space<hbm>>
        %dma_wait3A_79 = tpu.memref_squeeze %dma_wait3A_78 : memref<1x200x128xf32, #tpu.memory_space<hbm>> -> memref<200x128xf32, #tpu.memory_space<hbm>>
        tpu.wait_dma2 semaphore(%run_scoped3A : memref<!tpu.dma_semaphore, #tpu.memory_space<semaphore_mem>>) src(%arg12 : memref<200x128xf32, #tpu.memory_space<vmem>>) dst(%dma_wait3A_79 : memref<200x128xf32, #tpu.memory_space<hbm>>)
        tpu.yield
      }) : () -> ()
    } else {
    }
    %add3A_47 = arith.constant 16 : i32
    %add3A_48 = arith.addi %arg1, %add3A_47 : i32
    %lt3A_49 = arith.constant 50 : i32
    %lt3A_50 = arith.cmpi slt, %add3A_48, %lt3A_49 : i32
    %convert_element_type3A_51 = arith.extui %lt3A_50 : i1 to i32
    %cond3A_52 = arith.constant 0 : i32
    %cond3A_53 = arith.cmpi ne, %convert_element_type3A_51, %cond3A_52 : i32
    scf.if %cond3A_53 {
      %mul3A_68 = arith.constant 200 : i32
      %mul3A_69 = arith.muli %add3A_48, %mul3A_68 : i32
      "tpu.region"() ({
        %run_scoped3A = tpu.sem_alloc : memref<!tpu.dma_semaphore, #tpu.memory_space<semaphore_mem>>
        %dma_start3A = arith.constant 0 : i32
        %dma_start3A_70 = tpu.memref_slice %arg7[%mul3A_69, %dma_start3A] : memref<10000x128xf32, #tpu.memory_space<vmem_shared>> -> memref<200x128xf32, #tpu.memory_space<vmem_shared>>
        %dma_start3A_71 = arith.constant 0 : i32
        %dma_start3A_72 = tpu.memref_slice %arg7[%mul3A_69, %dma_start3A_71] : memref<10000x128xf32, #tpu.memory_space<vmem_shared>> -> memref<200x128xf32, #tpu.memory_space<vmem_shared>>
        tpu.enqueue_dma source(%dma_start3A_72 : memref<200x128xf32, #tpu.memory_space<vmem_shared>>) target(%arg12 : memref<200x128xf32, #tpu.memory_space<vmem>>) target_semaphore(%run_scoped3A : memref<!tpu.dma_semaphore, #tpu.memory_space<semaphore_mem>>)
        %dma_wait3A = arith.constant 0 : i32
        %dma_wait3A_73 = tpu.memref_slice %arg7[%mul3A_69, %dma_wait3A] : memref<10000x128xf32, #tpu.memory_space<vmem_shared>> -> memref<200x128xf32, #tpu.memory_space<vmem_shared>>
        %dma_wait3A_74 = arith.constant 0 : i32
        %dma_wait3A_75 = tpu.memref_slice %arg7[%mul3A_69, %dma_wait3A_74] : memref<10000x128xf32, #tpu.memory_space<vmem_shared>> -> memref<200x128xf32, #tpu.memory_space<vmem_shared>>
        tpu.wait_dma2 semaphore(%run_scoped3A : memref<!tpu.dma_semaphore, #tpu.memory_space<semaphore_mem>>) src(%dma_wait3A_75 : memref<200x128xf32, #tpu.memory_space<vmem_shared>>) dst(%arg12 : memref<200x128xf32, #tpu.memory_space<vmem>>)
        tpu.yield
      }) : () -> ()
      "tpu.region"() ({
        %run_scoped3A = tpu.sem_alloc : memref<!tpu.dma_semaphore, #tpu.memory_space<semaphore_mem>>
        %dma_start3A = arith.constant 0 : i32
        %dma_start3A_70 = tpu.memref_slice %arg6[%arg0, %mul3A_69, %dma_start3A] : memref<2x10000x128xf32, #tpu.memory_space<hbm>> -> memref<1x200x128xf32, #tpu.memory_space<hbm>>
        %dma_start3A_71 = tpu.memref_squeeze %dma_start3A_70 : memref<1x200x128xf32, #tpu.memory_space<hbm>> -> memref<200x128xf32, #tpu.memory_space<hbm>>
        %dma_start3A_72 = arith.constant 0 : i32
        %dma_start3A_73 = tpu.memref_slice %arg6[%arg0, %mul3A_69, %dma_start3A_72] : memref<2x10000x128xf32, #tpu.memory_space<hbm>> -> memref<1x200x128xf32, #tpu.memory_space<hbm>>
        %dma_start3A_74 = tpu.memref_squeeze %dma_start3A_73 : memref<1x200x128xf32, #tpu.memory_space<hbm>> -> memref<200x128xf32, #tpu.memory_space<hbm>>
        tpu.enqueue_dma source(%arg12 : memref<200x128xf32, #tpu.memory_space<vmem>>) target(%dma_start3A_74 : memref<200x128xf32, #tpu.memory_space<hbm>>) target_semaphore(%run_scoped3A : memref<!tpu.dma_semaphore, #tpu.memory_space<semaphore_mem>>)
        %dma_wait3A = arith.constant 0 : i32
        %dma_wait3A_75 = tpu.memref_slice %arg6[%arg0, %mul3A_69, %dma_wait3A] : memref<2x10000x128xf32, #tpu.memory_space<hbm>> -> memref<1x200x128xf32, #tpu.memory_space<hbm>>
        %dma_wait3A_76 = tpu.memref_squeeze %dma_wait3A_75 : memref<1x200x128xf32, #tpu.memory_space<hbm>> -> memref<200x128xf32, #tpu.memory_space<hbm>>
        %dma_wait3A_77 = arith.constant 0 : i32
        %dma_wait3A_78 = tpu.memref_slice %arg6[%arg0, %mul3A_69, %dma_wait3A_77] : memref<2x10000x128xf32, #tpu.memory_space<hbm>> -> memref<1x200x128xf32, #tpu.memory_space<hbm>>
        %dma_wait3A_79 = tpu.memref_squeeze %dma_wait3A_78 : memref<1x200x128xf32, #tpu.memory_space<hbm>> -> memref<200x128xf32, #tpu.memory_space<hbm>>
        tpu.wait_dma2 semaphore(%run_scoped3A : memref<!tpu.dma_semaphore, #tpu.memory_space<semaphore_mem>>) src(%arg12 : memref<200x128xf32, #tpu.memory_space<vmem>>) dst(%dma_wait3A_79 : memref<200x128xf32, #tpu.memory_space<hbm>>)
        tpu.yield
      }) : () -> ()
    } else {
    }
    %add3A_54 = arith.constant 32 : i32
    %add3A_55 = arith.addi %arg1, %add3A_54 : i32
    %lt3A_56 = arith.constant 50 : i32
    %lt3A_57 = arith.cmpi slt, %add3A_55, %lt3A_56 : i32
    %convert_element_type3A_58 = arith.extui %lt3A_57 : i1 to i32
    %cond3A_59 = arith.constant 0 : i32
    %cond3A_60 = arith.cmpi ne, %convert_element_type3A_58, %cond3A_59 : i32
    scf.if %cond3A_60 {
      %mul3A_68 = arith.constant 200 : i32
      %mul3A_69 = arith.muli %add3A_55, %mul3A_68 : i32
      "tpu.region"() ({
        %run_scoped3A = tpu.sem_alloc : memref<!tpu.dma_semaphore, #tpu.memory_space<semaphore_mem>>
        %dma_start3A = arith.constant 0 : i32
        %dma_start3A_70 = tpu.memref_slice %arg7[%mul3A_69, %dma_start3A] : memref<10000x128xf32, #tpu.memory_space<vmem_shared>> -> memref<200x128xf32, #tpu.memory_space<vmem_shared>>
        %dma_start3A_71 = arith.constant 0 : i32
        %dma_start3A_72 = tpu.memref_slice %arg7[%mul3A_69, %dma_start3A_71] : memref<10000x128xf32, #tpu.memory_space<vmem_shared>> -> memref<200x128xf32, #tpu.memory_space<vmem_shared>>
        tpu.enqueue_dma source(%dma_start3A_72 : memref<200x128xf32, #tpu.memory_space<vmem_shared>>) target(%arg12 : memref<200x128xf32, #tpu.memory_space<vmem>>) target_semaphore(%run_scoped3A : memref<!tpu.dma_semaphore, #tpu.memory_space<semaphore_mem>>)
        %dma_wait3A = arith.constant 0 : i32
        %dma_wait3A_73 = tpu.memref_slice %arg7[%mul3A_69, %dma_wait3A] : memref<10000x128xf32, #tpu.memory_space<vmem_shared>> -> memref<200x128xf32, #tpu.memory_space<vmem_shared>>
        %dma_wait3A_74 = arith.constant 0 : i32
        %dma_wait3A_75 = tpu.memref_slice %arg7[%mul3A_69, %dma_wait3A_74] : memref<10000x128xf32, #tpu.memory_space<vmem_shared>> -> memref<200x128xf32, #tpu.memory_space<vmem_shared>>
        tpu.wait_dma2 semaphore(%run_scoped3A : memref<!tpu.dma_semaphore, #tpu.memory_space<semaphore_mem>>) src(%dma_wait3A_75 : memref<200x128xf32, #tpu.memory_space<vmem_shared>>) dst(%arg12 : memref<200x128xf32, #tpu.memory_space<vmem>>)
        tpu.yield
      }) : () -> ()
      "tpu.region"() ({
        %run_scoped3A = tpu.sem_alloc : memref<!tpu.dma_semaphore, #tpu.memory_space<semaphore_mem>>
        %dma_start3A = arith.constant 0 : i32
        %dma_start3A_70 = tpu.memref_slice %arg6[%arg0, %mul3A_69, %dma_start3A] : memref<2x10000x128xf32, #tpu.memory_space<hbm>> -> memref<1x200x128xf32, #tpu.memory_space<hbm>>
        %dma_start3A_71 = tpu.memref_squeeze %dma_start3A_70 : memref<1x200x128xf32, #tpu.memory_space<hbm>> -> memref<200x128xf32, #tpu.memory_space<hbm>>
        %dma_start3A_72 = arith.constant 0 : i32
        %dma_start3A_73 = tpu.memref_slice %arg6[%arg0, %mul3A_69, %dma_start3A_72] : memref<2x10000x128xf32, #tpu.memory_space<hbm>> -> memref<1x200x128xf32, #tpu.memory_space<hbm>>
        %dma_start3A_74 = tpu.memref_squeeze %dma_start3A_73 : memref<1x200x128xf32, #tpu.memory_space<hbm>> -> memref<200x128xf32, #tpu.memory_space<hbm>>
        tpu.enqueue_dma source(%arg12 : memref<200x128xf32, #tpu.memory_space<vmem>>) target(%dma_start3A_74 : memref<200x128xf32, #tpu.memory_space<hbm>>) target_semaphore(%run_scoped3A : memref<!tpu.dma_semaphore, #tpu.memory_space<semaphore_mem>>)
        %dma_wait3A = arith.constant 0 : i32
        %dma_wait3A_75 = tpu.memref_slice %arg6[%arg0, %mul3A_69, %dma_wait3A] : memref<2x10000x128xf32, #tpu.memory_space<hbm>> -> memref<1x200x128xf32, #tpu.memory_space<hbm>>
        %dma_wait3A_76 = tpu.memref_squeeze %dma_wait3A_75 : memref<1x200x128xf32, #tpu.memory_space<hbm>> -> memref<200x128xf32, #tpu.memory_space<hbm>>
        %dma_wait3A_77 = arith.constant 0 : i32
        %dma_wait3A_78 = tpu.memref_slice %arg6[%arg0, %mul3A_69, %dma_wait3A_77] : memref<2x10000x128xf32, #tpu.memory_space<hbm>> -> memref<1x200x128xf32, #tpu.memory_space<hbm>>
        %dma_wait3A_79 = tpu.memref_squeeze %dma_wait3A_78 : memref<1x200x128xf32, #tpu.memory_space<hbm>> -> memref<200x128xf32, #tpu.memory_space<hbm>>
        tpu.wait_dma2 semaphore(%run_scoped3A : memref<!tpu.dma_semaphore, #tpu.memory_space<semaphore_mem>>) src(%arg12 : memref<200x128xf32, #tpu.memory_space<vmem>>) dst(%dma_wait3A_79 : memref<200x128xf32, #tpu.memory_space<hbm>>)
        tpu.yield
      }) : () -> ()
    } else {
    }
    %add3A_61 = arith.constant 48 : i32
    %add3A_62 = arith.addi %arg1, %add3A_61 : i32
    %lt3A_63 = arith.constant 50 : i32
    %lt3A_64 = arith.cmpi slt, %add3A_62, %lt3A_63 : i32
    %convert_element_type3A_65 = arith.extui %lt3A_64 : i1 to i32
    %cond3A_66 = arith.constant 0 : i32
    %cond3A_67 = arith.cmpi ne, %convert_element_type3A_65, %cond3A_66 : i32
    scf.if %cond3A_67 {
      %mul3A_68 = arith.constant 200 : i32
      %mul3A_69 = arith.muli %add3A_62, %mul3A_68 : i32
      "tpu.region"() ({
        %run_scoped3A = tpu.sem_alloc : memref<!tpu.dma_semaphore, #tpu.memory_space<semaphore_mem>>
        %dma_start3A = arith.constant 0 : i32
        %dma_start3A_70 = tpu.memref_slice %arg7[%mul3A_69, %dma_start3A] : memref<10000x128xf32, #tpu.memory_space<vmem_shared>> -> memref<200x128xf32, #tpu.memory_space<vmem_shared>>
        %dma_start3A_71 = arith.constant 0 : i32
        %dma_start3A_72 = tpu.memref_slice %arg7[%mul3A_69, %dma_start3A_71] : memref<10000x128xf32, #tpu.memory_space<vmem_shared>> -> memref<200x128xf32, #tpu.memory_space<vmem_shared>>
        tpu.enqueue_dma source(%dma_start3A_72 : memref<200x128xf32, #tpu.memory_space<vmem_shared>>) target(%arg12 : memref<200x128xf32, #tpu.memory_space<vmem>>) target_semaphore(%run_scoped3A : memref<!tpu.dma_semaphore, #tpu.memory_space<semaphore_mem>>)
        %dma_wait3A = arith.constant 0 : i32
        %dma_wait3A_73 = tpu.memref_slice %arg7[%mul3A_69, %dma_wait3A] : memref<10000x128xf32, #tpu.memory_space<vmem_shared>> -> memref<200x128xf32, #tpu.memory_space<vmem_shared>>
        %dma_wait3A_74 = arith.constant 0 : i32
        %dma_wait3A_75 = tpu.memref_slice %arg7[%mul3A_69, %dma_wait3A_74] : memref<10000x128xf32, #tpu.memory_space<vmem_shared>> -> memref<200x128xf32, #tpu.memory_space<vmem_shared>>
        tpu.wait_dma2 semaphore(%run_scoped3A : memref<!tpu.dma_semaphore, #tpu.memory_space<semaphore_mem>>) src(%dma_wait3A_75 : memref<200x128xf32, #tpu.memory_space<vmem_shared>>) dst(%arg12 : memref<200x128xf32, #tpu.memory_space<vmem>>)
        tpu.yield
      }) : () -> ()
      "tpu.region"() ({
        %run_scoped3A = tpu.sem_alloc : memref<!tpu.dma_semaphore, #tpu.memory_space<semaphore_mem>>
        %dma_start3A = arith.constant 0 : i32
        %dma_start3A_70 = tpu.memref_slice %arg6[%arg0, %mul3A_69, %dma_start3A] : memref<2x10000x128xf32, #tpu.memory_space<hbm>> -> memref<1x200x128xf32, #tpu.memory_space<hbm>>
        %dma_start3A_71 = tpu.memref_squeeze %dma_start3A_70 : memref<1x200x128xf32, #tpu.memory_space<hbm>> -> memref<200x128xf32, #tpu.memory_space<hbm>>
        %dma_start3A_72 = arith.constant 0 : i32
        %dma_start3A_73 = tpu.memref_slice %arg6[%arg0, %mul3A_69, %dma_start3A_72] : memref<2x10000x128xf32, #tpu.memory_space<hbm>> -> memref<1x200x128xf32, #tpu.memory_space<hbm>>
        %dma_start3A_74 = tpu.memref_squeeze %dma_start3A_73 : memref<1x200x128xf32, #tpu.memory_space<hbm>> -> memref<200x128xf32, #tpu.memory_space<hbm>>
        tpu.enqueue_dma source(%arg12 : memref<200x128xf32, #tpu.memory_space<vmem>>) target(%dma_start3A_74 : memref<200x128xf32, #tpu.memory_space<hbm>>) target_semaphore(%run_scoped3A : memref<!tpu.dma_semaphore, #tpu.memory_space<semaphore_mem>>)
        %dma_wait3A = arith.constant 0 : i32
        %dma_wait3A_75 = tpu.memref_slice %arg6[%arg0, %mul3A_69, %dma_wait3A] : memref<2x10000x128xf32, #tpu.memory_space<hbm>> -> memref<1x200x128xf32, #tpu.memory_space<hbm>>
        %dma_wait3A_76 = tpu.memref_squeeze %dma_wait3A_75 : memref<1x200x128xf32, #tpu.memory_space<hbm>> -> memref<200x128xf32, #tpu.memory_space<hbm>>
        %dma_wait3A_77 = arith.constant 0 : i32
        %dma_wait3A_78 = tpu.memref_slice %arg6[%arg0, %mul3A_69, %dma_wait3A_77] : memref<2x10000x128xf32, #tpu.memory_space<hbm>> -> memref<1x200x128xf32, #tpu.memory_space<hbm>>
        %dma_wait3A_79 = tpu.memref_squeeze %dma_wait3A_78 : memref<1x200x128xf32, #tpu.memory_space<hbm>> -> memref<200x128xf32, #tpu.memory_space<hbm>>
        tpu.wait_dma2 semaphore(%run_scoped3A : memref<!tpu.dma_semaphore, #tpu.memory_space<semaphore_mem>>) src(%arg12 : memref<200x128xf32, #tpu.memory_space<vmem>>) dst(%dma_wait3A_79 : memref<200x128xf32, #tpu.memory_space<hbm>>)
        tpu.yield
      }) : () -> ()
    } else {
    }
    return
  }
}

#map = affine_map<(d0, d1) -> (0, 0)>
#map1 = affine_map<(d0, d1) -> (0)>
#map2 = affine_map<(d0, d1) -> (0, 0, 0)>
module attributes {stable_mosaic.version = 14 : i64} {
  func.func @mp(%arg0: i32, %arg1: i32, %arg2: memref<10000x128xf32, #tpu.memory_space<hbm>>, %arg3: memref<320000x128xf32, #tpu.memory_space<hbm>>, %arg4: memref<320000xi32, #tpu.memory_space<hbm>>, %arg5: memref<320000xi32, #tpu.memory_space<hbm>>, %arg6: memref<2x10000x128xf32, #tpu.memory_space<hbm>>, %arg7: memref<10000x128xf32, #tpu.memory_space<vmem_shared>>, %arg8: memref<80xi32, #tpu.memory_space<vmem>>, %arg9: memref<80xi32, #tpu.memory_space<vmem>>, %arg10: memref<80x128xf32, #tpu.memory_space<vmem>>, %arg11: memref<80x128xf32, #tpu.memory_space<vmem>>, %arg12: memref<200x128xf32, #tpu.memory_space<vmem>>, %arg13: memref<!tpu.dma_semaphore, #tpu.memory_space<semaphore_mem>>) attributes {dimension_semantics = [#tpu.dimension_semantics<core_parallel>, #tpu.dimension_semantics<subcore_parallel>], iteration_bounds = array<i64: 2, 16>, scalar_prefetch = 0 : i64, scratch_operands = 7 : i64, tpu.core_type = #tpu.core_type<sc_vector_subcore>, window_params = [{transform_indices = #map}, {transform_indices = #map}, {transform_indices = #map1}, {transform_indices = #map1}, {transform_indices = #map2}]} {
    %mul3A = arith.constant 2 : i32
    %mul3A_0 = arith.muli %arg1, %mul3A : i32
    %add3A = arith.addi %mul3A_0, %arg0 : i32
    %scan3A = arith.constant 0 : i32
    %scan3A_1 = arith.constant 0 : i32
    %scan3A_2 = arith.constant 200 : i32
    %scan3A_3 = arith.addi %scan3A_1, %scan3A_2 : i32
    %scan3A_4 = arith.constant 1 : i32
    scf.for %scan3A_68 = %scan3A_1 to %scan3A_3 step %scan3A_4  : i32 {
      %broadcast_in_dim3A = arith.constant 0.000000e+00 : f32
      %broadcast_in_dim3A_69 = vector.broadcast %broadcast_in_dim3A : f32 to vector<16xf32>
      %swap3A = arith.index_cast %scan3A_68 : i32 to index
      %swap3A_70 = arith.constant 0 : index
      %swap3A_71 = tpu.vector_load %arg12[%swap3A, %swap3A_70] {strides = array<i32>} : memref<200x128xf32, #tpu.memory_space<vmem>>, vector<16xf32>,
      tpu.vector_store %arg12[%swap3A, %swap3A_70], %broadcast_in_dim3A_69 {strides = array<i32>} : memref<200x128xf32, #tpu.memory_space<vmem>>, vector<16xf32>,
      %broadcast_in_dim3A_72 = arith.constant 0.000000e+00 : f32
      %broadcast_in_dim3A_73 = vector.broadcast %broadcast_in_dim3A_72 : f32 to vector<16xf32>
      %swap3A_74 = arith.index_cast %scan3A_68 : i32 to index
      %swap3A_75 = arith.constant 16 : index
      %swap3A_76 = tpu.vector_load %arg12[%swap3A_74, %swap3A_75] {strides = array<i32>} : memref<200x128xf32, #tpu.memory_space<vmem>>, vector<16xf32>,
      tpu.vector_store %arg12[%swap3A_74, %swap3A_75], %broadcast_in_dim3A_73 {strides = array<i32>} : memref<200x128xf32, #tpu.memory_space<vmem>>, vector<16xf32>,
      %broadcast_in_dim3A_77 = arith.constant 0.000000e+00 : f32
      %broadcast_in_dim3A_78 = vector.broadcast %broadcast_in_dim3A_77 : f32 to vector<16xf32>
      %swap3A_79 = arith.index_cast %scan3A_68 : i32 to index
      %swap3A_80 = arith.constant 32 : index
      %swap3A_81 = tpu.vector_load %arg12[%swap3A_79, %swap3A_80] {strides = array<i32>} : memref<200x128xf32, #tpu.memory_space<vmem>>, vector<16xf32>,
      tpu.vector_store %arg12[%swap3A_79, %swap3A_80], %broadcast_in_dim3A_78 {strides = array<i32>} : memref<200x128xf32, #tpu.memory_space<vmem>>, vector<16xf32>,
      %broadcast_in_dim3A_82 = arith.constant 0.000000e+00 : f32
      %broadcast_in_dim3A_83 = vector.broadcast %broadcast_in_dim3A_82 : f32 to vector<16xf32>
      %swap3A_84 = arith.index_cast %scan3A_68 : i32 to index
      %swap3A_85 = arith.constant 48 : index
      %swap3A_86 = tpu.vector_load %arg12[%swap3A_84, %swap3A_85] {strides = array<i32>} : memref<200x128xf32, #tpu.memory_space<vmem>>, vector<16xf32>,
      tpu.vector_store %arg12[%swap3A_84, %swap3A_85], %broadcast_in_dim3A_83 {strides = array<i32>} : memref<200x128xf32, #tpu.memory_space<vmem>>, vector<16xf32>,
      %broadcast_in_dim3A_87 = arith.constant 0.000000e+00 : f32
      %broadcast_in_dim3A_88 = vector.broadcast %broadcast_in_dim3A_87 : f32 to vector<16xf32>
      %swap3A_89 = arith.index_cast %scan3A_68 : i32 to index
      %swap3A_90 = arith.constant 64 : index
      %swap3A_91 = tpu.vector_load %arg12[%swap3A_89, %swap3A_90] {strides = array<i32>} : memref<200x128xf32, #tpu.memory_space<vmem>>, vector<16xf32>,
      tpu.vector_store %arg12[%swap3A_89, %swap3A_90], %broadcast_in_dim3A_88 {strides = array<i32>} : memref<200x128xf32, #tpu.memory_space<vmem>>, vector<16xf32>,
      %broadcast_in_dim3A_92 = arith.constant 0.000000e+00 : f32
      %broadcast_in_dim3A_93 = vector.broadcast %broadcast_in_dim3A_92 : f32 to vector<16xf32>
      %swap3A_94 = arith.index_cast %scan3A_68 : i32 to index
      %swap3A_95 = arith.constant 80 : index
      %swap3A_96 = tpu.vector_load %arg12[%swap3A_94, %swap3A_95] {strides = array<i32>} : memref<200x128xf32, #tpu.memory_space<vmem>>, vector<16xf32>,
      tpu.vector_store %arg12[%swap3A_94, %swap3A_95], %broadcast_in_dim3A_93 {strides = array<i32>} : memref<200x128xf32, #tpu.memory_space<vmem>>, vector<16xf32>,
      %broadcast_in_dim3A_97 = arith.constant 0.000000e+00 : f32
      %broadcast_in_dim3A_98 = vector.broadcast %broadcast_in_dim3A_97 : f32 to vector<16xf32>
      %swap3A_99 = arith.index_cast %scan3A_68 : i32 to index
      %swap3A_100 = arith.constant 96 : index
      %swap3A_101 = tpu.vector_load %arg12[%swap3A_99, %swap3A_100] {strides = array<i32>} : memref<200x128xf32, #tpu.memory_space<vmem>>, vector<16xf32>,
      tpu.vector_store %arg12[%swap3A_99, %swap3A_100], %broadcast_in_dim3A_98 {strides = array<i32>} : memref<200x128xf32, #tpu.memory_space<vmem>>, vector<16xf32>,
      %broadcast_in_dim3A_102 = arith.constant 0.000000e+00 : f32
      %broadcast_in_dim3A_103 = vector.broadcast %broadcast_in_dim3A_102 : f32 to vector<16xf32>
      %swap3A_104 = arith.index_cast %scan3A_68 : i32 to index
      %swap3A_105 = arith.constant 112 : index
      %swap3A_106 = tpu.vector_load %arg12[%swap3A_104, %swap3A_105] {strides = array<i32>} : memref<200x128xf32, #tpu.memory_space<vmem>>, vector<16xf32>,
      tpu.vector_store %arg12[%swap3A_104, %swap3A_105], %broadcast_in_dim3A_103 {strides = array<i32>} : memref<200x128xf32, #tpu.memory_space<vmem>>, vector<16xf32>,
    }
    %scan3A_5 = arith.constant 200 : i32
    %add3A_6 = arith.constant 0 : i32
    %add3A_7 = arith.addi %arg1, %add3A_6 : i32
    %lt3A = arith.constant 50 : i32
    %lt3A_8 = arith.cmpi slt, %add3A_7, %lt3A : i32
    %convert_element_type3A = arith.extui %lt3A_8 : i1 to i32
    %cond3A = arith.constant 0 : i32
    %cond3A_9 = arith.cmpi ne, %convert_element_type3A, %cond3A : i32
    scf.if %cond3A_9 {
      %mul3A_68 = arith.constant 200 : i32
      %mul3A_69 = arith.muli %add3A_7, %mul3A_68 : i32
      "tpu.region"() ({
        %run_scoped3A = tpu.sem_alloc : memref<!tpu.dma_semaphore, #tpu.memory_space<semaphore_mem>>
        %dma_start3A = arith.constant 0 : i32
        %dma_start3A_70 = tpu.memref_slice %arg7[%mul3A_69, %dma_start3A] : memref<10000x128xf32, #tpu.memory_space<vmem_shared>> -> memref<200x128xf32, #tpu.memory_space<vmem_shared>>
        %dma_start3A_71 = arith.constant 0 : i32
        %dma_start3A_72 = tpu.memref_slice %arg7[%mul3A_69, %dma_start3A_71] : memref<10000x128xf32, #tpu.memory_space<vmem_shared>> -> memref<200x128xf32, #tpu.memory_space<vmem_shared>>
        tpu.enqueue_dma source(%arg12 : memref<200x128xf32, #tpu.memory_space<vmem>>) target(%dma_start3A_72 : memref<200x128xf32, #tpu.memory_space<vmem_shared>>) target_semaphore(%run_scoped3A : memref<!tpu.dma_semaphore, #tpu.memory_space<semaphore_mem>>)
        %dma_wait3A = arith.constant 0 : i32
        %dma_wait3A_73 = tpu.memref_slice %arg7[%mul3A_69, %dma_wait3A] : memref<10000x128xf32, #tpu.memory_space<vmem_shared>> -> memref<200x128xf32, #tpu.memory_space<vmem_shared>>
        %dma_wait3A_74 = arith.constant 0 : i32
        %dma_wait3A_75 = tpu.memref_slice %arg7[%mul3A_69, %dma_wait3A_74] : memref<10000x128xf32, #tpu.memory_space<vmem_shared>> -> memref<200x128xf32, #tpu.memory_space<vmem_shared>>
        tpu.wait_dma2 semaphore(%run_scoped3A : memref<!tpu.dma_semaphore, #tpu.memory_space<semaphore_mem>>) src(%arg12 : memref<200x128xf32, #tpu.memory_space<vmem>>) dst(%dma_wait3A_75 : memref<200x128xf32, #tpu.memory_space<vmem_shared>>)
        tpu.yield
      }) : () -> ()
    } else {
    }
    %add3A_10 = arith.constant 16 : i32
    %add3A_11 = arith.addi %arg1, %add3A_10 : i32
    %lt3A_12 = arith.constant 50 : i32
    %lt3A_13 = arith.cmpi slt, %add3A_11, %lt3A_12 : i32
    %convert_element_type3A_14 = arith.extui %lt3A_13 : i1 to i32
    %cond3A_15 = arith.constant 0 : i32
    %cond3A_16 = arith.cmpi ne, %convert_element_type3A_14, %cond3A_15 : i32
    scf.if %cond3A_16 {
      %mul3A_68 = arith.constant 200 : i32
      %mul3A_69 = arith.muli %add3A_11, %mul3A_68 : i32
      "tpu.region"() ({
        %run_scoped3A = tpu.sem_alloc : memref<!tpu.dma_semaphore, #tpu.memory_space<semaphore_mem>>
        %dma_start3A = arith.constant 0 : i32
        %dma_start3A_70 = tpu.memref_slice %arg7[%mul3A_69, %dma_start3A] : memref<10000x128xf32, #tpu.memory_space<vmem_shared>> -> memref<200x128xf32, #tpu.memory_space<vmem_shared>>
        %dma_start3A_71 = arith.constant 0 : i32
        %dma_start3A_72 = tpu.memref_slice %arg7[%mul3A_69, %dma_start3A_71] : memref<10000x128xf32, #tpu.memory_space<vmem_shared>> -> memref<200x128xf32, #tpu.memory_space<vmem_shared>>
        tpu.enqueue_dma source(%arg12 : memref<200x128xf32, #tpu.memory_space<vmem>>) target(%dma_start3A_72 : memref<200x128xf32, #tpu.memory_space<vmem_shared>>) target_semaphore(%run_scoped3A : memref<!tpu.dma_semaphore, #tpu.memory_space<semaphore_mem>>)
        %dma_wait3A = arith.constant 0 : i32
        %dma_wait3A_73 = tpu.memref_slice %arg7[%mul3A_69, %dma_wait3A] : memref<10000x128xf32, #tpu.memory_space<vmem_shared>> -> memref<200x128xf32, #tpu.memory_space<vmem_shared>>
        %dma_wait3A_74 = arith.constant 0 : i32
        %dma_wait3A_75 = tpu.memref_slice %arg7[%mul3A_69, %dma_wait3A_74] : memref<10000x128xf32, #tpu.memory_space<vmem_shared>> -> memref<200x128xf32, #tpu.memory_space<vmem_shared>>
        tpu.wait_dma2 semaphore(%run_scoped3A : memref<!tpu.dma_semaphore, #tpu.memory_space<semaphore_mem>>) src(%arg12 : memref<200x128xf32, #tpu.memory_space<vmem>>) dst(%dma_wait3A_75 : memref<200x128xf32, #tpu.memory_space<vmem_shared>>)
        tpu.yield
      }) : () -> ()
    } else {
    }
    %add3A_17 = arith.constant 32 : i32
    %add3A_18 = arith.addi %arg1, %add3A_17 : i32
    %lt3A_19 = arith.constant 50 : i32
    %lt3A_20 = arith.cmpi slt, %add3A_18, %lt3A_19 : i32
    %convert_element_type3A_21 = arith.extui %lt3A_20 : i1 to i32
    %cond3A_22 = arith.constant 0 : i32
    %cond3A_23 = arith.cmpi ne, %convert_element_type3A_21, %cond3A_22 : i32
    scf.if %cond3A_23 {
      %mul3A_68 = arith.constant 200 : i32
      %mul3A_69 = arith.muli %add3A_18, %mul3A_68 : i32
      "tpu.region"() ({
        %run_scoped3A = tpu.sem_alloc : memref<!tpu.dma_semaphore, #tpu.memory_space<semaphore_mem>>
        %dma_start3A = arith.constant 0 : i32
        %dma_start3A_70 = tpu.memref_slice %arg7[%mul3A_69, %dma_start3A] : memref<10000x128xf32, #tpu.memory_space<vmem_shared>> -> memref<200x128xf32, #tpu.memory_space<vmem_shared>>
        %dma_start3A_71 = arith.constant 0 : i32
        %dma_start3A_72 = tpu.memref_slice %arg7[%mul3A_69, %dma_start3A_71] : memref<10000x128xf32, #tpu.memory_space<vmem_shared>> -> memref<200x128xf32, #tpu.memory_space<vmem_shared>>
        tpu.enqueue_dma source(%arg12 : memref<200x128xf32, #tpu.memory_space<vmem>>) target(%dma_start3A_72 : memref<200x128xf32, #tpu.memory_space<vmem_shared>>) target_semaphore(%run_scoped3A : memref<!tpu.dma_semaphore, #tpu.memory_space<semaphore_mem>>)
        %dma_wait3A = arith.constant 0 : i32
        %dma_wait3A_73 = tpu.memref_slice %arg7[%mul3A_69, %dma_wait3A] : memref<10000x128xf32, #tpu.memory_space<vmem_shared>> -> memref<200x128xf32, #tpu.memory_space<vmem_shared>>
        %dma_wait3A_74 = arith.constant 0 : i32
        %dma_wait3A_75 = tpu.memref_slice %arg7[%mul3A_69, %dma_wait3A_74] : memref<10000x128xf32, #tpu.memory_space<vmem_shared>> -> memref<200x128xf32, #tpu.memory_space<vmem_shared>>
        tpu.wait_dma2 semaphore(%run_scoped3A : memref<!tpu.dma_semaphore, #tpu.memory_space<semaphore_mem>>) src(%arg12 : memref<200x128xf32, #tpu.memory_space<vmem>>) dst(%dma_wait3A_75 : memref<200x128xf32, #tpu.memory_space<vmem_shared>>)
        tpu.yield
      }) : () -> ()
    } else {
    }
    %add3A_24 = arith.constant 48 : i32
    %add3A_25 = arith.addi %arg1, %add3A_24 : i32
    %lt3A_26 = arith.constant 50 : i32
    %lt3A_27 = arith.cmpi slt, %add3A_25, %lt3A_26 : i32
    %convert_element_type3A_28 = arith.extui %lt3A_27 : i1 to i32
    %cond3A_29 = arith.constant 0 : i32
    %cond3A_30 = arith.cmpi ne, %convert_element_type3A_28, %cond3A_29 : i32
    scf.if %cond3A_30 {
      %mul3A_68 = arith.constant 200 : i32
      %mul3A_69 = arith.muli %add3A_25, %mul3A_68 : i32
      "tpu.region"() ({
        %run_scoped3A = tpu.sem_alloc : memref<!tpu.dma_semaphore, #tpu.memory_space<semaphore_mem>>
        %dma_start3A = arith.constant 0 : i32
        %dma_start3A_70 = tpu.memref_slice %arg7[%mul3A_69, %dma_start3A] : memref<10000x128xf32, #tpu.memory_space<vmem_shared>> -> memref<200x128xf32, #tpu.memory_space<vmem_shared>>
        %dma_start3A_71 = arith.constant 0 : i32
        %dma_start3A_72 = tpu.memref_slice %arg7[%mul3A_69, %dma_start3A_71] : memref<10000x128xf32, #tpu.memory_space<vmem_shared>> -> memref<200x128xf32, #tpu.memory_space<vmem_shared>>
        tpu.enqueue_dma source(%arg12 : memref<200x128xf32, #tpu.memory_space<vmem>>) target(%dma_start3A_72 : memref<200x128xf32, #tpu.memory_space<vmem_shared>>) target_semaphore(%run_scoped3A : memref<!tpu.dma_semaphore, #tpu.memory_space<semaphore_mem>>)
        %dma_wait3A = arith.constant 0 : i32
        %dma_wait3A_73 = tpu.memref_slice %arg7[%mul3A_69, %dma_wait3A] : memref<10000x128xf32, #tpu.memory_space<vmem_shared>> -> memref<200x128xf32, #tpu.memory_space<vmem_shared>>
        %dma_wait3A_74 = arith.constant 0 : i32
        %dma_wait3A_75 = tpu.memref_slice %arg7[%mul3A_69, %dma_wait3A_74] : memref<10000x128xf32, #tpu.memory_space<vmem_shared>> -> memref<200x128xf32, #tpu.memory_space<vmem_shared>>
        tpu.wait_dma2 semaphore(%run_scoped3A : memref<!tpu.dma_semaphore, #tpu.memory_space<semaphore_mem>>) src(%arg12 : memref<200x128xf32, #tpu.memory_space<vmem>>) dst(%dma_wait3A_75 : memref<200x128xf32, #tpu.memory_space<vmem_shared>>)
        tpu.yield
      }) : () -> ()
    } else {
    }
    %barrier3A = arith.constant 0 : index
    tpu.barrier barrier_id(%barrier3A)
    %mul3A_31 = arith.constant 10000 : i32
    %mul3A_32 = arith.muli %add3A, %mul3A_31 : i32
    %scan3A_33 = arith.constant 0 : i32
    %scan3A_34 = arith.constant 0 : i32
    %scan3A_35 = arith.constant 125 : i32
    %scan3A_36 = arith.addi %scan3A_34, %scan3A_35 : i32
    %scan3A_37 = arith.constant 1 : i32
    scf.for %scan3A_68 = %scan3A_34 to %scan3A_36 step %scan3A_37  : i32 {
      %mul3A_69 = arith.constant 80 : i32
      %mul3A_70 = arith.muli %scan3A_68, %mul3A_69 : i32
      %add3A_71 = arith.addi %mul3A_32, %mul3A_70 : i32
      "tpu.region"() ({
        %run_scoped3A = tpu.sem_alloc : memref<!tpu.dma_semaphore, #tpu.memory_space<semaphore_mem>>
        %dma_start3A_82 = tpu.memref_slice %arg4[%add3A_71] : memref<320000xi32, #tpu.memory_space<hbm>> -> memref<80xi32, #tpu.memory_space<hbm>>
        %dma_start3A_83 = tpu.memref_slice %arg4[%add3A_71] : memref<320000xi32, #tpu.memory_space<hbm>> -> memref<80xi32, #tpu.memory_space<hbm>>
        tpu.enqueue_dma source(%dma_start3A_83 : memref<80xi32, #tpu.memory_space<hbm>>) target(%arg8 : memref<80xi32, #tpu.memory_space<vmem>>) target_semaphore(%run_scoped3A : memref<!tpu.dma_semaphore, #tpu.memory_space<semaphore_mem>>)
        %dma_wait3A_84 = tpu.memref_slice %arg4[%add3A_71] : memref<320000xi32, #tpu.memory_space<hbm>> -> memref<80xi32, #tpu.memory_space<hbm>>
        %dma_wait3A_85 = tpu.memref_slice %arg4[%add3A_71] : memref<320000xi32, #tpu.memory_space<hbm>> -> memref<80xi32, #tpu.memory_space<hbm>>
        tpu.wait_dma2 semaphore(%run_scoped3A : memref<!tpu.dma_semaphore, #tpu.memory_space<semaphore_mem>>) src(%dma_wait3A_85 : memref<80xi32, #tpu.memory_space<hbm>>) dst(%arg8 : memref<80xi32, #tpu.memory_space<vmem>>)
        tpu.yield
      }) : () -> ()
      "tpu.region"() ({
        %run_scoped3A = tpu.sem_alloc : memref<!tpu.dma_semaphore, #tpu.memory_space<semaphore_mem>>
        %dma_start3A_82 = tpu.memref_slice %arg5[%add3A_71] : memref<320000xi32, #tpu.memory_space<hbm>> -> memref<80xi32, #tpu.memory_space<hbm>>
        %dma_start3A_83 = tpu.memref_slice %arg5[%add3A_71] : memref<320000xi32, #tpu.memory_space<hbm>> -> memref<80xi32, #tpu.memory_space<hbm>>
        tpu.enqueue_dma source(%dma_start3A_83 : memref<80xi32, #tpu.memory_space<hbm>>) target(%arg9 : memref<80xi32, #tpu.memory_space<vmem>>) target_semaphore(%run_scoped3A : memref<!tpu.dma_semaphore, #tpu.memory_space<semaphore_mem>>)
        %dma_wait3A_84 = tpu.memref_slice %arg5[%add3A_71] : memref<320000xi32, #tpu.memory_space<hbm>> -> memref<80xi32, #tpu.memory_space<hbm>>
        %dma_wait3A_85 = tpu.memref_slice %arg5[%add3A_71] : memref<320000xi32, #tpu.memory_space<hbm>> -> memref<80xi32, #tpu.memory_space<hbm>>
        tpu.wait_dma2 semaphore(%run_scoped3A : memref<!tpu.dma_semaphore, #tpu.memory_space<semaphore_mem>>) src(%dma_wait3A_85 : memref<80xi32, #tpu.memory_space<hbm>>) dst(%arg9 : memref<80xi32, #tpu.memory_space<vmem>>)
        tpu.yield
      }) : () -> ()
      "tpu.region"() ({
        %run_scoped3A = tpu.sem_alloc : memref<!tpu.dma_semaphore, #tpu.memory_space<semaphore_mem>>
        %dma_start3A_82 = arith.constant 0 : i32
        %dma_start3A_83 = tpu.memref_slice %arg3[%add3A_71, %dma_start3A_82] : memref<320000x128xf32, #tpu.memory_space<hbm>> -> memref<80x128xf32, #tpu.memory_space<hbm>>
        %dma_start3A_84 = arith.constant 0 : i32
        %dma_start3A_85 = tpu.memref_slice %arg3[%add3A_71, %dma_start3A_84] : memref<320000x128xf32, #tpu.memory_space<hbm>> -> memref<80x128xf32, #tpu.memory_space<hbm>>
        tpu.enqueue_dma source(%dma_start3A_85 : memref<80x128xf32, #tpu.memory_space<hbm>>) target(%arg11 : memref<80x128xf32, #tpu.memory_space<vmem>>) target_semaphore(%run_scoped3A : memref<!tpu.dma_semaphore, #tpu.memory_space<semaphore_mem>>)
        %dma_wait3A_86 = arith.constant 0 : i32
        %dma_wait3A_87 = tpu.memref_slice %arg3[%add3A_71, %dma_wait3A_86] : memref<320000x128xf32, #tpu.memory_space<hbm>> -> memref<80x128xf32, #tpu.memory_space<hbm>>
        %dma_wait3A_88 = arith.constant 0 : i32
        %dma_wait3A_89 = tpu.memref_slice %arg3[%add3A_71, %dma_wait3A_88] : memref<320000x128xf32, #tpu.memory_space<hbm>> -> memref<80x128xf32, #tpu.memory_space<hbm>>
        tpu.wait_dma2 semaphore(%run_scoped3A : memref<!tpu.dma_semaphore, #tpu.memory_space<semaphore_mem>>) src(%dma_wait3A_89 : memref<80x128xf32, #tpu.memory_space<hbm>>) dst(%arg11 : memref<80x128xf32, #tpu.memory_space<vmem>>)
        tpu.yield
      }) : () -> ()
      %dma_start3A = arith.constant 0 : i32
      %dma_start3A_72 = arith.constant 0 : i32
      %dma_start3A_73 = tpu.memref_slice %arg2[%dma_start3A, %dma_start3A_72] : memref<10000x128xf32, #tpu.memory_space<hbm>> -> memref<10000x128xf32, #tpu.memory_space<hbm>>
      tpu.enqueue_indirect_dma source(%dma_start3A_73 : memref<10000x128xf32, #tpu.memory_space<hbm>>) target(%arg10 : memref<80x128xf32, #tpu.memory_space<vmem>>) offsets(%arg8 : memref<80xi32, #tpu.memory_space<vmem>>) semaphore(%arg13 : memref<!tpu.dma_semaphore, #tpu.memory_space<semaphore_mem>>)
      %dma_wait3A = arith.constant 0 : i32
      %dma_wait3A_74 = arith.constant 0 : i32
      %dma_wait3A_75 = tpu.memref_slice %arg2[%dma_wait3A, %dma_wait3A_74] : memref<10000x128xf32, #tpu.memory_space<hbm>> -> memref<10000x128xf32, #tpu.memory_space<hbm>>
      tpu.wait_indirect_dma semaphore(%arg13 : memref<!tpu.dma_semaphore, #tpu.memory_space<semaphore_mem>>) src(%dma_wait3A_75 : memref<10000x128xf32, #tpu.memory_space<hbm>>) dst(%arg10 : memref<80x128xf32, #tpu.memory_space<vmem>>)
      %scan3A_76 = arith.constant 0 : i32
      %scan3A_77 = arith.constant 0 : i32
      %scan3A_78 = arith.constant 80 : i32
      %scan3A_79 = arith.addi %scan3A_77, %scan3A_78 : i32
      %scan3A_80 = arith.constant 1 : i32
      scf.for %scan3A_82 = %scan3A_77 to %scan3A_79 step %scan3A_80  : i32 {
        %get3A = arith.index_cast %scan3A_82 : i32 to index
        %get3A_83 = arith.constant 0 : index
        %get3A_84 = tpu.vector_load %arg10[%get3A, %get3A_83] {strides = array<i32>} : memref<80x128xf32, #tpu.memory_space<vmem>>, vector<16xf32>,
        %get3A_85 = arith.index_cast %scan3A_82 : i32 to index
        %get3A_86 = arith.constant 0 : index
        %get3A_87 = tpu.vector_load %arg11[%get3A_85, %get3A_86] {strides = array<i32>} : memref<80x128xf32, #tpu.memory_space<vmem>>, vector<16xf32>,
        %mul3A_88 = arith.mulf %get3A_84, %get3A_87 : vector<16xf32>
        %swap3A = arith.index_cast %scan3A_82 : i32 to index
        %swap3A_89 = arith.constant 0 : index
        %swap3A_90 = tpu.vector_load %arg10[%swap3A, %swap3A_89] {strides = array<i32>} : memref<80x128xf32, #tpu.memory_space<vmem>>, vector<16xf32>,
        tpu.vector_store %arg10[%swap3A, %swap3A_89], %mul3A_88 {strides = array<i32>} : memref<80x128xf32, #tpu.memory_space<vmem>>, vector<16xf32>,
        %get3A_91 = arith.index_cast %scan3A_82 : i32 to index
        %get3A_92 = arith.constant 16 : index
        %get3A_93 = tpu.vector_load %arg10[%get3A_91, %get3A_92] {strides = array<i32>} : memref<80x128xf32, #tpu.memory_space<vmem>>, vector<16xf32>,
        %get3A_94 = arith.index_cast %scan3A_82 : i32 to index
        %get3A_95 = arith.constant 16 : index
        %get3A_96 = tpu.vector_load %arg11[%get3A_94, %get3A_95] {strides = array<i32>} : memref<80x128xf32, #tpu.memory_space<vmem>>, vector<16xf32>,
        %mul3A_97 = arith.mulf %get3A_93, %get3A_96 : vector<16xf32>
        %swap3A_98 = arith.index_cast %scan3A_82 : i32 to index
        %swap3A_99 = arith.constant 16 : index
        %swap3A_100 = tpu.vector_load %arg10[%swap3A_98, %swap3A_99] {strides = array<i32>} : memref<80x128xf32, #tpu.memory_space<vmem>>, vector<16xf32>,
        tpu.vector_store %arg10[%swap3A_98, %swap3A_99], %mul3A_97 {strides = array<i32>} : memref<80x128xf32, #tpu.memory_space<vmem>>, vector<16xf32>,
        %get3A_101 = arith.index_cast %scan3A_82 : i32 to index
        %get3A_102 = arith.constant 32 : index
        %get3A_103 = tpu.vector_load %arg10[%get3A_101, %get3A_102] {strides = array<i32>} : memref<80x128xf32, #tpu.memory_space<vmem>>, vector<16xf32>,
        %get3A_104 = arith.index_cast %scan3A_82 : i32 to index
        %get3A_105 = arith.constant 32 : index
        %get3A_106 = tpu.vector_load %arg11[%get3A_104, %get3A_105] {strides = array<i32>} : memref<80x128xf32, #tpu.memory_space<vmem>>, vector<16xf32>,
        %mul3A_107 = arith.mulf %get3A_103, %get3A_106 : vector<16xf32>
        %swap3A_108 = arith.index_cast %scan3A_82 : i32 to index
        %swap3A_109 = arith.constant 32 : index
        %swap3A_110 = tpu.vector_load %arg10[%swap3A_108, %swap3A_109] {strides = array<i32>} : memref<80x128xf32, #tpu.memory_space<vmem>>, vector<16xf32>,
        tpu.vector_store %arg10[%swap3A_108, %swap3A_109], %mul3A_107 {strides = array<i32>} : memref<80x128xf32, #tpu.memory_space<vmem>>, vector<16xf32>,
        %get3A_111 = arith.index_cast %scan3A_82 : i32 to index
        %get3A_112 = arith.constant 48 : index
        %get3A_113 = tpu.vector_load %arg10[%get3A_111, %get3A_112] {strides = array<i32>} : memref<80x128xf32, #tpu.memory_space<vmem>>, vector<16xf32>,
        %get3A_114 = arith.index_cast %scan3A_82 : i32 to index
        %get3A_115 = arith.constant 48 : index
        %get3A_116 = tpu.vector_load %arg11[%get3A_114, %get3A_115] {strides = array<i32>} : memref<80x128xf32, #tpu.memory_space<vmem>>, vector<16xf32>,
        %mul3A_117 = arith.mulf %get3A_113, %get3A_116 : vector<16xf32>
        %swap3A_118 = arith.index_cast %scan3A_82 : i32 to index
        %swap3A_119 = arith.constant 48 : index
        %swap3A_120 = tpu.vector_load %arg10[%swap3A_118, %swap3A_119] {strides = array<i32>} : memref<80x128xf32, #tpu.memory_space<vmem>>, vector<16xf32>,
        tpu.vector_store %arg10[%swap3A_118, %swap3A_119], %mul3A_117 {strides = array<i32>} : memref<80x128xf32, #tpu.memory_space<vmem>>, vector<16xf32>,
        %get3A_121 = arith.index_cast %scan3A_82 : i32 to index
        %get3A_122 = arith.constant 64 : index
        %get3A_123 = tpu.vector_load %arg10[%get3A_121, %get3A_122] {strides = array<i32>} : memref<80x128xf32, #tpu.memory_space<vmem>>, vector<16xf32>,
        %get3A_124 = arith.index_cast %scan3A_82 : i32 to index
        %get3A_125 = arith.constant 64 : index
        %get3A_126 = tpu.vector_load %arg11[%get3A_124, %get3A_125] {strides = array<i32>} : memref<80x128xf32, #tpu.memory_space<vmem>>, vector<16xf32>,
        %mul3A_127 = arith.mulf %get3A_123, %get3A_126 : vector<16xf32>
        %swap3A_128 = arith.index_cast %scan3A_82 : i32 to index
        %swap3A_129 = arith.constant 64 : index
        %swap3A_130 = tpu.vector_load %arg10[%swap3A_128, %swap3A_129] {strides = array<i32>} : memref<80x128xf32, #tpu.memory_space<vmem>>, vector<16xf32>,
        tpu.vector_store %arg10[%swap3A_128, %swap3A_129], %mul3A_127 {strides = array<i32>} : memref<80x128xf32, #tpu.memory_space<vmem>>, vector<16xf32>,
        %get3A_131 = arith.index_cast %scan3A_82 : i32 to index
        %get3A_132 = arith.constant 80 : index
        %get3A_133 = tpu.vector_load %arg10[%get3A_131, %get3A_132] {strides = array<i32>} : memref<80x128xf32, #tpu.memory_space<vmem>>, vector<16xf32>,
        %get3A_134 = arith.index_cast %scan3A_82 : i32 to index
        %get3A_135 = arith.constant 80 : index
        %get3A_136 = tpu.vector_load %arg11[%get3A_134, %get3A_135] {strides = array<i32>} : memref<80x128xf32, #tpu.memory_space<vmem>>, vector<16xf32>,
        %mul3A_137 = arith.mulf %get3A_133, %get3A_136 : vector<16xf32>
        %swap3A_138 = arith.index_cast %scan3A_82 : i32 to index
        %swap3A_139 = arith.constant 80 : index
        %swap3A_140 = tpu.vector_load %arg10[%swap3A_138, %swap3A_139] {strides = array<i32>} : memref<80x128xf32, #tpu.memory_space<vmem>>, vector<16xf32>,
        tpu.vector_store %arg10[%swap3A_138, %swap3A_139], %mul3A_137 {strides = array<i32>} : memref<80x128xf32, #tpu.memory_space<vmem>>, vector<16xf32>,
        %get3A_141 = arith.index_cast %scan3A_82 : i32 to index
        %get3A_142 = arith.constant 96 : index
        %get3A_143 = tpu.vector_load %arg10[%get3A_141, %get3A_142] {strides = array<i32>} : memref<80x128xf32, #tpu.memory_space<vmem>>, vector<16xf32>,
        %get3A_144 = arith.index_cast %scan3A_82 : i32 to index
        %get3A_145 = arith.constant 96 : index
        %get3A_146 = tpu.vector_load %arg11[%get3A_144, %get3A_145] {strides = array<i32>} : memref<80x128xf32, #tpu.memory_space<vmem>>, vector<16xf32>,
        %mul3A_147 = arith.mulf %get3A_143, %get3A_146 : vector<16xf32>
        %swap3A_148 = arith.index_cast %scan3A_82 : i32 to index
        %swap3A_149 = arith.constant 96 : index
        %swap3A_150 = tpu.vector_load %arg10[%swap3A_148, %swap3A_149] {strides = array<i32>} : memref<80x128xf32, #tpu.memory_space<vmem>>, vector<16xf32>,
        tpu.vector_store %arg10[%swap3A_148, %swap3A_149], %mul3A_147 {strides = array<i32>} : memref<80x128xf32, #tpu.memory_space<vmem>>, vector<16xf32>,
        %get3A_151 = arith.index_cast %scan3A_82 : i32 to index
        %get3A_152 = arith.constant 112 : index
        %get3A_153 = tpu.vector_load %arg10[%get3A_151, %get3A_152] {strides = array<i32>} : memref<80x128xf32, #tpu.memory_space<vmem>>, vector<16xf32>,
        %get3A_154 = arith.index_cast %scan3A_82 : i32 to index
        %get3A_155 = arith.constant 112 : index
        %get3A_156 = tpu.vector_load %arg11[%get3A_154, %get3A_155] {strides = array<i32>} : memref<80x128xf32, #tpu.memory_space<vmem>>, vector<16xf32>,
        %mul3A_157 = arith.mulf %get3A_153, %get3A_156 : vector<16xf32>
        %swap3A_158 = arith.index_cast %scan3A_82 : i32 to index
        %swap3A_159 = arith.constant 112 : index
        %swap3A_160 = tpu.vector_load %arg10[%swap3A_158, %swap3A_159] {strides = array<i32>} : memref<80x128xf32, #tpu.memory_space<vmem>>, vector<16xf32>,
        tpu.vector_store %arg10[%swap3A_158, %swap3A_159], %mul3A_157 {strides = array<i32>} : memref<80x128xf32, #tpu.memory_space<vmem>>, vector<16xf32>,
      }
      %scan3A_81 = arith.constant 80 : i32
      "tpu.region"() ({
        %run_scoped3A = tpu.sem_alloc : memref<!tpu.dma_semaphore, #tpu.memory_space<semaphore_mem>>
        %dma_start3A_82 = arith.constant 0 : i32
        %dma_start3A_83 = arith.constant 0 : i32
        %dma_start3A_84 = tpu.memref_slice %arg7[%dma_start3A_82, %dma_start3A_83] : memref<10000x128xf32, #tpu.memory_space<vmem_shared>> -> memref<10000x128xf32, #tpu.memory_space<vmem_shared>>
        tpu.enqueue_indirect_dma source(%arg10 : memref<80x128xf32, #tpu.memory_space<vmem>>) target(%dma_start3A_84 : memref<10000x128xf32, #tpu.memory_space<vmem_shared>>) offsets(%arg9 : memref<80xi32, #tpu.memory_space<vmem>>) semaphore(%run_scoped3A : memref<!tpu.dma_semaphore, #tpu.memory_space<semaphore_mem>>) {add = true}
        %dma_wait3A_85 = arith.constant 0 : i32
        %dma_wait3A_86 = arith.constant 0 : i32
        %dma_wait3A_87 = tpu.memref_slice %arg7[%dma_wait3A_85, %dma_wait3A_86] : memref<10000x128xf32, #tpu.memory_space<vmem_shared>> -> memref<10000x128xf32, #tpu.memory_space<vmem_shared>>
        tpu.wait_indirect_dma semaphore(%run_scoped3A : memref<!tpu.dma_semaphore, #tpu.memory_space<semaphore_mem>>) src(%arg10 : memref<80x128xf32, #tpu.memory_space<vmem>>) dst(%dma_wait3A_87 : memref<10000x128xf32, #tpu.memory_space<vmem_shared>>)
        tpu.yield
      }) : () -> ()
    }
    %scan3A_38 = arith.constant 125 : i32
    %barrier3A_39 = arith.constant 0 : index
    tpu.barrier barrier_id(%barrier3A_39)
    %add3A_40 = arith.constant 0 : i32
    %add3A_41 = arith.addi %arg1, %add3A_40 : i32
    %lt3A_42 = arith.constant 50 : i32
    %lt3A_43 = arith.cmpi slt, %add3A_41, %lt3A_42 : i32
    %convert_element_type3A_44 = arith.extui %lt3A_43 : i1 to i32
    %cond3A_45 = arith.constant 0 : i32
    %cond3A_46 = arith.cmpi ne, %convert_element_type3A_44, %cond3A_45 : i32
    scf.if %cond3A_46 {
      %mul3A_68 = arith.constant 200 : i32
      %mul3A_69 = arith.muli %add3A_41, %mul3A_68 : i32
      "tpu.region"() ({
        %run_scoped3A = tpu.sem_alloc : memref<!tpu.dma_semaphore, #tpu.memory_space<semaphore_mem>>
        %dma_start3A = arith.constant 0 : i32
        %dma_start3A_70 = tpu.memref_slice %arg7[%mul3A_69, %dma_start3A] : memref<10000x128xf32, #tpu.memory_space<vmem_shared>> -> memref<200x128xf32, #tpu.memory_space<vmem_shared>>
        %dma_start3A_71 = arith.constant 0 : i32
        %dma_start3A_72 = tpu.memref_slice %arg7[%mul3A_69, %dma_start3A_71] : memref<10000x128xf32, #tpu.memory_space<vmem_shared>> -> memref<200x128xf32, #tpu.memory_space<vmem_shared>>
        tpu.enqueue_dma source(%dma_start3A_72 : memref<200x128xf32, #tpu.memory_space<vmem_shared>>) target(%arg12 : memref<200x128xf32, #tpu.memory_space<vmem>>) target_semaphore(%run_scoped3A : memref<!tpu.dma_semaphore, #tpu.memory_space<semaphore_mem>>)
        %dma_wait3A = arith.constant 0 : i32
        %dma_wait3A_73 = tpu.memref_slice %arg7[%mul3A_69, %dma_wait3A] : memref<10000x128xf32, #tpu.memory_space<vmem_shared>> -> memref<200x128xf32, #tpu.memory_space<vmem_shared>>
        %dma_wait3A_74 = arith.constant 0 : i32
        %dma_wait3A_75 = tpu.memref_slice %arg7[%mul3A_69, %dma_wait3A_74] : memref<10000x128xf32, #tpu.memory_space<vmem_shared>> -> memref<200x128xf32, #tpu.memory_space<vmem_shared>>
        tpu.wait_dma2 semaphore(%run_scoped3A : memref<!tpu.dma_semaphore, #tpu.memory_space<semaphore_mem>>) src(%dma_wait3A_75 : memref<200x128xf32, #tpu.memory_space<vmem_shared>>) dst(%arg12 : memref<200x128xf32, #tpu.memory_space<vmem>>)
        tpu.yield
      }) : () -> ()
      "tpu.region"() ({
        %run_scoped3A = tpu.sem_alloc : memref<!tpu.dma_semaphore, #tpu.memory_space<semaphore_mem>>
        %dma_start3A = arith.constant 0 : i32
        %dma_start3A_70 = tpu.memref_slice %arg6[%arg0, %mul3A_69, %dma_start3A] : memref<2x10000x128xf32, #tpu.memory_space<hbm>> -> memref<1x200x128xf32, #tpu.memory_space<hbm>>
        %dma_start3A_71 = tpu.memref_squeeze %dma_start3A_70 : memref<1x200x128xf32, #tpu.memory_space<hbm>> -> memref<200x128xf32, #tpu.memory_space<hbm>>
        %dma_start3A_72 = arith.constant 0 : i32
        %dma_start3A_73 = tpu.memref_slice %arg6[%arg0, %mul3A_69, %dma_start3A_72] : memref<2x10000x128xf32, #tpu.memory_space<hbm>> -> memref<1x200x128xf32, #tpu.memory_space<hbm>>
        %dma_start3A_74 = tpu.memref_squeeze %dma_start3A_73 : memref<1x200x128xf32, #tpu.memory_space<hbm>> -> memref<200x128xf32, #tpu.memory_space<hbm>>
        tpu.enqueue_dma source(%arg12 : memref<200x128xf32, #tpu.memory_space<vmem>>) target(%dma_start3A_74 : memref<200x128xf32, #tpu.memory_space<hbm>>) target_semaphore(%run_scoped3A : memref<!tpu.dma_semaphore, #tpu.memory_space<semaphore_mem>>)
        %dma_wait3A = arith.constant 0 : i32
        %dma_wait3A_75 = tpu.memref_slice %arg6[%arg0, %mul3A_69, %dma_wait3A] : memref<2x10000x128xf32, #tpu.memory_space<hbm>> -> memref<1x200x128xf32, #tpu.memory_space<hbm>>
        %dma_wait3A_76 = tpu.memref_squeeze %dma_wait3A_75 : memref<1x200x128xf32, #tpu.memory_space<hbm>> -> memref<200x128xf32, #tpu.memory_space<hbm>>
        %dma_wait3A_77 = arith.constant 0 : i32
        %dma_wait3A_78 = tpu.memref_slice %arg6[%arg0, %mul3A_69, %dma_wait3A_77] : memref<2x10000x128xf32, #tpu.memory_space<hbm>> -> memref<1x200x128xf32, #tpu.memory_space<hbm>>
        %dma_wait3A_79 = tpu.memref_squeeze %dma_wait3A_78 : memref<1x200x128xf32, #tpu.memory_space<hbm>> -> memref<200x128xf32, #tpu.memory_space<hbm>>
        tpu.wait_dma2 semaphore(%run_scoped3A : memref<!tpu.dma_semaphore, #tpu.memory_space<semaphore_mem>>) src(%arg12 : memref<200x128xf32, #tpu.memory_space<vmem>>) dst(%dma_wait3A_79 : memref<200x128xf32, #tpu.memory_space<hbm>>)
        tpu.yield
      }) : () -> ()
    } else {
    }
    %add3A_47 = arith.constant 16 : i32
    %add3A_48 = arith.addi %arg1, %add3A_47 : i32
    %lt3A_49 = arith.constant 50 : i32
    %lt3A_50 = arith.cmpi slt, %add3A_48, %lt3A_49 : i32
    %convert_element_type3A_51 = arith.extui %lt3A_50 : i1 to i32
    %cond3A_52 = arith.constant 0 : i32
    %cond3A_53 = arith.cmpi ne, %convert_element_type3A_51, %cond3A_52 : i32
    scf.if %cond3A_53 {
      %mul3A_68 = arith.constant 200 : i32
      %mul3A_69 = arith.muli %add3A_48, %mul3A_68 : i32
      "tpu.region"() ({
        %run_scoped3A = tpu.sem_alloc : memref<!tpu.dma_semaphore, #tpu.memory_space<semaphore_mem>>
        %dma_start3A = arith.constant 0 : i32
        %dma_start3A_70 = tpu.memref_slice %arg7[%mul3A_69, %dma_start3A] : memref<10000x128xf32, #tpu.memory_space<vmem_shared>> -> memref<200x128xf32, #tpu.memory_space<vmem_shared>>
        %dma_start3A_71 = arith.constant 0 : i32
        %dma_start3A_72 = tpu.memref_slice %arg7[%mul3A_69, %dma_start3A_71] : memref<10000x128xf32, #tpu.memory_space<vmem_shared>> -> memref<200x128xf32, #tpu.memory_space<vmem_shared>>
        tpu.enqueue_dma source(%dma_start3A_72 : memref<200x128xf32, #tpu.memory_space<vmem_shared>>) target(%arg12 : memref<200x128xf32, #tpu.memory_space<vmem>>) target_semaphore(%run_scoped3A : memref<!tpu.dma_semaphore, #tpu.memory_space<semaphore_mem>>)
        %dma_wait3A = arith.constant 0 : i32
        %dma_wait3A_73 = tpu.memref_slice %arg7[%mul3A_69, %dma_wait3A] : memref<10000x128xf32, #tpu.memory_space<vmem_shared>> -> memref<200x128xf32, #tpu.memory_space<vmem_shared>>
        %dma_wait3A_74 = arith.constant 0 : i32
        %dma_wait3A_75 = tpu.memref_slice %arg7[%mul3A_69, %dma_wait3A_74] : memref<10000x128xf32, #tpu.memory_space<vmem_shared>> -> memref<200x128xf32, #tpu.memory_space<vmem_shared>>
        tpu.wait_dma2 semaphore(%run_scoped3A : memref<!tpu.dma_semaphore, #tpu.memory_space<semaphore_mem>>) src(%dma_wait3A_75 : memref<200x128xf32, #tpu.memory_space<vmem_shared>>) dst(%arg12 : memref<200x128xf32, #tpu.memory_space<vmem>>)
        tpu.yield
      }) : () -> ()
      "tpu.region"() ({
        %run_scoped3A = tpu.sem_alloc : memref<!tpu.dma_semaphore, #tpu.memory_space<semaphore_mem>>
        %dma_start3A = arith.constant 0 : i32
        %dma_start3A_70 = tpu.memref_slice %arg6[%arg0, %mul3A_69, %dma_start3A] : memref<2x10000x128xf32, #tpu.memory_space<hbm>> -> memref<1x200x128xf32, #tpu.memory_space<hbm>>
        %dma_start3A_71 = tpu.memref_squeeze %dma_start3A_70 : memref<1x200x128xf32, #tpu.memory_space<hbm>> -> memref<200x128xf32, #tpu.memory_space<hbm>>
        %dma_start3A_72 = arith.constant 0 : i32
        %dma_start3A_73 = tpu.memref_slice %arg6[%arg0, %mul3A_69, %dma_start3A_72] : memref<2x10000x128xf32, #tpu.memory_space<hbm>> -> memref<1x200x128xf32, #tpu.memory_space<hbm>>
        %dma_start3A_74 = tpu.memref_squeeze %dma_start3A_73 : memref<1x200x128xf32, #tpu.memory_space<hbm>> -> memref<200x128xf32, #tpu.memory_space<hbm>>
        tpu.enqueue_dma source(%arg12 : memref<200x128xf32, #tpu.memory_space<vmem>>) target(%dma_start3A_74 : memref<200x128xf32, #tpu.memory_space<hbm>>) target_semaphore(%run_scoped3A : memref<!tpu.dma_semaphore, #tpu.memory_space<semaphore_mem>>)
        %dma_wait3A = arith.constant 0 : i32
        %dma_wait3A_75 = tpu.memref_slice %arg6[%arg0, %mul3A_69, %dma_wait3A] : memref<2x10000x128xf32, #tpu.memory_space<hbm>> -> memref<1x200x128xf32, #tpu.memory_space<hbm>>
        %dma_wait3A_76 = tpu.memref_squeeze %dma_wait3A_75 : memref<1x200x128xf32, #tpu.memory_space<hbm>> -> memref<200x128xf32, #tpu.memory_space<hbm>>
        %dma_wait3A_77 = arith.constant 0 : i32
        %dma_wait3A_78 = tpu.memref_slice %arg6[%arg0, %mul3A_69, %dma_wait3A_77] : memref<2x10000x128xf32, #tpu.memory_space<hbm>> -> memref<1x200x128xf32, #tpu.memory_space<hbm>>
        %dma_wait3A_79 = tpu.memref_squeeze %dma_wait3A_78 : memref<1x200x128xf32, #tpu.memory_space<hbm>> -> memref<200x128xf32, #tpu.memory_space<hbm>>
        tpu.wait_dma2 semaphore(%run_scoped3A : memref<!tpu.dma_semaphore, #tpu.memory_space<semaphore_mem>>) src(%arg12 : memref<200x128xf32, #tpu.memory_space<vmem>>) dst(%dma_wait3A_79 : memref<200x128xf32, #tpu.memory_space<hbm>>)
        tpu.yield
      }) : () -> ()
    } else {
    }
    %add3A_54 = arith.constant 32 : i32
    %add3A_55 = arith.addi %arg1, %add3A_54 : i32
    %lt3A_56 = arith.constant 50 : i32
    %lt3A_57 = arith.cmpi slt, %add3A_55, %lt3A_56 : i32
    %convert_element_type3A_58 = arith.extui %lt3A_57 : i1 to i32
    %cond3A_59 = arith.constant 0 : i32
    %cond3A_60 = arith.cmpi ne, %convert_element_type3A_58, %cond3A_59 : i32
    scf.if %cond3A_60 {
      %mul3A_68 = arith.constant 200 : i32
      %mul3A_69 = arith.muli %add3A_55, %mul3A_68 : i32
      "tpu.region"() ({
        %run_scoped3A = tpu.sem_alloc : memref<!tpu.dma_semaphore, #tpu.memory_space<semaphore_mem>>
        %dma_start3A = arith.constant 0 : i32
        %dma_start3A_70 = tpu.memref_slice %arg7[%mul3A_69, %dma_start3A] : memref<10000x128xf32, #tpu.memory_space<vmem_shared>> -> memref<200x128xf32, #tpu.memory_space<vmem_shared>>
        %dma_start3A_71 = arith.constant 0 : i32
        %dma_start3A_72 = tpu.memref_slice %arg7[%mul3A_69, %dma_start3A_71] : memref<10000x128xf32, #tpu.memory_space<vmem_shared>> -> memref<200x128xf32, #tpu.memory_space<vmem_shared>>
        tpu.enqueue_dma source(%dma_start3A_72 : memref<200x128xf32, #tpu.memory_space<vmem_shared>>) target(%arg12 : memref<200x128xf32, #tpu.memory_space<vmem>>) target_semaphore(%run_scoped3A : memref<!tpu.dma_semaphore, #tpu.memory_space<semaphore_mem>>)
        %dma_wait3A = arith.constant 0 : i32
        %dma_wait3A_73 = tpu.memref_slice %arg7[%mul3A_69, %dma_wait3A] : memref<10000x128xf32, #tpu.memory_space<vmem_shared>> -> memref<200x128xf32, #tpu.memory_space<vmem_shared>>
        %dma_wait3A_74 = arith.constant 0 : i32
        %dma_wait3A_75 = tpu.memref_slice %arg7[%mul3A_69, %dma_wait3A_74] : memref<10000x128xf32, #tpu.memory_space<vmem_shared>> -> memref<200x128xf32, #tpu.memory_space<vmem_shared>>
        tpu.wait_dma2 semaphore(%run_scoped3A : memref<!tpu.dma_semaphore, #tpu.memory_space<semaphore_mem>>) src(%dma_wait3A_75 : memref<200x128xf32, #tpu.memory_space<vmem_shared>>) dst(%arg12 : memref<200x128xf32, #tpu.memory_space<vmem>>)
        tpu.yield
      }) : () -> ()
      "tpu.region"() ({
        %run_scoped3A = tpu.sem_alloc : memref<!tpu.dma_semaphore, #tpu.memory_space<semaphore_mem>>
        %dma_start3A = arith.constant 0 : i32
        %dma_start3A_70 = tpu.memref_slice %arg6[%arg0, %mul3A_69, %dma_start3A] : memref<2x10000x128xf32, #tpu.memory_space<hbm>> -> memref<1x200x128xf32, #tpu.memory_space<hbm>>
        %dma_start3A_71 = tpu.memref_squeeze %dma_start3A_70 : memref<1x200x128xf32, #tpu.memory_space<hbm>> -> memref<200x128xf32, #tpu.memory_space<hbm>>
        %dma_start3A_72 = arith.constant 0 : i32
        %dma_start3A_73 = tpu.memref_slice %arg6[%arg0, %mul3A_69, %dma_start3A_72] : memref<2x10000x128xf32, #tpu.memory_space<hbm>> -> memref<1x200x128xf32, #tpu.memory_space<hbm>>
        %dma_start3A_74 = tpu.memref_squeeze %dma_start3A_73 : memref<1x200x128xf32, #tpu.memory_space<hbm>> -> memref<200x128xf32, #tpu.memory_space<hbm>>
        tpu.enqueue_dma source(%arg12 : memref<200x128xf32, #tpu.memory_space<vmem>>) target(%dma_start3A_74 : memref<200x128xf32, #tpu.memory_space<hbm>>) target_semaphore(%run_scoped3A : memref<!tpu.dma_semaphore, #tpu.memory_space<semaphore_mem>>)
        %dma_wait3A = arith.constant 0 : i32
        %dma_wait3A_75 = tpu.memref_slice %arg6[%arg0, %mul3A_69, %dma_wait3A] : memref<2x10000x128xf32, #tpu.memory_space<hbm>> -> memref<1x200x128xf32, #tpu.memory_space<hbm>>
        %dma_wait3A_76 = tpu.memref_squeeze %dma_wait3A_75 : memref<1x200x128xf32, #tpu.memory_space<hbm>> -> memref<200x128xf32, #tpu.memory_space<hbm>>
        %dma_wait3A_77 = arith.constant 0 : i32
        %dma_wait3A_78 = tpu.memref_slice %arg6[%arg0, %mul3A_69, %dma_wait3A_77] : memref<2x10000x128xf32, #tpu.memory_space<hbm>> -> memref<1x200x128xf32, #tpu.memory_space<hbm>>
        %dma_wait3A_79 = tpu.memref_squeeze %dma_wait3A_78 : memref<1x200x128xf32, #tpu.memory_space<hbm>> -> memref<200x128xf32, #tpu.memory_space<hbm>>
        tpu.wait_dma2 semaphore(%run_scoped3A : memref<!tpu.dma_semaphore, #tpu.memory_space<semaphore_mem>>) src(%arg12 : memref<200x128xf32, #tpu.memory_space<vmem>>) dst(%dma_wait3A_79 : memref<200x128xf32, #tpu.memory_space<hbm>>)
        tpu.yield
      }) : () -> ()
    } else {
    }
    %add3A_61 = arith.constant 48 : i32
    %add3A_62 = arith.addi %arg1, %add3A_61 : i32
    %lt3A_63 = arith.constant 50 : i32
    %lt3A_64 = arith.cmpi slt, %add3A_62, %lt3A_63 : i32
    %convert_element_type3A_65 = arith.extui %lt3A_64 : i1 to i32
    %cond3A_66 = arith.constant 0 : i32
    %cond3A_67 = arith.cmpi ne, %convert_element_type3A_65, %cond3A_66 : i32
    scf.if %cond3A_67 {
      %mul3A_68 = arith.constant 200 : i32
      %mul3A_69 = arith.muli %add3A_62, %mul3A_68 : i32
      "tpu.region"() ({
        %run_scoped3A = tpu.sem_alloc : memref<!tpu.dma_semaphore, #tpu.memory_space<semaphore_mem>>
        %dma_start3A = arith.constant 0 : i32
        %dma_start3A_70 = tpu.memref_slice %arg7[%mul3A_69, %dma_start3A] : memref<10000x128xf32, #tpu.memory_space<vmem_shared>> -> memref<200x128xf32, #tpu.memory_space<vmem_shared>>
        %dma_start3A_71 = arith.constant 0 : i32
        %dma_start3A_72 = tpu.memref_slice %arg7[%mul3A_69, %dma_start3A_71] : memref<10000x128xf32, #tpu.memory_space<vmem_shared>> -> memref<200x128xf32, #tpu.memory_space<vmem_shared>>
        tpu.enqueue_dma source(%dma_start3A_72 : memref<200x128xf32, #tpu.memory_space<vmem_shared>>) target(%arg12 : memref<200x128xf32, #tpu.memory_space<vmem>>) target_semaphore(%run_scoped3A : memref<!tpu.dma_semaphore, #tpu.memory_space<semaphore_mem>>)
        %dma_wait3A = arith.constant 0 : i32
        %dma_wait3A_73 = tpu.memref_slice %arg7[%mul3A_69, %dma_wait3A] : memref<10000x128xf32, #tpu.memory_space<vmem_shared>> -> memref<200x128xf32, #tpu.memory_space<vmem_shared>>
        %dma_wait3A_74 = arith.constant 0 : i32
        %dma_wait3A_75 = tpu.memref_slice %arg7[%mul3A_69, %dma_wait3A_74] : memref<10000x128xf32, #tpu.memory_space<vmem_shared>> -> memref<200x128xf32, #tpu.memory_space<vmem_shared>>
        tpu.wait_dma2 semaphore(%run_scoped3A : memref<!tpu.dma_semaphore, #tpu.memory_space<semaphore_mem>>) src(%dma_wait3A_75 : memref<200x128xf32, #tpu.memory_space<vmem_shared>>) dst(%arg12 : memref<200x128xf32, #tpu.memory_space<vmem>>)
        tpu.yield
      }) : () -> ()
      "tpu.region"() ({
        %run_scoped3A = tpu.sem_alloc : memref<!tpu.dma_semaphore, #tpu.memory_space<semaphore_mem>>
        %dma_start3A = arith.constant 0 : i32
        %dma_start3A_70 = tpu.memref_slice %arg6[%arg0, %mul3A_69, %dma_start3A] : memref<2x10000x128xf32, #tpu.memory_space<hbm>> -> memref<1x200x128xf32, #tpu.memory_space<hbm>>
        %dma_start3A_71 = tpu.memref_squeeze %dma_start3A_70 : memref<1x200x128xf32, #tpu.memory_space<hbm>> -> memref<200x128xf32, #tpu.memory_space<hbm>>
        %dma_start3A_72 = arith.constant 0 : i32
        %dma_start3A_73 = tpu.memref_slice %arg6[%arg0, %mul3A_69, %dma_start3A_72] : memref<2x10000x128xf32, #tpu.memory_space<hbm>> -> memref<1x200x128xf32, #tpu.memory_space<hbm>>
        %dma_start3A_74 = tpu.memref_squeeze %dma_start3A_73 : memref<1x200x128xf32, #tpu.memory_space<hbm>> -> memref<200x128xf32, #tpu.memory_space<hbm>>
        tpu.enqueue_dma source(%arg12 : memref<200x128xf32, #tpu.memory_space<vmem>>) target(%dma_start3A_74 : memref<200x128xf32, #tpu.memory_space<hbm>>) target_semaphore(%run_scoped3A : memref<!tpu.dma_semaphore, #tpu.memory_space<semaphore_mem>>)
        %dma_wait3A = arith.constant 0 : i32
        %dma_wait3A_75 = tpu.memref_slice %arg6[%arg0, %mul3A_69, %dma_wait3A] : memref<2x10000x128xf32, #tpu.memory_space<hbm>> -> memref<1x200x128xf32, #tpu.memory_space<hbm>>
        %dma_wait3A_76 = tpu.memref_squeeze %dma_wait3A_75 : memref<1x200x128xf32, #tpu.memory_space<hbm>> -> memref<200x128xf32, #tpu.memory_space<hbm>>
        %dma_wait3A_77 = arith.constant 0 : i32
        %dma_wait3A_78 = tpu.memref_slice %arg6[%arg0, %mul3A_69, %dma_wait3A_77] : memref<2x10000x128xf32, #tpu.memory_space<hbm>> -> memref<1x200x128xf32, #tpu.memory_space<hbm>>
        %dma_wait3A_79 = tpu.memref_squeeze %dma_wait3A_78 : memref<1x200x128xf32, #tpu.memory_space<hbm>> -> memref<200x128xf32, #tpu.memory_space<hbm>>
        tpu.wait_dma2 semaphore(%run_scoped3A : memref<!tpu.dma_semaphore, #tpu.memory_space<semaphore_mem>>) src(%arg12 : memref<200x128xf32, #tpu.memory_space<vmem>>) dst(%dma_wait3A_79 : memref<200x128xf32, #tpu.memory_space<hbm>>)
        tpu.yield
      }) : () -> ()
    } else {
    }
    return
  }
}

#map = affine_map<(d0, d1) -> (0)>
#map1 = affine_map<(d0, d1) -> (0, 0)>
module attributes {stable_mosaic.version = 14 : i64} {
  func.func @geom(%arg0: i32, %arg1: i32, %arg2: memref<10000xf32, #tpu.memory_space<hbm>>, %arg3: memref<10000xf32, #tpu.memory_space<hbm>>, %arg4: memref<10000xf32, #tpu.memory_space<hbm>>, %arg5: memref<10000xi32, #tpu.memory_space<hbm>>, %arg6: memref<576xf32, #tpu.memory_space<hbm>>, %arg7: memref<320000xi32, #tpu.memory_space<hbm>>, %arg8: memref<320000xi32, #tpu.memory_space<hbm>>, %arg9: memref<320000xf32, #tpu.memory_space<hbm>>, %arg10: memref<320000xf32, #tpu.memory_space<hbm>>, %arg11: memref<320000xf32, #tpu.memory_space<hbm>>, %arg12: memref<10000xi32, #tpu.memory_space<hbm>>, %arg13: memref<100x128xf32, #tpu.memory_space<hbm>>, %arg14: memref<320000xf32, #tpu.memory_space<hbm>>, %arg15: memref<10000x128xf32, #tpu.memory_space<hbm>>, %arg16: memref<10000xf32, #tpu.memory_space<vmem>>, %arg17: memref<10000xf32, #tpu.memory_space<vmem>>, %arg18: memref<10000xf32, #tpu.memory_space<vmem>>, %arg19: memref<10000xi32, #tpu.memory_space<vmem>>, %arg20: memref<576xf32, #tpu.memory_space<vmem>>, %arg21: memref<80xi32, #tpu.memory_space<vmem>>, %arg22: memref<80xi32, #tpu.memory_space<vmem>>, %arg23: memref<80xf32, #tpu.memory_space<vmem>>, %arg24: memref<80xf32, #tpu.memory_space<vmem>>, %arg25: memref<80xf32, #tpu.memory_space<vmem>>, %arg26: memref<80xf32, #tpu.memory_space<vmem>>, %arg27: memref<80xi32, #tpu.memory_space<vmem>>, %arg28: memref<80x128xf32, #tpu.memory_space<vmem>>, %arg29: memref<!tpu.dma_semaphore, #tpu.memory_space<semaphore_mem>>) attributes {dimension_semantics = [#tpu.dimension_semantics<core_parallel>, #tpu.dimension_semantics<subcore_parallel>], iteration_bounds = array<i64: 2, 16>, scalar_prefetch = 0 : i64, scratch_operands = 14 : i64, tpu.core_type = #tpu.core_type<sc_vector_subcore>, window_params = [{transform_indices = #map}, {transform_indices = #map}, {transform_indices = #map}, {transform_indices = #map}, {transform_indices = #map}, {transform_indices = #map}, {transform_indices = #map}, {transform_indices = #map}, {transform_indices = #map}, {transform_indices = #map}, {transform_indices = #map}, {transform_indices = #map1}, {transform_indices = #map}, {transform_indices = #map1}]} {
    %mul3A = arith.constant 2 : i32
    %mul3A_0 = arith.muli %arg1, %mul3A : i32
    %add3A = arith.addi %mul3A_0, %arg0 : i32
    "tpu.region"() ({
      %run_scoped3A = tpu.sem_alloc : memref<!tpu.dma_semaphore, #tpu.memory_space<semaphore_mem>>
      tpu.enqueue_dma source(%arg2 : memref<10000xf32, #tpu.memory_space<hbm>>) target(%arg16 : memref<10000xf32, #tpu.memory_space<vmem>>) target_semaphore(%run_scoped3A : memref<!tpu.dma_semaphore, #tpu.memory_space<semaphore_mem>>)
      tpu.wait_dma2 semaphore(%run_scoped3A : memref<!tpu.dma_semaphore, #tpu.memory_space<semaphore_mem>>) src(%arg2 : memref<10000xf32, #tpu.memory_space<hbm>>) dst(%arg16 : memref<10000xf32, #tpu.memory_space<vmem>>)
      tpu.yield
    }) : () -> ()
    "tpu.region"() ({
      %run_scoped3A = tpu.sem_alloc : memref<!tpu.dma_semaphore, #tpu.memory_space<semaphore_mem>>
      tpu.enqueue_dma source(%arg3 : memref<10000xf32, #tpu.memory_space<hbm>>) target(%arg17 : memref<10000xf32, #tpu.memory_space<vmem>>) target_semaphore(%run_scoped3A : memref<!tpu.dma_semaphore, #tpu.memory_space<semaphore_mem>>)
      tpu.wait_dma2 semaphore(%run_scoped3A : memref<!tpu.dma_semaphore, #tpu.memory_space<semaphore_mem>>) src(%arg3 : memref<10000xf32, #tpu.memory_space<hbm>>) dst(%arg17 : memref<10000xf32, #tpu.memory_space<vmem>>)
      tpu.yield
    }) : () -> ()
    "tpu.region"() ({
      %run_scoped3A = tpu.sem_alloc : memref<!tpu.dma_semaphore, #tpu.memory_space<semaphore_mem>>
      tpu.enqueue_dma source(%arg4 : memref<10000xf32, #tpu.memory_space<hbm>>) target(%arg18 : memref<10000xf32, #tpu.memory_space<vmem>>) target_semaphore(%run_scoped3A : memref<!tpu.dma_semaphore, #tpu.memory_space<semaphore_mem>>)
      tpu.wait_dma2 semaphore(%run_scoped3A : memref<!tpu.dma_semaphore, #tpu.memory_space<semaphore_mem>>) src(%arg4 : memref<10000xf32, #tpu.memory_space<hbm>>) dst(%arg18 : memref<10000xf32, #tpu.memory_space<vmem>>)
      tpu.yield
    }) : () -> ()
    "tpu.region"() ({
      %run_scoped3A = tpu.sem_alloc : memref<!tpu.dma_semaphore, #tpu.memory_space<semaphore_mem>>
      tpu.enqueue_dma source(%arg5 : memref<10000xi32, #tpu.memory_space<hbm>>) target(%arg19 : memref<10000xi32, #tpu.memory_space<vmem>>) target_semaphore(%run_scoped3A : memref<!tpu.dma_semaphore, #tpu.memory_space<semaphore_mem>>)
      tpu.wait_dma2 semaphore(%run_scoped3A : memref<!tpu.dma_semaphore, #tpu.memory_space<semaphore_mem>>) src(%arg5 : memref<10000xi32, #tpu.memory_space<hbm>>) dst(%arg19 : memref<10000xi32, #tpu.memory_space<vmem>>)
      tpu.yield
    }) : () -> ()
    "tpu.region"() ({
      %run_scoped3A = tpu.sem_alloc : memref<!tpu.dma_semaphore, #tpu.memory_space<semaphore_mem>>
      tpu.enqueue_dma source(%arg6 : memref<576xf32, #tpu.memory_space<hbm>>) target(%arg20 : memref<576xf32, #tpu.memory_space<vmem>>) target_semaphore(%run_scoped3A : memref<!tpu.dma_semaphore, #tpu.memory_space<semaphore_mem>>)
      tpu.wait_dma2 semaphore(%run_scoped3A : memref<!tpu.dma_semaphore, #tpu.memory_space<semaphore_mem>>) src(%arg6 : memref<576xf32, #tpu.memory_space<hbm>>) dst(%arg20 : memref<576xf32, #tpu.memory_space<vmem>>)
      tpu.yield
    }) : () -> ()
    %mul3A_1 = arith.constant 10000 : i32
    %mul3A_2 = arith.muli %add3A, %mul3A_1 : i32
    %scan3A = arith.constant 0 : i32
    %scan3A_3 = arith.constant 0 : i32
    %scan3A_4 = arith.constant 125 : i32
    %scan3A_5 = arith.addi %scan3A_3, %scan3A_4 : i32
    %scan3A_6 = arith.constant 1 : i32
    scf.for %scan3A_33 = %scan3A_3 to %scan3A_5 step %scan3A_6  : i32 {
      %mul3A_34 = arith.constant 80 : i32
      %mul3A_35 = arith.muli %scan3A_33, %mul3A_34 : i32
      %add3A_36 = arith.addi %mul3A_2, %mul3A_35 : i32
      "tpu.region"() ({
        %run_scoped3A = tpu.sem_alloc : memref<!tpu.dma_semaphore, #tpu.memory_space<semaphore_mem>>
        %dma_start3A = tpu.memref_slice %arg7[%add3A_36] : memref<320000xi32, #tpu.memory_space<hbm>> -> memref<80xi32, #tpu.memory_space<hbm>>
        %dma_start3A_467 = tpu.memref_slice %arg7[%add3A_36] : memref<320000xi32, #tpu.memory_space<hbm>> -> memref<80xi32, #tpu.memory_space<hbm>>
        tpu.enqueue_dma source(%dma_start3A_467 : memref<80xi32, #tpu.memory_space<hbm>>) target(%arg21 : memref<80xi32, #tpu.memory_space<vmem>>) target_semaphore(%run_scoped3A : memref<!tpu.dma_semaphore, #tpu.memory_space<semaphore_mem>>)
        %dma_wait3A = tpu.memref_slice %arg7[%add3A_36] : memref<320000xi32, #tpu.memory_space<hbm>> -> memref<80xi32, #tpu.memory_space<hbm>>
        %dma_wait3A_468 = tpu.memref_slice %arg7[%add3A_36] : memref<320000xi32, #tpu.memory_space<hbm>> -> memref<80xi32, #tpu.memory_space<hbm>>
        tpu.wait_dma2 semaphore(%run_scoped3A : memref<!tpu.dma_semaphore, #tpu.memory_space<semaphore_mem>>) src(%dma_wait3A_468 : memref<80xi32, #tpu.memory_space<hbm>>) dst(%arg21 : memref<80xi32, #tpu.memory_space<vmem>>)
        tpu.yield
      }) : () -> ()
      "tpu.region"() ({
        %run_scoped3A = tpu.sem_alloc : memref<!tpu.dma_semaphore, #tpu.memory_space<semaphore_mem>>
        %dma_start3A = tpu.memref_slice %arg8[%add3A_36] : memref<320000xi32, #tpu.memory_space<hbm>> -> memref<80xi32, #tpu.memory_space<hbm>>
        %dma_start3A_467 = tpu.memref_slice %arg8[%add3A_36] : memref<320000xi32, #tpu.memory_space<hbm>> -> memref<80xi32, #tpu.memory_space<hbm>>
        tpu.enqueue_dma source(%dma_start3A_467 : memref<80xi32, #tpu.memory_space<hbm>>) target(%arg22 : memref<80xi32, #tpu.memory_space<vmem>>) target_semaphore(%run_scoped3A : memref<!tpu.dma_semaphore, #tpu.memory_space<semaphore_mem>>)
        %dma_wait3A = tpu.memref_slice %arg8[%add3A_36] : memref<320000xi32, #tpu.memory_space<hbm>> -> memref<80xi32, #tpu.memory_space<hbm>>
        %dma_wait3A_468 = tpu.memref_slice %arg8[%add3A_36] : memref<320000xi32, #tpu.memory_space<hbm>> -> memref<80xi32, #tpu.memory_space<hbm>>
        tpu.wait_dma2 semaphore(%run_scoped3A : memref<!tpu.dma_semaphore, #tpu.memory_space<semaphore_mem>>) src(%dma_wait3A_468 : memref<80xi32, #tpu.memory_space<hbm>>) dst(%arg22 : memref<80xi32, #tpu.memory_space<vmem>>)
        tpu.yield
      }) : () -> ()
      "tpu.region"() ({
        %run_scoped3A = tpu.sem_alloc : memref<!tpu.dma_semaphore, #tpu.memory_space<semaphore_mem>>
        %dma_start3A = tpu.memref_slice %arg9[%add3A_36] : memref<320000xf32, #tpu.memory_space<hbm>> -> memref<80xf32, #tpu.memory_space<hbm>>
        %dma_start3A_467 = tpu.memref_slice %arg9[%add3A_36] : memref<320000xf32, #tpu.memory_space<hbm>> -> memref<80xf32, #tpu.memory_space<hbm>>
        tpu.enqueue_dma source(%dma_start3A_467 : memref<80xf32, #tpu.memory_space<hbm>>) target(%arg23 : memref<80xf32, #tpu.memory_space<vmem>>) target_semaphore(%run_scoped3A : memref<!tpu.dma_semaphore, #tpu.memory_space<semaphore_mem>>)
        %dma_wait3A = tpu.memref_slice %arg9[%add3A_36] : memref<320000xf32, #tpu.memory_space<hbm>> -> memref<80xf32, #tpu.memory_space<hbm>>
        %dma_wait3A_468 = tpu.memref_slice %arg9[%add3A_36] : memref<320000xf32, #tpu.memory_space<hbm>> -> memref<80xf32, #tpu.memory_space<hbm>>
        tpu.wait_dma2 semaphore(%run_scoped3A : memref<!tpu.dma_semaphore, #tpu.memory_space<semaphore_mem>>) src(%dma_wait3A_468 : memref<80xf32, #tpu.memory_space<hbm>>) dst(%arg23 : memref<80xf32, #tpu.memory_space<vmem>>)
        tpu.yield
      }) : () -> ()
      "tpu.region"() ({
        %run_scoped3A = tpu.sem_alloc : memref<!tpu.dma_semaphore, #tpu.memory_space<semaphore_mem>>
        %dma_start3A = tpu.memref_slice %arg10[%add3A_36] : memref<320000xf32, #tpu.memory_space<hbm>> -> memref<80xf32, #tpu.memory_space<hbm>>
        %dma_start3A_467 = tpu.memref_slice %arg10[%add3A_36] : memref<320000xf32, #tpu.memory_space<hbm>> -> memref<80xf32, #tpu.memory_space<hbm>>
        tpu.enqueue_dma source(%dma_start3A_467 : memref<80xf32, #tpu.memory_space<hbm>>) target(%arg24 : memref<80xf32, #tpu.memory_space<vmem>>) target_semaphore(%run_scoped3A : memref<!tpu.dma_semaphore, #tpu.memory_space<semaphore_mem>>)
        %dma_wait3A = tpu.memref_slice %arg10[%add3A_36] : memref<320000xf32, #tpu.memory_space<hbm>> -> memref<80xf32, #tpu.memory_space<hbm>>
        %dma_wait3A_468 = tpu.memref_slice %arg10[%add3A_36] : memref<320000xf32, #tpu.memory_space<hbm>> -> memref<80xf32, #tpu.memory_space<hbm>>
        tpu.wait_dma2 semaphore(%run_scoped3A : memref<!tpu.dma_semaphore, #tpu.memory_space<semaphore_mem>>) src(%dma_wait3A_468 : memref<80xf32, #tpu.memory_space<hbm>>) dst(%arg24 : memref<80xf32, #tpu.memory_space<vmem>>)
        tpu.yield
      }) : () -> ()
      "tpu.region"() ({
        %run_scoped3A = tpu.sem_alloc : memref<!tpu.dma_semaphore, #tpu.memory_space<semaphore_mem>>
        %dma_start3A = tpu.memref_slice %arg11[%add3A_36] : memref<320000xf32, #tpu.memory_space<hbm>> -> memref<80xf32, #tpu.memory_space<hbm>>
        %dma_start3A_467 = tpu.memref_slice %arg11[%add3A_36] : memref<320000xf32, #tpu.memory_space<hbm>> -> memref<80xf32, #tpu.memory_space<hbm>>
        tpu.enqueue_dma source(%dma_start3A_467 : memref<80xf32, #tpu.memory_space<hbm>>) target(%arg25 : memref<80xf32, #tpu.memory_space<vmem>>) target_semaphore(%run_scoped3A : memref<!tpu.dma_semaphore, #tpu.memory_space<semaphore_mem>>)
        %dma_wait3A = tpu.memref_slice %arg11[%add3A_36] : memref<320000xf32, #tpu.memory_space<hbm>> -> memref<80xf32, #tpu.memory_space<hbm>>
        %dma_wait3A_468 = tpu.memref_slice %arg11[%add3A_36] : memref<320000xf32, #tpu.memory_space<hbm>> -> memref<80xf32, #tpu.memory_space<hbm>>
        tpu.wait_dma2 semaphore(%run_scoped3A : memref<!tpu.dma_semaphore, #tpu.memory_space<semaphore_mem>>) src(%dma_wait3A_468 : memref<80xf32, #tpu.memory_space<hbm>>) dst(%arg25 : memref<80xf32, #tpu.memory_space<vmem>>)
        tpu.yield
      }) : () -> ()
      %get3A = arith.constant 0 : index
      %get3A_37 = tpu.vector_load %arg21[%get3A] {strides = array<i32>} : memref<80xi32, #tpu.memory_space<vmem>>, vector<16xi32>,
      %get3A_38 = arith.constant 0 : index
      %get3A_39 = tpu.vector_load %arg22[%get3A_38] {strides = array<i32>} : memref<80xi32, #tpu.memory_space<vmem>>, vector<16xi32>,
      %gather3A = tpu.vector_load_idx %arg16[%get3A_37] : memref<10000xf32, #tpu.memory_space<vmem>>[vector<16xi32>], vector<16xf32>,
      %gather3A_40 = tpu.vector_load_idx %arg17[%get3A_37] : memref<10000xf32, #tpu.memory_space<vmem>>[vector<16xi32>], vector<16xf32>,
      %gather3A_41 = tpu.vector_load_idx %arg18[%get3A_37] : memref<10000xf32, #tpu.memory_space<vmem>>[vector<16xi32>], vector<16xf32>,
      %gather3A_42 = tpu.vector_load_idx %arg16[%get3A_39] : memref<10000xf32, #tpu.memory_space<vmem>>[vector<16xi32>], vector<16xf32>,
      %gather3A_43 = tpu.vector_load_idx %arg17[%get3A_39] : memref<10000xf32, #tpu.memory_space<vmem>>[vector<16xi32>], vector<16xf32>,
      %gather3A_44 = tpu.vector_load_idx %arg18[%get3A_39] : memref<10000xf32, #tpu.memory_space<vmem>>[vector<16xi32>], vector<16xf32>,
      %gather3A_45 = tpu.vector_load_idx %arg19[%get3A_37] : memref<10000xi32, #tpu.memory_space<vmem>>[vector<16xi32>], vector<16xi32>,
      %mul3A_46 = arith.constant 9 : i32
      %mul3A_47 = vector.broadcast %mul3A_46 : i32 to vector<16xi32>
      %mul3A_48 = arith.muli %gather3A_45, %mul3A_47 : vector<16xi32>
      %add3A_49 = arith.constant 0 : i32
      %add3A_50 = vector.broadcast %add3A_49 : i32 to vector<16xi32>
      %add3A_51 = arith.addi %mul3A_48, %add3A_50 : vector<16xi32>
      %gather3A_52 = tpu.vector_load_idx %arg20[%add3A_51] : memref<576xf32, #tpu.memory_space<vmem>>[vector<16xi32>], vector<16xf32>,
      %add3A_53 = arith.constant 1 : i32
      %add3A_54 = vector.broadcast %add3A_53 : i32 to vector<16xi32>
      %add3A_55 = arith.addi %mul3A_48, %add3A_54 : vector<16xi32>
      %gather3A_56 = tpu.vector_load_idx %arg20[%add3A_55] : memref<576xf32, #tpu.memory_space<vmem>>[vector<16xi32>], vector<16xf32>,
      %add3A_57 = arith.constant 2 : i32
      %add3A_58 = vector.broadcast %add3A_57 : i32 to vector<16xi32>
      %add3A_59 = arith.addi %mul3A_48, %add3A_58 : vector<16xi32>
      %gather3A_60 = tpu.vector_load_idx %arg20[%add3A_59] : memref<576xf32, #tpu.memory_space<vmem>>[vector<16xi32>], vector<16xf32>,
      %add3A_61 = arith.constant 3 : i32
      %add3A_62 = vector.broadcast %add3A_61 : i32 to vector<16xi32>
      %add3A_63 = arith.addi %mul3A_48, %add3A_62 : vector<16xi32>
      %gather3A_64 = tpu.vector_load_idx %arg20[%add3A_63] : memref<576xf32, #tpu.memory_space<vmem>>[vector<16xi32>], vector<16xf32>,
      %add3A_65 = arith.constant 4 : i32
      %add3A_66 = vector.broadcast %add3A_65 : i32 to vector<16xi32>
      %add3A_67 = arith.addi %mul3A_48, %add3A_66 : vector<16xi32>
      %gather3A_68 = tpu.vector_load_idx %arg20[%add3A_67] : memref<576xf32, #tpu.memory_space<vmem>>[vector<16xi32>], vector<16xf32>,
      %add3A_69 = arith.constant 5 : i32
      %add3A_70 = vector.broadcast %add3A_69 : i32 to vector<16xi32>
      %add3A_71 = arith.addi %mul3A_48, %add3A_70 : vector<16xi32>
      %gather3A_72 = tpu.vector_load_idx %arg20[%add3A_71] : memref<576xf32, #tpu.memory_space<vmem>>[vector<16xi32>], vector<16xf32>,
      %add3A_73 = arith.constant 6 : i32
      %add3A_74 = vector.broadcast %add3A_73 : i32 to vector<16xi32>
      %add3A_75 = arith.addi %mul3A_48, %add3A_74 : vector<16xi32>
      %gather3A_76 = tpu.vector_load_idx %arg20[%add3A_75] : memref<576xf32, #tpu.memory_space<vmem>>[vector<16xi32>], vector<16xf32>,
      %add3A_77 = arith.constant 7 : i32
      %add3A_78 = vector.broadcast %add3A_77 : i32 to vector<16xi32>
      %add3A_79 = arith.addi %mul3A_48, %add3A_78 : vector<16xi32>
      %gather3A_80 = tpu.vector_load_idx %arg20[%add3A_79] : memref<576xf32, #tpu.memory_space<vmem>>[vector<16xi32>], vector<16xf32>,
      %add3A_81 = arith.constant 8 : i32
      %add3A_82 = vector.broadcast %add3A_81 : i32 to vector<16xi32>
      %add3A_83 = arith.addi %mul3A_48, %add3A_82 : vector<16xi32>
      %gather3A_84 = tpu.vector_load_idx %arg20[%add3A_83] : memref<576xf32, #tpu.memory_space<vmem>>[vector<16xi32>], vector<16xf32>,
      %get3A_85 = arith.constant 0 : index
      %get3A_86 = tpu.vector_load %arg23[%get3A_85] {strides = array<i32>} : memref<80xf32, #tpu.memory_space<vmem>>, vector<16xf32>,
      %get3A_87 = arith.constant 0 : index
      %get3A_88 = tpu.vector_load %arg24[%get3A_87] {strides = array<i32>} : memref<80xf32, #tpu.memory_space<vmem>>, vector<16xf32>,
      %get3A_89 = arith.constant 0 : index
      %get3A_90 = tpu.vector_load %arg25[%get3A_89] {strides = array<i32>} : memref<80xf32, #tpu.memory_space<vmem>>, vector<16xf32>,
      %sub3A = arith.subf %gather3A_42, %gather3A : vector<16xf32>
      %mul3A_91 = arith.mulf %get3A_86, %gather3A_52 : vector<16xf32>
      %add3A_92 = arith.addf %sub3A, %mul3A_91 : vector<16xf32>
      %mul3A_93 = arith.mulf %get3A_88, %gather3A_64 : vector<16xf32>
      %add3A_94 = arith.addf %add3A_92, %mul3A_93 : vector<16xf32>
      %mul3A_95 = arith.mulf %get3A_90, %gather3A_76 : vector<16xf32>
      %add3A_96 = arith.addf %add3A_94, %mul3A_95 : vector<16xf32>
      %sub3A_97 = arith.subf %gather3A_43, %gather3A_40 : vector<16xf32>
      %mul3A_98 = arith.mulf %get3A_86, %gather3A_56 : vector<16xf32>
      %add3A_99 = arith.addf %sub3A_97, %mul3A_98 : vector<16xf32>
      %mul3A_100 = arith.mulf %get3A_88, %gather3A_68 : vector<16xf32>
      %add3A_101 = arith.addf %add3A_99, %mul3A_100 : vector<16xf32>
      %mul3A_102 = arith.mulf %get3A_90, %gather3A_80 : vector<16xf32>
      %add3A_103 = arith.addf %add3A_101, %mul3A_102 : vector<16xf32>
      %sub3A_104 = arith.subf %gather3A_44, %gather3A_41 : vector<16xf32>
      %mul3A_105 = arith.mulf %get3A_86, %gather3A_60 : vector<16xf32>
      %add3A_106 = arith.addf %sub3A_104, %mul3A_105 : vector<16xf32>
      %mul3A_107 = arith.mulf %get3A_88, %gather3A_72 : vector<16xf32>
      %add3A_108 = arith.addf %add3A_106, %mul3A_107 : vector<16xf32>
      %mul3A_109 = arith.mulf %get3A_90, %gather3A_84 : vector<16xf32>
      %add3A_110 = arith.addf %add3A_108, %mul3A_109 : vector<16xf32>
      %mul3A_111 = arith.mulf %add3A_96, %add3A_96 : vector<16xf32>
      %mul3A_112 = arith.mulf %add3A_103, %add3A_103 : vector<16xf32>
      %add3A_113 = arith.addf %mul3A_111, %mul3A_112 : vector<16xf32>
      %mul3A_114 = arith.mulf %add3A_110, %add3A_110 : vector<16xf32>
      %add3A_115 = arith.addf %add3A_113, %mul3A_114 : vector<16xf32>
      %max3A = arith.constant 9.99999996E-13 : f32
      %max3A_116 = vector.broadcast %max3A : f32 to vector<16xf32>
      %max3A_117 = arith.maximumf %add3A_115, %max3A_116 : vector<16xf32>
      %swap3A = arith.constant 0 : index
      %swap3A_118 = tpu.vector_load %arg26[%swap3A] {strides = array<i32>} : memref<80xf32, #tpu.memory_space<vmem>>, vector<16xf32>,
      tpu.vector_store %arg26[%swap3A], %max3A_117 {strides = array<i32>} : memref<80xf32, #tpu.memory_space<vmem>>, vector<16xf32>,
      %get3A_119 = arith.constant 16 : index
      %get3A_120 = tpu.vector_load %arg21[%get3A_119] {strides = array<i32>} : memref<80xi32, #tpu.memory_space<vmem>>, vector<16xi32>,
      %get3A_121 = arith.constant 16 : index
      %get3A_122 = tpu.vector_load %arg22[%get3A_121] {strides = array<i32>} : memref<80xi32, #tpu.memory_space<vmem>>, vector<16xi32>,
      %gather3A_123 = tpu.vector_load_idx %arg16[%get3A_120] : memref<10000xf32, #tpu.memory_space<vmem>>[vector<16xi32>], vector<16xf32>,
      %gather3A_124 = tpu.vector_load_idx %arg17[%get3A_120] : memref<10000xf32, #tpu.memory_space<vmem>>[vector<16xi32>], vector<16xf32>,
      %gather3A_125 = tpu.vector_load_idx %arg18[%get3A_120] : memref<10000xf32, #tpu.memory_space<vmem>>[vector<16xi32>], vector<16xf32>,
      %gather3A_126 = tpu.vector_load_idx %arg16[%get3A_122] : memref<10000xf32, #tpu.memory_space<vmem>>[vector<16xi32>], vector<16xf32>,
      %gather3A_127 = tpu.vector_load_idx %arg17[%get3A_122] : memref<10000xf32, #tpu.memory_space<vmem>>[vector<16xi32>], vector<16xf32>,
      %gather3A_128 = tpu.vector_load_idx %arg18[%get3A_122] : memref<10000xf32, #tpu.memory_space<vmem>>[vector<16xi32>], vector<16xf32>,
      %gather3A_129 = tpu.vector_load_idx %arg19[%get3A_120] : memref<10000xi32, #tpu.memory_space<vmem>>[vector<16xi32>], vector<16xi32>,
      %mul3A_130 = arith.constant 9 : i32
      %mul3A_131 = vector.broadcast %mul3A_130 : i32 to vector<16xi32>
      %mul3A_132 = arith.muli %gather3A_129, %mul3A_131 : vector<16xi32>
      %add3A_133 = arith.constant 0 : i32
      %add3A_134 = vector.broadcast %add3A_133 : i32 to vector<16xi32>
      %add3A_135 = arith.addi %mul3A_132, %add3A_134 : vector<16xi32>
      %gather3A_136 = tpu.vector_load_idx %arg20[%add3A_135] : memref<576xf32, #tpu.memory_space<vmem>>[vector<16xi32>], vector<16xf32>,
      %add3A_137 = arith.constant 1 : i32
      %add3A_138 = vector.broadcast %add3A_137 : i32 to vector<16xi32>
      %add3A_139 = arith.addi %mul3A_132, %add3A_138 : vector<16xi32>
      %gather3A_140 = tpu.vector_load_idx %arg20[%add3A_139] : memref<576xf32, #tpu.memory_space<vmem>>[vector<16xi32>], vector<16xf32>,
      %add3A_141 = arith.constant 2 : i32
      %add3A_142 = vector.broadcast %add3A_141 : i32 to vector<16xi32>
      %add3A_143 = arith.addi %mul3A_132, %add3A_142 : vector<16xi32>
      %gather3A_144 = tpu.vector_load_idx %arg20[%add3A_143] : memref<576xf32, #tpu.memory_space<vmem>>[vector<16xi32>], vector<16xf32>,
      %add3A_145 = arith.constant 3 : i32
      %add3A_146 = vector.broadcast %add3A_145 : i32 to vector<16xi32>
      %add3A_147 = arith.addi %mul3A_132, %add3A_146 : vector<16xi32>
      %gather3A_148 = tpu.vector_load_idx %arg20[%add3A_147] : memref<576xf32, #tpu.memory_space<vmem>>[vector<16xi32>], vector<16xf32>,
      %add3A_149 = arith.constant 4 : i32
      %add3A_150 = vector.broadcast %add3A_149 : i32 to vector<16xi32>
      %add3A_151 = arith.addi %mul3A_132, %add3A_150 : vector<16xi32>
      %gather3A_152 = tpu.vector_load_idx %arg20[%add3A_151] : memref<576xf32, #tpu.memory_space<vmem>>[vector<16xi32>], vector<16xf32>,
      %add3A_153 = arith.constant 5 : i32
      %add3A_154 = vector.broadcast %add3A_153 : i32 to vector<16xi32>
      %add3A_155 = arith.addi %mul3A_132, %add3A_154 : vector<16xi32>
      %gather3A_156 = tpu.vector_load_idx %arg20[%add3A_155] : memref<576xf32, #tpu.memory_space<vmem>>[vector<16xi32>], vector<16xf32>,
      %add3A_157 = arith.constant 6 : i32
      %add3A_158 = vector.broadcast %add3A_157 : i32 to vector<16xi32>
      %add3A_159 = arith.addi %mul3A_132, %add3A_158 : vector<16xi32>
      %gather3A_160 = tpu.vector_load_idx %arg20[%add3A_159] : memref<576xf32, #tpu.memory_space<vmem>>[vector<16xi32>], vector<16xf32>,
      %add3A_161 = arith.constant 7 : i32
      %add3A_162 = vector.broadcast %add3A_161 : i32 to vector<16xi32>
      %add3A_163 = arith.addi %mul3A_132, %add3A_162 : vector<16xi32>
      %gather3A_164 = tpu.vector_load_idx %arg20[%add3A_163] : memref<576xf32, #tpu.memory_space<vmem>>[vector<16xi32>], vector<16xf32>,
      %add3A_165 = arith.constant 8 : i32
      %add3A_166 = vector.broadcast %add3A_165 : i32 to vector<16xi32>
      %add3A_167 = arith.addi %mul3A_132, %add3A_166 : vector<16xi32>
      %gather3A_168 = tpu.vector_load_idx %arg20[%add3A_167] : memref<576xf32, #tpu.memory_space<vmem>>[vector<16xi32>], vector<16xf32>,
      %get3A_169 = arith.constant 16 : index
      %get3A_170 = tpu.vector_load %arg23[%get3A_169] {strides = array<i32>} : memref<80xf32, #tpu.memory_space<vmem>>, vector<16xf32>,
      %get3A_171 = arith.constant 16 : index
      %get3A_172 = tpu.vector_load %arg24[%get3A_171] {strides = array<i32>} : memref<80xf32, #tpu.memory_space<vmem>>, vector<16xf32>,
      %get3A_173 = arith.constant 16 : index
      %get3A_174 = tpu.vector_load %arg25[%get3A_173] {strides = array<i32>} : memref<80xf32, #tpu.memory_space<vmem>>, vector<16xf32>,
      %sub3A_175 = arith.subf %gather3A_126, %gather3A_123 : vector<16xf32>
      %mul3A_176 = arith.mulf %get3A_170, %gather3A_136 : vector<16xf32>
      %add3A_177 = arith.addf %sub3A_175, %mul3A_176 : vector<16xf32>
      %mul3A_178 = arith.mulf %get3A_172, %gather3A_148 : vector<16xf32>
      %add3A_179 = arith.addf %add3A_177, %mul3A_178 : vector<16xf32>
      %mul3A_180 = arith.mulf %get3A_174, %gather3A_160 : vector<16xf32>
      %add3A_181 = arith.addf %add3A_179, %mul3A_180 : vector<16xf32>
      %sub3A_182 = arith.subf %gather3A_127, %gather3A_124 : vector<16xf32>
      %mul3A_183 = arith.mulf %get3A_170, %gather3A_140 : vector<16xf32>
      %add3A_184 = arith.addf %sub3A_182, %mul3A_183 : vector<16xf32>
      %mul3A_185 = arith.mulf %get3A_172, %gather3A_152 : vector<16xf32>
      %add3A_186 = arith.addf %add3A_184, %mul3A_185 : vector<16xf32>
      %mul3A_187 = arith.mulf %get3A_174, %gather3A_164 : vector<16xf32>
      %add3A_188 = arith.addf %add3A_186, %mul3A_187 : vector<16xf32>
      %sub3A_189 = arith.subf %gather3A_128, %gather3A_125 : vector<16xf32>
      %mul3A_190 = arith.mulf %get3A_170, %gather3A_144 : vector<16xf32>
      %add3A_191 = arith.addf %sub3A_189, %mul3A_190 : vector<16xf32>
      %mul3A_192 = arith.mulf %get3A_172, %gather3A_156 : vector<16xf32>
      %add3A_193 = arith.addf %add3A_191, %mul3A_192 : vector<16xf32>
      %mul3A_194 = arith.mulf %get3A_174, %gather3A_168 : vector<16xf32>
      %add3A_195 = arith.addf %add3A_193, %mul3A_194 : vector<16xf32>
      %mul3A_196 = arith.mulf %add3A_181, %add3A_181 : vector<16xf32>
      %mul3A_197 = arith.mulf %add3A_188, %add3A_188 : vector<16xf32>
      %add3A_198 = arith.addf %mul3A_196, %mul3A_197 : vector<16xf32>
      %mul3A_199 = arith.mulf %add3A_195, %add3A_195 : vector<16xf32>
      %add3A_200 = arith.addf %add3A_198, %mul3A_199 : vector<16xf32>
      %max3A_201 = arith.constant 9.99999996E-13 : f32
      %max3A_202 = vector.broadcast %max3A_201 : f32 to vector<16xf32>
      %max3A_203 = arith.maximumf %add3A_200, %max3A_202 : vector<16xf32>
      %swap3A_204 = arith.constant 16 : index
      %swap3A_205 = tpu.vector_load %arg26[%swap3A_204] {strides = array<i32>} : memref<80xf32, #tpu.memory_space<vmem>>, vector<16xf32>,
      tpu.vector_store %arg26[%swap3A_204], %max3A_203 {strides = array<i32>} : memref<80xf32, #tpu.memory_space<vmem>>, vector<16xf32>,
      %get3A_206 = arith.constant 32 : index
      %get3A_207 = tpu.vector_load %arg21[%get3A_206] {strides = array<i32>} : memref<80xi32, #tpu.memory_space<vmem>>, vector<16xi32>,
      %get3A_208 = arith.constant 32 : index
      %get3A_209 = tpu.vector_load %arg22[%get3A_208] {strides = array<i32>} : memref<80xi32, #tpu.memory_space<vmem>>, vector<16xi32>,
      %gather3A_210 = tpu.vector_load_idx %arg16[%get3A_207] : memref<10000xf32, #tpu.memory_space<vmem>>[vector<16xi32>], vector<16xf32>,
      %gather3A_211 = tpu.vector_load_idx %arg17[%get3A_207] : memref<10000xf32, #tpu.memory_space<vmem>>[vector<16xi32>], vector<16xf32>,
      %gather3A_212 = tpu.vector_load_idx %arg18[%get3A_207] : memref<10000xf32, #tpu.memory_space<vmem>>[vector<16xi32>], vector<16xf32>,
      %gather3A_213 = tpu.vector_load_idx %arg16[%get3A_209] : memref<10000xf32, #tpu.memory_space<vmem>>[vector<16xi32>], vector<16xf32>,
      %gather3A_214 = tpu.vector_load_idx %arg17[%get3A_209] : memref<10000xf32, #tpu.memory_space<vmem>>[vector<16xi32>], vector<16xf32>,
      %gather3A_215 = tpu.vector_load_idx %arg18[%get3A_209] : memref<10000xf32, #tpu.memory_space<vmem>>[vector<16xi32>], vector<16xf32>,
      %gather3A_216 = tpu.vector_load_idx %arg19[%get3A_207] : memref<10000xi32, #tpu.memory_space<vmem>>[vector<16xi32>], vector<16xi32>,
      %mul3A_217 = arith.constant 9 : i32
      %mul3A_218 = vector.broadcast %mul3A_217 : i32 to vector<16xi32>
      %mul3A_219 = arith.muli %gather3A_216, %mul3A_218 : vector<16xi32>
      %add3A_220 = arith.constant 0 : i32
      %add3A_221 = vector.broadcast %add3A_220 : i32 to vector<16xi32>
      %add3A_222 = arith.addi %mul3A_219, %add3A_221 : vector<16xi32>
      %gather3A_223 = tpu.vector_load_idx %arg20[%add3A_222] : memref<576xf32, #tpu.memory_space<vmem>>[vector<16xi32>], vector<16xf32>,
      %add3A_224 = arith.constant 1 : i32
      %add3A_225 = vector.broadcast %add3A_224 : i32 to vector<16xi32>
      %add3A_226 = arith.addi %mul3A_219, %add3A_225 : vector<16xi32>
      %gather3A_227 = tpu.vector_load_idx %arg20[%add3A_226] : memref<576xf32, #tpu.memory_space<vmem>>[vector<16xi32>], vector<16xf32>,
      %add3A_228 = arith.constant 2 : i32
      %add3A_229 = vector.broadcast %add3A_228 : i32 to vector<16xi32>
      %add3A_230 = arith.addi %mul3A_219, %add3A_229 : vector<16xi32>
      %gather3A_231 = tpu.vector_load_idx %arg20[%add3A_230] : memref<576xf32, #tpu.memory_space<vmem>>[vector<16xi32>], vector<16xf32>,
      %add3A_232 = arith.constant 3 : i32
      %add3A_233 = vector.broadcast %add3A_232 : i32 to vector<16xi32>
      %add3A_234 = arith.addi %mul3A_219, %add3A_233 : vector<16xi32>
      %gather3A_235 = tpu.vector_load_idx %arg20[%add3A_234] : memref<576xf32, #tpu.memory_space<vmem>>[vector<16xi32>], vector<16xf32>,
      %add3A_236 = arith.constant 4 : i32
      %add3A_237 = vector.broadcast %add3A_236 : i32 to vector<16xi32>
      %add3A_238 = arith.addi %mul3A_219, %add3A_237 : vector<16xi32>
      %gather3A_239 = tpu.vector_load_idx %arg20[%add3A_238] : memref<576xf32, #tpu.memory_space<vmem>>[vector<16xi32>], vector<16xf32>,
      %add3A_240 = arith.constant 5 : i32
      %add3A_241 = vector.broadcast %add3A_240 : i32 to vector<16xi32>
      %add3A_242 = arith.addi %mul3A_219, %add3A_241 : vector<16xi32>
      %gather3A_243 = tpu.vector_load_idx %arg20[%add3A_242] : memref<576xf32, #tpu.memory_space<vmem>>[vector<16xi32>], vector<16xf32>,
      %add3A_244 = arith.constant 6 : i32
      %add3A_245 = vector.broadcast %add3A_244 : i32 to vector<16xi32>
      %add3A_246 = arith.addi %mul3A_219, %add3A_245 : vector<16xi32>
      %gather3A_247 = tpu.vector_load_idx %arg20[%add3A_246] : memref<576xf32, #tpu.memory_space<vmem>>[vector<16xi32>], vector<16xf32>,
      %add3A_248 = arith.constant 7 : i32
      %add3A_249 = vector.broadcast %add3A_248 : i32 to vector<16xi32>
      %add3A_250 = arith.addi %mul3A_219, %add3A_249 : vector<16xi32>
      %gather3A_251 = tpu.vector_load_idx %arg20[%add3A_250] : memref<576xf32, #tpu.memory_space<vmem>>[vector<16xi32>], vector<16xf32>,
      %add3A_252 = arith.constant 8 : i32
      %add3A_253 = vector.broadcast %add3A_252 : i32 to vector<16xi32>
      %add3A_254 = arith.addi %mul3A_219, %add3A_253 : vector<16xi32>
      %gather3A_255 = tpu.vector_load_idx %arg20[%add3A_254] : memref<576xf32, #tpu.memory_space<vmem>>[vector<16xi32>], vector<16xf32>,
      %get3A_256 = arith.constant 32 : index
      %get3A_257 = tpu.vector_load %arg23[%get3A_256] {strides = array<i32>} : memref<80xf32, #tpu.memory_space<vmem>>, vector<16xf32>,
      %get3A_258 = arith.constant 32 : index
      %get3A_259 = tpu.vector_load %arg24[%get3A_258] {strides = array<i32>} : memref<80xf32, #tpu.memory_space<vmem>>, vector<16xf32>,
      %get3A_260 = arith.constant 32 : index
      %get3A_261 = tpu.vector_load %arg25[%get3A_260] {strides = array<i32>} : memref<80xf32, #tpu.memory_space<vmem>>, vector<16xf32>,
      %sub3A_262 = arith.subf %gather3A_213, %gather3A_210 : vector<16xf32>
      %mul3A_263 = arith.mulf %get3A_257, %gather3A_223 : vector<16xf32>
      %add3A_264 = arith.addf %sub3A_262, %mul3A_263 : vector<16xf32>
      %mul3A_265 = arith.mulf %get3A_259, %gather3A_235 : vector<16xf32>
      %add3A_266 = arith.addf %add3A_264, %mul3A_265 : vector<16xf32>
      %mul3A_267 = arith.mulf %get3A_261, %gather3A_247 : vector<16xf32>
      %add3A_268 = arith.addf %add3A_266, %mul3A_267 : vector<16xf32>
      %sub3A_269 = arith.subf %gather3A_214, %gather3A_211 : vector<16xf32>
      %mul3A_270 = arith.mulf %get3A_257, %gather3A_227 : vector<16xf32>
      %add3A_271 = arith.addf %sub3A_269, %mul3A_270 : vector<16xf32>
      %mul3A_272 = arith.mulf %get3A_259, %gather3A_239 : vector<16xf32>
      %add3A_273 = arith.addf %add3A_271, %mul3A_272 : vector<16xf32>
      %mul3A_274 = arith.mulf %get3A_261, %gather3A_251 : vector<16xf32>
      %add3A_275 = arith.addf %add3A_273, %mul3A_274 : vector<16xf32>
      %sub3A_276 = arith.subf %gather3A_215, %gather3A_212 : vector<16xf32>
      %mul3A_277 = arith.mulf %get3A_257, %gather3A_231 : vector<16xf32>
      %add3A_278 = arith.addf %sub3A_276, %mul3A_277 : vector<16xf32>
      %mul3A_279 = arith.mulf %get3A_259, %gather3A_243 : vector<16xf32>
      %add3A_280 = arith.addf %add3A_278, %mul3A_279 : vector<16xf32>
      %mul3A_281 = arith.mulf %get3A_261, %gather3A_255 : vector<16xf32>
      %add3A_282 = arith.addf %add3A_280, %mul3A_281 : vector<16xf32>
      %mul3A_283 = arith.mulf %add3A_268, %add3A_268 : vector<16xf32>
      %mul3A_284 = arith.mulf %add3A_275, %add3A_275 : vector<16xf32>
      %add3A_285 = arith.addf %mul3A_283, %mul3A_284 : vector<16xf32>
      %mul3A_286 = arith.mulf %add3A_282, %add3A_282 : vector<16xf32>
      %add3A_287 = arith.addf %add3A_285, %mul3A_286 : vector<16xf32>
      %max3A_288 = arith.constant 9.99999996E-13 : f32
      %max3A_289 = vector.broadcast %max3A_288 : f32 to vector<16xf32>
      %max3A_290 = arith.maximumf %add3A_287, %max3A_289 : vector<16xf32>
      %swap3A_291 = arith.constant 32 : index
      %swap3A_292 = tpu.vector_load %arg26[%swap3A_291] {strides = array<i32>} : memref<80xf32, #tpu.memory_space<vmem>>, vector<16xf32>,
      tpu.vector_store %arg26[%swap3A_291], %max3A_290 {strides = array<i32>} : memref<80xf32, #tpu.memory_space<vmem>>, vector<16xf32>,
      %get3A_293 = arith.constant 48 : index
      %get3A_294 = tpu.vector_load %arg21[%get3A_293] {strides = array<i32>} : memref<80xi32, #tpu.memory_space<vmem>>, vector<16xi32>,
      %get3A_295 = arith.constant 48 : index
      %get3A_296 = tpu.vector_load %arg22[%get3A_295] {strides = array<i32>} : memref<80xi32, #tpu.memory_space<vmem>>, vector<16xi32>,
      %gather3A_297 = tpu.vector_load_idx %arg16[%get3A_294] : memref<10000xf32, #tpu.memory_space<vmem>>[vector<16xi32>], vector<16xf32>,
      %gather3A_298 = tpu.vector_load_idx %arg17[%get3A_294] : memref<10000xf32, #tpu.memory_space<vmem>>[vector<16xi32>], vector<16xf32>,
      %gather3A_299 = tpu.vector_load_idx %arg18[%get3A_294] : memref<10000xf32, #tpu.memory_space<vmem>>[vector<16xi32>], vector<16xf32>,
      %gather3A_300 = tpu.vector_load_idx %arg16[%get3A_296] : memref<10000xf32, #tpu.memory_space<vmem>>[vector<16xi32>], vector<16xf32>,
      %gather3A_301 = tpu.vector_load_idx %arg17[%get3A_296] : memref<10000xf32, #tpu.memory_space<vmem>>[vector<16xi32>], vector<16xf32>,
      %gather3A_302 = tpu.vector_load_idx %arg18[%get3A_296] : memref<10000xf32, #tpu.memory_space<vmem>>[vector<16xi32>], vector<16xf32>,
      %gather3A_303 = tpu.vector_load_idx %arg19[%get3A_294] : memref<10000xi32, #tpu.memory_space<vmem>>[vector<16xi32>], vector<16xi32>,
      %mul3A_304 = arith.constant 9 : i32
      %mul3A_305 = vector.broadcast %mul3A_304 : i32 to vector<16xi32>
      %mul3A_306 = arith.muli %gather3A_303, %mul3A_305 : vector<16xi32>
      %add3A_307 = arith.constant 0 : i32
      %add3A_308 = vector.broadcast %add3A_307 : i32 to vector<16xi32>
      %add3A_309 = arith.addi %mul3A_306, %add3A_308 : vector<16xi32>
      %gather3A_310 = tpu.vector_load_idx %arg20[%add3A_309] : memref<576xf32, #tpu.memory_space<vmem>>[vector<16xi32>], vector<16xf32>,
      %add3A_311 = arith.constant 1 : i32
      %add3A_312 = vector.broadcast %add3A_311 : i32 to vector<16xi32>
      %add3A_313 = arith.addi %mul3A_306, %add3A_312 : vector<16xi32>
      %gather3A_314 = tpu.vector_load_idx %arg20[%add3A_313] : memref<576xf32, #tpu.memory_space<vmem>>[vector<16xi32>], vector<16xf32>,
      %add3A_315 = arith.constant 2 : i32
      %add3A_316 = vector.broadcast %add3A_315 : i32 to vector<16xi32>
      %add3A_317 = arith.addi %mul3A_306, %add3A_316 : vector<16xi32>
      %gather3A_318 = tpu.vector_load_idx %arg20[%add3A_317] : memref<576xf32, #tpu.memory_space<vmem>>[vector<16xi32>], vector<16xf32>,
      %add3A_319 = arith.constant 3 : i32
      %add3A_320 = vector.broadcast %add3A_319 : i32 to vector<16xi32>
      %add3A_321 = arith.addi %mul3A_306, %add3A_320 : vector<16xi32>
      %gather3A_322 = tpu.vector_load_idx %arg20[%add3A_321] : memref<576xf32, #tpu.memory_space<vmem>>[vector<16xi32>], vector<16xf32>,
      %add3A_323 = arith.constant 4 : i32
      %add3A_324 = vector.broadcast %add3A_323 : i32 to vector<16xi32>
      %add3A_325 = arith.addi %mul3A_306, %add3A_324 : vector<16xi32>
      %gather3A_326 = tpu.vector_load_idx %arg20[%add3A_325] : memref<576xf32, #tpu.memory_space<vmem>>[vector<16xi32>], vector<16xf32>,
      %add3A_327 = arith.constant 5 : i32
      %add3A_328 = vector.broadcast %add3A_327 : i32 to vector<16xi32>
      %add3A_329 = arith.addi %mul3A_306, %add3A_328 : vector<16xi32>
      %gather3A_330 = tpu.vector_load_idx %arg20[%add3A_329] : memref<576xf32, #tpu.memory_space<vmem>>[vector<16xi32>], vector<16xf32>,
      %add3A_331 = arith.constant 6 : i32
      %add3A_332 = vector.broadcast %add3A_331 : i32 to vector<16xi32>
      %add3A_333 = arith.addi %mul3A_306, %add3A_332 : vector<16xi32>
      %gather3A_334 = tpu.vector_load_idx %arg20[%add3A_333] : memref<576xf32, #tpu.memory_space<vmem>>[vector<16xi32>], vector<16xf32>,
      %add3A_335 = arith.constant 7 : i32
      %add3A_336 = vector.broadcast %add3A_335 : i32 to vector<16xi32>
      %add3A_337 = arith.addi %mul3A_306, %add3A_336 : vector<16xi32>
      %gather3A_338 = tpu.vector_load_idx %arg20[%add3A_337] : memref<576xf32, #tpu.memory_space<vmem>>[vector<16xi32>], vector<16xf32>,
      %add3A_339 = arith.constant 8 : i32
      %add3A_340 = vector.broadcast %add3A_339 : i32 to vector<16xi32>
      %add3A_341 = arith.addi %mul3A_306, %add3A_340 : vector<16xi32>
      %gather3A_342 = tpu.vector_load_idx %arg20[%add3A_341] : memref<576xf32, #tpu.memory_space<vmem>>[vector<16xi32>], vector<16xf32>,
      %get3A_343 = arith.constant 48 : index
      %get3A_344 = tpu.vector_load %arg23[%get3A_343] {strides = array<i32>} : memref<80xf32, #tpu.memory_space<vmem>>, vector<16xf32>,
      %get3A_345 = arith.constant 48 : index
      %get3A_346 = tpu.vector_load %arg24[%get3A_345] {strides = array<i32>} : memref<80xf32, #tpu.memory_space<vmem>>, vector<16xf32>,
      %get3A_347 = arith.constant 48 : index
      %get3A_348 = tpu.vector_load %arg25[%get3A_347] {strides = array<i32>} : memref<80xf32, #tpu.memory_space<vmem>>, vector<16xf32>,
      %sub3A_349 = arith.subf %gather3A_300, %gather3A_297 : vector<16xf32>
      %mul3A_350 = arith.mulf %get3A_344, %gather3A_310 : vector<16xf32>
      %add3A_351 = arith.addf %sub3A_349, %mul3A_350 : vector<16xf32>
      %mul3A_352 = arith.mulf %get3A_346, %gather3A_322 : vector<16xf32>
      %add3A_353 = arith.addf %add3A_351, %mul3A_352 : vector<16xf32>
      %mul3A_354 = arith.mulf %get3A_348, %gather3A_334 : vector<16xf32>
      %add3A_355 = arith.addf %add3A_353, %mul3A_354 : vector<16xf32>
      %sub3A_356 = arith.subf %gather3A_301, %gather3A_298 : vector<16xf32>
      %mul3A_357 = arith.mulf %get3A_344, %gather3A_314 : vector<16xf32>
      %add3A_358 = arith.addf %sub3A_356, %mul3A_357 : vector<16xf32>
      %mul3A_359 = arith.mulf %get3A_346, %gather3A_326 : vector<16xf32>
      %add3A_360 = arith.addf %add3A_358, %mul3A_359 : vector<16xf32>
      %mul3A_361 = arith.mulf %get3A_348, %gather3A_338 : vector<16xf32>
      %add3A_362 = arith.addf %add3A_360, %mul3A_361 : vector<16xf32>
      %sub3A_363 = arith.subf %gather3A_302, %gather3A_299 : vector<16xf32>
      %mul3A_364 = arith.mulf %get3A_344, %gather3A_318 : vector<16xf32>
      %add3A_365 = arith.addf %sub3A_363, %mul3A_364 : vector<16xf32>
      %mul3A_366 = arith.mulf %get3A_346, %gather3A_330 : vector<16xf32>
      %add3A_367 = arith.addf %add3A_365, %mul3A_366 : vector<16xf32>
      %mul3A_368 = arith.mulf %get3A_348, %gather3A_342 : vector<16xf32>
      %add3A_369 = arith.addf %add3A_367, %mul3A_368 : vector<16xf32>
      %mul3A_370 = arith.mulf %add3A_355, %add3A_355 : vector<16xf32>
      %mul3A_371 = arith.mulf %add3A_362, %add3A_362 : vector<16xf32>
      %add3A_372 = arith.addf %mul3A_370, %mul3A_371 : vector<16xf32>
      %mul3A_373 = arith.mulf %add3A_369, %add3A_369 : vector<16xf32>
      %add3A_374 = arith.addf %add3A_372, %mul3A_373 : vector<16xf32>
      %max3A_375 = arith.constant 9.99999996E-13 : f32
      %max3A_376 = vector.broadcast %max3A_375 : f32 to vector<16xf32>
      %max3A_377 = arith.maximumf %add3A_374, %max3A_376 : vector<16xf32>
      %swap3A_378 = arith.constant 48 : index
      %swap3A_379 = tpu.vector_load %arg26[%swap3A_378] {strides = array<i32>} : memref<80xf32, #tpu.memory_space<vmem>>, vector<16xf32>,
      tpu.vector_store %arg26[%swap3A_378], %max3A_377 {strides = array<i32>} : memref<80xf32, #tpu.memory_space<vmem>>, vector<16xf32>,
      %get3A_380 = arith.constant 64 : index
      %get3A_381 = tpu.vector_load %arg21[%get3A_380] {strides = array<i32>} : memref<80xi32, #tpu.memory_space<vmem>>, vector<16xi32>,
      %get3A_382 = arith.constant 64 : index
      %get3A_383 = tpu.vector_load %arg22[%get3A_382] {strides = array<i32>} : memref<80xi32, #tpu.memory_space<vmem>>, vector<16xi32>,
      %gather3A_384 = tpu.vector_load_idx %arg16[%get3A_381] : memref<10000xf32, #tpu.memory_space<vmem>>[vector<16xi32>], vector<16xf32>,
      %gather3A_385 = tpu.vector_load_idx %arg17[%get3A_381] : memref<10000xf32, #tpu.memory_space<vmem>>[vector<16xi32>], vector<16xf32>,
      %gather3A_386 = tpu.vector_load_idx %arg18[%get3A_381] : memref<10000xf32, #tpu.memory_space<vmem>>[vector<16xi32>], vector<16xf32>,
      %gather3A_387 = tpu.vector_load_idx %arg16[%get3A_383] : memref<10000xf32, #tpu.memory_space<vmem>>[vector<16xi32>], vector<16xf32>,
      %gather3A_388 = tpu.vector_load_idx %arg17[%get3A_383] : memref<10000xf32, #tpu.memory_space<vmem>>[vector<16xi32>], vector<16xf32>,
      %gather3A_389 = tpu.vector_load_idx %arg18[%get3A_383] : memref<10000xf32, #tpu.memory_space<vmem>>[vector<16xi32>], vector<16xf32>,
      %gather3A_390 = tpu.vector_load_idx %arg19[%get3A_381] : memref<10000xi32, #tpu.memory_space<vmem>>[vector<16xi32>], vector<16xi32>,
      %mul3A_391 = arith.constant 9 : i32
      %mul3A_392 = vector.broadcast %mul3A_391 : i32 to vector<16xi32>
      %mul3A_393 = arith.muli %gather3A_390, %mul3A_392 : vector<16xi32>
      %add3A_394 = arith.constant 0 : i32
      %add3A_395 = vector.broadcast %add3A_394 : i32 to vector<16xi32>
      %add3A_396 = arith.addi %mul3A_393, %add3A_395 : vector<16xi32>
      %gather3A_397 = tpu.vector_load_idx %arg20[%add3A_396] : memref<576xf32, #tpu.memory_space<vmem>>[vector<16xi32>], vector<16xf32>,
      %add3A_398 = arith.constant 1 : i32
      %add3A_399 = vector.broadcast %add3A_398 : i32 to vector<16xi32>
      %add3A_400 = arith.addi %mul3A_393, %add3A_399 : vector<16xi32>
      %gather3A_401 = tpu.vector_load_idx %arg20[%add3A_400] : memref<576xf32, #tpu.memory_space<vmem>>[vector<16xi32>], vector<16xf32>,
      %add3A_402 = arith.constant 2 : i32
      %add3A_403 = vector.broadcast %add3A_402 : i32 to vector<16xi32>
      %add3A_404 = arith.addi %mul3A_393, %add3A_403 : vector<16xi32>
      %gather3A_405 = tpu.vector_load_idx %arg20[%add3A_404] : memref<576xf32, #tpu.memory_space<vmem>>[vector<16xi32>], vector<16xf32>,
      %add3A_406 = arith.constant 3 : i32
      %add3A_407 = vector.broadcast %add3A_406 : i32 to vector<16xi32>
      %add3A_408 = arith.addi %mul3A_393, %add3A_407 : vector<16xi32>
      %gather3A_409 = tpu.vector_load_idx %arg20[%add3A_408] : memref<576xf32, #tpu.memory_space<vmem>>[vector<16xi32>], vector<16xf32>,
      %add3A_410 = arith.constant 4 : i32
      %add3A_411 = vector.broadcast %add3A_410 : i32 to vector<16xi32>
      %add3A_412 = arith.addi %mul3A_393, %add3A_411 : vector<16xi32>
      %gather3A_413 = tpu.vector_load_idx %arg20[%add3A_412] : memref<576xf32, #tpu.memory_space<vmem>>[vector<16xi32>], vector<16xf32>,
      %add3A_414 = arith.constant 5 : i32
      %add3A_415 = vector.broadcast %add3A_414 : i32 to vector<16xi32>
      %add3A_416 = arith.addi %mul3A_393, %add3A_415 : vector<16xi32>
      %gather3A_417 = tpu.vector_load_idx %arg20[%add3A_416] : memref<576xf32, #tpu.memory_space<vmem>>[vector<16xi32>], vector<16xf32>,
      %add3A_418 = arith.constant 6 : i32
      %add3A_419 = vector.broadcast %add3A_418 : i32 to vector<16xi32>
      %add3A_420 = arith.addi %mul3A_393, %add3A_419 : vector<16xi32>
      %gather3A_421 = tpu.vector_load_idx %arg20[%add3A_420] : memref<576xf32, #tpu.memory_space<vmem>>[vector<16xi32>], vector<16xf32>,
      %add3A_422 = arith.constant 7 : i32
      %add3A_423 = vector.broadcast %add3A_422 : i32 to vector<16xi32>
      %add3A_424 = arith.addi %mul3A_393, %add3A_423 : vector<16xi32>
      %gather3A_425 = tpu.vector_load_idx %arg20[%add3A_424] : memref<576xf32, #tpu.memory_space<vmem>>[vector<16xi32>], vector<16xf32>,
      %add3A_426 = arith.constant 8 : i32
      %add3A_427 = vector.broadcast %add3A_426 : i32 to vector<16xi32>
      %add3A_428 = arith.addi %mul3A_393, %add3A_427 : vector<16xi32>
      %gather3A_429 = tpu.vector_load_idx %arg20[%add3A_428] : memref<576xf32, #tpu.memory_space<vmem>>[vector<16xi32>], vector<16xf32>,
      %get3A_430 = arith.constant 64 : index
      %get3A_431 = tpu.vector_load %arg23[%get3A_430] {strides = array<i32>} : memref<80xf32, #tpu.memory_space<vmem>>, vector<16xf32>,
      %get3A_432 = arith.constant 64 : index
      %get3A_433 = tpu.vector_load %arg24[%get3A_432] {strides = array<i32>} : memref<80xf32, #tpu.memory_space<vmem>>, vector<16xf32>,
      %get3A_434 = arith.constant 64 : index
      %get3A_435 = tpu.vector_load %arg25[%get3A_434] {strides = array<i32>} : memref<80xf32, #tpu.memory_space<vmem>>, vector<16xf32>,
      %sub3A_436 = arith.subf %gather3A_387, %gather3A_384 : vector<16xf32>
      %mul3A_437 = arith.mulf %get3A_431, %gather3A_397 : vector<16xf32>
      %add3A_438 = arith.addf %sub3A_436, %mul3A_437 : vector<16xf32>
      %mul3A_439 = arith.mulf %get3A_433, %gather3A_409 : vector<16xf32>
      %add3A_440 = arith.addf %add3A_438, %mul3A_439 : vector<16xf32>
      %mul3A_441 = arith.mulf %get3A_435, %gather3A_421 : vector<16xf32>
      %add3A_442 = arith.addf %add3A_440, %mul3A_441 : vector<16xf32>
      %sub3A_443 = arith.subf %gather3A_388, %gather3A_385 : vector<16xf32>
      %mul3A_444 = arith.mulf %get3A_431, %gather3A_401 : vector<16xf32>
      %add3A_445 = arith.addf %sub3A_443, %mul3A_444 : vector<16xf32>
      %mul3A_446 = arith.mulf %get3A_433, %gather3A_413 : vector<16xf32>
      %add3A_447 = arith.addf %add3A_445, %mul3A_446 : vector<16xf32>
      %mul3A_448 = arith.mulf %get3A_435, %gather3A_425 : vector<16xf32>
      %add3A_449 = arith.addf %add3A_447, %mul3A_448 : vector<16xf32>
      %sub3A_450 = arith.subf %gather3A_389, %gather3A_386 : vector<16xf32>
      %mul3A_451 = arith.mulf %get3A_431, %gather3A_405 : vector<16xf32>
      %add3A_452 = arith.addf %sub3A_450, %mul3A_451 : vector<16xf32>
      %mul3A_453 = arith.mulf %get3A_433, %gather3A_417 : vector<16xf32>
      %add3A_454 = arith.addf %add3A_452, %mul3A_453 : vector<16xf32>
      %mul3A_455 = arith.mulf %get3A_435, %gather3A_429 : vector<16xf32>
      %add3A_456 = arith.addf %add3A_454, %mul3A_455 : vector<16xf32>
      %mul3A_457 = arith.mulf %add3A_442, %add3A_442 : vector<16xf32>
      %mul3A_458 = arith.mulf %add3A_449, %add3A_449 : vector<16xf32>
      %add3A_459 = arith.addf %mul3A_457, %mul3A_458 : vector<16xf32>
      %mul3A_460 = arith.mulf %add3A_456, %add3A_456 : vector<16xf32>
      %add3A_461 = arith.addf %add3A_459, %mul3A_460 : vector<16xf32>
      %max3A_462 = arith.constant 9.99999996E-13 : f32
      %max3A_463 = vector.broadcast %max3A_462 : f32 to vector<16xf32>
      %max3A_464 = arith.maximumf %add3A_461, %max3A_463 : vector<16xf32>
      %swap3A_465 = arith.constant 64 : index
      %swap3A_466 = tpu.vector_load %arg26[%swap3A_465] {strides = array<i32>} : memref<80xf32, #tpu.memory_space<vmem>>, vector<16xf32>,
      tpu.vector_store %arg26[%swap3A_465], %max3A_464 {strides = array<i32>} : memref<80xf32, #tpu.memory_space<vmem>>, vector<16xf32>,
      "tpu.region"() ({
        %run_scoped3A = tpu.sem_alloc : memref<!tpu.dma_semaphore, #tpu.memory_space<semaphore_mem>>
        %dma_start3A = tpu.memref_slice %arg14[%add3A_36] : memref<320000xf32, #tpu.memory_space<hbm>> -> memref<80xf32, #tpu.memory_space<hbm>>
        %dma_start3A_467 = tpu.memref_slice %arg14[%add3A_36] : memref<320000xf32, #tpu.memory_space<hbm>> -> memref<80xf32, #tpu.memory_space<hbm>>
        tpu.enqueue_dma source(%arg26 : memref<80xf32, #tpu.memory_space<vmem>>) target(%dma_start3A_467 : memref<80xf32, #tpu.memory_space<hbm>>) target_semaphore(%run_scoped3A : memref<!tpu.dma_semaphore, #tpu.memory_space<semaphore_mem>>)
        %dma_wait3A = tpu.memref_slice %arg14[%add3A_36] : memref<320000xf32, #tpu.memory_space<hbm>> -> memref<80xf32, #tpu.memory_space<hbm>>
        %dma_wait3A_468 = tpu.memref_slice %arg14[%add3A_36] : memref<320000xf32, #tpu.memory_space<hbm>> -> memref<80xf32, #tpu.memory_space<hbm>>
        tpu.wait_dma2 semaphore(%run_scoped3A : memref<!tpu.dma_semaphore, #tpu.memory_space<semaphore_mem>>) src(%arg26 : memref<80xf32, #tpu.memory_space<vmem>>) dst(%dma_wait3A_468 : memref<80xf32, #tpu.memory_space<hbm>>)
        tpu.yield
      }) : () -> ()
    }
    %scan3A_7 = arith.constant 125 : i32
    %add3A_8 = arith.constant 0 : i32
    %add3A_9 = arith.addi %add3A, %add3A_8 : i32
    %lt3A = arith.constant 125 : i32
    %lt3A_10 = arith.cmpi slt, %add3A_9, %lt3A : i32
    %convert_element_type3A = arith.extui %lt3A_10 : i1 to i32
    %cond3A = arith.constant 0 : i32
    %cond3A_11 = arith.cmpi ne, %convert_element_type3A, %cond3A : i32
    scf.if %cond3A_11 {
      %mul3A_33 = arith.constant 80 : i32
      %mul3A_34 = arith.muli %add3A_9, %mul3A_33 : i32
      "tpu.region"() ({
        %run_scoped3A = tpu.sem_alloc : memref<!tpu.dma_semaphore, #tpu.memory_space<semaphore_mem>>
        %dma_start3A_39 = tpu.memref_slice %arg12[%mul3A_34] : memref<10000xi32, #tpu.memory_space<hbm>> -> memref<80xi32, #tpu.memory_space<hbm>>
        %dma_start3A_40 = tpu.memref_slice %arg12[%mul3A_34] : memref<10000xi32, #tpu.memory_space<hbm>> -> memref<80xi32, #tpu.memory_space<hbm>>
        tpu.enqueue_dma source(%dma_start3A_40 : memref<80xi32, #tpu.memory_space<hbm>>) target(%arg27 : memref<80xi32, #tpu.memory_space<vmem>>) target_semaphore(%run_scoped3A : memref<!tpu.dma_semaphore, #tpu.memory_space<semaphore_mem>>)
        %dma_wait3A_41 = tpu.memref_slice %arg12[%mul3A_34] : memref<10000xi32, #tpu.memory_space<hbm>> -> memref<80xi32, #tpu.memory_space<hbm>>
        %dma_wait3A_42 = tpu.memref_slice %arg12[%mul3A_34] : memref<10000xi32, #tpu.memory_space<hbm>> -> memref<80xi32, #tpu.memory_space<hbm>>
        tpu.wait_dma2 semaphore(%run_scoped3A : memref<!tpu.dma_semaphore, #tpu.memory_space<semaphore_mem>>) src(%dma_wait3A_42 : memref<80xi32, #tpu.memory_space<hbm>>) dst(%arg27 : memref<80xi32, #tpu.memory_space<vmem>>)
        tpu.yield
      }) : () -> ()
      %dma_start3A = arith.constant 0 : i32
      %dma_start3A_35 = arith.constant 0 : i32
      %dma_start3A_36 = tpu.memref_slice %arg13[%dma_start3A, %dma_start3A_35] : memref<100x128xf32, #tpu.memory_space<hbm>> -> memref<100x128xf32, #tpu.memory_space<hbm>>
      tpu.enqueue_indirect_dma source(%dma_start3A_36 : memref<100x128xf32, #tpu.memory_space<hbm>>) target(%arg28 : memref<80x128xf32, #tpu.memory_space<vmem>>) offsets(%arg27 : memref<80xi32, #tpu.memory_space<vmem>>) semaphore(%arg29 : memref<!tpu.dma_semaphore, #tpu.memory_space<semaphore_mem>>)
      %dma_wait3A = arith.constant 0 : i32
      %dma_wait3A_37 = arith.constant 0 : i32
      %dma_wait3A_38 = tpu.memref_slice %arg13[%dma_wait3A, %dma_wait3A_37] : memref<100x128xf32, #tpu.memory_space<hbm>> -> memref<100x128xf32, #tpu.memory_space<hbm>>
      tpu.wait_indirect_dma semaphore(%arg29 : memref<!tpu.dma_semaphore, #tpu.memory_space<semaphore_mem>>) src(%dma_wait3A_38 : memref<100x128xf32, #tpu.memory_space<hbm>>) dst(%arg28 : memref<80x128xf32, #tpu.memory_space<vmem>>)
      "tpu.region"() ({
        %run_scoped3A = tpu.sem_alloc : memref<!tpu.dma_semaphore, #tpu.memory_space<semaphore_mem>>
        %dma_start3A_39 = arith.constant 0 : i32
        %dma_start3A_40 = tpu.memref_slice %arg15[%mul3A_34, %dma_start3A_39] : memref<10000x128xf32, #tpu.memory_space<hbm>> -> memref<80x128xf32, #tpu.memory_space<hbm>>
        %dma_start3A_41 = arith.constant 0 : i32
        %dma_start3A_42 = tpu.memref_slice %arg15[%mul3A_34, %dma_start3A_41] : memref<10000x128xf32, #tpu.memory_space<hbm>> -> memref<80x128xf32, #tpu.memory_space<hbm>>
        tpu.enqueue_dma source(%arg28 : memref<80x128xf32, #tpu.memory_space<vmem>>) target(%dma_start3A_42 : memref<80x128xf32, #tpu.memory_space<hbm>>) target_semaphore(%run_scoped3A : memref<!tpu.dma_semaphore, #tpu.memory_space<semaphore_mem>>)
        %dma_wait3A_43 = arith.constant 0 : i32
        %dma_wait3A_44 = tpu.memref_slice %arg15[%mul3A_34, %dma_wait3A_43] : memref<10000x128xf32, #tpu.memory_space<hbm>> -> memref<80x128xf32, #tpu.memory_space<hbm>>
        %dma_wait3A_45 = arith.constant 0 : i32
        %dma_wait3A_46 = tpu.memref_slice %arg15[%mul3A_34, %dma_wait3A_45] : memref<10000x128xf32, #tpu.memory_space<hbm>> -> memref<80x128xf32, #tpu.memory_space<hbm>>
        tpu.wait_dma2 semaphore(%run_scoped3A : memref<!tpu.dma_semaphore, #tpu.memory_space<semaphore_mem>>) src(%arg28 : memref<80x128xf32, #tpu.memory_space<vmem>>) dst(%dma_wait3A_46 : memref<80x128xf32, #tpu.memory_space<hbm>>)
        tpu.yield
      }) : () -> ()
    } else {
    }
    %add3A_12 = arith.constant 32 : i32
    %add3A_13 = arith.addi %add3A, %add3A_12 : i32
    %lt3A_14 = arith.constant 125 : i32
    %lt3A_15 = arith.cmpi slt, %add3A_13, %lt3A_14 : i32
    %convert_element_type3A_16 = arith.extui %lt3A_15 : i1 to i32
    %cond3A_17 = arith.constant 0 : i32
    %cond3A_18 = arith.cmpi ne, %convert_element_type3A_16, %cond3A_17 : i32
    scf.if %cond3A_18 {
      %mul3A_33 = arith.constant 80 : i32
      %mul3A_34 = arith.muli %add3A_13, %mul3A_33 : i32
      "tpu.region"() ({
        %run_scoped3A = tpu.sem_alloc : memref<!tpu.dma_semaphore, #tpu.memory_space<semaphore_mem>>
        %dma_start3A_39 = tpu.memref_slice %arg12[%mul3A_34] : memref<10000xi32, #tpu.memory_space<hbm>> -> memref<80xi32, #tpu.memory_space<hbm>>
        %dma_start3A_40 = tpu.memref_slice %arg12[%mul3A_34] : memref<10000xi32, #tpu.memory_space<hbm>> -> memref<80xi32, #tpu.memory_space<hbm>>
        tpu.enqueue_dma source(%dma_start3A_40 : memref<80xi32, #tpu.memory_space<hbm>>) target(%arg27 : memref<80xi32, #tpu.memory_space<vmem>>) target_semaphore(%run_scoped3A : memref<!tpu.dma_semaphore, #tpu.memory_space<semaphore_mem>>)
        %dma_wait3A_41 = tpu.memref_slice %arg12[%mul3A_34] : memref<10000xi32, #tpu.memory_space<hbm>> -> memref<80xi32, #tpu.memory_space<hbm>>
        %dma_wait3A_42 = tpu.memref_slice %arg12[%mul3A_34] : memref<10000xi32, #tpu.memory_space<hbm>> -> memref<80xi32, #tpu.memory_space<hbm>>
        tpu.wait_dma2 semaphore(%run_scoped3A : memref<!tpu.dma_semaphore, #tpu.memory_space<semaphore_mem>>) src(%dma_wait3A_42 : memref<80xi32, #tpu.memory_space<hbm>>) dst(%arg27 : memref<80xi32, #tpu.memory_space<vmem>>)
        tpu.yield
      }) : () -> ()
      %dma_start3A = arith.constant 0 : i32
      %dma_start3A_35 = arith.constant 0 : i32
      %dma_start3A_36 = tpu.memref_slice %arg13[%dma_start3A, %dma_start3A_35] : memref<100x128xf32, #tpu.memory_space<hbm>> -> memref<100x128xf32, #tpu.memory_space<hbm>>
      tpu.enqueue_indirect_dma source(%dma_start3A_36 : memref<100x128xf32, #tpu.memory_space<hbm>>) target(%arg28 : memref<80x128xf32, #tpu.memory_space<vmem>>) offsets(%arg27 : memref<80xi32, #tpu.memory_space<vmem>>) semaphore(%arg29 : memref<!tpu.dma_semaphore, #tpu.memory_space<semaphore_mem>>)
      %dma_wait3A = arith.constant 0 : i32
      %dma_wait3A_37 = arith.constant 0 : i32
      %dma_wait3A_38 = tpu.memref_slice %arg13[%dma_wait3A, %dma_wait3A_37] : memref<100x128xf32, #tpu.memory_space<hbm>> -> memref<100x128xf32, #tpu.memory_space<hbm>>
      tpu.wait_indirect_dma semaphore(%arg29 : memref<!tpu.dma_semaphore, #tpu.memory_space<semaphore_mem>>) src(%dma_wait3A_38 : memref<100x128xf32, #tpu.memory_space<hbm>>) dst(%arg28 : memref<80x128xf32, #tpu.memory_space<vmem>>)
      "tpu.region"() ({
        %run_scoped3A = tpu.sem_alloc : memref<!tpu.dma_semaphore, #tpu.memory_space<semaphore_mem>>
        %dma_start3A_39 = arith.constant 0 : i32
        %dma_start3A_40 = tpu.memref_slice %arg15[%mul3A_34, %dma_start3A_39] : memref<10000x128xf32, #tpu.memory_space<hbm>> -> memref<80x128xf32, #tpu.memory_space<hbm>>
        %dma_start3A_41 = arith.constant 0 : i32
        %dma_start3A_42 = tpu.memref_slice %arg15[%mul3A_34, %dma_start3A_41] : memref<10000x128xf32, #tpu.memory_space<hbm>> -> memref<80x128xf32, #tpu.memory_space<hbm>>
        tpu.enqueue_dma source(%arg28 : memref<80x128xf32, #tpu.memory_space<vmem>>) target(%dma_start3A_42 : memref<80x128xf32, #tpu.memory_space<hbm>>) target_semaphore(%run_scoped3A : memref<!tpu.dma_semaphore, #tpu.memory_space<semaphore_mem>>)
        %dma_wait3A_43 = arith.constant 0 : i32
        %dma_wait3A_44 = tpu.memref_slice %arg15[%mul3A_34, %dma_wait3A_43] : memref<10000x128xf32, #tpu.memory_space<hbm>> -> memref<80x128xf32, #tpu.memory_space<hbm>>
        %dma_wait3A_45 = arith.constant 0 : i32
        %dma_wait3A_46 = tpu.memref_slice %arg15[%mul3A_34, %dma_wait3A_45] : memref<10000x128xf32, #tpu.memory_space<hbm>> -> memref<80x128xf32, #tpu.memory_space<hbm>>
        tpu.wait_dma2 semaphore(%run_scoped3A : memref<!tpu.dma_semaphore, #tpu.memory_space<semaphore_mem>>) src(%arg28 : memref<80x128xf32, #tpu.memory_space<vmem>>) dst(%dma_wait3A_46 : memref<80x128xf32, #tpu.memory_space<hbm>>)
        tpu.yield
      }) : () -> ()
    } else {
    }
    %add3A_19 = arith.constant 64 : i32
    %add3A_20 = arith.addi %add3A, %add3A_19 : i32
    %lt3A_21 = arith.constant 125 : i32
    %lt3A_22 = arith.cmpi slt, %add3A_20, %lt3A_21 : i32
    %convert_element_type3A_23 = arith.extui %lt3A_22 : i1 to i32
    %cond3A_24 = arith.constant 0 : i32
    %cond3A_25 = arith.cmpi ne, %convert_element_type3A_23, %cond3A_24 : i32
    scf.if %cond3A_25 {
      %mul3A_33 = arith.constant 80 : i32
      %mul3A_34 = arith.muli %add3A_20, %mul3A_33 : i32
      "tpu.region"() ({
        %run_scoped3A = tpu.sem_alloc : memref<!tpu.dma_semaphore, #tpu.memory_space<semaphore_mem>>
        %dma_start3A_39 = tpu.memref_slice %arg12[%mul3A_34] : memref<10000xi32, #tpu.memory_space<hbm>> -> memref<80xi32, #tpu.memory_space<hbm>>
        %dma_start3A_40 = tpu.memref_slice %arg12[%mul3A_34] : memref<10000xi32, #tpu.memory_space<hbm>> -> memref<80xi32, #tpu.memory_space<hbm>>
        tpu.enqueue_dma source(%dma_start3A_40 : memref<80xi32, #tpu.memory_space<hbm>>) target(%arg27 : memref<80xi32, #tpu.memory_space<vmem>>) target_semaphore(%run_scoped3A : memref<!tpu.dma_semaphore, #tpu.memory_space<semaphore_mem>>)
        %dma_wait3A_41 = tpu.memref_slice %arg12[%mul3A_34] : memref<10000xi32, #tpu.memory_space<hbm>> -> memref<80xi32, #tpu.memory_space<hbm>>
        %dma_wait3A_42 = tpu.memref_slice %arg12[%mul3A_34] : memref<10000xi32, #tpu.memory_space<hbm>> -> memref<80xi32, #tpu.memory_space<hbm>>
        tpu.wait_dma2 semaphore(%run_scoped3A : memref<!tpu.dma_semaphore, #tpu.memory_space<semaphore_mem>>) src(%dma_wait3A_42 : memref<80xi32, #tpu.memory_space<hbm>>) dst(%arg27 : memref<80xi32, #tpu.memory_space<vmem>>)
        tpu.yield
      }) : () -> ()
      %dma_start3A = arith.constant 0 : i32
      %dma_start3A_35 = arith.constant 0 : i32
      %dma_start3A_36 = tpu.memref_slice %arg13[%dma_start3A, %dma_start3A_35] : memref<100x128xf32, #tpu.memory_space<hbm>> -> memref<100x128xf32, #tpu.memory_space<hbm>>
      tpu.enqueue_indirect_dma source(%dma_start3A_36 : memref<100x128xf32, #tpu.memory_space<hbm>>) target(%arg28 : memref<80x128xf32, #tpu.memory_space<vmem>>) offsets(%arg27 : memref<80xi32, #tpu.memory_space<vmem>>) semaphore(%arg29 : memref<!tpu.dma_semaphore, #tpu.memory_space<semaphore_mem>>)
      %dma_wait3A = arith.constant 0 : i32
      %dma_wait3A_37 = arith.constant 0 : i32
      %dma_wait3A_38 = tpu.memref_slice %arg13[%dma_wait3A, %dma_wait3A_37] : memref<100x128xf32, #tpu.memory_space<hbm>> -> memref<100x128xf32, #tpu.memory_space<hbm>>
      tpu.wait_indirect_dma semaphore(%arg29 : memref<!tpu.dma_semaphore, #tpu.memory_space<semaphore_mem>>) src(%dma_wait3A_38 : memref<100x128xf32, #tpu.memory_space<hbm>>) dst(%arg28 : memref<80x128xf32, #tpu.memory_space<vmem>>)
      "tpu.region"() ({
        %run_scoped3A = tpu.sem_alloc : memref<!tpu.dma_semaphore, #tpu.memory_space<semaphore_mem>>
        %dma_start3A_39 = arith.constant 0 : i32
        %dma_start3A_40 = tpu.memref_slice %arg15[%mul3A_34, %dma_start3A_39] : memref<10000x128xf32, #tpu.memory_space<hbm>> -> memref<80x128xf32, #tpu.memory_space<hbm>>
        %dma_start3A_41 = arith.constant 0 : i32
        %dma_start3A_42 = tpu.memref_slice %arg15[%mul3A_34, %dma_start3A_41] : memref<10000x128xf32, #tpu.memory_space<hbm>> -> memref<80x128xf32, #tpu.memory_space<hbm>>
        tpu.enqueue_dma source(%arg28 : memref<80x128xf32, #tpu.memory_space<vmem>>) target(%dma_start3A_42 : memref<80x128xf32, #tpu.memory_space<hbm>>) target_semaphore(%run_scoped3A : memref<!tpu.dma_semaphore, #tpu.memory_space<semaphore_mem>>)
        %dma_wait3A_43 = arith.constant 0 : i32
        %dma_wait3A_44 = tpu.memref_slice %arg15[%mul3A_34, %dma_wait3A_43] : memref<10000x128xf32, #tpu.memory_space<hbm>> -> memref<80x128xf32, #tpu.memory_space<hbm>>
        %dma_wait3A_45 = arith.constant 0 : i32
        %dma_wait3A_46 = tpu.memref_slice %arg15[%mul3A_34, %dma_wait3A_45] : memref<10000x128xf32, #tpu.memory_space<hbm>> -> memref<80x128xf32, #tpu.memory_space<hbm>>
        tpu.wait_dma2 semaphore(%run_scoped3A : memref<!tpu.dma_semaphore, #tpu.memory_space<semaphore_mem>>) src(%arg28 : memref<80x128xf32, #tpu.memory_space<vmem>>) dst(%dma_wait3A_46 : memref<80x128xf32, #tpu.memory_space<hbm>>)
        tpu.yield
      }) : () -> ()
    } else {
    }
    %add3A_26 = arith.constant 96 : i32
    %add3A_27 = arith.addi %add3A, %add3A_26 : i32
    %lt3A_28 = arith.constant 125 : i32
    %lt3A_29 = arith.cmpi slt, %add3A_27, %lt3A_28 : i32
    %convert_element_type3A_30 = arith.extui %lt3A_29 : i1 to i32
    %cond3A_31 = arith.constant 0 : i32
    %cond3A_32 = arith.cmpi ne, %convert_element_type3A_30, %cond3A_31 : i32
    scf.if %cond3A_32 {
      %mul3A_33 = arith.constant 80 : i32
      %mul3A_34 = arith.muli %add3A_27, %mul3A_33 : i32
      "tpu.region"() ({
        %run_scoped3A = tpu.sem_alloc : memref<!tpu.dma_semaphore, #tpu.memory_space<semaphore_mem>>
        %dma_start3A_39 = tpu.memref_slice %arg12[%mul3A_34] : memref<10000xi32, #tpu.memory_space<hbm>> -> memref<80xi32, #tpu.memory_space<hbm>>
        %dma_start3A_40 = tpu.memref_slice %arg12[%mul3A_34] : memref<10000xi32, #tpu.memory_space<hbm>> -> memref<80xi32, #tpu.memory_space<hbm>>
        tpu.enqueue_dma source(%dma_start3A_40 : memref<80xi32, #tpu.memory_space<hbm>>) target(%arg27 : memref<80xi32, #tpu.memory_space<vmem>>) target_semaphore(%run_scoped3A : memref<!tpu.dma_semaphore, #tpu.memory_space<semaphore_mem>>)
        %dma_wait3A_41 = tpu.memref_slice %arg12[%mul3A_34] : memref<10000xi32, #tpu.memory_space<hbm>> -> memref<80xi32, #tpu.memory_space<hbm>>
        %dma_wait3A_42 = tpu.memref_slice %arg12[%mul3A_34] : memref<10000xi32, #tpu.memory_space<hbm>> -> memref<80xi32, #tpu.memory_space<hbm>>
        tpu.wait_dma2 semaphore(%run_scoped3A : memref<!tpu.dma_semaphore, #tpu.memory_space<semaphore_mem>>) src(%dma_wait3A_42 : memref<80xi32, #tpu.memory_space<hbm>>) dst(%arg27 : memref<80xi32, #tpu.memory_space<vmem>>)
        tpu.yield
      }) : () -> ()
      %dma_start3A = arith.constant 0 : i32
      %dma_start3A_35 = arith.constant 0 : i32
      %dma_start3A_36 = tpu.memref_slice %arg13[%dma_start3A, %dma_start3A_35] : memref<100x128xf32, #tpu.memory_space<hbm>> -> memref<100x128xf32, #tpu.memory_space<hbm>>
      tpu.enqueue_indirect_dma source(%dma_start3A_36 : memref<100x128xf32, #tpu.memory_space<hbm>>) target(%arg28 : memref<80x128xf32, #tpu.memory_space<vmem>>) offsets(%arg27 : memref<80xi32, #tpu.memory_space<vmem>>) semaphore(%arg29 : memref<!tpu.dma_semaphore, #tpu.memory_space<semaphore_mem>>)
      %dma_wait3A = arith.constant 0 : i32
      %dma_wait3A_37 = arith.constant 0 : i32
      %dma_wait3A_38 = tpu.memref_slice %arg13[%dma_wait3A, %dma_wait3A_37] : memref<100x128xf32, #tpu.memory_space<hbm>> -> memref<100x128xf32, #tpu.memory_space<hbm>>
      tpu.wait_indirect_dma semaphore(%arg29 : memref<!tpu.dma_semaphore, #tpu.memory_space<semaphore_mem>>) src(%dma_wait3A_38 : memref<100x128xf32, #tpu.memory_space<hbm>>) dst(%arg28 : memref<80x128xf32, #tpu.memory_space<vmem>>)
      "tpu.region"() ({
        %run_scoped3A = tpu.sem_alloc : memref<!tpu.dma_semaphore, #tpu.memory_space<semaphore_mem>>
        %dma_start3A_39 = arith.constant 0 : i32
        %dma_start3A_40 = tpu.memref_slice %arg15[%mul3A_34, %dma_start3A_39] : memref<10000x128xf32, #tpu.memory_space<hbm>> -> memref<80x128xf32, #tpu.memory_space<hbm>>
        %dma_start3A_41 = arith.constant 0 : i32
        %dma_start3A_42 = tpu.memref_slice %arg15[%mul3A_34, %dma_start3A_41] : memref<10000x128xf32, #tpu.memory_space<hbm>> -> memref<80x128xf32, #tpu.memory_space<hbm>>
        tpu.enqueue_dma source(%arg28 : memref<80x128xf32, #tpu.memory_space<vmem>>) target(%dma_start3A_42 : memref<80x128xf32, #tpu.memory_space<hbm>>) target_semaphore(%run_scoped3A : memref<!tpu.dma_semaphore, #tpu.memory_space<semaphore_mem>>)
        %dma_wait3A_43 = arith.constant 0 : i32
        %dma_wait3A_44 = tpu.memref_slice %arg15[%mul3A_34, %dma_wait3A_43] : memref<10000x128xf32, #tpu.memory_space<hbm>> -> memref<80x128xf32, #tpu.memory_space<hbm>>
        %dma_wait3A_45 = arith.constant 0 : i32
        %dma_wait3A_46 = tpu.memref_slice %arg15[%mul3A_34, %dma_wait3A_45] : memref<10000x128xf32, #tpu.memory_space<hbm>> -> memref<80x128xf32, #tpu.memory_space<hbm>>
        tpu.wait_dma2 semaphore(%run_scoped3A : memref<!tpu.dma_semaphore, #tpu.memory_space<semaphore_mem>>) src(%arg28 : memref<80x128xf32, #tpu.memory_space<vmem>>) dst(%dma_wait3A_46 : memref<80x128xf32, #tpu.memory_space<hbm>>)
        tpu.yield
      }) : () -> ()
    } else {
    }
    return
  }
}

#map = affine_map<(d0, d1) -> (0, 0)>
#map1 = affine_map<(d0, d1) -> (0)>
#map2 = affine_map<(d0, d1) -> (0, 0, 0)>
module attributes {stable_mosaic.version = 14 : i64} {
  func.func @mp(%arg0: i32, %arg1: i32, %arg2: memref<10000x128xf32, #tpu.memory_space<hbm>>, %arg3: memref<320000x128xf32, #tpu.memory_space<hbm>>, %arg4: memref<320000xi32, #tpu.memory_space<hbm>>, %arg5: memref<320000xi32, #tpu.memory_space<hbm>>, %arg6: memref<2x10000x128xf32, #tpu.memory_space<hbm>>, %arg7: memref<10000x128xf32, #tpu.memory_space<vmem_shared>>, %arg8: memref<80xi32, #tpu.memory_space<vmem>>, %arg9: memref<80xi32, #tpu.memory_space<vmem>>, %arg10: memref<80x128xf32, #tpu.memory_space<vmem>>, %arg11: memref<80x128xf32, #tpu.memory_space<vmem>>, %arg12: memref<200x128xf32, #tpu.memory_space<vmem>>, %arg13: memref<!tpu.dma_semaphore, #tpu.memory_space<semaphore_mem>>) attributes {dimension_semantics = [#tpu.dimension_semantics<core_parallel>, #tpu.dimension_semantics<subcore_parallel>], iteration_bounds = array<i64: 2, 16>, scalar_prefetch = 0 : i64, scratch_operands = 7 : i64, tpu.core_type = #tpu.core_type<sc_vector_subcore>, window_params = [{transform_indices = #map}, {transform_indices = #map}, {transform_indices = #map1}, {transform_indices = #map1}, {transform_indices = #map2}]} {
    %mul3A = arith.constant 2 : i32
    %mul3A_0 = arith.muli %arg1, %mul3A : i32
    %add3A = arith.addi %mul3A_0, %arg0 : i32
    %scan3A = arith.constant 0 : i32
    %scan3A_1 = arith.constant 0 : i32
    %scan3A_2 = arith.constant 200 : i32
    %scan3A_3 = arith.addi %scan3A_1, %scan3A_2 : i32
    %scan3A_4 = arith.constant 1 : i32
    scf.for %scan3A_68 = %scan3A_1 to %scan3A_3 step %scan3A_4  : i32 {
      %broadcast_in_dim3A = arith.constant 0.000000e+00 : f32
      %broadcast_in_dim3A_69 = vector.broadcast %broadcast_in_dim3A : f32 to vector<16xf32>
      %swap3A = arith.index_cast %scan3A_68 : i32 to index
      %swap3A_70 = arith.constant 0 : index
      %swap3A_71 = tpu.vector_load %arg12[%swap3A, %swap3A_70] {strides = array<i32>} : memref<200x128xf32, #tpu.memory_space<vmem>>, vector<16xf32>,
      tpu.vector_store %arg12[%swap3A, %swap3A_70], %broadcast_in_dim3A_69 {strides = array<i32>} : memref<200x128xf32, #tpu.memory_space<vmem>>, vector<16xf32>,
      %broadcast_in_dim3A_72 = arith.constant 0.000000e+00 : f32
      %broadcast_in_dim3A_73 = vector.broadcast %broadcast_in_dim3A_72 : f32 to vector<16xf32>
      %swap3A_74 = arith.index_cast %scan3A_68 : i32 to index
      %swap3A_75 = arith.constant 16 : index
      %swap3A_76 = tpu.vector_load %arg12[%swap3A_74, %swap3A_75] {strides = array<i32>} : memref<200x128xf32, #tpu.memory_space<vmem>>, vector<16xf32>,
      tpu.vector_store %arg12[%swap3A_74, %swap3A_75], %broadcast_in_dim3A_73 {strides = array<i32>} : memref<200x128xf32, #tpu.memory_space<vmem>>, vector<16xf32>,
      %broadcast_in_dim3A_77 = arith.constant 0.000000e+00 : f32
      %broadcast_in_dim3A_78 = vector.broadcast %broadcast_in_dim3A_77 : f32 to vector<16xf32>
      %swap3A_79 = arith.index_cast %scan3A_68 : i32 to index
      %swap3A_80 = arith.constant 32 : index
      %swap3A_81 = tpu.vector_load %arg12[%swap3A_79, %swap3A_80] {strides = array<i32>} : memref<200x128xf32, #tpu.memory_space<vmem>>, vector<16xf32>,
      tpu.vector_store %arg12[%swap3A_79, %swap3A_80], %broadcast_in_dim3A_78 {strides = array<i32>} : memref<200x128xf32, #tpu.memory_space<vmem>>, vector<16xf32>,
      %broadcast_in_dim3A_82 = arith.constant 0.000000e+00 : f32
      %broadcast_in_dim3A_83 = vector.broadcast %broadcast_in_dim3A_82 : f32 to vector<16xf32>
      %swap3A_84 = arith.index_cast %scan3A_68 : i32 to index
      %swap3A_85 = arith.constant 48 : index
      %swap3A_86 = tpu.vector_load %arg12[%swap3A_84, %swap3A_85] {strides = array<i32>} : memref<200x128xf32, #tpu.memory_space<vmem>>, vector<16xf32>,
      tpu.vector_store %arg12[%swap3A_84, %swap3A_85], %broadcast_in_dim3A_83 {strides = array<i32>} : memref<200x128xf32, #tpu.memory_space<vmem>>, vector<16xf32>,
      %broadcast_in_dim3A_87 = arith.constant 0.000000e+00 : f32
      %broadcast_in_dim3A_88 = vector.broadcast %broadcast_in_dim3A_87 : f32 to vector<16xf32>
      %swap3A_89 = arith.index_cast %scan3A_68 : i32 to index
      %swap3A_90 = arith.constant 64 : index
      %swap3A_91 = tpu.vector_load %arg12[%swap3A_89, %swap3A_90] {strides = array<i32>} : memref<200x128xf32, #tpu.memory_space<vmem>>, vector<16xf32>,
      tpu.vector_store %arg12[%swap3A_89, %swap3A_90], %broadcast_in_dim3A_88 {strides = array<i32>} : memref<200x128xf32, #tpu.memory_space<vmem>>, vector<16xf32>,
      %broadcast_in_dim3A_92 = arith.constant 0.000000e+00 : f32
      %broadcast_in_dim3A_93 = vector.broadcast %broadcast_in_dim3A_92 : f32 to vector<16xf32>
      %swap3A_94 = arith.index_cast %scan3A_68 : i32 to index
      %swap3A_95 = arith.constant 80 : index
      %swap3A_96 = tpu.vector_load %arg12[%swap3A_94, %swap3A_95] {strides = array<i32>} : memref<200x128xf32, #tpu.memory_space<vmem>>, vector<16xf32>,
      tpu.vector_store %arg12[%swap3A_94, %swap3A_95], %broadcast_in_dim3A_93 {strides = array<i32>} : memref<200x128xf32, #tpu.memory_space<vmem>>, vector<16xf32>,
      %broadcast_in_dim3A_97 = arith.constant 0.000000e+00 : f32
      %broadcast_in_dim3A_98 = vector.broadcast %broadcast_in_dim3A_97 : f32 to vector<16xf32>
      %swap3A_99 = arith.index_cast %scan3A_68 : i32 to index
      %swap3A_100 = arith.constant 96 : index
      %swap3A_101 = tpu.vector_load %arg12[%swap3A_99, %swap3A_100] {strides = array<i32>} : memref<200x128xf32, #tpu.memory_space<vmem>>, vector<16xf32>,
      tpu.vector_store %arg12[%swap3A_99, %swap3A_100], %broadcast_in_dim3A_98 {strides = array<i32>} : memref<200x128xf32, #tpu.memory_space<vmem>>, vector<16xf32>,
      %broadcast_in_dim3A_102 = arith.constant 0.000000e+00 : f32
      %broadcast_in_dim3A_103 = vector.broadcast %broadcast_in_dim3A_102 : f32 to vector<16xf32>
      %swap3A_104 = arith.index_cast %scan3A_68 : i32 to index
      %swap3A_105 = arith.constant 112 : index
      %swap3A_106 = tpu.vector_load %arg12[%swap3A_104, %swap3A_105] {strides = array<i32>} : memref<200x128xf32, #tpu.memory_space<vmem>>, vector<16xf32>,
      tpu.vector_store %arg12[%swap3A_104, %swap3A_105], %broadcast_in_dim3A_103 {strides = array<i32>} : memref<200x128xf32, #tpu.memory_space<vmem>>, vector<16xf32>,
    }
    %scan3A_5 = arith.constant 200 : i32
    %add3A_6 = arith.constant 0 : i32
    %add3A_7 = arith.addi %arg1, %add3A_6 : i32
    %lt3A = arith.constant 50 : i32
    %lt3A_8 = arith.cmpi slt, %add3A_7, %lt3A : i32
    %convert_element_type3A = arith.extui %lt3A_8 : i1 to i32
    %cond3A = arith.constant 0 : i32
    %cond3A_9 = arith.cmpi ne, %convert_element_type3A, %cond3A : i32
    scf.if %cond3A_9 {
      %mul3A_68 = arith.constant 200 : i32
      %mul3A_69 = arith.muli %add3A_7, %mul3A_68 : i32
      "tpu.region"() ({
        %run_scoped3A = tpu.sem_alloc : memref<!tpu.dma_semaphore, #tpu.memory_space<semaphore_mem>>
        %dma_start3A = arith.constant 0 : i32
        %dma_start3A_70 = tpu.memref_slice %arg7[%mul3A_69, %dma_start3A] : memref<10000x128xf32, #tpu.memory_space<vmem_shared>> -> memref<200x128xf32, #tpu.memory_space<vmem_shared>>
        %dma_start3A_71 = arith.constant 0 : i32
        %dma_start3A_72 = tpu.memref_slice %arg7[%mul3A_69, %dma_start3A_71] : memref<10000x128xf32, #tpu.memory_space<vmem_shared>> -> memref<200x128xf32, #tpu.memory_space<vmem_shared>>
        tpu.enqueue_dma source(%arg12 : memref<200x128xf32, #tpu.memory_space<vmem>>) target(%dma_start3A_72 : memref<200x128xf32, #tpu.memory_space<vmem_shared>>) target_semaphore(%run_scoped3A : memref<!tpu.dma_semaphore, #tpu.memory_space<semaphore_mem>>)
        %dma_wait3A = arith.constant 0 : i32
        %dma_wait3A_73 = tpu.memref_slice %arg7[%mul3A_69, %dma_wait3A] : memref<10000x128xf32, #tpu.memory_space<vmem_shared>> -> memref<200x128xf32, #tpu.memory_space<vmem_shared>>
        %dma_wait3A_74 = arith.constant 0 : i32
        %dma_wait3A_75 = tpu.memref_slice %arg7[%mul3A_69, %dma_wait3A_74] : memref<10000x128xf32, #tpu.memory_space<vmem_shared>> -> memref<200x128xf32, #tpu.memory_space<vmem_shared>>
        tpu.wait_dma2 semaphore(%run_scoped3A : memref<!tpu.dma_semaphore, #tpu.memory_space<semaphore_mem>>) src(%arg12 : memref<200x128xf32, #tpu.memory_space<vmem>>) dst(%dma_wait3A_75 : memref<200x128xf32, #tpu.memory_space<vmem_shared>>)
        tpu.yield
      }) : () -> ()
    } else {
    }
    %add3A_10 = arith.constant 16 : i32
    %add3A_11 = arith.addi %arg1, %add3A_10 : i32
    %lt3A_12 = arith.constant 50 : i32
    %lt3A_13 = arith.cmpi slt, %add3A_11, %lt3A_12 : i32
    %convert_element_type3A_14 = arith.extui %lt3A_13 : i1 to i32
    %cond3A_15 = arith.constant 0 : i32
    %cond3A_16 = arith.cmpi ne, %convert_element_type3A_14, %cond3A_15 : i32
    scf.if %cond3A_16 {
      %mul3A_68 = arith.constant 200 : i32
      %mul3A_69 = arith.muli %add3A_11, %mul3A_68 : i32
      "tpu.region"() ({
        %run_scoped3A = tpu.sem_alloc : memref<!tpu.dma_semaphore, #tpu.memory_space<semaphore_mem>>
        %dma_start3A = arith.constant 0 : i32
        %dma_start3A_70 = tpu.memref_slice %arg7[%mul3A_69, %dma_start3A] : memref<10000x128xf32, #tpu.memory_space<vmem_shared>> -> memref<200x128xf32, #tpu.memory_space<vmem_shared>>
        %dma_start3A_71 = arith.constant 0 : i32
        %dma_start3A_72 = tpu.memref_slice %arg7[%mul3A_69, %dma_start3A_71] : memref<10000x128xf32, #tpu.memory_space<vmem_shared>> -> memref<200x128xf32, #tpu.memory_space<vmem_shared>>
        tpu.enqueue_dma source(%arg12 : memref<200x128xf32, #tpu.memory_space<vmem>>) target(%dma_start3A_72 : memref<200x128xf32, #tpu.memory_space<vmem_shared>>) target_semaphore(%run_scoped3A : memref<!tpu.dma_semaphore, #tpu.memory_space<semaphore_mem>>)
        %dma_wait3A = arith.constant 0 : i32
        %dma_wait3A_73 = tpu.memref_slice %arg7[%mul3A_69, %dma_wait3A] : memref<10000x128xf32, #tpu.memory_space<vmem_shared>> -> memref<200x128xf32, #tpu.memory_space<vmem_shared>>
        %dma_wait3A_74 = arith.constant 0 : i32
        %dma_wait3A_75 = tpu.memref_slice %arg7[%mul3A_69, %dma_wait3A_74] : memref<10000x128xf32, #tpu.memory_space<vmem_shared>> -> memref<200x128xf32, #tpu.memory_space<vmem_shared>>
        tpu.wait_dma2 semaphore(%run_scoped3A : memref<!tpu.dma_semaphore, #tpu.memory_space<semaphore_mem>>) src(%arg12 : memref<200x128xf32, #tpu.memory_space<vmem>>) dst(%dma_wait3A_75 : memref<200x128xf32, #tpu.memory_space<vmem_shared>>)
        tpu.yield
      }) : () -> ()
    } else {
    }
    %add3A_17 = arith.constant 32 : i32
    %add3A_18 = arith.addi %arg1, %add3A_17 : i32
    %lt3A_19 = arith.constant 50 : i32
    %lt3A_20 = arith.cmpi slt, %add3A_18, %lt3A_19 : i32
    %convert_element_type3A_21 = arith.extui %lt3A_20 : i1 to i32
    %cond3A_22 = arith.constant 0 : i32
    %cond3A_23 = arith.cmpi ne, %convert_element_type3A_21, %cond3A_22 : i32
    scf.if %cond3A_23 {
      %mul3A_68 = arith.constant 200 : i32
      %mul3A_69 = arith.muli %add3A_18, %mul3A_68 : i32
      "tpu.region"() ({
        %run_scoped3A = tpu.sem_alloc : memref<!tpu.dma_semaphore, #tpu.memory_space<semaphore_mem>>
        %dma_start3A = arith.constant 0 : i32
        %dma_start3A_70 = tpu.memref_slice %arg7[%mul3A_69, %dma_start3A] : memref<10000x128xf32, #tpu.memory_space<vmem_shared>> -> memref<200x128xf32, #tpu.memory_space<vmem_shared>>
        %dma_start3A_71 = arith.constant 0 : i32
        %dma_start3A_72 = tpu.memref_slice %arg7[%mul3A_69, %dma_start3A_71] : memref<10000x128xf32, #tpu.memory_space<vmem_shared>> -> memref<200x128xf32, #tpu.memory_space<vmem_shared>>
        tpu.enqueue_dma source(%arg12 : memref<200x128xf32, #tpu.memory_space<vmem>>) target(%dma_start3A_72 : memref<200x128xf32, #tpu.memory_space<vmem_shared>>) target_semaphore(%run_scoped3A : memref<!tpu.dma_semaphore, #tpu.memory_space<semaphore_mem>>)
        %dma_wait3A = arith.constant 0 : i32
        %dma_wait3A_73 = tpu.memref_slice %arg7[%mul3A_69, %dma_wait3A] : memref<10000x128xf32, #tpu.memory_space<vmem_shared>> -> memref<200x128xf32, #tpu.memory_space<vmem_shared>>
        %dma_wait3A_74 = arith.constant 0 : i32
        %dma_wait3A_75 = tpu.memref_slice %arg7[%mul3A_69, %dma_wait3A_74] : memref<10000x128xf32, #tpu.memory_space<vmem_shared>> -> memref<200x128xf32, #tpu.memory_space<vmem_shared>>
        tpu.wait_dma2 semaphore(%run_scoped3A : memref<!tpu.dma_semaphore, #tpu.memory_space<semaphore_mem>>) src(%arg12 : memref<200x128xf32, #tpu.memory_space<vmem>>) dst(%dma_wait3A_75 : memref<200x128xf32, #tpu.memory_space<vmem_shared>>)
        tpu.yield
      }) : () -> ()
    } else {
    }
    %add3A_24 = arith.constant 48 : i32
    %add3A_25 = arith.addi %arg1, %add3A_24 : i32
    %lt3A_26 = arith.constant 50 : i32
    %lt3A_27 = arith.cmpi slt, %add3A_25, %lt3A_26 : i32
    %convert_element_type3A_28 = arith.extui %lt3A_27 : i1 to i32
    %cond3A_29 = arith.constant 0 : i32
    %cond3A_30 = arith.cmpi ne, %convert_element_type3A_28, %cond3A_29 : i32
    scf.if %cond3A_30 {
      %mul3A_68 = arith.constant 200 : i32
      %mul3A_69 = arith.muli %add3A_25, %mul3A_68 : i32
      "tpu.region"() ({
        %run_scoped3A = tpu.sem_alloc : memref<!tpu.dma_semaphore, #tpu.memory_space<semaphore_mem>>
        %dma_start3A = arith.constant 0 : i32
        %dma_start3A_70 = tpu.memref_slice %arg7[%mul3A_69, %dma_start3A] : memref<10000x128xf32, #tpu.memory_space<vmem_shared>> -> memref<200x128xf32, #tpu.memory_space<vmem_shared>>
        %dma_start3A_71 = arith.constant 0 : i32
        %dma_start3A_72 = tpu.memref_slice %arg7[%mul3A_69, %dma_start3A_71] : memref<10000x128xf32, #tpu.memory_space<vmem_shared>> -> memref<200x128xf32, #tpu.memory_space<vmem_shared>>
        tpu.enqueue_dma source(%arg12 : memref<200x128xf32, #tpu.memory_space<vmem>>) target(%dma_start3A_72 : memref<200x128xf32, #tpu.memory_space<vmem_shared>>) target_semaphore(%run_scoped3A : memref<!tpu.dma_semaphore, #tpu.memory_space<semaphore_mem>>)
        %dma_wait3A = arith.constant 0 : i32
        %dma_wait3A_73 = tpu.memref_slice %arg7[%mul3A_69, %dma_wait3A] : memref<10000x128xf32, #tpu.memory_space<vmem_shared>> -> memref<200x128xf32, #tpu.memory_space<vmem_shared>>
        %dma_wait3A_74 = arith.constant 0 : i32
        %dma_wait3A_75 = tpu.memref_slice %arg7[%mul3A_69, %dma_wait3A_74] : memref<10000x128xf32, #tpu.memory_space<vmem_shared>> -> memref<200x128xf32, #tpu.memory_space<vmem_shared>>
        tpu.wait_dma2 semaphore(%run_scoped3A : memref<!tpu.dma_semaphore, #tpu.memory_space<semaphore_mem>>) src(%arg12 : memref<200x128xf32, #tpu.memory_space<vmem>>) dst(%dma_wait3A_75 : memref<200x128xf32, #tpu.memory_space<vmem_shared>>)
        tpu.yield
      }) : () -> ()
    } else {
    }
    %barrier3A = arith.constant 0 : index
    tpu.barrier barrier_id(%barrier3A)
    %mul3A_31 = arith.constant 10000 : i32
    %mul3A_32 = arith.muli %add3A, %mul3A_31 : i32
    %scan3A_33 = arith.constant 0 : i32
    %scan3A_34 = arith.constant 0 : i32
    %scan3A_35 = arith.constant 125 : i32
    %scan3A_36 = arith.addi %scan3A_34, %scan3A_35 : i32
    %scan3A_37 = arith.constant 1 : i32
    scf.for %scan3A_68 = %scan3A_34 to %scan3A_36 step %scan3A_37  : i32 {
      %mul3A_69 = arith.constant 80 : i32
      %mul3A_70 = arith.muli %scan3A_68, %mul3A_69 : i32
      %add3A_71 = arith.addi %mul3A_32, %mul3A_70 : i32
      "tpu.region"() ({
        %run_scoped3A = tpu.sem_alloc : memref<!tpu.dma_semaphore, #tpu.memory_space<semaphore_mem>>
        %dma_start3A_82 = tpu.memref_slice %arg4[%add3A_71] : memref<320000xi32, #tpu.memory_space<hbm>> -> memref<80xi32, #tpu.memory_space<hbm>>
        %dma_start3A_83 = tpu.memref_slice %arg4[%add3A_71] : memref<320000xi32, #tpu.memory_space<hbm>> -> memref<80xi32, #tpu.memory_space<hbm>>
        tpu.enqueue_dma source(%dma_start3A_83 : memref<80xi32, #tpu.memory_space<hbm>>) target(%arg8 : memref<80xi32, #tpu.memory_space<vmem>>) target_semaphore(%run_scoped3A : memref<!tpu.dma_semaphore, #tpu.memory_space<semaphore_mem>>)
        %dma_wait3A_84 = tpu.memref_slice %arg4[%add3A_71] : memref<320000xi32, #tpu.memory_space<hbm>> -> memref<80xi32, #tpu.memory_space<hbm>>
        %dma_wait3A_85 = tpu.memref_slice %arg4[%add3A_71] : memref<320000xi32, #tpu.memory_space<hbm>> -> memref<80xi32, #tpu.memory_space<hbm>>
        tpu.wait_dma2 semaphore(%run_scoped3A : memref<!tpu.dma_semaphore, #tpu.memory_space<semaphore_mem>>) src(%dma_wait3A_85 : memref<80xi32, #tpu.memory_space<hbm>>) dst(%arg8 : memref<80xi32, #tpu.memory_space<vmem>>)
        tpu.yield
      }) : () -> ()
      "tpu.region"() ({
        %run_scoped3A = tpu.sem_alloc : memref<!tpu.dma_semaphore, #tpu.memory_space<semaphore_mem>>
        %dma_start3A_82 = tpu.memref_slice %arg5[%add3A_71] : memref<320000xi32, #tpu.memory_space<hbm>> -> memref<80xi32, #tpu.memory_space<hbm>>
        %dma_start3A_83 = tpu.memref_slice %arg5[%add3A_71] : memref<320000xi32, #tpu.memory_space<hbm>> -> memref<80xi32, #tpu.memory_space<hbm>>
        tpu.enqueue_dma source(%dma_start3A_83 : memref<80xi32, #tpu.memory_space<hbm>>) target(%arg9 : memref<80xi32, #tpu.memory_space<vmem>>) target_semaphore(%run_scoped3A : memref<!tpu.dma_semaphore, #tpu.memory_space<semaphore_mem>>)
        %dma_wait3A_84 = tpu.memref_slice %arg5[%add3A_71] : memref<320000xi32, #tpu.memory_space<hbm>> -> memref<80xi32, #tpu.memory_space<hbm>>
        %dma_wait3A_85 = tpu.memref_slice %arg5[%add3A_71] : memref<320000xi32, #tpu.memory_space<hbm>> -> memref<80xi32, #tpu.memory_space<hbm>>
        tpu.wait_dma2 semaphore(%run_scoped3A : memref<!tpu.dma_semaphore, #tpu.memory_space<semaphore_mem>>) src(%dma_wait3A_85 : memref<80xi32, #tpu.memory_space<hbm>>) dst(%arg9 : memref<80xi32, #tpu.memory_space<vmem>>)
        tpu.yield
      }) : () -> ()
      "tpu.region"() ({
        %run_scoped3A = tpu.sem_alloc : memref<!tpu.dma_semaphore, #tpu.memory_space<semaphore_mem>>
        %dma_start3A_82 = arith.constant 0 : i32
        %dma_start3A_83 = tpu.memref_slice %arg3[%add3A_71, %dma_start3A_82] : memref<320000x128xf32, #tpu.memory_space<hbm>> -> memref<80x128xf32, #tpu.memory_space<hbm>>
        %dma_start3A_84 = arith.constant 0 : i32
        %dma_start3A_85 = tpu.memref_slice %arg3[%add3A_71, %dma_start3A_84] : memref<320000x128xf32, #tpu.memory_space<hbm>> -> memref<80x128xf32, #tpu.memory_space<hbm>>
        tpu.enqueue_dma source(%dma_start3A_85 : memref<80x128xf32, #tpu.memory_space<hbm>>) target(%arg11 : memref<80x128xf32, #tpu.memory_space<vmem>>) target_semaphore(%run_scoped3A : memref<!tpu.dma_semaphore, #tpu.memory_space<semaphore_mem>>)
        %dma_wait3A_86 = arith.constant 0 : i32
        %dma_wait3A_87 = tpu.memref_slice %arg3[%add3A_71, %dma_wait3A_86] : memref<320000x128xf32, #tpu.memory_space<hbm>> -> memref<80x128xf32, #tpu.memory_space<hbm>>
        %dma_wait3A_88 = arith.constant 0 : i32
        %dma_wait3A_89 = tpu.memref_slice %arg3[%add3A_71, %dma_wait3A_88] : memref<320000x128xf32, #tpu.memory_space<hbm>> -> memref<80x128xf32, #tpu.memory_space<hbm>>
        tpu.wait_dma2 semaphore(%run_scoped3A : memref<!tpu.dma_semaphore, #tpu.memory_space<semaphore_mem>>) src(%dma_wait3A_89 : memref<80x128xf32, #tpu.memory_space<hbm>>) dst(%arg11 : memref<80x128xf32, #tpu.memory_space<vmem>>)
        tpu.yield
      }) : () -> ()
      %dma_start3A = arith.constant 0 : i32
      %dma_start3A_72 = arith.constant 0 : i32
      %dma_start3A_73 = tpu.memref_slice %arg2[%dma_start3A, %dma_start3A_72] : memref<10000x128xf32, #tpu.memory_space<hbm>> -> memref<10000x128xf32, #tpu.memory_space<hbm>>
      tpu.enqueue_indirect_dma source(%dma_start3A_73 : memref<10000x128xf32, #tpu.memory_space<hbm>>) target(%arg10 : memref<80x128xf32, #tpu.memory_space<vmem>>) offsets(%arg8 : memref<80xi32, #tpu.memory_space<vmem>>) semaphore(%arg13 : memref<!tpu.dma_semaphore, #tpu.memory_space<semaphore_mem>>)
      %dma_wait3A = arith.constant 0 : i32
      %dma_wait3A_74 = arith.constant 0 : i32
      %dma_wait3A_75 = tpu.memref_slice %arg2[%dma_wait3A, %dma_wait3A_74] : memref<10000x128xf32, #tpu.memory_space<hbm>> -> memref<10000x128xf32, #tpu.memory_space<hbm>>
      tpu.wait_indirect_dma semaphore(%arg13 : memref<!tpu.dma_semaphore, #tpu.memory_space<semaphore_mem>>) src(%dma_wait3A_75 : memref<10000x128xf32, #tpu.memory_space<hbm>>) dst(%arg10 : memref<80x128xf32, #tpu.memory_space<vmem>>)
      %scan3A_76 = arith.constant 0 : i32
      %scan3A_77 = arith.constant 0 : i32
      %scan3A_78 = arith.constant 80 : i32
      %scan3A_79 = arith.addi %scan3A_77, %scan3A_78 : i32
      %scan3A_80 = arith.constant 1 : i32
      scf.for %scan3A_82 = %scan3A_77 to %scan3A_79 step %scan3A_80  : i32 {
        %get3A = arith.index_cast %scan3A_82 : i32 to index
        %get3A_83 = arith.constant 0 : index
        %get3A_84 = tpu.vector_load %arg10[%get3A, %get3A_83] {strides = array<i32>} : memref<80x128xf32, #tpu.memory_space<vmem>>, vector<16xf32>,
        %get3A_85 = arith.index_cast %scan3A_82 : i32 to index
        %get3A_86 = arith.constant 0 : index
        %get3A_87 = tpu.vector_load %arg11[%get3A_85, %get3A_86] {strides = array<i32>} : memref<80x128xf32, #tpu.memory_space<vmem>>, vector<16xf32>,
        %mul3A_88 = arith.mulf %get3A_84, %get3A_87 : vector<16xf32>
        %swap3A = arith.index_cast %scan3A_82 : i32 to index
        %swap3A_89 = arith.constant 0 : index
        %swap3A_90 = tpu.vector_load %arg10[%swap3A, %swap3A_89] {strides = array<i32>} : memref<80x128xf32, #tpu.memory_space<vmem>>, vector<16xf32>,
        tpu.vector_store %arg10[%swap3A, %swap3A_89], %mul3A_88 {strides = array<i32>} : memref<80x128xf32, #tpu.memory_space<vmem>>, vector<16xf32>,
        %get3A_91 = arith.index_cast %scan3A_82 : i32 to index
        %get3A_92 = arith.constant 16 : index
        %get3A_93 = tpu.vector_load %arg10[%get3A_91, %get3A_92] {strides = array<i32>} : memref<80x128xf32, #tpu.memory_space<vmem>>, vector<16xf32>,
        %get3A_94 = arith.index_cast %scan3A_82 : i32 to index
        %get3A_95 = arith.constant 16 : index
        %get3A_96 = tpu.vector_load %arg11[%get3A_94, %get3A_95] {strides = array<i32>} : memref<80x128xf32, #tpu.memory_space<vmem>>, vector<16xf32>,
        %mul3A_97 = arith.mulf %get3A_93, %get3A_96 : vector<16xf32>
        %swap3A_98 = arith.index_cast %scan3A_82 : i32 to index
        %swap3A_99 = arith.constant 16 : index
        %swap3A_100 = tpu.vector_load %arg10[%swap3A_98, %swap3A_99] {strides = array<i32>} : memref<80x128xf32, #tpu.memory_space<vmem>>, vector<16xf32>,
        tpu.vector_store %arg10[%swap3A_98, %swap3A_99], %mul3A_97 {strides = array<i32>} : memref<80x128xf32, #tpu.memory_space<vmem>>, vector<16xf32>,
        %get3A_101 = arith.index_cast %scan3A_82 : i32 to index
        %get3A_102 = arith.constant 32 : index
        %get3A_103 = tpu.vector_load %arg10[%get3A_101, %get3A_102] {strides = array<i32>} : memref<80x128xf32, #tpu.memory_space<vmem>>, vector<16xf32>,
        %get3A_104 = arith.index_cast %scan3A_82 : i32 to index
        %get3A_105 = arith.constant 32 : index
        %get3A_106 = tpu.vector_load %arg11[%get3A_104, %get3A_105] {strides = array<i32>} : memref<80x128xf32, #tpu.memory_space<vmem>>, vector<16xf32>,
        %mul3A_107 = arith.mulf %get3A_103, %get3A_106 : vector<16xf32>
        %swap3A_108 = arith.index_cast %scan3A_82 : i32 to index
        %swap3A_109 = arith.constant 32 : index
        %swap3A_110 = tpu.vector_load %arg10[%swap3A_108, %swap3A_109] {strides = array<i32>} : memref<80x128xf32, #tpu.memory_space<vmem>>, vector<16xf32>,
        tpu.vector_store %arg10[%swap3A_108, %swap3A_109], %mul3A_107 {strides = array<i32>} : memref<80x128xf32, #tpu.memory_space<vmem>>, vector<16xf32>,
        %get3A_111 = arith.index_cast %scan3A_82 : i32 to index
        %get3A_112 = arith.constant 48 : index
        %get3A_113 = tpu.vector_load %arg10[%get3A_111, %get3A_112] {strides = array<i32>} : memref<80x128xf32, #tpu.memory_space<vmem>>, vector<16xf32>,
        %get3A_114 = arith.index_cast %scan3A_82 : i32 to index
        %get3A_115 = arith.constant 48 : index
        %get3A_116 = tpu.vector_load %arg11[%get3A_114, %get3A_115] {strides = array<i32>} : memref<80x128xf32, #tpu.memory_space<vmem>>, vector<16xf32>,
        %mul3A_117 = arith.mulf %get3A_113, %get3A_116 : vector<16xf32>
        %swap3A_118 = arith.index_cast %scan3A_82 : i32 to index
        %swap3A_119 = arith.constant 48 : index
        %swap3A_120 = tpu.vector_load %arg10[%swap3A_118, %swap3A_119] {strides = array<i32>} : memref<80x128xf32, #tpu.memory_space<vmem>>, vector<16xf32>,
        tpu.vector_store %arg10[%swap3A_118, %swap3A_119], %mul3A_117 {strides = array<i32>} : memref<80x128xf32, #tpu.memory_space<vmem>>, vector<16xf32>,
        %get3A_121 = arith.index_cast %scan3A_82 : i32 to index
        %get3A_122 = arith.constant 64 : index
        %get3A_123 = tpu.vector_load %arg10[%get3A_121, %get3A_122] {strides = array<i32>} : memref<80x128xf32, #tpu.memory_space<vmem>>, vector<16xf32>,
        %get3A_124 = arith.index_cast %scan3A_82 : i32 to index
        %get3A_125 = arith.constant 64 : index
        %get3A_126 = tpu.vector_load %arg11[%get3A_124, %get3A_125] {strides = array<i32>} : memref<80x128xf32, #tpu.memory_space<vmem>>, vector<16xf32>,
        %mul3A_127 = arith.mulf %get3A_123, %get3A_126 : vector<16xf32>
        %swap3A_128 = arith.index_cast %scan3A_82 : i32 to index
        %swap3A_129 = arith.constant 64 : index
        %swap3A_130 = tpu.vector_load %arg10[%swap3A_128, %swap3A_129] {strides = array<i32>} : memref<80x128xf32, #tpu.memory_space<vmem>>, vector<16xf32>,
        tpu.vector_store %arg10[%swap3A_128, %swap3A_129], %mul3A_127 {strides = array<i32>} : memref<80x128xf32, #tpu.memory_space<vmem>>, vector<16xf32>,
        %get3A_131 = arith.index_cast %scan3A_82 : i32 to index
        %get3A_132 = arith.constant 80 : index
        %get3A_133 = tpu.vector_load %arg10[%get3A_131, %get3A_132] {strides = array<i32>} : memref<80x128xf32, #tpu.memory_space<vmem>>, vector<16xf32>,
        %get3A_134 = arith.index_cast %scan3A_82 : i32 to index
        %get3A_135 = arith.constant 80 : index
        %get3A_136 = tpu.vector_load %arg11[%get3A_134, %get3A_135] {strides = array<i32>} : memref<80x128xf32, #tpu.memory_space<vmem>>, vector<16xf32>,
        %mul3A_137 = arith.mulf %get3A_133, %get3A_136 : vector<16xf32>
        %swap3A_138 = arith.index_cast %scan3A_82 : i32 to index
        %swap3A_139 = arith.constant 80 : index
        %swap3A_140 = tpu.vector_load %arg10[%swap3A_138, %swap3A_139] {strides = array<i32>} : memref<80x128xf32, #tpu.memory_space<vmem>>, vector<16xf32>,
        tpu.vector_store %arg10[%swap3A_138, %swap3A_139], %mul3A_137 {strides = array<i32>} : memref<80x128xf32, #tpu.memory_space<vmem>>, vector<16xf32>,
        %get3A_141 = arith.index_cast %scan3A_82 : i32 to index
        %get3A_142 = arith.constant 96 : index
        %get3A_143 = tpu.vector_load %arg10[%get3A_141, %get3A_142] {strides = array<i32>} : memref<80x128xf32, #tpu.memory_space<vmem>>, vector<16xf32>,
        %get3A_144 = arith.index_cast %scan3A_82 : i32 to index
        %get3A_145 = arith.constant 96 : index
        %get3A_146 = tpu.vector_load %arg11[%get3A_144, %get3A_145] {strides = array<i32>} : memref<80x128xf32, #tpu.memory_space<vmem>>, vector<16xf32>,
        %mul3A_147 = arith.mulf %get3A_143, %get3A_146 : vector<16xf32>
        %swap3A_148 = arith.index_cast %scan3A_82 : i32 to index
        %swap3A_149 = arith.constant 96 : index
        %swap3A_150 = tpu.vector_load %arg10[%swap3A_148, %swap3A_149] {strides = array<i32>} : memref<80x128xf32, #tpu.memory_space<vmem>>, vector<16xf32>,
        tpu.vector_store %arg10[%swap3A_148, %swap3A_149], %mul3A_147 {strides = array<i32>} : memref<80x128xf32, #tpu.memory_space<vmem>>, vector<16xf32>,
        %get3A_151 = arith.index_cast %scan3A_82 : i32 to index
        %get3A_152 = arith.constant 112 : index
        %get3A_153 = tpu.vector_load %arg10[%get3A_151, %get3A_152] {strides = array<i32>} : memref<80x128xf32, #tpu.memory_space<vmem>>, vector<16xf32>,
        %get3A_154 = arith.index_cast %scan3A_82 : i32 to index
        %get3A_155 = arith.constant 112 : index
        %get3A_156 = tpu.vector_load %arg11[%get3A_154, %get3A_155] {strides = array<i32>} : memref<80x128xf32, #tpu.memory_space<vmem>>, vector<16xf32>,
        %mul3A_157 = arith.mulf %get3A_153, %get3A_156 : vector<16xf32>
        %swap3A_158 = arith.index_cast %scan3A_82 : i32 to index
        %swap3A_159 = arith.constant 112 : index
        %swap3A_160 = tpu.vector_load %arg10[%swap3A_158, %swap3A_159] {strides = array<i32>} : memref<80x128xf32, #tpu.memory_space<vmem>>, vector<16xf32>,
        tpu.vector_store %arg10[%swap3A_158, %swap3A_159], %mul3A_157 {strides = array<i32>} : memref<80x128xf32, #tpu.memory_space<vmem>>, vector<16xf32>,
      }
      %scan3A_81 = arith.constant 80 : i32
      "tpu.region"() ({
        %run_scoped3A = tpu.sem_alloc : memref<!tpu.dma_semaphore, #tpu.memory_space<semaphore_mem>>
        %dma_start3A_82 = arith.constant 0 : i32
        %dma_start3A_83 = arith.constant 0 : i32
        %dma_start3A_84 = tpu.memref_slice %arg7[%dma_start3A_82, %dma_start3A_83] : memref<10000x128xf32, #tpu.memory_space<vmem_shared>> -> memref<10000x128xf32, #tpu.memory_space<vmem_shared>>
        tpu.enqueue_indirect_dma source(%arg10 : memref<80x128xf32, #tpu.memory_space<vmem>>) target(%dma_start3A_84 : memref<10000x128xf32, #tpu.memory_space<vmem_shared>>) offsets(%arg9 : memref<80xi32, #tpu.memory_space<vmem>>) semaphore(%run_scoped3A : memref<!tpu.dma_semaphore, #tpu.memory_space<semaphore_mem>>) {add = true}
        %dma_wait3A_85 = arith.constant 0 : i32
        %dma_wait3A_86 = arith.constant 0 : i32
        %dma_wait3A_87 = tpu.memref_slice %arg7[%dma_wait3A_85, %dma_wait3A_86] : memref<10000x128xf32, #tpu.memory_space<vmem_shared>> -> memref<10000x128xf32, #tpu.memory_space<vmem_shared>>
        tpu.wait_indirect_dma semaphore(%run_scoped3A : memref<!tpu.dma_semaphore, #tpu.memory_space<semaphore_mem>>) src(%arg10 : memref<80x128xf32, #tpu.memory_space<vmem>>) dst(%dma_wait3A_87 : memref<10000x128xf32, #tpu.memory_space<vmem_shared>>)
        tpu.yield
      }) : () -> ()
    }
    %scan3A_38 = arith.constant 125 : i32
    %barrier3A_39 = arith.constant 0 : index
    tpu.barrier barrier_id(%barrier3A_39)
    %add3A_40 = arith.constant 0 : i32
    %add3A_41 = arith.addi %arg1, %add3A_40 : i32
    %lt3A_42 = arith.constant 50 : i32
    %lt3A_43 = arith.cmpi slt, %add3A_41, %lt3A_42 : i32
    %convert_element_type3A_44 = arith.extui %lt3A_43 : i1 to i32
    %cond3A_45 = arith.constant 0 : i32
    %cond3A_46 = arith.cmpi ne, %convert_element_type3A_44, %cond3A_45 : i32
    scf.if %cond3A_46 {
      %mul3A_68 = arith.constant 200 : i32
      %mul3A_69 = arith.muli %add3A_41, %mul3A_68 : i32
      "tpu.region"() ({
        %run_scoped3A = tpu.sem_alloc : memref<!tpu.dma_semaphore, #tpu.memory_space<semaphore_mem>>
        %dma_start3A = arith.constant 0 : i32
        %dma_start3A_70 = tpu.memref_slice %arg7[%mul3A_69, %dma_start3A] : memref<10000x128xf32, #tpu.memory_space<vmem_shared>> -> memref<200x128xf32, #tpu.memory_space<vmem_shared>>
        %dma_start3A_71 = arith.constant 0 : i32
        %dma_start3A_72 = tpu.memref_slice %arg7[%mul3A_69, %dma_start3A_71] : memref<10000x128xf32, #tpu.memory_space<vmem_shared>> -> memref<200x128xf32, #tpu.memory_space<vmem_shared>>
        tpu.enqueue_dma source(%dma_start3A_72 : memref<200x128xf32, #tpu.memory_space<vmem_shared>>) target(%arg12 : memref<200x128xf32, #tpu.memory_space<vmem>>) target_semaphore(%run_scoped3A : memref<!tpu.dma_semaphore, #tpu.memory_space<semaphore_mem>>)
        %dma_wait3A = arith.constant 0 : i32
        %dma_wait3A_73 = tpu.memref_slice %arg7[%mul3A_69, %dma_wait3A] : memref<10000x128xf32, #tpu.memory_space<vmem_shared>> -> memref<200x128xf32, #tpu.memory_space<vmem_shared>>
        %dma_wait3A_74 = arith.constant 0 : i32
        %dma_wait3A_75 = tpu.memref_slice %arg7[%mul3A_69, %dma_wait3A_74] : memref<10000x128xf32, #tpu.memory_space<vmem_shared>> -> memref<200x128xf32, #tpu.memory_space<vmem_shared>>
        tpu.wait_dma2 semaphore(%run_scoped3A : memref<!tpu.dma_semaphore, #tpu.memory_space<semaphore_mem>>) src(%dma_wait3A_75 : memref<200x128xf32, #tpu.memory_space<vmem_shared>>) dst(%arg12 : memref<200x128xf32, #tpu.memory_space<vmem>>)
        tpu.yield
      }) : () -> ()
      "tpu.region"() ({
        %run_scoped3A = tpu.sem_alloc : memref<!tpu.dma_semaphore, #tpu.memory_space<semaphore_mem>>
        %dma_start3A = arith.constant 0 : i32
        %dma_start3A_70 = tpu.memref_slice %arg6[%arg0, %mul3A_69, %dma_start3A] : memref<2x10000x128xf32, #tpu.memory_space<hbm>> -> memref<1x200x128xf32, #tpu.memory_space<hbm>>
        %dma_start3A_71 = tpu.memref_squeeze %dma_start3A_70 : memref<1x200x128xf32, #tpu.memory_space<hbm>> -> memref<200x128xf32, #tpu.memory_space<hbm>>
        %dma_start3A_72 = arith.constant 0 : i32
        %dma_start3A_73 = tpu.memref_slice %arg6[%arg0, %mul3A_69, %dma_start3A_72] : memref<2x10000x128xf32, #tpu.memory_space<hbm>> -> memref<1x200x128xf32, #tpu.memory_space<hbm>>
        %dma_start3A_74 = tpu.memref_squeeze %dma_start3A_73 : memref<1x200x128xf32, #tpu.memory_space<hbm>> -> memref<200x128xf32, #tpu.memory_space<hbm>>
        tpu.enqueue_dma source(%arg12 : memref<200x128xf32, #tpu.memory_space<vmem>>) target(%dma_start3A_74 : memref<200x128xf32, #tpu.memory_space<hbm>>) target_semaphore(%run_scoped3A : memref<!tpu.dma_semaphore, #tpu.memory_space<semaphore_mem>>)
        %dma_wait3A = arith.constant 0 : i32
        %dma_wait3A_75 = tpu.memref_slice %arg6[%arg0, %mul3A_69, %dma_wait3A] : memref<2x10000x128xf32, #tpu.memory_space<hbm>> -> memref<1x200x128xf32, #tpu.memory_space<hbm>>
        %dma_wait3A_76 = tpu.memref_squeeze %dma_wait3A_75 : memref<1x200x128xf32, #tpu.memory_space<hbm>> -> memref<200x128xf32, #tpu.memory_space<hbm>>
        %dma_wait3A_77 = arith.constant 0 : i32
        %dma_wait3A_78 = tpu.memref_slice %arg6[%arg0, %mul3A_69, %dma_wait3A_77] : memref<2x10000x128xf32, #tpu.memory_space<hbm>> -> memref<1x200x128xf32, #tpu.memory_space<hbm>>
        %dma_wait3A_79 = tpu.memref_squeeze %dma_wait3A_78 : memref<1x200x128xf32, #tpu.memory_space<hbm>> -> memref<200x128xf32, #tpu.memory_space<hbm>>
        tpu.wait_dma2 semaphore(%run_scoped3A : memref<!tpu.dma_semaphore, #tpu.memory_space<semaphore_mem>>) src(%arg12 : memref<200x128xf32, #tpu.memory_space<vmem>>) dst(%dma_wait3A_79 : memref<200x128xf32, #tpu.memory_space<hbm>>)
        tpu.yield
      }) : () -> ()
    } else {
    }
    %add3A_47 = arith.constant 16 : i32
    %add3A_48 = arith.addi %arg1, %add3A_47 : i32
    %lt3A_49 = arith.constant 50 : i32
    %lt3A_50 = arith.cmpi slt, %add3A_48, %lt3A_49 : i32
    %convert_element_type3A_51 = arith.extui %lt3A_50 : i1 to i32
    %cond3A_52 = arith.constant 0 : i32
    %cond3A_53 = arith.cmpi ne, %convert_element_type3A_51, %cond3A_52 : i32
    scf.if %cond3A_53 {
      %mul3A_68 = arith.constant 200 : i32
      %mul3A_69 = arith.muli %add3A_48, %mul3A_68 : i32
      "tpu.region"() ({
        %run_scoped3A = tpu.sem_alloc : memref<!tpu.dma_semaphore, #tpu.memory_space<semaphore_mem>>
        %dma_start3A = arith.constant 0 : i32
        %dma_start3A_70 = tpu.memref_slice %arg7[%mul3A_69, %dma_start3A] : memref<10000x128xf32, #tpu.memory_space<vmem_shared>> -> memref<200x128xf32, #tpu.memory_space<vmem_shared>>
        %dma_start3A_71 = arith.constant 0 : i32
        %dma_start3A_72 = tpu.memref_slice %arg7[%mul3A_69, %dma_start3A_71] : memref<10000x128xf32, #tpu.memory_space<vmem_shared>> -> memref<200x128xf32, #tpu.memory_space<vmem_shared>>
        tpu.enqueue_dma source(%dma_start3A_72 : memref<200x128xf32, #tpu.memory_space<vmem_shared>>) target(%arg12 : memref<200x128xf32, #tpu.memory_space<vmem>>) target_semaphore(%run_scoped3A : memref<!tpu.dma_semaphore, #tpu.memory_space<semaphore_mem>>)
        %dma_wait3A = arith.constant 0 : i32
        %dma_wait3A_73 = tpu.memref_slice %arg7[%mul3A_69, %dma_wait3A] : memref<10000x128xf32, #tpu.memory_space<vmem_shared>> -> memref<200x128xf32, #tpu.memory_space<vmem_shared>>
        %dma_wait3A_74 = arith.constant 0 : i32
        %dma_wait3A_75 = tpu.memref_slice %arg7[%mul3A_69, %dma_wait3A_74] : memref<10000x128xf32, #tpu.memory_space<vmem_shared>> -> memref<200x128xf32, #tpu.memory_space<vmem_shared>>
        tpu.wait_dma2 semaphore(%run_scoped3A : memref<!tpu.dma_semaphore, #tpu.memory_space<semaphore_mem>>) src(%dma_wait3A_75 : memref<200x128xf32, #tpu.memory_space<vmem_shared>>) dst(%arg12 : memref<200x128xf32, #tpu.memory_space<vmem>>)
        tpu.yield
      }) : () -> ()
      "tpu.region"() ({
        %run_scoped3A = tpu.sem_alloc : memref<!tpu.dma_semaphore, #tpu.memory_space<semaphore_mem>>
        %dma_start3A = arith.constant 0 : i32
        %dma_start3A_70 = tpu.memref_slice %arg6[%arg0, %mul3A_69, %dma_start3A] : memref<2x10000x128xf32, #tpu.memory_space<hbm>> -> memref<1x200x128xf32, #tpu.memory_space<hbm>>
        %dma_start3A_71 = tpu.memref_squeeze %dma_start3A_70 : memref<1x200x128xf32, #tpu.memory_space<hbm>> -> memref<200x128xf32, #tpu.memory_space<hbm>>
        %dma_start3A_72 = arith.constant 0 : i32
        %dma_start3A_73 = tpu.memref_slice %arg6[%arg0, %mul3A_69, %dma_start3A_72] : memref<2x10000x128xf32, #tpu.memory_space<hbm>> -> memref<1x200x128xf32, #tpu.memory_space<hbm>>
        %dma_start3A_74 = tpu.memref_squeeze %dma_start3A_73 : memref<1x200x128xf32, #tpu.memory_space<hbm>> -> memref<200x128xf32, #tpu.memory_space<hbm>>
        tpu.enqueue_dma source(%arg12 : memref<200x128xf32, #tpu.memory_space<vmem>>) target(%dma_start3A_74 : memref<200x128xf32, #tpu.memory_space<hbm>>) target_semaphore(%run_scoped3A : memref<!tpu.dma_semaphore, #tpu.memory_space<semaphore_mem>>)
        %dma_wait3A = arith.constant 0 : i32
        %dma_wait3A_75 = tpu.memref_slice %arg6[%arg0, %mul3A_69, %dma_wait3A] : memref<2x10000x128xf32, #tpu.memory_space<hbm>> -> memref<1x200x128xf32, #tpu.memory_space<hbm>>
        %dma_wait3A_76 = tpu.memref_squeeze %dma_wait3A_75 : memref<1x200x128xf32, #tpu.memory_space<hbm>> -> memref<200x128xf32, #tpu.memory_space<hbm>>
        %dma_wait3A_77 = arith.constant 0 : i32
        %dma_wait3A_78 = tpu.memref_slice %arg6[%arg0, %mul3A_69, %dma_wait3A_77] : memref<2x10000x128xf32, #tpu.memory_space<hbm>> -> memref<1x200x128xf32, #tpu.memory_space<hbm>>
        %dma_wait3A_79 = tpu.memref_squeeze %dma_wait3A_78 : memref<1x200x128xf32, #tpu.memory_space<hbm>> -> memref<200x128xf32, #tpu.memory_space<hbm>>
        tpu.wait_dma2 semaphore(%run_scoped3A : memref<!tpu.dma_semaphore, #tpu.memory_space<semaphore_mem>>) src(%arg12 : memref<200x128xf32, #tpu.memory_space<vmem>>) dst(%dma_wait3A_79 : memref<200x128xf32, #tpu.memory_space<hbm>>)
        tpu.yield
      }) : () -> ()
    } else {
    }
    %add3A_54 = arith.constant 32 : i32
    %add3A_55 = arith.addi %arg1, %add3A_54 : i32
    %lt3A_56 = arith.constant 50 : i32
    %lt3A_57 = arith.cmpi slt, %add3A_55, %lt3A_56 : i32
    %convert_element_type3A_58 = arith.extui %lt3A_57 : i1 to i32
    %cond3A_59 = arith.constant 0 : i32
    %cond3A_60 = arith.cmpi ne, %convert_element_type3A_58, %cond3A_59 : i32
    scf.if %cond3A_60 {
      %mul3A_68 = arith.constant 200 : i32
      %mul3A_69 = arith.muli %add3A_55, %mul3A_68 : i32
      "tpu.region"() ({
        %run_scoped3A = tpu.sem_alloc : memref<!tpu.dma_semaphore, #tpu.memory_space<semaphore_mem>>
        %dma_start3A = arith.constant 0 : i32
        %dma_start3A_70 = tpu.memref_slice %arg7[%mul3A_69, %dma_start3A] : memref<10000x128xf32, #tpu.memory_space<vmem_shared>> -> memref<200x128xf32, #tpu.memory_space<vmem_shared>>
        %dma_start3A_71 = arith.constant 0 : i32
        %dma_start3A_72 = tpu.memref_slice %arg7[%mul3A_69, %dma_start3A_71] : memref<10000x128xf32, #tpu.memory_space<vmem_shared>> -> memref<200x128xf32, #tpu.memory_space<vmem_shared>>
        tpu.enqueue_dma source(%dma_start3A_72 : memref<200x128xf32, #tpu.memory_space<vmem_shared>>) target(%arg12 : memref<200x128xf32, #tpu.memory_space<vmem>>) target_semaphore(%run_scoped3A : memref<!tpu.dma_semaphore, #tpu.memory_space<semaphore_mem>>)
        %dma_wait3A = arith.constant 0 : i32
        %dma_wait3A_73 = tpu.memref_slice %arg7[%mul3A_69, %dma_wait3A] : memref<10000x128xf32, #tpu.memory_space<vmem_shared>> -> memref<200x128xf32, #tpu.memory_space<vmem_shared>>
        %dma_wait3A_74 = arith.constant 0 : i32
        %dma_wait3A_75 = tpu.memref_slice %arg7[%mul3A_69, %dma_wait3A_74] : memref<10000x128xf32, #tpu.memory_space<vmem_shared>> -> memref<200x128xf32, #tpu.memory_space<vmem_shared>>
        tpu.wait_dma2 semaphore(%run_scoped3A : memref<!tpu.dma_semaphore, #tpu.memory_space<semaphore_mem>>) src(%dma_wait3A_75 : memref<200x128xf32, #tpu.memory_space<vmem_shared>>) dst(%arg12 : memref<200x128xf32, #tpu.memory_space<vmem>>)
        tpu.yield
      }) : () -> ()
      "tpu.region"() ({
        %run_scoped3A = tpu.sem_alloc : memref<!tpu.dma_semaphore, #tpu.memory_space<semaphore_mem>>
        %dma_start3A = arith.constant 0 : i32
        %dma_start3A_70 = tpu.memref_slice %arg6[%arg0, %mul3A_69, %dma_start3A] : memref<2x10000x128xf32, #tpu.memory_space<hbm>> -> memref<1x200x128xf32, #tpu.memory_space<hbm>>
        %dma_start3A_71 = tpu.memref_squeeze %dma_start3A_70 : memref<1x200x128xf32, #tpu.memory_space<hbm>> -> memref<200x128xf32, #tpu.memory_space<hbm>>
        %dma_start3A_72 = arith.constant 0 : i32
        %dma_start3A_73 = tpu.memref_slice %arg6[%arg0, %mul3A_69, %dma_start3A_72] : memref<2x10000x128xf32, #tpu.memory_space<hbm>> -> memref<1x200x128xf32, #tpu.memory_space<hbm>>
        %dma_start3A_74 = tpu.memref_squeeze %dma_start3A_73 : memref<1x200x128xf32, #tpu.memory_space<hbm>> -> memref<200x128xf32, #tpu.memory_space<hbm>>
        tpu.enqueue_dma source(%arg12 : memref<200x128xf32, #tpu.memory_space<vmem>>) target(%dma_start3A_74 : memref<200x128xf32, #tpu.memory_space<hbm>>) target_semaphore(%run_scoped3A : memref<!tpu.dma_semaphore, #tpu.memory_space<semaphore_mem>>)
        %dma_wait3A = arith.constant 0 : i32
        %dma_wait3A_75 = tpu.memref_slice %arg6[%arg0, %mul3A_69, %dma_wait3A] : memref<2x10000x128xf32, #tpu.memory_space<hbm>> -> memref<1x200x128xf32, #tpu.memory_space<hbm>>
        %dma_wait3A_76 = tpu.memref_squeeze %dma_wait3A_75 : memref<1x200x128xf32, #tpu.memory_space<hbm>> -> memref<200x128xf32, #tpu.memory_space<hbm>>
        %dma_wait3A_77 = arith.constant 0 : i32
        %dma_wait3A_78 = tpu.memref_slice %arg6[%arg0, %mul3A_69, %dma_wait3A_77] : memref<2x10000x128xf32, #tpu.memory_space<hbm>> -> memref<1x200x128xf32, #tpu.memory_space<hbm>>
        %dma_wait3A_79 = tpu.memref_squeeze %dma_wait3A_78 : memref<1x200x128xf32, #tpu.memory_space<hbm>> -> memref<200x128xf32, #tpu.memory_space<hbm>>
        tpu.wait_dma2 semaphore(%run_scoped3A : memref<!tpu.dma_semaphore, #tpu.memory_space<semaphore_mem>>) src(%arg12 : memref<200x128xf32, #tpu.memory_space<vmem>>) dst(%dma_wait3A_79 : memref<200x128xf32, #tpu.memory_space<hbm>>)
        tpu.yield
      }) : () -> ()
    } else {
    }
    %add3A_61 = arith.constant 48 : i32
    %add3A_62 = arith.addi %arg1, %add3A_61 : i32
    %lt3A_63 = arith.constant 50 : i32
    %lt3A_64 = arith.cmpi slt, %add3A_62, %lt3A_63 : i32
    %convert_element_type3A_65 = arith.extui %lt3A_64 : i1 to i32
    %cond3A_66 = arith.constant 0 : i32
    %cond3A_67 = arith.cmpi ne, %convert_element_type3A_65, %cond3A_66 : i32
    scf.if %cond3A_67 {
      %mul3A_68 = arith.constant 200 : i32
      %mul3A_69 = arith.muli %add3A_62, %mul3A_68 : i32
      "tpu.region"() ({
        %run_scoped3A = tpu.sem_alloc : memref<!tpu.dma_semaphore, #tpu.memory_space<semaphore_mem>>
        %dma_start3A = arith.constant 0 : i32
        %dma_start3A_70 = tpu.memref_slice %arg7[%mul3A_69, %dma_start3A] : memref<10000x128xf32, #tpu.memory_space<vmem_shared>> -> memref<200x128xf32, #tpu.memory_space<vmem_shared>>
        %dma_start3A_71 = arith.constant 0 : i32
        %dma_start3A_72 = tpu.memref_slice %arg7[%mul3A_69, %dma_start3A_71] : memref<10000x128xf32, #tpu.memory_space<vmem_shared>> -> memref<200x128xf32, #tpu.memory_space<vmem_shared>>
        tpu.enqueue_dma source(%dma_start3A_72 : memref<200x128xf32, #tpu.memory_space<vmem_shared>>) target(%arg12 : memref<200x128xf32, #tpu.memory_space<vmem>>) target_semaphore(%run_scoped3A : memref<!tpu.dma_semaphore, #tpu.memory_space<semaphore_mem>>)
        %dma_wait3A = arith.constant 0 : i32
        %dma_wait3A_73 = tpu.memref_slice %arg7[%mul3A_69, %dma_wait3A] : memref<10000x128xf32, #tpu.memory_space<vmem_shared>> -> memref<200x128xf32, #tpu.memory_space<vmem_shared>>
        %dma_wait3A_74 = arith.constant 0 : i32
        %dma_wait3A_75 = tpu.memref_slice %arg7[%mul3A_69, %dma_wait3A_74] : memref<10000x128xf32, #tpu.memory_space<vmem_shared>> -> memref<200x128xf32, #tpu.memory_space<vmem_shared>>
        tpu.wait_dma2 semaphore(%run_scoped3A : memref<!tpu.dma_semaphore, #tpu.memory_space<semaphore_mem>>) src(%dma_wait3A_75 : memref<200x128xf32, #tpu.memory_space<vmem_shared>>) dst(%arg12 : memref<200x128xf32, #tpu.memory_space<vmem>>)
        tpu.yield
      }) : () -> ()
      "tpu.region"() ({
        %run_scoped3A = tpu.sem_alloc : memref<!tpu.dma_semaphore, #tpu.memory_space<semaphore_mem>>
        %dma_start3A = arith.constant 0 : i32
        %dma_start3A_70 = tpu.memref_slice %arg6[%arg0, %mul3A_69, %dma_start3A] : memref<2x10000x128xf32, #tpu.memory_space<hbm>> -> memref<1x200x128xf32, #tpu.memory_space<hbm>>
        %dma_start3A_71 = tpu.memref_squeeze %dma_start3A_70 : memref<1x200x128xf32, #tpu.memory_space<hbm>> -> memref<200x128xf32, #tpu.memory_space<hbm>>
        %dma_start3A_72 = arith.constant 0 : i32
        %dma_start3A_73 = tpu.memref_slice %arg6[%arg0, %mul3A_69, %dma_start3A_72] : memref<2x10000x128xf32, #tpu.memory_space<hbm>> -> memref<1x200x128xf32, #tpu.memory_space<hbm>>
        %dma_start3A_74 = tpu.memref_squeeze %dma_start3A_73 : memref<1x200x128xf32, #tpu.memory_space<hbm>> -> memref<200x128xf32, #tpu.memory_space<hbm>>
        tpu.enqueue_dma source(%arg12 : memref<200x128xf32, #tpu.memory_space<vmem>>) target(%dma_start3A_74 : memref<200x128xf32, #tpu.memory_space<hbm>>) target_semaphore(%run_scoped3A : memref<!tpu.dma_semaphore, #tpu.memory_space<semaphore_mem>>)
        %dma_wait3A = arith.constant 0 : i32
        %dma_wait3A_75 = tpu.memref_slice %arg6[%arg0, %mul3A_69, %dma_wait3A] : memref<2x10000x128xf32, #tpu.memory_space<hbm>> -> memref<1x200x128xf32, #tpu.memory_space<hbm>>
        %dma_wait3A_76 = tpu.memref_squeeze %dma_wait3A_75 : memref<1x200x128xf32, #tpu.memory_space<hbm>> -> memref<200x128xf32, #tpu.memory_space<hbm>>
        %dma_wait3A_77 = arith.constant 0 : i32
        %dma_wait3A_78 = tpu.memref_slice %arg6[%arg0, %mul3A_69, %dma_wait3A_77] : memref<2x10000x128xf32, #tpu.memory_space<hbm>> -> memref<1x200x128xf32, #tpu.memory_space<hbm>>
        %dma_wait3A_79 = tpu.memref_squeeze %dma_wait3A_78 : memref<1x200x128xf32, #tpu.memory_space<hbm>> -> memref<200x128xf32, #tpu.memory_space<hbm>>
        tpu.wait_dma2 semaphore(%run_scoped3A : memref<!tpu.dma_semaphore, #tpu.memory_space<semaphore_mem>>) src(%arg12 : memref<200x128xf32, #tpu.memory_space<vmem>>) dst(%dma_wait3A_79 : memref<200x128xf32, #tpu.memory_space<hbm>>)
        tpu.yield
      }) : () -> ()
    } else {
    }
    return
  }
}

module attributes {stable_mosaic.version = 14 : i64} {
  func.func @body(%arg0: i32, %arg1: memref<1000x128xf32, #tpu.memory_space<vmem>>, %arg2: memref<128x128xf32, #tpu.memory_space<vmem>>, %arg3: memref<1000x128xf32, #tpu.memory_space<vmem>>) attributes {dimension_semantics = [#tpu.dimension_semantics<arbitrary>], iteration_bounds = array<i64: 10>, scalar_prefetch = 0 : i64, scratch_operands = 0 : i64, tpu.core_type = #tpu.core_type<tc>, window_params = [{transform_indices = @transform_0, window_bounds = array<i64: 1000, 128>}, {pipeline_mode = #tpu.pipeline_mode<synchronous>, transform_indices = @transform_1, window_bounds = array<i64: 128, 128>}, {transform_indices = @transform_2, window_bounds = array<i64: 1000, 128>}]} {
    %get3A = arith.constant 0 : index
    %get3A_0 = arith.constant 0 : index
    %get3A_1 = vector.load %arg1[%get3A, %get3A_0] : memref<1000x128xf32, #tpu.memory_space<vmem>>, vector<1000x128xf32>
    %get3A_2 = arith.constant 0 : index
    %get3A_3 = arith.constant 0 : index
    %get3A_4 = vector.load %arg2[%get3A_2, %get3A_3] : memref<128x128xf32, #tpu.memory_space<vmem>>, vector<128x128xf32>
    %dot_general3A = arith.constant dense<0.000000e+00> : vector<1000x128xf32>
    %dot_general3A_5 = tpu.matmul %get3A_1, %get3A_4, %dot_general3A {dimension_numbers = #tpu.dot_dimension_numbers<[1], [0], [0], [1], [0, 0, 1, 1], [], []>, transpose_lhs_hint = false} : vector<1000x128xf32>, vector<128x128xf32>, vector<1000x128xf32> -> vector<1000x128xf32>
    %swap3A = arith.constant 0 : index
    %swap3A_6 = arith.constant 0 : index
    %swap3A_7 = vector.load %arg3[%swap3A, %swap3A_6] : memref<1000x128xf32, #tpu.memory_space<vmem>>, vector<1000x128xf32>
    tpu.vector_store %arg3[%swap3A, %swap3A_6], %dot_general3A_5 {strides = array<i32>} : memref<1000x128xf32, #tpu.memory_space<vmem>>, vector<1000x128xf32>,
    return
  }
  func.func @transform_0(%arg0: i32) -> (i32, i32) {
    %c0_i32 = arith.constant 0 : i32
    %c0_i32_0 = arith.constant 0 : i32
    return %arg0, %c0_i32 : i32, i32
  }
  func.func @transform_1(%arg0: i32) -> (i32, i32) {
    %c0_i32 = arith.constant 0 : i32
    %c0_i32_0 = arith.constant 0 : i32
    %c0_i32_1 = arith.constant 0 : i32
    return %c0_i32, %c0_i32_0 : i32, i32
  }
  func.func @transform_2(%arg0: i32) -> (i32, i32) {
    %c0_i32 = arith.constant 0 : i32
    %c0_i32_0 = arith.constant 0 : i32
    return %arg0, %c0_i32 : i32, i32
  }
}

module attributes {stable_mosaic.version = 14 : i64} {
  func.func @body(%arg0: i32, %arg1: memref<512x1xf32, #tpu.memory_space<vmem>>, %arg2: memref<3x50x128xf32, #tpu.memory_space<vmem>>, %arg3: memref<3x128xf32, #tpu.memory_space<vmem>>, %arg4: memref<3x128x128xf32, #tpu.memory_space<vmem>>, %arg5: memref<3x128xf32, #tpu.memory_space<vmem>>, %arg6: memref<512x128xf32, #tpu.memory_space<vmem>>, %arg7: memref<512x128xf32, #tpu.memory_space<vmem>>, %arg8: memref<512x128xf32, #tpu.memory_space<vmem>>) attributes {dimension_semantics = [#tpu.dimension_semantics<arbitrary>], iteration_bounds = array<i64: 625>, scalar_prefetch = 0 : i64, scratch_operands = 0 : i64, tpu.core_type = #tpu.core_type<tc>, window_params = [{transform_indices = @transform_0, window_bounds = array<i64: 512, 1>}, {pipeline_mode = #tpu.pipeline_mode<synchronous>, transform_indices = @transform_1, window_bounds = array<i64: 3, 50, 128>}, {pipeline_mode = #tpu.pipeline_mode<synchronous>, transform_indices = @transform_2, window_bounds = array<i64: 3, 128>}, {pipeline_mode = #tpu.pipeline_mode<synchronous>, transform_indices = @transform_3, window_bounds = array<i64: 3, 128, 128>}, {pipeline_mode = #tpu.pipeline_mode<synchronous>, transform_indices = @transform_4, window_bounds = array<i64: 3, 128>}, {transform_indices = @transform_5, window_bounds = array<i64: 512, 128>}, {transform_indices = @transform_6, window_bounds = array<i64: 512, 128>}, {transform_indices = @transform_7, window_bounds = array<i64: 512, 128>}]} {
    %get3A = arith.constant 0 : index
    %get3A_0 = arith.constant 0 : index
    %get3A_1 = vector.load %arg1[%get3A, %get3A_0] : memref<512x1xf32, #tpu.memory_space<vmem>>, vector<512x1xf32>
    %sqrt3A = math.sqrt %get3A_1 : vector<512x1xf32>
    %iota3A = tpu.iota {dimensions = array<i32: 1>} : vector<1x50xi32>
    %convert_element_type3A = arith.sitofp %iota3A : vector<1x50xi32> to vector<1x50xf32>
    %mul3A = arith.constant 0.10204082 : f32
    %mul3A_2 = vector.broadcast %mul3A : f32 to vector<1x50xf32>
    %mul3A_3 = arith.mulf %convert_element_type3A, %mul3A_2 : vector<1x50xf32>
    %sub3A = vector.broadcast %sqrt3A : vector<512x1xf32> to vector<512x50xf32>
    %sub3A_4 = vector.broadcast %mul3A_3 : vector<1x50xf32> to vector<512x50xf32>
    %sub3A_5 = arith.subf %sub3A, %sub3A_4 : vector<512x50xf32>
    %integer_pow3A = arith.mulf %sub3A_5, %sub3A_5 : vector<512x50xf32>
    %mul3A_6 = arith.constant -4.802000e+01 : f32
    %mul3A_7 = vector.broadcast %mul3A_6 : f32 to vector<512x50xf32>
    %mul3A_8 = arith.mulf %mul3A_7, %integer_pow3A : vector<512x50xf32>
    %exp3A = math.exp %mul3A_8 : vector<512x50xf32>
    %mul3A_9 = arith.constant 4.000000e-02 : f32
    %mul3A_10 = vector.broadcast %mul3A_9 : f32 to vector<512x1xf32>
    %mul3A_11 = arith.mulf %get3A_1, %mul3A_10 : vector<512x1xf32>
    %lt3A = arith.constant 1.000000e+00 : f32
    %lt3A_12 = vector.broadcast %lt3A : f32 to vector<512x1xf32>
    %lt3A_13 = arith.cmpf olt, %mul3A_11, %lt3A_12 : vector<512x1xf32>
    %sub3A_14 = arith.constant 1.000000e+00 : f32
    %sub3A_15 = vector.broadcast %sub3A_14 : f32 to vector<512x1xf32>
    %sub3A_16 = arith.subf %sub3A_15, %mul3A_11 : vector<512x1xf32>
    %max3A = arith.constant 1.000000e-03 : f32
    %max3A_17 = vector.broadcast %max3A : f32 to vector<512x1xf32>
    %max3A_18 = arith.maximumf %sub3A_16, %max3A_17 : vector<512x1xf32>
    %jit3A = arith.constant 1.000000e+00 : f32
    %broadcast_in_dim3A = vector.broadcast %jit3A : f32 to vector<512x1xf32>
    %select_n3A = arith.select %lt3A_13, %max3A_18, %broadcast_in_dim3A : vector<512x1xi1>, vector<512x1xf32>
    %div3A = arith.constant 1.000000e+00 : f32
    %div3A_19 = vector.broadcast %div3A : f32 to vector<512x1xf32>
    %div3A_20 = arith.divf %div3A_19, %select_n3A : vector<512x1xf32>
    %sub3A_21 = arith.constant 1.000000e+00 : f32
    %sub3A_22 = vector.broadcast %sub3A_21 : f32 to vector<512x1xf32>
    %sub3A_23 = arith.subf %sub3A_22, %div3A_20 : vector<512x1xf32>
    %exp3A_24 = math.exp %sub3A_23 : vector<512x1xf32>
    %jit3A_25 = arith.constant 0.000000e+00 : f32
    %broadcast_in_dim3A_26 = vector.broadcast %jit3A_25 : f32 to vector<512x1xf32>
    %select_n3A_27 = arith.select %lt3A_13, %exp3A_24, %broadcast_in_dim3A_26 : vector<512x1xi1>, vector<512x1xf32>
    %mul3A_28 = vector.broadcast %select_n3A_27 : vector<512x1xf32> to vector<512x50xf32>
    %mul3A_29 = arith.mulf %exp3A, %mul3A_28 : vector<512x50xf32>
    %mul3A_30 = arith.constant 0.628318548 : f32
    %mul3A_31 = vector.broadcast %mul3A_30 : f32 to vector<512x1xf32>
    %mul3A_32 = arith.mulf %sqrt3A, %mul3A_31 : vector<512x1xf32>
    %cos3A = math.cos %mul3A_32 : vector<512x1xf32>
    %add3A = arith.constant 1.000000e+00 : f32
    %add3A_33 = vector.broadcast %add3A : f32 to vector<512x1xf32>
    %add3A_34 = arith.addf %cos3A, %add3A_33 : vector<512x1xf32>
    %mul3A_35 = arith.constant 5.000000e-01 : f32
    %mul3A_36 = vector.broadcast %mul3A_35 : f32 to vector<512x1xf32>
    %mul3A_37 = arith.mulf %mul3A_36, %add3A_34 : vector<512x1xf32>
    %get3A_38 = arith.constant 0 : index
    %get3A_39 = arith.constant 0 : index
    %get3A_40 = arith.constant 0 : index
    %get3A_41 = vector.load %arg2[%get3A_38, %get3A_39, %get3A_40] : memref<3x50x128xf32, #tpu.memory_space<vmem>>, vector<3x50x128xf32>
    %get3A_42 = arith.constant 0 : index
    %get3A_43 = arith.constant 0 : index
    %get3A_44 = vector.load %arg3[%get3A_42, %get3A_43] : memref<3x128xf32, #tpu.memory_space<vmem>>, vector<3x128xf32>
    %get3A_45 = arith.constant 0 : index
    %get3A_46 = arith.constant 0 : index
    %get3A_47 = arith.constant 0 : index
    %get3A_48 = vector.load %arg4[%get3A_45, %get3A_46, %get3A_47] : memref<3x128x128xf32, #tpu.memory_space<vmem>>, vector<3x128x128xf32>
    %get3A_49 = arith.constant 0 : index
    %get3A_50 = arith.constant 0 : index
    %get3A_51 = vector.load %arg5[%get3A_49, %get3A_50] : memref<3x128xf32, #tpu.memory_space<vmem>>, vector<3x128xf32>
    %slice3A = vector.extract_strided_slice %get3A_41 {offsets = [0, 0, 0], sizes = [1, 50, 128], strides = [1, 1, 1]} : vector<3x50x128xf32> to vector<1x50x128xf32>
    %squeeze3A = vector.shape_cast %slice3A : vector<1x50x128xf32> to vector<50x128xf32>
    %dot_general3A = arith.constant dense<0.000000e+00> : vector<512x128xf32>
    %dot_general3A_52 = tpu.matmul %mul3A_29, %squeeze3A, %dot_general3A {dimension_numbers = #tpu.dot_dimension_numbers<[1], [0], [0], [1], [0, 0, 1, 1], [], []>, transpose_lhs_hint = false} : vector<512x50xf32>, vector<50x128xf32>, vector<512x128xf32> -> vector<512x128xf32>
    %slice3A_53 = vector.extract_strided_slice %get3A_44 {offsets = [0, 0], sizes = [1, 128], strides = [1, 1]} : vector<3x128xf32> to vector<1x128xf32>
    %squeeze3A_54 = vector.shape_cast %slice3A_53 : vector<1x128xf32> to vector<128xf32>
    %broadcast_in_dim3A_55 = vector.shape_cast %squeeze3A_54 : vector<128xf32> to vector<1x128xf32>
    %add3A_56 = vector.broadcast %broadcast_in_dim3A_55 : vector<1x128xf32> to vector<512x128xf32>
    %add3A_57 = arith.addf %dot_general3A_52, %add3A_56 : vector<512x128xf32>
    %max3A_58 = arith.constant 0.000000e+00 : f32
    %max3A_59 = vector.broadcast %max3A_58 : f32 to vector<512x128xf32>
    %max3A_60 = arith.maximumf %add3A_57, %max3A_59 : vector<512x128xf32>
    %abs3A = math.absf %add3A_57 : vector<512x128xf32>
    %neg3A = arith.constant 0.000000e+00 : f32
    %neg3A_61 = vector.broadcast %neg3A : f32 to vector<512x128xf32>
    %neg3A_62 = arith.subf %neg3A_61, %abs3A : vector<512x128xf32>
    %exp3A_63 = math.exp %neg3A_62 : vector<512x128xf32>
    %log1p3A = math.log1p %exp3A_63 : vector<512x128xf32>
    %add3A_64 = arith.addf %max3A_60, %log1p3A : vector<512x128xf32>
    %sub3A_65 = arith.constant 0.693147182 : f32
    %sub3A_66 = vector.broadcast %sub3A_65 : f32 to vector<512x128xf32>
    %sub3A_67 = arith.subf %add3A_64, %sub3A_66 : vector<512x128xf32>
    %slice3A_68 = vector.extract_strided_slice %get3A_48 {offsets = [0, 0, 0], sizes = [1, 128, 128], strides = [1, 1, 1]} : vector<3x128x128xf32> to vector<1x128x128xf32>
    %squeeze3A_69 = vector.shape_cast %slice3A_68 : vector<1x128x128xf32> to vector<128x128xf32>
    %dot_general3A_70 = arith.constant dense<0.000000e+00> : vector<512x128xf32>
    %dot_general3A_71 = tpu.matmul %sub3A_67, %squeeze3A_69, %dot_general3A_70 {dimension_numbers = #tpu.dot_dimension_numbers<[1], [0], [0], [1], [0, 0, 1, 1], [], []>, transpose_lhs_hint = false} : vector<512x128xf32>, vector<128x128xf32>, vector<512x128xf32> -> vector<512x128xf32>
    %slice3A_72 = vector.extract_strided_slice %get3A_51 {offsets = [0, 0], sizes = [1, 128], strides = [1, 1]} : vector<3x128xf32> to vector<1x128xf32>
    %squeeze3A_73 = vector.shape_cast %slice3A_72 : vector<1x128xf32> to vector<128xf32>
    %broadcast_in_dim3A_74 = vector.shape_cast %squeeze3A_73 : vector<128xf32> to vector<1x128xf32>
    %add3A_75 = vector.broadcast %broadcast_in_dim3A_74 : vector<1x128xf32> to vector<512x128xf32>
    %add3A_76 = arith.addf %dot_general3A_71, %add3A_75 : vector<512x128xf32>
    %mul3A_77 = vector.broadcast %mul3A_37 : vector<512x1xf32> to vector<512x128xf32>
    %mul3A_78 = arith.mulf %add3A_76, %mul3A_77 : vector<512x128xf32>
    %swap3A = arith.constant 0 : index
    %swap3A_79 = arith.constant 0 : index
    %swap3A_80 = vector.load %arg6[%swap3A, %swap3A_79] : memref<512x128xf32, #tpu.memory_space<vmem>>, vector<512x128xf32>
    tpu.vector_store %arg6[%swap3A, %swap3A_79], %mul3A_78 {strides = array<i32>} : memref<512x128xf32, #tpu.memory_space<vmem>>, vector<512x128xf32>,
    %slice3A_81 = vector.extract_strided_slice %get3A_41 {offsets = [1, 0, 0], sizes = [1, 50, 128], strides = [1, 1, 1]} : vector<3x50x128xf32> to vector<1x50x128xf32>
    %squeeze3A_82 = vector.shape_cast %slice3A_81 : vector<1x50x128xf32> to vector<50x128xf32>
    %dot_general3A_83 = arith.constant dense<0.000000e+00> : vector<512x128xf32>
    %dot_general3A_84 = tpu.matmul %mul3A_29, %squeeze3A_82, %dot_general3A_83 {dimension_numbers = #tpu.dot_dimension_numbers<[1], [0], [0], [1], [0, 0, 1, 1], [], []>, transpose_lhs_hint = false} : vector<512x50xf32>, vector<50x128xf32>, vector<512x128xf32> -> vector<512x128xf32>
    %slice3A_85 = vector.extract_strided_slice %get3A_44 {offsets = [1, 0], sizes = [1, 128], strides = [1, 1]} : vector<3x128xf32> to vector<1x128xf32>
    %squeeze3A_86 = vector.shape_cast %slice3A_85 : vector<1x128xf32> to vector<128xf32>
    %broadcast_in_dim3A_87 = vector.shape_cast %squeeze3A_86 : vector<128xf32> to vector<1x128xf32>
    %add3A_88 = vector.broadcast %broadcast_in_dim3A_87 : vector<1x128xf32> to vector<512x128xf32>
    %add3A_89 = arith.addf %dot_general3A_84, %add3A_88 : vector<512x128xf32>
    %max3A_90 = arith.constant 0.000000e+00 : f32
    %max3A_91 = vector.broadcast %max3A_90 : f32 to vector<512x128xf32>
    %max3A_92 = arith.maximumf %add3A_89, %max3A_91 : vector<512x128xf32>
    %abs3A_93 = math.absf %add3A_89 : vector<512x128xf32>
    %neg3A_94 = arith.constant 0.000000e+00 : f32
    %neg3A_95 = vector.broadcast %neg3A_94 : f32 to vector<512x128xf32>
    %neg3A_96 = arith.subf %neg3A_95, %abs3A_93 : vector<512x128xf32>
    %exp3A_97 = math.exp %neg3A_96 : vector<512x128xf32>
    %log1p3A_98 = math.log1p %exp3A_97 : vector<512x128xf32>
    %add3A_99 = arith.addf %max3A_92, %log1p3A_98 : vector<512x128xf32>
    %sub3A_100 = arith.constant 0.693147182 : f32
    %sub3A_101 = vector.broadcast %sub3A_100 : f32 to vector<512x128xf32>
    %sub3A_102 = arith.subf %add3A_99, %sub3A_101 : vector<512x128xf32>
    %slice3A_103 = vector.extract_strided_slice %get3A_48 {offsets = [1, 0, 0], sizes = [1, 128, 128], strides = [1, 1, 1]} : vector<3x128x128xf32> to vector<1x128x128xf32>
    %squeeze3A_104 = vector.shape_cast %slice3A_103 : vector<1x128x128xf32> to vector<128x128xf32>
    %dot_general3A_105 = arith.constant dense<0.000000e+00> : vector<512x128xf32>
    %dot_general3A_106 = tpu.matmul %sub3A_102, %squeeze3A_104, %dot_general3A_105 {dimension_numbers = #tpu.dot_dimension_numbers<[1], [0], [0], [1], [0, 0, 1, 1], [], []>, transpose_lhs_hint = false} : vector<512x128xf32>, vector<128x128xf32>, vector<512x128xf32> -> vector<512x128xf32>
    %slice3A_107 = vector.extract_strided_slice %get3A_51 {offsets = [1, 0], sizes = [1, 128], strides = [1, 1]} : vector<3x128xf32> to vector<1x128xf32>
    %squeeze3A_108 = vector.shape_cast %slice3A_107 : vector<1x128xf32> to vector<128xf32>
    %broadcast_in_dim3A_109 = vector.shape_cast %squeeze3A_108 : vector<128xf32> to vector<1x128xf32>
    %add3A_110 = vector.broadcast %broadcast_in_dim3A_109 : vector<1x128xf32> to vector<512x128xf32>
    %add3A_111 = arith.addf %dot_general3A_106, %add3A_110 : vector<512x128xf32>
    %mul3A_112 = vector.broadcast %mul3A_37 : vector<512x1xf32> to vector<512x128xf32>
    %mul3A_113 = arith.mulf %add3A_111, %mul3A_112 : vector<512x128xf32>
    %swap3A_114 = arith.constant 0 : index
    %swap3A_115 = arith.constant 0 : index
    %swap3A_116 = vector.load %arg7[%swap3A_114, %swap3A_115] : memref<512x128xf32, #tpu.memory_space<vmem>>, vector<512x128xf32>
    tpu.vector_store %arg7[%swap3A_114, %swap3A_115], %mul3A_113 {strides = array<i32>} : memref<512x128xf32, #tpu.memory_space<vmem>>, vector<512x128xf32>,
    %slice3A_117 = vector.extract_strided_slice %get3A_41 {offsets = [2, 0, 0], sizes = [1, 50, 128], strides = [1, 1, 1]} : vector<3x50x128xf32> to vector<1x50x128xf32>
    %squeeze3A_118 = vector.shape_cast %slice3A_117 : vector<1x50x128xf32> to vector<50x128xf32>
    %dot_general3A_119 = arith.constant dense<0.000000e+00> : vector<512x128xf32>
    %dot_general3A_120 = tpu.matmul %mul3A_29, %squeeze3A_118, %dot_general3A_119 {dimension_numbers = #tpu.dot_dimension_numbers<[1], [0], [0], [1], [0, 0, 1, 1], [], []>, transpose_lhs_hint = false} : vector<512x50xf32>, vector<50x128xf32>, vector<512x128xf32> -> vector<512x128xf32>
    %slice3A_121 = vector.extract_strided_slice %get3A_44 {offsets = [2, 0], sizes = [1, 128], strides = [1, 1]} : vector<3x128xf32> to vector<1x128xf32>
    %squeeze3A_122 = vector.shape_cast %slice3A_121 : vector<1x128xf32> to vector<128xf32>
    %broadcast_in_dim3A_123 = vector.shape_cast %squeeze3A_122 : vector<128xf32> to vector<1x128xf32>
    %add3A_124 = vector.broadcast %broadcast_in_dim3A_123 : vector<1x128xf32> to vector<512x128xf32>
    %add3A_125 = arith.addf %dot_general3A_120, %add3A_124 : vector<512x128xf32>
    %max3A_126 = arith.constant 0.000000e+00 : f32
    %max3A_127 = vector.broadcast %max3A_126 : f32 to vector<512x128xf32>
    %max3A_128 = arith.maximumf %add3A_125, %max3A_127 : vector<512x128xf32>
    %abs3A_129 = math.absf %add3A_125 : vector<512x128xf32>
    %neg3A_130 = arith.constant 0.000000e+00 : f32
    %neg3A_131 = vector.broadcast %neg3A_130 : f32 to vector<512x128xf32>
    %neg3A_132 = arith.subf %neg3A_131, %abs3A_129 : vector<512x128xf32>
    %exp3A_133 = math.exp %neg3A_132 : vector<512x128xf32>
    %log1p3A_134 = math.log1p %exp3A_133 : vector<512x128xf32>
    %add3A_135 = arith.addf %max3A_128, %log1p3A_134 : vector<512x128xf32>
    %sub3A_136 = arith.constant 0.693147182 : f32
    %sub3A_137 = vector.broadcast %sub3A_136 : f32 to vector<512x128xf32>
    %sub3A_138 = arith.subf %add3A_135, %sub3A_137 : vector<512x128xf32>
    %slice3A_139 = vector.extract_strided_slice %get3A_48 {offsets = [2, 0, 0], sizes = [1, 128, 128], strides = [1, 1, 1]} : vector<3x128x128xf32> to vector<1x128x128xf32>
    %squeeze3A_140 = vector.shape_cast %slice3A_139 : vector<1x128x128xf32> to vector<128x128xf32>
    %dot_general3A_141 = arith.constant dense<0.000000e+00> : vector<512x128xf32>
    %dot_general3A_142 = tpu.matmul %sub3A_138, %squeeze3A_140, %dot_general3A_141 {dimension_numbers = #tpu.dot_dimension_numbers<[1], [0], [0], [1], [0, 0, 1, 1], [], []>, transpose_lhs_hint = false} : vector<512x128xf32>, vector<128x128xf32>, vector<512x128xf32> -> vector<512x128xf32>
    %slice3A_143 = vector.extract_strided_slice %get3A_51 {offsets = [2, 0], sizes = [1, 128], strides = [1, 1]} : vector<3x128xf32> to vector<1x128xf32>
    %squeeze3A_144 = vector.shape_cast %slice3A_143 : vector<1x128xf32> to vector<128xf32>
    %broadcast_in_dim3A_145 = vector.shape_cast %squeeze3A_144 : vector<128xf32> to vector<1x128xf32>
    %add3A_146 = vector.broadcast %broadcast_in_dim3A_145 : vector<1x128xf32> to vector<512x128xf32>
    %add3A_147 = arith.addf %dot_general3A_142, %add3A_146 : vector<512x128xf32>
    %mul3A_148 = vector.broadcast %mul3A_37 : vector<512x1xf32> to vector<512x128xf32>
    %mul3A_149 = arith.mulf %add3A_147, %mul3A_148 : vector<512x128xf32>
    %swap3A_150 = arith.constant 0 : index
    %swap3A_151 = arith.constant 0 : index
    %swap3A_152 = vector.load %arg8[%swap3A_150, %swap3A_151] : memref<512x128xf32, #tpu.memory_space<vmem>>, vector<512x128xf32>
    tpu.vector_store %arg8[%swap3A_150, %swap3A_151], %mul3A_149 {strides = array<i32>} : memref<512x128xf32, #tpu.memory_space<vmem>>, vector<512x128xf32>,
    return
  }
  func.func @transform_0(%arg0: i32) -> (i32, i32) {
    %c0_i32 = arith.constant 0 : i32
    %c0_i32_0 = arith.constant 0 : i32
    return %arg0, %c0_i32 : i32, i32
  }
  func.func @transform_1(%arg0: i32) -> (i32, i32, i32) {
    %c0_i32 = arith.constant 0 : i32
    %c0_i32_0 = arith.constant 0 : i32
    %c0_i32_1 = arith.constant 0 : i32
    %c0_i32_2 = arith.constant 0 : i32
    return %c0_i32, %c0_i32_0, %c0_i32_1 : i32, i32, i32
  }
  func.func @transform_2(%arg0: i32) -> (i32, i32) {
    %c0_i32 = arith.constant 0 : i32
    %c0_i32_0 = arith.constant 0 : i32
    %c0_i32_1 = arith.constant 0 : i32
    return %c0_i32, %c0_i32_0 : i32, i32
  }
  func.func @transform_3(%arg0: i32) -> (i32, i32, i32) {
    %c0_i32 = arith.constant 0 : i32
    %c0_i32_0 = arith.constant 0 : i32
    %c0_i32_1 = arith.constant 0 : i32
    %c0_i32_2 = arith.constant 0 : i32
    return %c0_i32, %c0_i32_0, %c0_i32_1 : i32, i32, i32
  }
  func.func @transform_4(%arg0: i32) -> (i32, i32) {
    %c0_i32 = arith.constant 0 : i32
    %c0_i32_0 = arith.constant 0 : i32
    %c0_i32_1 = arith.constant 0 : i32
    return %c0_i32, %c0_i32_0 : i32, i32
  }
  func.func @transform_5(%arg0: i32) -> (i32, i32) {
    %c0_i32 = arith.constant 0 : i32
    %c0_i32_0 = arith.constant 0 : i32
    return %arg0, %c0_i32 : i32, i32
  }
  func.func @transform_6(%arg0: i32) -> (i32, i32) {
    %c0_i32 = arith.constant 0 : i32
    %c0_i32_0 = arith.constant 0 : i32
    return %arg0, %c0_i32 : i32, i32
  }
  func.func @transform_7(%arg0: i32) -> (i32, i32) {
    %c0_i32 = arith.constant 0 : i32
    %c0_i32_0 = arith.constant 0 : i32
    return %arg0, %c0_i32 : i32, i32
  }
}

module attributes {stable_mosaic.version = 14 : i64} {
  func.func @body(%arg0: i32, %arg1: memref<2x1000x128xf32, #tpu.memory_space<vmem>>, %arg2: memref<1000x128xf32, #tpu.memory_space<vmem>>, %arg3: memref<128x128xf32, #tpu.memory_space<vmem>>, %arg4: memref<1x128xf32, #tpu.memory_space<vmem>>, %arg5: memref<128x128xf32, #tpu.memory_space<vmem>>, %arg6: memref<1x128xf32, #tpu.memory_space<vmem>>, %arg7: memref<128x128xf32, #tpu.memory_space<vmem>>, %arg8: memref<1000x128xf32, #tpu.memory_space<vmem>>, %arg9: memref<1000x128xf32, #tpu.memory_space<vmem>>) attributes {dimension_semantics = [#tpu.dimension_semantics<arbitrary>], iteration_bounds = array<i64: 10>, scalar_prefetch = 0 : i64, scratch_operands = 0 : i64, tpu.core_type = #tpu.core_type<tc>, window_params = [{transform_indices = @transform_0, window_bounds = array<i64: 2, 1000, 128>}, {transform_indices = @transform_1, window_bounds = array<i64: 1000, 128>}, {pipeline_mode = #tpu.pipeline_mode<synchronous>, transform_indices = @transform_2, window_bounds = array<i64: 128, 128>}, {pipeline_mode = #tpu.pipeline_mode<synchronous>, transform_indices = @transform_3, window_bounds = array<i64: 1, 128>}, {pipeline_mode = #tpu.pipeline_mode<synchronous>, transform_indices = @transform_4, window_bounds = array<i64: 128, 128>}, {pipeline_mode = #tpu.pipeline_mode<synchronous>, transform_indices = @transform_5, window_bounds = array<i64: 1, 128>}, {pipeline_mode = #tpu.pipeline_mode<synchronous>, transform_indices = @transform_6, window_bounds = array<i64: 128, 128>}, {transform_indices = @transform_7, window_bounds = array<i64: 1000, 128>}, {transform_indices = @transform_8, window_bounds = array<i64: 1000, 128>}]} {
    %get3A = arith.constant 0 : index
    %get3A_0 = arith.constant 0 : index
    %get3A_1 = arith.constant 0 : index
    %get3A_2 = vector.load %arg1[%get3A, %get3A_0, %get3A_1] : memref<2x1000x128xf32, #tpu.memory_space<vmem>>, vector<1x1000x128xf32>
    %get3A_3 = vector.shape_cast %get3A_2 : vector<1x1000x128xf32> to vector<1000x128xf32>
    %get3A_4 = arith.constant 1 : index
    %get3A_5 = arith.constant 0 : index
    %get3A_6 = arith.constant 0 : index
    %get3A_7 = vector.load %arg1[%get3A_4, %get3A_5, %get3A_6] : memref<2x1000x128xf32, #tpu.memory_space<vmem>>, vector<1x1000x128xf32>
    %get3A_8 = vector.shape_cast %get3A_7 : vector<1x1000x128xf32> to vector<1000x128xf32>
    %add3A = arith.addf %get3A_3, %get3A_8 : vector<1000x128xf32>
    %get3A_9 = arith.constant 0 : index
    %get3A_10 = arith.constant 0 : index
    %get3A_11 = vector.load %arg3[%get3A_9, %get3A_10] : memref<128x128xf32, #tpu.memory_space<vmem>>, vector<128x128xf32>
    %dot_general3A = arith.constant dense<0.000000e+00> : vector<1000x128xf32>
    %dot_general3A_12 = tpu.matmul %add3A, %get3A_11, %dot_general3A {dimension_numbers = #tpu.dot_dimension_numbers<[1], [0], [0], [1], [0, 0, 1, 1], [], []>, transpose_lhs_hint = false} : vector<1000x128xf32>, vector<128x128xf32>, vector<1000x128xf32> -> vector<1000x128xf32>
    %get3A_13 = arith.constant 0 : index
    %get3A_14 = arith.constant 0 : index
    %get3A_15 = vector.load %arg4[%get3A_13, %get3A_14] : memref<1x128xf32, #tpu.memory_space<vmem>>, vector<1x128xf32>
    %add3A_16 = vector.broadcast %get3A_15 : vector<1x128xf32> to vector<1000x128xf32>
    %add3A_17 = arith.addf %dot_general3A_12, %add3A_16 : vector<1000x128xf32>
    %max3A = arith.constant 0.000000e+00 : f32
    %max3A_18 = vector.broadcast %max3A : f32 to vector<1000x128xf32>
    %max3A_19 = arith.maximumf %add3A_17, %max3A_18 : vector<1000x128xf32>
    %abs3A = math.absf %add3A_17 : vector<1000x128xf32>
    %neg3A = arith.constant 0.000000e+00 : f32
    %neg3A_20 = vector.broadcast %neg3A : f32 to vector<1000x128xf32>
    %neg3A_21 = arith.subf %neg3A_20, %abs3A : vector<1000x128xf32>
    %exp3A = math.exp %neg3A_21 : vector<1000x128xf32>
    %log1p3A = math.log1p %exp3A : vector<1000x128xf32>
    %add3A_22 = arith.addf %max3A_19, %log1p3A : vector<1000x128xf32>
    %sub3A = arith.constant 0.693147182 : f32
    %sub3A_23 = vector.broadcast %sub3A : f32 to vector<1000x128xf32>
    %sub3A_24 = arith.subf %add3A_22, %sub3A_23 : vector<1000x128xf32>
    %get3A_25 = arith.constant 0 : index
    %get3A_26 = arith.constant 0 : index
    %get3A_27 = vector.load %arg5[%get3A_25, %get3A_26] : memref<128x128xf32, #tpu.memory_space<vmem>>, vector<128x128xf32>
    %dot_general3A_28 = arith.constant dense<0.000000e+00> : vector<1000x128xf32>
    %dot_general3A_29 = tpu.matmul %sub3A_24, %get3A_27, %dot_general3A_28 {dimension_numbers = #tpu.dot_dimension_numbers<[1], [0], [0], [1], [0, 0, 1, 1], [], []>, transpose_lhs_hint = false} : vector<1000x128xf32>, vector<128x128xf32>, vector<1000x128xf32> -> vector<1000x128xf32>
    %get3A_30 = arith.constant 0 : index
    %get3A_31 = arith.constant 0 : index
    %get3A_32 = vector.load %arg2[%get3A_30, %get3A_31] : memref<1000x128xf32, #tpu.memory_space<vmem>>, vector<1000x128xf32>
    %add3A_33 = arith.addf %get3A_32, %dot_general3A_29 : vector<1000x128xf32>
    %get3A_34 = arith.constant 0 : index
    %get3A_35 = arith.constant 0 : index
    %get3A_36 = vector.load %arg6[%get3A_34, %get3A_35] : memref<1x128xf32, #tpu.memory_space<vmem>>, vector<1x128xf32>
    %add3A_37 = vector.broadcast %get3A_36 : vector<1x128xf32> to vector<1000x128xf32>
    %add3A_38 = arith.addf %add3A_33, %add3A_37 : vector<1000x128xf32>
    %swap3A = arith.constant 0 : index
    %swap3A_39 = arith.constant 0 : index
    %swap3A_40 = vector.load %arg8[%swap3A, %swap3A_39] : memref<1000x128xf32, #tpu.memory_space<vmem>>, vector<1000x128xf32>
    tpu.vector_store %arg8[%swap3A, %swap3A_39], %add3A_38 {strides = array<i32>} : memref<1000x128xf32, #tpu.memory_space<vmem>>, vector<1000x128xf32>,
    %get3A_41 = arith.constant 0 : index
    %get3A_42 = arith.constant 0 : index
    %get3A_43 = vector.load %arg7[%get3A_41, %get3A_42] : memref<128x128xf32, #tpu.memory_space<vmem>>, vector<128x128xf32>
    %dot_general3A_44 = arith.constant dense<0.000000e+00> : vector<1000x128xf32>
    %dot_general3A_45 = tpu.matmul %add3A_38, %get3A_43, %dot_general3A_44 {dimension_numbers = #tpu.dot_dimension_numbers<[1], [0], [0], [1], [0, 0, 1, 1], [], []>, transpose_lhs_hint = false} : vector<1000x128xf32>, vector<128x128xf32>, vector<1000x128xf32> -> vector<1000x128xf32>
    %swap3A_46 = arith.constant 0 : index
    %swap3A_47 = arith.constant 0 : index
    %swap3A_48 = vector.load %arg9[%swap3A_46, %swap3A_47] : memref<1000x128xf32, #tpu.memory_space<vmem>>, vector<1000x128xf32>
    tpu.vector_store %arg9[%swap3A_46, %swap3A_47], %dot_general3A_45 {strides = array<i32>} : memref<1000x128xf32, #tpu.memory_space<vmem>>, vector<1000x128xf32>,
    return
  }
  func.func @transform_0(%arg0: i32) -> (i32, i32, i32) {
    %c0_i32 = arith.constant 0 : i32
    %c0_i32_0 = arith.constant 0 : i32
    %c0_i32_1 = arith.constant 0 : i32
    return %c0_i32, %arg0, %c0_i32_0 : i32, i32, i32
  }
  func.func @transform_1(%arg0: i32) -> (i32, i32) {
    %c0_i32 = arith.constant 0 : i32
    %c0_i32_0 = arith.constant 0 : i32
    return %arg0, %c0_i32 : i32, i32
  }
  func.func @transform_2(%arg0: i32) -> (i32, i32) {
    %c0_i32 = arith.constant 0 : i32
    %c0_i32_0 = arith.constant 0 : i32
    %c0_i32_1 = arith.constant 0 : i32
    return %c0_i32, %c0_i32_0 : i32, i32
  }
  func.func @transform_3(%arg0: i32) -> (i32, i32) {
    %c0_i32 = arith.constant 0 : i32
    %c0_i32_0 = arith.constant 0 : i32
    %c0_i32_1 = arith.constant 0 : i32
    return %c0_i32, %c0_i32_0 : i32, i32
  }
  func.func @transform_4(%arg0: i32) -> (i32, i32) {
    %c0_i32 = arith.constant 0 : i32
    %c0_i32_0 = arith.constant 0 : i32
    %c0_i32_1 = arith.constant 0 : i32
    return %c0_i32, %c0_i32_0 : i32, i32
  }
  func.func @transform_5(%arg0: i32) -> (i32, i32) {
    %c0_i32 = arith.constant 0 : i32
    %c0_i32_0 = arith.constant 0 : i32
    %c0_i32_1 = arith.constant 0 : i32
    return %c0_i32, %c0_i32_0 : i32, i32
  }
  func.func @transform_6(%arg0: i32) -> (i32, i32) {
    %c0_i32 = arith.constant 0 : i32
    %c0_i32_0 = arith.constant 0 : i32
    %c0_i32_1 = arith.constant 0 : i32
    return %c0_i32, %c0_i32_0 : i32, i32
  }
  func.func @transform_7(%arg0: i32) -> (i32, i32) {
    %c0_i32 = arith.constant 0 : i32
    %c0_i32_0 = arith.constant 0 : i32
    return %arg0, %c0_i32 : i32, i32
  }
  func.func @transform_8(%arg0: i32) -> (i32, i32) {
    %c0_i32 = arith.constant 0 : i32
    %c0_i32_0 = arith.constant 0 : i32
    return %arg0, %c0_i32 : i32, i32
  }
}

module attributes {stable_mosaic.version = 14 : i64} {
  func.func @body(%arg0: i32, %arg1: memref<2x1000x128xf32, #tpu.memory_space<vmem>>, %arg2: memref<1000x128xf32, #tpu.memory_space<vmem>>, %arg3: memref<128x128xf32, #tpu.memory_space<vmem>>, %arg4: memref<1x128xf32, #tpu.memory_space<vmem>>, %arg5: memref<128x128xf32, #tpu.memory_space<vmem>>, %arg6: memref<1x128xf32, #tpu.memory_space<vmem>>, %arg7: memref<128x128xf32, #tpu.memory_space<vmem>>, %arg8: memref<1000x128xf32, #tpu.memory_space<vmem>>, %arg9: memref<1000x128xf32, #tpu.memory_space<vmem>>) attributes {dimension_semantics = [#tpu.dimension_semantics<arbitrary>], iteration_bounds = array<i64: 10>, scalar_prefetch = 0 : i64, scratch_operands = 0 : i64, tpu.core_type = #tpu.core_type<tc>, window_params = [{transform_indices = @transform_0, window_bounds = array<i64: 2, 1000, 128>}, {transform_indices = @transform_1, window_bounds = array<i64: 1000, 128>}, {pipeline_mode = #tpu.pipeline_mode<synchronous>, transform_indices = @transform_2, window_bounds = array<i64: 128, 128>}, {pipeline_mode = #tpu.pipeline_mode<synchronous>, transform_indices = @transform_3, window_bounds = array<i64: 1, 128>}, {pipeline_mode = #tpu.pipeline_mode<synchronous>, transform_indices = @transform_4, window_bounds = array<i64: 128, 128>}, {pipeline_mode = #tpu.pipeline_mode<synchronous>, transform_indices = @transform_5, window_bounds = array<i64: 1, 128>}, {pipeline_mode = #tpu.pipeline_mode<synchronous>, transform_indices = @transform_6, window_bounds = array<i64: 128, 128>}, {transform_indices = @transform_7, window_bounds = array<i64: 1000, 128>}, {transform_indices = @transform_8, window_bounds = array<i64: 1000, 128>}]} {
    %get3A = arith.constant 0 : index
    %get3A_0 = arith.constant 0 : index
    %get3A_1 = arith.constant 0 : index
    %get3A_2 = vector.load %arg1[%get3A, %get3A_0, %get3A_1] : memref<2x1000x128xf32, #tpu.memory_space<vmem>>, vector<1x1000x128xf32>
    %get3A_3 = vector.shape_cast %get3A_2 : vector<1x1000x128xf32> to vector<1000x128xf32>
    %get3A_4 = arith.constant 1 : index
    %get3A_5 = arith.constant 0 : index
    %get3A_6 = arith.constant 0 : index
    %get3A_7 = vector.load %arg1[%get3A_4, %get3A_5, %get3A_6] : memref<2x1000x128xf32, #tpu.memory_space<vmem>>, vector<1x1000x128xf32>
    %get3A_8 = vector.shape_cast %get3A_7 : vector<1x1000x128xf32> to vector<1000x128xf32>
    %add3A = arith.addf %get3A_3, %get3A_8 : vector<1000x128xf32>
    %get3A_9 = arith.constant 0 : index
    %get3A_10 = arith.constant 0 : index
    %get3A_11 = vector.load %arg3[%get3A_9, %get3A_10] : memref<128x128xf32, #tpu.memory_space<vmem>>, vector<128x128xf32>
    %dot_general3A = arith.constant dense<0.000000e+00> : vector<1000x128xf32>
    %dot_general3A_12 = tpu.matmul %add3A, %get3A_11, %dot_general3A {dimension_numbers = #tpu.dot_dimension_numbers<[1], [0], [0], [1], [0, 0, 1, 1], [], []>, transpose_lhs_hint = false} : vector<1000x128xf32>, vector<128x128xf32>, vector<1000x128xf32> -> vector<1000x128xf32>
    %get3A_13 = arith.constant 0 : index
    %get3A_14 = arith.constant 0 : index
    %get3A_15 = vector.load %arg4[%get3A_13, %get3A_14] : memref<1x128xf32, #tpu.memory_space<vmem>>, vector<1x128xf32>
    %add3A_16 = vector.broadcast %get3A_15 : vector<1x128xf32> to vector<1000x128xf32>
    %add3A_17 = arith.addf %dot_general3A_12, %add3A_16 : vector<1000x128xf32>
    %max3A = arith.constant 0.000000e+00 : f32
    %max3A_18 = vector.broadcast %max3A : f32 to vector<1000x128xf32>
    %max3A_19 = arith.maximumf %add3A_17, %max3A_18 : vector<1000x128xf32>
    %abs3A = math.absf %add3A_17 : vector<1000x128xf32>
    %neg3A = arith.constant 0.000000e+00 : f32
    %neg3A_20 = vector.broadcast %neg3A : f32 to vector<1000x128xf32>
    %neg3A_21 = arith.subf %neg3A_20, %abs3A : vector<1000x128xf32>
    %exp3A = math.exp %neg3A_21 : vector<1000x128xf32>
    %log1p3A = math.log1p %exp3A : vector<1000x128xf32>
    %add3A_22 = arith.addf %max3A_19, %log1p3A : vector<1000x128xf32>
    %sub3A = arith.constant 0.693147182 : f32
    %sub3A_23 = vector.broadcast %sub3A : f32 to vector<1000x128xf32>
    %sub3A_24 = arith.subf %add3A_22, %sub3A_23 : vector<1000x128xf32>
    %get3A_25 = arith.constant 0 : index
    %get3A_26 = arith.constant 0 : index
    %get3A_27 = vector.load %arg5[%get3A_25, %get3A_26] : memref<128x128xf32, #tpu.memory_space<vmem>>, vector<128x128xf32>
    %dot_general3A_28 = arith.constant dense<0.000000e+00> : vector<1000x128xf32>
    %dot_general3A_29 = tpu.matmul %sub3A_24, %get3A_27, %dot_general3A_28 {dimension_numbers = #tpu.dot_dimension_numbers<[1], [0], [0], [1], [0, 0, 1, 1], [], []>, transpose_lhs_hint = false} : vector<1000x128xf32>, vector<128x128xf32>, vector<1000x128xf32> -> vector<1000x128xf32>
    %get3A_30 = arith.constant 0 : index
    %get3A_31 = arith.constant 0 : index
    %get3A_32 = vector.load %arg2[%get3A_30, %get3A_31] : memref<1000x128xf32, #tpu.memory_space<vmem>>, vector<1000x128xf32>
    %add3A_33 = arith.addf %get3A_32, %dot_general3A_29 : vector<1000x128xf32>
    %get3A_34 = arith.constant 0 : index
    %get3A_35 = arith.constant 0 : index
    %get3A_36 = vector.load %arg6[%get3A_34, %get3A_35] : memref<1x128xf32, #tpu.memory_space<vmem>>, vector<1x128xf32>
    %add3A_37 = vector.broadcast %get3A_36 : vector<1x128xf32> to vector<1000x128xf32>
    %add3A_38 = arith.addf %add3A_33, %add3A_37 : vector<1000x128xf32>
    %swap3A = arith.constant 0 : index
    %swap3A_39 = arith.constant 0 : index
    %swap3A_40 = vector.load %arg8[%swap3A, %swap3A_39] : memref<1000x128xf32, #tpu.memory_space<vmem>>, vector<1000x128xf32>
    tpu.vector_store %arg8[%swap3A, %swap3A_39], %add3A_38 {strides = array<i32>} : memref<1000x128xf32, #tpu.memory_space<vmem>>, vector<1000x128xf32>,
    %get3A_41 = arith.constant 0 : index
    %get3A_42 = arith.constant 0 : index
    %get3A_43 = vector.load %arg7[%get3A_41, %get3A_42] : memref<128x128xf32, #tpu.memory_space<vmem>>, vector<128x128xf32>
    %dot_general3A_44 = arith.constant dense<0.000000e+00> : vector<1000x128xf32>
    %dot_general3A_45 = tpu.matmul %add3A_38, %get3A_43, %dot_general3A_44 {dimension_numbers = #tpu.dot_dimension_numbers<[1], [0], [0], [1], [0, 0, 1, 1], [], []>, transpose_lhs_hint = false} : vector<1000x128xf32>, vector<128x128xf32>, vector<1000x128xf32> -> vector<1000x128xf32>
    %swap3A_46 = arith.constant 0 : index
    %swap3A_47 = arith.constant 0 : index
    %swap3A_48 = vector.load %arg9[%swap3A_46, %swap3A_47] : memref<1000x128xf32, #tpu.memory_space<vmem>>, vector<1000x128xf32>
    tpu.vector_store %arg9[%swap3A_46, %swap3A_47], %dot_general3A_45 {strides = array<i32>} : memref<1000x128xf32, #tpu.memory_space<vmem>>, vector<1000x128xf32>,
    return
  }
  func.func @transform_0(%arg0: i32) -> (i32, i32, i32) {
    %c0_i32 = arith.constant 0 : i32
    %c0_i32_0 = arith.constant 0 : i32
    %c0_i32_1 = arith.constant 0 : i32
    return %c0_i32, %arg0, %c0_i32_0 : i32, i32, i32
  }
  func.func @transform_1(%arg0: i32) -> (i32, i32) {
    %c0_i32 = arith.constant 0 : i32
    %c0_i32_0 = arith.constant 0 : i32
    return %arg0, %c0_i32 : i32, i32
  }
  func.func @transform_2(%arg0: i32) -> (i32, i32) {
    %c0_i32 = arith.constant 0 : i32
    %c0_i32_0 = arith.constant 0 : i32
    %c0_i32_1 = arith.constant 0 : i32
    return %c0_i32, %c0_i32_0 : i32, i32
  }
  func.func @transform_3(%arg0: i32) -> (i32, i32) {
    %c0_i32 = arith.constant 0 : i32
    %c0_i32_0 = arith.constant 0 : i32
    %c0_i32_1 = arith.constant 0 : i32
    return %c0_i32, %c0_i32_0 : i32, i32
  }
  func.func @transform_4(%arg0: i32) -> (i32, i32) {
    %c0_i32 = arith.constant 0 : i32
    %c0_i32_0 = arith.constant 0 : i32
    %c0_i32_1 = arith.constant 0 : i32
    return %c0_i32, %c0_i32_0 : i32, i32
  }
  func.func @transform_5(%arg0: i32) -> (i32, i32) {
    %c0_i32 = arith.constant 0 : i32
    %c0_i32_0 = arith.constant 0 : i32
    %c0_i32_1 = arith.constant 0 : i32
    return %c0_i32, %c0_i32_0 : i32, i32
  }
  func.func @transform_6(%arg0: i32) -> (i32, i32) {
    %c0_i32 = arith.constant 0 : i32
    %c0_i32_0 = arith.constant 0 : i32
    %c0_i32_1 = arith.constant 0 : i32
    return %c0_i32, %c0_i32_0 : i32, i32
  }
  func.func @transform_7(%arg0: i32) -> (i32, i32) {
    %c0_i32 = arith.constant 0 : i32
    %c0_i32_0 = arith.constant 0 : i32
    return %arg0, %c0_i32 : i32, i32
  }
  func.func @transform_8(%arg0: i32) -> (i32, i32) {
    %c0_i32 = arith.constant 0 : i32
    %c0_i32_0 = arith.constant 0 : i32
    return %arg0, %c0_i32 : i32, i32
  }
}

module attributes {stable_mosaic.version = 14 : i64} {
  func.func @body(%arg0: i32, %arg1: memref<1000x128xf32, #tpu.memory_space<vmem>>, %arg2: memref<1000x1xi32, #tpu.memory_space<vmem>>, %arg3: memref<128x64xf32, #tpu.memory_space<vmem>>, %arg4: memref<1x64xf32, #tpu.memory_space<vmem>>, %arg5: memref<64x1xf32, #tpu.memory_space<vmem>>, %arg6: memref<1x1xf32, #tpu.memory_space<vmem>>, %arg7: memref<1x64xf32, #tpu.memory_space<vmem>>) attributes {dimension_semantics = [#tpu.dimension_semantics<arbitrary>], iteration_bounds = array<i64: 10>, scalar_prefetch = 0 : i64, scratch_operands = 0 : i64, tpu.core_type = #tpu.core_type<tc>, window_params = [{transform_indices = @transform_0, window_bounds = array<i64: 1000, 128>}, {transform_indices = @transform_1, window_bounds = array<i64: 1000, 1>}, {pipeline_mode = #tpu.pipeline_mode<synchronous>, transform_indices = @transform_2, window_bounds = array<i64: 128, 64>}, {pipeline_mode = #tpu.pipeline_mode<synchronous>, transform_indices = @transform_3, window_bounds = array<i64: 1, 64>}, {pipeline_mode = #tpu.pipeline_mode<synchronous>, transform_indices = @transform_4, window_bounds = array<i64: 64, 1>}, {pipeline_mode = #tpu.pipeline_mode<synchronous>, transform_indices = @transform_5, window_bounds = array<i64: 1, 1>}, {pipeline_mode = #tpu.pipeline_mode<synchronous>, transform_indices = @transform_6, window_bounds = array<i64: 1, 64>}]} {
    %get3A = arith.constant 0 : index
    %get3A_0 = arith.constant 0 : index
    %get3A_1 = vector.load %arg1[%get3A, %get3A_0] : memref<1000x128xf32, #tpu.memory_space<vmem>>, vector<1000x128xf32>
    %get3A_2 = arith.constant 0 : index
    %get3A_3 = arith.constant 0 : index
    %get3A_4 = vector.load %arg3[%get3A_2, %get3A_3] : memref<128x64xf32, #tpu.memory_space<vmem>>, vector<128x64xf32>
    %dot_general3A = arith.constant dense<0.000000e+00> : vector<1000x64xf32>
    %dot_general3A_5 = tpu.matmul %get3A_1, %get3A_4, %dot_general3A {dimension_numbers = #tpu.dot_dimension_numbers<[1], [0], [0], [1], [0, 0, 1, 1], [], []>, transpose_lhs_hint = false} : vector<1000x128xf32>, vector<128x64xf32>, vector<1000x64xf32> -> vector<1000x64xf32>
    %get3A_6 = arith.constant 0 : index
    %get3A_7 = arith.constant 0 : index
    %get3A_8 = vector.load %arg4[%get3A_6, %get3A_7] : memref<1x64xf32, #tpu.memory_space<vmem>>, vector<1x64xf32>
    %add3A = vector.broadcast %get3A_8 : vector<1x64xf32> to vector<1000x64xf32>
    %add3A_9 = arith.addf %dot_general3A_5, %add3A : vector<1000x64xf32>
    %max3A = arith.constant 0.000000e+00 : f32
    %max3A_10 = vector.broadcast %max3A : f32 to vector<1000x64xf32>
    %max3A_11 = arith.maximumf %add3A_9, %max3A_10 : vector<1000x64xf32>
    %abs3A = math.absf %add3A_9 : vector<1000x64xf32>
    %neg3A = arith.constant 0.000000e+00 : f32
    %neg3A_12 = vector.broadcast %neg3A : f32 to vector<1000x64xf32>
    %neg3A_13 = arith.subf %neg3A_12, %abs3A : vector<1000x64xf32>
    %exp3A = math.exp %neg3A_13 : vector<1000x64xf32>
    %log1p3A = math.log1p %exp3A : vector<1000x64xf32>
    %add3A_14 = arith.addf %max3A_11, %log1p3A : vector<1000x64xf32>
    %sub3A = arith.constant 0.693147182 : f32
    %sub3A_15 = vector.broadcast %sub3A : f32 to vector<1000x64xf32>
    %sub3A_16 = arith.subf %add3A_14, %sub3A_15 : vector<1000x64xf32>
    %get3A_17 = arith.constant 0 : index
    %get3A_18 = arith.constant 0 : index
    %get3A_19 = vector.load %arg5[%get3A_17, %get3A_18] : memref<64x1xf32, #tpu.memory_space<vmem>>, vector<64x1xf32>
    %dot_general3A_20 = arith.constant dense<0.000000e+00> : vector<1000x1xf32>
    %dot_general3A_21 = tpu.matmul %sub3A_16, %get3A_19, %dot_general3A_20 {dimension_numbers = #tpu.dot_dimension_numbers<[1], [0], [0], [1], [0, 0, 1, 1], [], []>, transpose_lhs_hint = false} : vector<1000x64xf32>, vector<64x1xf32>, vector<1000x1xf32> -> vector<1000x1xf32>
    %get3A_22 = arith.constant 0 : index
    %get3A_23 = arith.constant 0 : index
    %get3A_24 = vector.load %arg6[%get3A_22, %get3A_23] : memref<1x1xf32, #tpu.memory_space<vmem>>, vector<1x1xf32>
    %add3A_25 = vector.broadcast %get3A_24 : vector<1x1xf32> to vector<1000x1xf32>
    %add3A_26 = arith.addf %dot_general3A_21, %add3A_25 : vector<1000x1xf32>
    %get3A_27 = arith.constant 0 : index
    %get3A_28 = arith.constant 0 : index
    %get3A_29 = vector.load %arg2[%get3A_27, %get3A_28] : memref<1000x1xi32, #tpu.memory_space<vmem>>, vector<1000x1xi32>
    %iota3A = tpu.iota {dimensions = array<i32: 1>} : vector<1x64xi32>
    %eq3A = vector.broadcast %get3A_29 : vector<1000x1xi32> to vector<1000x64xi32>
    %eq3A_30 = vector.broadcast %iota3A : vector<1x64xi32> to vector<1000x64xi32>
    %eq3A_31 = arith.cmpi eq, %eq3A, %eq3A_30 : vector<1000x64xi32>
    %convert_element_type3A = arith.extui %eq3A_31 : vector<1000x64xi1> to vector<1000x64xi32>
    %convert_element_type3A_32 = arith.sitofp %convert_element_type3A : vector<1000x64xi32> to vector<1000x64xf32>
    %mul3A = vector.broadcast %add3A_26 : vector<1000x1xf32> to vector<1000x64xf32>
    %mul3A_33 = arith.mulf %mul3A, %convert_element_type3A_32 : vector<1000x64xf32>
    %reduce_sum3A = arith.constant dense<0.000000e+00> : vector<64xf32>
    %reduce_sum3A_34 = vector.multi_reduction <add>, %mul3A_33, %reduce_sum3A [0] : vector<1000x64xf32> to vector<64xf32>
    %broadcast_in_dim3A = vector.shape_cast %reduce_sum3A_34 : vector<64xf32> to vector<1x64xf32>
    %eq3A_35 = arith.constant 0 : i32
    %eq3A_36 = arith.cmpi eq, %arg0, %eq3A_35 : i32
    %convert_element_type3A_37 = arith.extui %eq3A_36 : i1 to i32
    %cond3A = arith.constant 0 : i32
    %cond3A_38 = arith.cmpi ne, %convert_element_type3A_37, %cond3A : i32
    scf.if %cond3A_38 {
      %broadcast_in_dim3A_45 = arith.constant 0.000000e+00 : f32
      %broadcast_in_dim3A_46 = vector.broadcast %broadcast_in_dim3A_45 : f32 to vector<1x64xf32>
      %swap3A_47 = arith.constant 0 : index
      %swap3A_48 = arith.constant 0 : index
      %swap3A_49 = vector.load %arg7[%swap3A_47, %swap3A_48] : memref<1x64xf32, #tpu.memory_space<vmem>>, vector<1x64xf32>
      tpu.vector_store %arg7[%swap3A_47, %swap3A_48], %broadcast_in_dim3A_46 {strides = array<i32>} : memref<1x64xf32, #tpu.memory_space<vmem>>, vector<1x64xf32>,
    } else {
    }
    %get3A_39 = arith.constant 0 : index
    %get3A_40 = arith.constant 0 : index
    %get3A_41 = vector.load %arg7[%get3A_39, %get3A_40] : memref<1x64xf32, #tpu.memory_space<vmem>>, vector<1x64xf32>
    %add3A_42 = arith.addf %get3A_41, %broadcast_in_dim3A : vector<1x64xf32>
    %swap3A = arith.constant 0 : index
    %swap3A_43 = arith.constant 0 : index
    %swap3A_44 = vector.load %arg7[%swap3A, %swap3A_43] : memref<1x64xf32, #tpu.memory_space<vmem>>, vector<1x64xf32>
    tpu.vector_store %arg7[%swap3A, %swap3A_43], %add3A_42 {strides = array<i32>} : memref<1x64xf32, #tpu.memory_space<vmem>>, vector<1x64xf32>,
    return
  }
  func.func @transform_0(%arg0: i32) -> (i32, i32) {
    %c0_i32 = arith.constant 0 : i32
    %c0_i32_0 = arith.constant 0 : i32
    return %arg0, %c0_i32 : i32, i32
  }
  func.func @transform_1(%arg0: i32) -> (i32, i32) {
    %c0_i32 = arith.constant 0 : i32
    %c0_i32_0 = arith.constant 0 : i32
    return %arg0, %c0_i32 : i32, i32
  }
  func.func @transform_2(%arg0: i32) -> (i32, i32) {
    %c0_i32 = arith.constant 0 : i32
    %c0_i32_0 = arith.constant 0 : i32
    %c0_i32_1 = arith.constant 0 : i32
    return %c0_i32, %c0_i32_0 : i32, i32
  }
  func.func @transform_3(%arg0: i32) -> (i32, i32) {
    %c0_i32 = arith.constant 0 : i32
    %c0_i32_0 = arith.constant 0 : i32
    %c0_i32_1 = arith.constant 0 : i32
    return %c0_i32, %c0_i32_0 : i32, i32
  }
  func.func @transform_4(%arg0: i32) -> (i32, i32) {
    %c0_i32 = arith.constant 0 : i32
    %c0_i32_0 = arith.constant 0 : i32
    %c0_i32_1 = arith.constant 0 : i32
    return %c0_i32, %c0_i32_0 : i32, i32
  }
  func.func @transform_5(%arg0: i32) -> (i32, i32) {
    %c0_i32 = arith.constant 0 : i32
    %c0_i32_0 = arith.constant 0 : i32
    %c0_i32_1 = arith.constant 0 : i32
    return %c0_i32, %c0_i32_0 : i32, i32
  }
  func.func @transform_6(%arg0: i32) -> (i32, i32) {
    %c0_i32 = arith.constant 0 : i32
    %c0_i32_0 = arith.constant 0 : i32
    %c0_i32_1 = arith.constant 0 : i32
    return %c0_i32, %c0_i32_0 : i32, i32
  }
}

</mosaic_0001>

<sc_bundles>
// kernel: kernel.12.cloned.1.call-start
scs
__scs_entry_jumppad:
0x0: {  	(pc) =	sbr.rel $0x88, $3  }
0x1: {  	(tag) =	ssettag $0x0;
	lr =	simm.s32 $0x1  }
0x2: {  	[smem:$0x3F8D] =	sst lr;
	_ =	strace $0xD0000000  }
0x3: {  	_ = 	snop  }
0x4: {  	_ = 	snop  }
0x5: {  	_ = 	snop  }
0x6: {  	_ = 	snop  }
0x7: {  	_ = 	snop  }
__scs_overlays_trampoline_lowered:
0x8: {  	[smem:$0x3F9C] =	sst s0  }
0x9: {  	[smem:$0x3F9D] =	sst s1  }
0xa: {  	[smem:$0x3F9E] =	sst s2  }
0xb: {  	[smem:$0x3F9F] =	sst s3  }
0xc: {  	[smem:$0x3FA0] =	sst s4  }
0xd: {  	[smem:$0x3FA1] =	sst s5  }
0xe: {  	[smem:$0x3FA2] =	sst s6  }
0xf: {  	[smem:$0x3FA3] =	sst s7  }
0x10: {  	[smem:$0x3FA4] =	sst s8  }
0x11: {  	[smem:$0x3FA5] =	sst s9;
	s0 =	simm.s32 @!p0 $0x0  }
0x12: {  	s1 =	sld [smem:$0x3F8B];
	s0 =	simm.s32 @p0 $0x1  }
0x13: {  	[smem:$0x3FA6] =	sst s0;
	s0 =	simm.s32 @!p1 $0x0  }
0x14: {  	s2 =	sld [smem:$0x3F8A];
	s0 =	simm.s32 @p1 $0x1  }
0x15: {  	[smem:$0x3FA7] =	sst s0;
	s0 =	simm.s32 @!p2 $0x0  }
0x16: {  	s3 =	sld [smem:$0x3FDB];
	s0 =	simm.s32 @p2 $0x1  }
0x17: {  	s4 =	simm.s32 $0x1BF5;
	[smem:$0x3FA9] =	sst s0  }
0x18: {  	s0 =	sld [smem:$0x3F8C];
	_ =	swait.ge [sflag:s4], $0x0  }
0x19: {  	s7 =	sld [smem:$0x3F8D]  }
0x1a: {  	s8 =	sadd.s32 $0xFFFFE003, lr  }
0x1b: {  	s9 =	sadd.s32 $0xFFFFFEF7, lr;
	s5 =	simm.s32 $0xFFFFFFFF;
	p2 =	slt.u32 s8, $0xFFFFF086  }
0x1c: {  	p1 =	slt.u32 s9, $0xF7A;
	s5 =	simm.s32 @!p2 $0x0  }
0x1d: {  	s5 =	simm.s32 @p1 $0x1;
	p0 =	seq.s32 s7, s2  }
0x1e: {  	s7 =	smul.u32 @!p0 $0xF7A, s2;
	p2 =	seq.s32 @!p0 s5, $0x0  }
0x1f: {  	s9 =	smul.u32 $0xF7A, s1;
	s8 =	simm.s32 @!p0 $0x1BF5;
	p2 =	por !p2, p0  }
0x20: {  	[sflag:s8] =	ssyncset.s32 @!p0 $0xFFFFF086;
	s6 =	sadd.s32 @!p0 s3, s7;
	s7 =	simm.s32 @!p0 $0x108  }
0x21: {  	s3 =	sadd.s32 s3, s9;
	s6 =	sadd.s32 @!p0 $0x88, s6;
	s7 =	simm.s32 @p2 $0x1082  }
0x22: {  	[simem:s7], [sflag:s8] =	dma.local @!p0 [hbm:s6], $0xF7A  }
0x23: {  	s9 =	sor.u32 $0xD0000000, s2;
	s6 =	simm.s32 $0x108;
	_ =	swait.ge @!p0 [sflag:s8], $0x0  }
0x24: {  	s3 =	sadd.s32 $0x88, s3;
	s6 =	simm.s32 @!p1 $0x1082;
	[sflag:s4] =	ssyncset.s32 $0xFFFFF086  }
0x25: {  	[simem:s6], [sflag:s4] =	dma.local [hbm:s3], $0xF7A  }
0x26: {  	[smem:$0x3F8D] =	sst s1;
	(tag) =	ssettag s2;
	_ =	strace s9  }
0x27: {  	s1 =	sld [smem:$0x3F9D]  }
0x28: {  	s2 =	sld [smem:$0x3F9E]  }
0x29: {  	s4 =	sld [smem:$0x3FA0]  }
0x2a: {  	p0 =	seq.s32 s5, $0x0;
	s5 =	sld [smem:$0x3FA1]  }
0x2b: {  	s6 =	sld [smem:$0x3FA2]  }
0x2c: {  	s7 =	sld [smem:$0x3FA3]  }
0x2d: {  	s3 =	simm.s32 $0x108;
	s8 =	sld [smem:$0x3FA4]  }
0x2e: {  	s3 =	simm.s32 @!p0 $0x1082;
	s9 =	sld [smem:$0x3FA5]  }
0x2f: {  	lr =	sadd.s32 s0, s3;
	s0 =	sld [smem:$0x3F9C]  }
0x30: {  	s3 =	sld [smem:$0x3F9F]  }
0x31: {  	[smem:$0x3FA8] =	sst s10  }
0x32: {  	s10 =	sld [smem:$0x3FA6];
	_ =	sdelay $0x3  }
0x33: {  	p0 =	seq.s32 s10, $0x1;
	s10 =	sld [smem:$0x3FA8];
	_ =	sdelay $0x3  }
0x34: {  	[smem:$0x3FA8] =	sst s10  }
0x35: {  	s10 =	sld [smem:$0x3FA7];
	_ =	sdelay $0x3  }
0x36: {  	p1 =	seq.s32 s10, $0x1;
	s10 =	sld [smem:$0x3FA8];
	_ =	sdelay $0x3  }
0x37: {  	[smem:$0x3FA8] =	sst s10  }
0x38: {  	s10 =	sld [smem:$0x3FA9]  }
0x39: {  	_ = 	snop;
	(pc) =	sbr.ind lr, $3  }
0x3a: {  	_ = 	snop  }
0x3b: {  	_ = 	snop  }
0x3c: {  	p2 =	seq.s32 s10, $0x1;
	s10 =	sld [smem:$0x3FA8]  }
0x3d: {  	_ =	shalt  }
0x3e: {  	_ =	shalt  }
0x3f: {  	_ =	shalt  }
0x40: {  	_ =	shalt  }
0x41: {  	_ =	shalt  }
0x42: {  	_ =	shalt  }
0x43: {  	_ =	shalt  }
0x44: {  	_ =	shalt  }
0x45: {  	_ =	shalt  }
0x46: {  	_ =	shalt  }
0x47: {  	_ =	shalt  }
0x48: {  	_ =	shalt  }
0x49: {  	_ =	shalt  }
0x4a: {  	_ =	shalt  }
0x4b: {  	_ =	shalt  }
0x4c: {  	_ =	shalt  }
0x4d: {  	_ =	shalt  }
0x4e: {  	_ =	shalt  }
0x4f: {  	_ =	shalt  }
0x50: {  	_ =	shalt  }
0x51: {  	_ =	shalt  }
0x52: {  	_ =	shalt  }
0x53: {  	_ =	shalt  }
0x54: {  	_ =	shalt  }
0x55: {  	_ =	shalt  }
0x56: {  	_ =	shalt  }
0x57: {  	_ =	shalt  }
0x58: {  	_ =	shalt  }
0x59: {  	_ =	shalt  }
0x5a: {  	_ =	shalt  }
0x5b: {  	_ =	shalt  }
0x5c: {  	_ =	shalt  }
0x5d: {  	_ =	shalt  }
0x5e: {  	_ =	shalt  }
0x5f: {  	_ =	shalt  }
0x60: {  	_ =	shalt  }
0x61: {  	_ =	shalt  }
0x62: {  	_ =	shalt  }
0x63: {  	_ =	shalt  }
0x64: {  	_ =	shalt  }
0x65: {  	_ =	shalt  }
0x66: {  	_ =	shalt  }
0x67: {  	_ =	shalt  }
0x68: {  	_ =	shalt  }
0x69: {  	_ =	shalt  }
0x6a: {  	_ =	shalt  }
0x6b: {  	_ =	shalt  }
0x6c: {  	_ =	shalt  }
0x6d: {  	_ =	shalt  }
0x6e: {  	_ =	shalt  }
0x6f: {  	_ =	shalt  }
0x70: {  	_ =	shalt  }
0x71: {  	_ =	shalt  }
0x72: {  	_ =	shalt  }
0x73: {  	_ =	shalt  }
0x74: {  	_ =	shalt  }
0x75: {  	_ =	shalt  }
0x76: {  	_ =	shalt  }
0x77: {  	_ =	shalt  }
0x78: {  	_ =	shalt  }
0x79: {  	_ =	shalt  }
0x7a: {  	_ =	shalt  }
0x7b: {  	_ =	shalt  }
0x7c: {  	_ =	shalt  }
0x7d: {  	_ =	shalt  }
0x7e: {  	_ =	shalt  }
0x7f: {  	_ =	shalt  }
0x80: {  	_ =	shalt  }
0x81: {  	_ =	shalt  }
0x82: {  	_ =	shalt  }
0x83: {  	_ =	shalt  }
0x84: {  	_ =	shalt  }
0x85: {  	_ =	shalt  }
0x86: {  	_ =	shalt  }
0x87: {  	_ =	shalt  }
.Lfunc_end0:
.L_simem_size_0:
called_computation_lowered:
.L_overlay_start_0:
0x88: {  	s2 =	sld [smem:$0x3FD9]  }
0x89: {  	s3 =	sld [smem:$0x3FFE];
	_ =	sdelay $0x1  }
0x8a: {  	s1 =	srdreg.scid  }
0x8b: {  	s0 =	sand.u32 $0x1, s1  }
0x8c: {  	s17 =	sshll.u32 s0, $0xA;
	s2 =	sadd.s32 s3, s2  }
0x8d: {  	s2 =	sadd.s32 s2, s17  }
0x8e: {  	[smem:$0x3FB4] =	sst s2  }
0x8f: {  	_ = 	snop  }
0x90: {  	s2 =	sld [smem:$0x3FC9]  }
0x91: {  	s18 =	sld [smem:$0x3FC4]  }
0x92: {  	s4 =	sld [smem:$0x3FC3];
	(tm) =	ssettm $0x1  }
0x93: {  	s5 =	sld [smem:$0x3FFB];
	_ =	sdelay $0x3  }
0x94: {  	_ =	strace s5  }
0x95: {  	s5 =	sld [smem:$0x3FFC];
	_ =	sdelay $0x3  }
0x96: {  	_ =	strace s5  }
0x97: {  	s5 =	sld [smem:$0x3FFD];
	_ =	sdelay $0x3  }
0x98: {  	_ =	strace s5  }
0x99: {  	_ =	strace $0x8FFFFFFF  }
0x9a: {  	s19 =	sld [smem:$0x3FDB];
	_ =	sdelay $0x1  }
0x9b: {  	s6 =	simm.s32 $_scs_section_size  }
0x9c: {  	s7 =	simm.s32 $_size__tile_overlayer_lowered;
	s8 =	simm.s32 $_tile_overlayer_lowered  }
0x9d: {  	s22 =	simm.s32 $0x1BFF;
	s21 =	sshll.u32 s8, $0x1;
	s5 =	sadd.s32 s6, s19  }
0x9e: {  	s9 =	simm.s32 $0x0;
	s20 =	sshll.u32 s7, $0x1;
	s7 =	sadd.s32 s21, s5  }
0x9f: {  	[timem:s9], [sflag:s22] =	dma.local [hbm:s7], s20  }
0xa0: {  	_ =	swait.ge [sflag:s22], s20  }
0xa1: {  	s6 =	ssub.s32 $0x0, s20;
	[sflag:s22] =	ssyncset.done $0x0  }
0xa2: {  	[sflag:s22] =	ssyncadd.s32 s6;
	_ =	sdelay $0x1  }
0xa3: {  	s23 =	simm.s32 $0x1B8B  }
0xa4: {  	_ =	swait.ge [sflag:s23], $0x1  }
0xa5: {  	[sflag:s23] =	ssyncset.done $0x0  }
0xa6: {  	s25 =	simm.s32 $0x1B8E;
	s24 =	sld [smem:$0x3FFE];
	[sflag:s23] =	ssyncadd.s32 $0xFFFFFFFF  }
0xa7: {  	s26 =	simm.s32 $execute0_lowered;
	[smem:$0x3FD2] =	sst s25  }
0xa8: {  	s7 =	sshll.u32 s26, $0x1;
	_ =	strace $0x80000046;
	[dreg:$0x1] =	wrdreg $0xFFFFFFFF  }
0xa9: {  	s28 =	simm.s32 $_size_execute0_lowered;
	s5 =	sadd.s32 s5, s7;
	[dreg:$0x0] =	wrdreg $0x0  }
0xaa: {  	s7 =	sshll.u32 s28, $0x1;
	[dreg:$0x2] =	wrdreg s5  }
0xab: {  	[dreg:$0x3] =	wrdreg s7  }
0xac: {  	[dreg:$0x4] =	wrdreg $0xC0  }
0xad: {  	_ =	task [dreg:s9], $0x5FFFF  }
0xae: {  	[dreg:$0x1] =	wrdreg $0xFFFFFFFF  }
0xaf: {  	[dreg:$0x0] =	wrdreg $0x60  }
0xb0: {  	[dreg:$0x2] =	wrdreg s24  }
0xb1: {  	[dreg:$0x3] =	wrdreg s18  }
0xb2: {  	[dreg:$0x4] =	wrdreg s2  }
0xb3: {  	[dreg:$0x5] =	wrdreg s4  }
0xb4: {  	[dreg:$0x6] =	wrdreg $0x9  }
0xb5: {  	_ =	task.clear_ibuf [dreg:s9], $0x7FFFF;
	_ =	strace $0x90000046  }
0xb6: {  	s29 =	simm.s32 $0x9;
	_ =	strace $0x80000048  }
0xb7: {  	_ =	swait.ge [sflag:s29], $0x1  }
0xb8: {  	[sflag:s29] =	ssyncadd.s32 $0xFFFFFFFF  }
0xb9: {  	_ =	strace $0x90000048  }
0xba: {  	_ =	sfence  }
0xbb: {  	s30 =	sld [smem:$0x0];
	_ =	sdelay $0x2  }
0xbc: {  	s31 =	sshll.u32 s1, $0xD;
	s1 =	sshrl.u32 s1, $0x2  }
0xbd: {  	s3 =	sand.u32 $0x4000, s31;
	s1 =	sadd.s32 s1, s30  }
0xbe: {  	s0 =	sor.u32 s3, s0;
	s1 =	sshll.u32 s1, $0x11  }
0xbf: {  	s0 =	sor.u32 s1, s0  }
0xc0: {  	s0 =	sadd.s32 $0x8F2B, s0  }
0xc1: {  	[sflag:s0] =	ssyncadd.remote.s32 $0x1  }
0xc2: {  	_ =	sfence.sel $0xFFFF  }
0xc3: {  	[dreg:$0x0] =	wrdreg $0xFFFFFFFF;
	(pc) =	sbr.abs _section_cstart, $3  }
0xc4: {  	[dreg:$0x1] =	wrdreg $0xFFFFFFFF  }
0xc5: {  	_ =	task.clear_ibuf [dreg:s9], $0x2FFFF;
	_ =	strace $0x9FFFFFFF  }
0xc6: {  	(tm) =	ssettm $0x7FFFFFFF  }
0xc7: {  	_ =	shalt  }
tec
execute0_lowered:
.L_overlay_start_1:
0x0: {  	(tag) =	ssettag $0x1  }
0x1: {  	s0 =	rddreg [dreg:$0x0]  }
0x2: {  	s1 =	rddreg [dreg:$0x2]  }
0x3: {  	s2 =	rddreg [dreg:$0x3]  }
0x4: {  	s4 =	simm.s32 $0x0;
	s3 =	srdreg.scid;
	s6 =	stileid.u32  }
0x5: {  	s28 =	simm.s32 $0x7680;
	s29 =	simm.s32 $0x9E00;
	s30 =	simm.s32 $0xA080  }
0x6: {  	s31 =	simm.s32 $0xA100;
	[smem:$0x7FF] =	sst s4;
	s3 =	sand.u32 $0x1, s3  }
0x7: {  	s5 =	smul.u32 $0x4E20, s6;
	s6 =	sshll.u32 s6, $0x1;
	s8 =	sadd.s32 $0x36400, s0  }
0x8: {  	s17 =	sadd.s32 $0x35E00, s0;
	s9 =	sadd.s32 $0x35800, s0;
	_ =	strace $0x80000047  }
0x9: {  	s7 =	smul.u32 $0x2710, s3;
	s6 =	sor.u32 s3, s6;
	[dreg:$0x5] =	wrdreg s8  }
0xa: {  	s11 =	sadd.s32 $0x36A00, s0;
	[dreg:$0x6] =	wrdreg s17;
	s18 =	smul.u32 $0xA, s6  }
0xb: {  	[dreg:$0x7] =	wrdreg s9;
	s19 =	smul.u32 $0x500, s6;
	s10 =	sor.u32 $0x20, s6  }
0xc: {  	[dreg:$0x8] =	wrdreg s11;
	s3 =	ssub.s32 $0x2, s3;
	s20 =	smul.u32 $0xA, s10  }
0xd: {  	s9 =	simm.s32 $0x1;
	s21 =	sor.u32 $0x40, s6;
	s10 =	smul.u32 $0x500, s10  }
0xe: {  	s12 =	sshrl.u32 s3, $0x1;
	s14 =	sor.u32 $0x60, s6;
	s13 =	smul.u32 $0xA, s21  }
0xf: {  	p0 =	sgt.u32 s6, $0x1C;
	s6 =	simm.s32 $0xA380;
	s11 =	smul.u32 $0x500, s21  }
0x10: {  	s5 =	sadd.s32 s7, s5;
	s3 =	ssub.s32 s3, s12;
	s15 =	smul.u32 $0xA, s14  }
0x11: {  	s23 =	smul.u32 $0x500, s14;
	s5 =	sshrl.u32 s5, $0x3;
	s8 =	sadd.s32 s1, s18  }
0x12: {  	s17 =	smax.u32 s3, $0x1;
	s3 =	simm.s32 $0xA200;
	s5 =	sadd.s32 s5, s0  }
0x13: {  	s0 =	sadd.s32 $0x40A00, s0;
	[dreg:$0x9] =	wrdreg s8;
	s7 =	sadd.s32 s1, s20  }
0x14: {  	s25 =	sadd.s32 s1, s13;
	s1 =	sadd.s32 s1, s15;
	[dreg:$0xb] =	wrdreg s7  }
0x15: {  	s8 =	simm.s32 $0xA400;
	s22 =	sadd.s32 s0, s19;
	[dreg:$0xd] =	wrdreg s25  }
0x16: {  	s24 =	sadd.s32 s0, s10;
	s26 =	sadd.s32 s0, s11;
	[dreg:$0xf] =	wrdreg s1  }
0x17: {  	s16 =	sadd.s32 s0, s23;
	s18 =	sadd.s32 $0x36C00, s5;
	s19 =	sadd.s32 $0x17E00, s5  }
0x18: {  	s20 =	sadd.s32 $0x21C00, s5;
	s21 =	sadd.s32 $0x2BA00, s5;
	s23 =	sadd.s32 $0xE000, s5  }
0x19: {  	s25 =	simm.s32 $0x2780;
	s0 =	simm.s32 $0xA180;
	[dreg:$0xa] =	wrdreg s22  }
0x1a: {  	s1 =	simm.s32 $0xA280;
	s7 =	simm.s32 $0x50;
	[dreg:$0xc] =	wrdreg s24  }
0x1b: {  	s10 =	simm.s32 $0x0;
	[dreg:$0xe] =	wrdreg s26;
	s22 =	sadd.s32 $0x4200, s5  }
0x1c: {  	s24 =	simm.s32 $0x2;
	s26 =	simm.s32 $0x4F00;
	s5 =	simm.s32 $0xA300  }
.LBB2_1:
0x1d: {  	s11 =	rddreg [dreg:$0x5]  }
0x1e: {  	[tilespmem:s4], [sflag:$0x2] =	stream.linear.gather [hbm4b:s11+s4], $0x2780, $0x38;
	[tilespmem:$0xCC00] =	vst v63  }
0x1f: {  	_ =	swait.ge [sflag:s24], $0x2780  }
0x20: {  	[sflag:s24] =	ssyncset.done $0x0  }
0x21: {  	s12 =	rddreg [dreg:$0x6];
	[sflag:s24] =	ssyncadd.s32 $0xFFFFD880  }
0x22: {  	[tilespmem:s25], [sflag:$0x2] =	stream.linear.gather [hbm4b:s12+s4], $0x2780, $0x38;
	[tilespmem:$0xCC00] =	vst v63  }
0x23: {  	_ =	swait.ge [sflag:s24], $0x2780  }
0x24: {  	[sflag:s24] =	ssyncset.done $0x0  }
0x25: {  	s13 =	rddreg [dreg:$0x7];
	[sflag:s24] =	ssyncadd.s32 $0xFFFFD880  }
0x26: {  	[tilespmem:s26], [sflag:$0x2] =	stream.linear.gather [hbm4b:s13+s4], $0x2780, $0x38;
	[tilespmem:$0xCC00] =	vst v63  }
0x27: {  	_ =	swait.ge [sflag:s24], $0x2780  }
0x28: {  	[sflag:s24] =	ssyncset.done $0x0  }
0x29: {  	[sflag:s24] =	ssyncadd.s32 $0xFFFFD880  }
0x2a: {  	s14 =	rddreg [dreg:$0x1]  }
0x2b: {  	[tilespmem:s28], [sflag:$0x2] =	stream.linear.gather [hbm4b:s14+s4], $0x2780, $0x38;
	[tilespmem:$0xCC00] =	vst v63  }
0x2c: {  	_ =	swait.ge [sflag:s24], $0x2780  }
0x2d: {  	[sflag:s24] =	ssyncset.done $0x0  }
0x2e: {  	s15 =	rddreg [dreg:$0x8];
	[sflag:s24] =	ssyncadd.s32 $0xFFFFD880  }
0x2f: {  	[tilespmem:s29], [sflag:$0x2] =	stream.linear.gather [hbm4b:s15+s4], $0x280, $0x38;
	[tilespmem:$0xCC00] =	vst v63  }
0x30: {  	_ =	swait.ge [sflag:s24], $0x280  }
0x31: {  	[sflag:s24] =	ssyncset.done $0x0  }
0x32: {  	s11 =	simm.s32 $0x0;
	[sflag:s24] =	ssyncadd.s32 $0xFFFFFD80  }
.LBB2_2:
0x33: {  	s12 =	sadd.s32 s11, s23  }
0x34: {  	[tilespmem:s30], [sflag:$0x2] =	stream.linear.gather [hbm4b:s12+s4], $0x50, $0x38;
	[tilespmem:$0xCC00] =	vst v63  }
0x35: {  	_ =	swait.ge [sflag:s24], $0x50  }
0x36: {  	[sflag:s24] =	ssyncset.done $0x0  }
0x37: {  	s14 =	sadd.s32 s11, s22;
	[sflag:s24] =	ssyncadd.s32 $0xFFFFFFB0  }
0x38: {  	[tilespmem:s31], [sflag:$0x2] =	stream.linear.gather [hbm4b:s14+s4], $0x50, $0x38;
	[tilespmem:$0xCC00] =	vst v63  }
0x39: {  	_ =	swait.ge [sflag:s24], $0x50  }
0x3a: {  	[sflag:s24] =	ssyncset.done $0x0  }
0x3b: {  	s15 =	sadd.s32 s11, s21;
	[sflag:s24] =	ssyncadd.s32 $0xFFFFFFB0  }
0x3c: {  	[tilespmem:s0], [sflag:$0x2] =	stream.linear.gather [hbm4b:s15+s4], $0x50, $0x38;
	[tilespmem:$0xCC00] =	vst v63  }
0x3d: {  	_ =	swait.ge [sflag:s24], $0x50  }
0x3e: {  	[sflag:s24] =	ssyncset.done $0x0  }
0x3f: {  	s13 =	sadd.s32 s11, s20;
	[sflag:s24] =	ssyncadd.s32 $0xFFFFFFB0  }
0x40: {  	[tilespmem:s3], [sflag:$0x2] =	stream.linear.gather [hbm4b:s13+s4], $0x50, $0x38;
	[tilespmem:$0xCC00] =	vst v63  }
0x41: {  	_ =	swait.ge [sflag:s24], $0x50  }
0x42: {  	[sflag:s24] =	ssyncset.done $0x0  }
0x43: {  	s14 =	sadd.s32 s11, s19;
	[sflag:s24] =	ssyncadd.s32 $0xFFFFFFB0  }
0x44: {  	[tilespmem:s1], [sflag:$0x2] =	stream.linear.gather [hbm4b:s14+s4], $0x50, $0x38;
	[tilespmem:$0xCC00] =	vst v63  }
0x45: {  	_ =	swait.ge [sflag:s24], $0x50  }
0x46: {  	[sflag:s24] =	ssyncset.done $0x0  }
0x47: {  	[sflag:s24] =	ssyncadd.s32 $0xFFFFFFB0  }
0x48: {  	v0 =	vld [tilespmem:$0xA080];
	_ =	sdelay $0x6  }
0x49: {  	v1 =	vld [tilespmem:$0xA100]  }
0x4a: {  	v2 =	vld.idx.msk [tilespmem:v0+s28+$0x0], $0xffff;
	_ =	sdelay $0x1  }
0x4b: {  	v14 =	vld [tilespmem:$0xA180]  }
0x4c: {  	v16 =	vld [tilespmem:$0xA200]  }
0x4d: {  	v17 =	vld [tilespmem:$0xA280]  }
0x4e: {  	v3 =	vld.idx.msk [tilespmem:v0+s4+$0x0], $0xffff;
	v2 =	vmul.u32 $0x9, v2  }
0x4f: {  	v4 =	vld.idx.msk [tilespmem:v0+s25+$0x0], $0xffff  }
0x50: {  	v0 =	vld.idx.msk [tilespmem:v0+s26+$0x0], $0xffff;
	v5 =	vadd.s32 $0x1, v2  }
0x51: {  	v6 =	vld.idx.msk [tilespmem:v1+s4+$0x0], $0xffff;
	v7 =	vadd.s32 $0x2, v2  }
0x52: {  	v8 =	vld.idx.msk [tilespmem:v1+s25+$0x0], $0xffff;
	v9 =	vadd.s32 $0x3, v2  }
0x53: {  	v1 =	vld.idx.msk [tilespmem:v1+s26+$0x0], $0xffff;
	v11 =	vadd.s32 $0x4, v2  }
0x54: {  	v12 =	vadd.s32 $0x5, v2;
	v10 =	vld.idx.msk [tilespmem:v2+s29+$0x0], $0xffff  }
0x55: {  	v13 =	vadd.s32 $0x6, v2;
	v5 =	vld.idx.msk [tilespmem:v5+s29+$0x0], $0xffff  }
0x56: {  	v15 =	vadd.s32 $0x7, v2;
	v7 =	vld.idx.msk [tilespmem:v7+s29+$0x0], $0xffff  }
0x57: {  	v9 =	vld.idx.msk [tilespmem:v9+s29+$0x0], $0xffff  }
0x58: {  	v2 =	vadd.s32 $0x8, v2;
	v11 =	vld.idx.msk [tilespmem:v11+s29+$0x0], $0xffff  }
0x59: {  	v12 =	vld.idx.msk [tilespmem:v12+s29+$0x0], $0xffff  }
0x5a: {  	v13 =	vld.idx.msk [tilespmem:v13+s29+$0x0], $0xffff  }
0x5b: {  	v3 =	vsub.f32 v6, v3;
	v34 =	vld.idx.msk [tilespmem:v15+s29+$0x0], $0xffff  }
0x5c: {  	v4 =	vsub.f32 v8, v4;
	v33 =	vmul.f32 v14, v10;
	v5 =	vmul.f32 v14, v5  }
0x5d: {  	v0 =	vsub.f32 v1, v0;
	v2 =	vld.idx.msk [tilespmem:v2+s29+$0x0], $0xffff;
	v35 =	vmul.f32 v16, v9;
	v37 =	vmul.f32 v14, v7  }
0x5e: {  	v36 =	vmul.f32 v16, v11;
	v3 =	vadd.f32 v33, v3;
	v4 =	vadd.f32 v5, v4  }
0x5f: {  	v38 =	vmul.f32 v17, v13;
	v40 =	vmul.f32 v16, v12;
	v0 =	vadd.f32 v37, v0  }
0x60: {  	v39 =	vmul.f32 v17, v34;
	v3 =	vadd.f32 v35, v3;
	v4 =	vadd.f32 v36, v4  }
0x61: {  	v0 =	vadd.f32 v40, v0  }
0x62: {  	v41 =	vmul.f32 v17, v2;
	v3 =	vadd.f32 v38, v3;
	v4 =	vadd.f32 v39, v4;
	_ =	sdelay $0x1  }
0x63: {  	v44 =	vld [tilespmem:$0xA090];
	v0 =	vadd.f32 v41, v0;
	v42 =	vmul.f32 v3, v3;
	v43 =	vmul.f32 v4, v4;
	_ =	sdelay $0x1  }
0x64: {  	v0 =	vmul.f32 v0, v0;
	v1 =	vadd.f32 v43, v42;
	_ =	sdelay $0x1  }
0x65: {  	v0 =	vadd.f32 v1, v0;
	_ =	sdelay $0x1  }
0x66: {  	v0 =	vmax.f32 v0, $9.999999960e-13  }
0x67: {  	v45 =	vld [tilespmem:$0xA110];
	[tilespmem:$0xA300] =	vst v0  }
0x68: {  	v46 =	vld.idx.msk [tilespmem:v44+s28+$0x0], $0xffff;
	_ =	sdelay $0x1  }
0x69: {  	v58 =	vld [tilespmem:$0xA190]  }
0x6a: {  	v60 =	vld [tilespmem:$0xA210]  }
0x6b: {  	v61 =	vld [tilespmem:$0xA290]  }
0x6c: {  	v47 =	vld.idx.msk [tilespmem:v44+s4+$0x0], $0xffff;
	v1 =	vmul.u32 $0x9, v46  }
0x6d: {  	v48 =	vld.idx.msk [tilespmem:v44+s25+$0x0], $0xffff  }
0x6e: {  	v3 =	vld.idx.msk [tilespmem:v44+s26+$0x0], $0xffff;
	v49 =	vadd.s32 $0x1, v1  }
0x6f: {  	v50 =	vld.idx.msk [tilespmem:v45+s4+$0x0], $0xffff;
	v51 =	vadd.s32 $0x2, v1  }
0x70: {  	v52 =	vld.idx.msk [tilespmem:v45+s25+$0x0], $0xffff;
	v53 =	vadd.s32 $0x3, v1  }
0x71: {  	v0 =	vld.idx.msk [tilespmem:v45+s26+$0x0], $0xffff;
	v55 =	vadd.s32 $0x4, v1  }
0x72: {  	v56 =	vadd.s32 $0x5, v1;
	v54 =	vld.idx.msk [tilespmem:v1+s29+$0x0], $0xffff  }
0x73: {  	v57 =	vadd.s32 $0x6, v1;
	v5 =	vld.idx.msk [tilespmem:v49+s29+$0x0], $0xffff  }
0x74: {  	v59 =	vadd.s32 $0x7, v1;
	v7 =	vld.idx.msk [tilespmem:v51+s29+$0x0], $0xffff  }
0x75: {  	v9 =	vld.idx.msk [tilespmem:v53+s29+$0x0], $0xffff  }
0x76: {  	v1 =	vadd.s32 $0x8, v1;
	v11 =	vld.idx.msk [tilespmem:v55+s29+$0x0], $0xffff  }
0x77: {  	v12 =	vld.idx.msk [tilespmem:v56+s29+$0x0], $0xffff  }
0x78: {  	v13 =	vld.idx.msk [tilespmem:v57+s29+$0x0], $0xffff  }
0x79: {  	v2 =	vsub.f32 v50, v47;
	v63 =	vld.idx.msk [tilespmem:v59+s29+$0x0], $0xffff  }
0x7a: {  	v4 =	vsub.f32 v52, v48;
	v62 =	vmul.f32 v58, v54;
	v5 =	vmul.f32 v58, v5  }
0x7b: {  	v0 =	vsub.f32 v0, v3;
	v1 =	vld.idx.msk [tilespmem:v1+s29+$0x0], $0xffff;
	v15 =	vmul.f32 v60, v9;
	v19 =	vmul.f32 v58, v7  }
0x7c: {  	v18 =	vmul.f32 v60, v11;
	v2 =	vadd.f32 v62, v2;
	v4 =	vadd.f32 v5, v4  }
0x7d: {  	v20 =	vmul.f32 v61, v13;
	v22 =	vmul.f32 v60, v12;
	v0 =	vadd.f32 v19, v0  }
0x7e: {  	v21 =	vmul.f32 v61, v63;
	v2 =	vadd.f32 v15, v2;
	v4 =	vadd.f32 v18, v4  }
0x7f: {  	v0 =	vadd.f32 v22, v0  }
0x80: {  	v1 =	vmul.f32 v61, v1;
	v2 =	vadd.f32 v20, v2;
	v4 =	vadd.f32 v21, v4;
	_ =	sdelay $0x1  }
0x81: {  	v25 =	vld [tilespmem:$0xA0A0];
	v0 =	vadd.f32 v1, v0;
	v23 =	vmul.f32 v2, v2;
	v24 =	vmul.f32 v4, v4;
	_ =	sdelay $0x1  }
0x82: {  	v0 =	vmul.f32 v0, v0;
	v1 =	vadd.f32 v24, v23;
	_ =	sdelay $0x1  }
0x83: {  	v0 =	vadd.f32 v1, v0;
	_ =	sdelay $0x1  }
0x84: {  	v0 =	vmax.f32 v0, $9.999999960e-13  }
0x85: {  	v26 =	vld [tilespmem:$0xA120];
	[tilespmem:$0xA310] =	vst v0  }
0x86: {  	v27 =	vld.idx.msk [tilespmem:v25+s28+$0x0], $0xffff;
	_ =	sdelay $0x1  }
0x87: {  	v39 =	vld [tilespmem:$0xA1A0]  }
0x88: {  	v41 =	vld [tilespmem:$0xA220]  }
0x89: {  	v42 =	vld [tilespmem:$0xA2A0]  }
0x8a: {  	v28 =	vld.idx.msk [tilespmem:v25+s4+$0x0], $0xffff;
	v1 =	vmul.u32 $0x9, v27  }
0x8b: {  	v29 =	vld.idx.msk [tilespmem:v25+s25+$0x0], $0xffff  }
0x8c: {  	v3 =	vld.idx.msk [tilespmem:v25+s26+$0x0], $0xffff;
	v30 =	vadd.s32 $0x1, v1  }
0x8d: {  	v31 =	vld.idx.msk [tilespmem:v26+s4+$0x0], $0xffff;
	v32 =	vadd.s32 $0x2, v1  }
0x8e: {  	v33 =	vld.idx.msk [tilespmem:v26+s25+$0x0], $0xffff;
	v34 =	vadd.s32 $0x3, v1  }
0x8f: {  	v0 =	vld.idx.msk [tilespmem:v26+s26+$0x0], $0xffff;
	v36 =	vadd.s32 $0x4, v1  }
0x90: {  	v37 =	vadd.s32 $0x5, v1;
	v35 =	vld.idx.msk [tilespmem:v1+s29+$0x0], $0xffff  }
0x91: {  	v38 =	vadd.s32 $0x6, v1;
	v5 =	vld.idx.msk [tilespmem:v30+s29+$0x0], $0xffff  }
0x92: {  	v40 =	vadd.s32 $0x7, v1;
	v7 =	vld.idx.msk [tilespmem:v32+s29+$0x0], $0xffff  }
0x93: {  	v9 =	vld.idx.msk [tilespmem:v34+s29+$0x0], $0xffff  }
0x94: {  	v1 =	vadd.s32 $0x8, v1;
	v11 =	vld.idx.msk [tilespmem:v36+s29+$0x0], $0xffff  }
0x95: {  	v12 =	vld.idx.msk [tilespmem:v37+s29+$0x0], $0xffff  }
0x96: {  	v13 =	vld.idx.msk [tilespmem:v38+s29+$0x0], $0xffff  }
0x97: {  	v2 =	vsub.f32 v31, v28;
	v44 =	vld.idx.msk [tilespmem:v40+s29+$0x0], $0xffff  }
0x98: {  	v4 =	vsub.f32 v33, v29;
	v43 =	vmul.f32 v39, v35;
	v5 =	vmul.f32 v39, v5  }
0x99: {  	v0 =	vsub.f32 v0, v3;
	v1 =	vld.idx.msk [tilespmem:v1+s29+$0x0], $0xffff;
	v45 =	vmul.f32 v41, v9;
	v47 =	vmul.f32 v39, v7  }
0x9a: {  	v46 =	vmul.f32 v41, v11;
	v2 =	vadd.f32 v43, v2;
	v4 =	vadd.f32 v5, v4  }
0x9b: {  	v48 =	vmul.f32 v42, v13;
	v50 =	vmul.f32 v41, v12;
	v0 =	vadd.f32 v47, v0  }
0x9c: {  	v49 =	vmul.f32 v42, v44;
	v2 =	vadd.f32 v45, v2;
	v4 =	vadd.f32 v46, v4  }
0x9d: {  	v0 =	vadd.f32 v50, v0  }
0x9e: {  	v1 =	vmul.f32 v42, v1;
	v2 =	vadd.f32 v48, v2;
	v4 =	vadd.f32 v49, v4;
	_ =	sdelay $0x1  }
0x9f: {  	v53 =	vld [tilespmem:$0xA0B0];
	v0 =	vadd.f32 v1, v0;
	v51 =	vmul.f32 v2, v2;
	v52 =	vmul.f32 v4, v4;
	_ =	sdelay $0x1  }
0xa0: {  	v0 =	vmul.f32 v0, v0;
	v1 =	vadd.f32 v52, v51;
	_ =	sdelay $0x1  }
0xa1: {  	v0 =	vadd.f32 v1, v0;
	_ =	sdelay $0x1  }
0xa2: {  	v0 =	vmax.f32 v0, $9.999999960e-13  }
0xa3: {  	v54 =	vld [tilespmem:$0xA130];
	[tilespmem:$0xA320] =	vst v0  }
0xa4: {  	v55 =	vld.idx.msk [tilespmem:v53+s28+$0x0], $0xffff;
	_ =	sdelay $0x1  }
0xa5: {  	v22 =	vld [tilespmem:$0xA1B0]  }
0xa6: {  	v24 =	vld [tilespmem:$0xA230]  }
0xa7: {  	v25 =	vld [tilespmem:$0xA2B0]  }
0xa8: {  	v56 =	vld.idx.msk [tilespmem:v53+s4+$0x0], $0xffff;
	v1 =	vmul.u32 $0x9, v55  }
0xa9: {  	v57 =	vld.idx.msk [tilespmem:v53+s25+$0x0], $0xffff  }
0xaa: {  	v3 =	vld.idx.msk [tilespmem:v53+s26+$0x0], $0xffff;
	v58 =	vadd.s32 $0x1, v1  }
0xab: {  	v59 =	vld.idx.msk [tilespmem:v54+s4+$0x0], $0xffff;
	v60 =	vadd.s32 $0x2, v1  }
0xac: {  	v61 =	vld.idx.msk [tilespmem:v54+s25+$0x0], $0xffff;
	v62 =	vadd.s32 $0x3, v1  }
0xad: {  	v0 =	vld.idx.msk [tilespmem:v54+s26+$0x0], $0xffff;
	v19 =	vadd.s32 $0x4, v1  }
0xae: {  	v20 =	vadd.s32 $0x5, v1;
	v63 =	vld.idx.msk [tilespmem:v1+s29+$0x0], $0xffff  }
0xaf: {  	v21 =	vadd.s32 $0x6, v1;
	v5 =	vld.idx.msk [tilespmem:v58+s29+$0x0], $0xffff  }
0xb0: {  	v23 =	vadd.s32 $0x7, v1;
	v7 =	vld.idx.msk [tilespmem:v60+s29+$0x0], $0xffff  }
0xb1: {  	v9 =	vld.idx.msk [tilespmem:v62+s29+$0x0], $0xffff  }
0xb2: {  	v1 =	vadd.s32 $0x8, v1;
	v11 =	vld.idx.msk [tilespmem:v19+s29+$0x0], $0xffff  }
0xb3: {  	v12 =	vld.idx.msk [tilespmem:v20+s29+$0x0], $0xffff  }
0xb4: {  	v13 =	vld.idx.msk [tilespmem:v21+s29+$0x0], $0xffff  }
0xb5: {  	v2 =	vsub.f32 v59, v56;
	v27 =	vld.idx.msk [tilespmem:v23+s29+$0x0], $0xffff  }
0xb6: {  	v4 =	vsub.f32 v61, v57;
	v26 =	vmul.f32 v22, v63;
	v5 =	vmul.f32 v22, v5  }
0xb7: {  	v0 =	vsub.f32 v0, v3;
	v1 =	vld.idx.msk [tilespmem:v1+s29+$0x0], $0xffff;
	v28 =	vmul.f32 v24, v9;
	v30 =	vmul.f32 v22, v7  }
0xb8: {  	v29 =	vmul.f32 v24, v11;
	v2 =	vadd.f32 v26, v2;
	v4 =	vadd.f32 v5, v4  }
0xb9: {  	v31 =	vmul.f32 v25, v13;
	v33 =	vmul.f32 v24, v12;
	v0 =	vadd.f32 v30, v0  }
0xba: {  	v32 =	vmul.f32 v25, v27;
	v2 =	vadd.f32 v28, v2;
	v4 =	vadd.f32 v29, v4  }
0xbb: {  	v0 =	vadd.f32 v33, v0  }
0xbc: {  	v1 =	vmul.f32 v25, v1;
	v2 =	vadd.f32 v31, v2;
	v4 =	vadd.f32 v32, v4;
	_ =	sdelay $0x1  }
0xbd: {  	v36 =	vld [tilespmem:$0xA0C0];
	v0 =	vadd.f32 v1, v0;
	v34 =	vmul.f32 v2, v2;
	v35 =	vmul.f32 v4, v4;
	_ =	sdelay $0x1  }
0xbe: {  	v0 =	vmul.f32 v0, v0;
	v1 =	vadd.f32 v35, v34;
	_ =	sdelay $0x1  }
0xbf: {  	v0 =	vadd.f32 v1, v0;
	_ =	sdelay $0x1  }
0xc0: {  	v0 =	vmax.f32 v0, $9.999999960e-13  }
0xc1: {  	v37 =	vld [tilespmem:$0xA140];
	[tilespmem:$0xA330] =	vst v0  }
0xc2: {  	v38 =	vld.idx.msk [tilespmem:v36+s28+$0x0], $0xffff;
	_ =	sdelay $0x1  }
0xc3: {  	v50 =	vld [tilespmem:$0xA1C0]  }
0xc4: {  	v52 =	vld [tilespmem:$0xA240]  }
0xc5: {  	v53 =	vld [tilespmem:$0xA2C0]  }
0xc6: {  	v39 =	vld.idx.msk [tilespmem:v36+s4+$0x0], $0xffff;
	v1 =	vmul.u32 $0x9, v38  }
0xc7: {  	v40 =	vld.idx.msk [tilespmem:v36+s25+$0x0], $0xffff  }
0xc8: {  	v3 =	vld.idx.msk [tilespmem:v36+s26+$0x0], $0xffff;
	v41 =	vadd.s32 $0x1, v1  }
0xc9: {  	v42 =	vld.idx.msk [tilespmem:v37+s4+$0x0], $0xffff;
	v43 =	vadd.s32 $0x2, v1  }
0xca: {  	v44 =	vld.idx.msk [tilespmem:v37+s25+$0x0], $0xffff;
	v45 =	vadd.s32 $0x3, v1  }
0xcb: {  	v0 =	vld.idx.msk [tilespmem:v37+s26+$0x0], $0xffff;
	v47 =	vadd.s32 $0x4, v1  }
0xcc: {  	v48 =	vadd.s32 $0x5, v1;
	v46 =	vld.idx.msk [tilespmem:v1+s29+$0x0], $0xffff  }
0xcd: {  	v49 =	vadd.s32 $0x6, v1;
	v5 =	vld.idx.msk [tilespmem:v41+s29+$0x0], $0xffff  }
0xce: {  	v51 =	vadd.s32 $0x7, v1;
	v7 =	vld.idx.msk [tilespmem:v43+s29+$0x0], $0xffff  }
0xcf: {  	v9 =	vld.idx.msk [tilespmem:v45+s29+$0x0], $0xffff  }
0xd0: {  	v1 =	vadd.s32 $0x8, v1;
	v11 =	vld.idx.msk [tilespmem:v47+s29+$0x0], $0xffff  }
0xd1: {  	v12 =	vld.idx.msk [tilespmem:v48+s29+$0x0], $0xffff  }
0xd2: {  	v13 =	vld.idx.msk [tilespmem:v49+s29+$0x0], $0xffff  }
0xd3: {  	v2 =	vsub.f32 v42, v39;
	v55 =	vld.idx.msk [tilespmem:v51+s29+$0x0], $0xffff  }
0xd4: {  	v4 =	vsub.f32 v44, v40;
	v54 =	vmul.f32 v50, v46;
	v5 =	vmul.f32 v50, v5  }
0xd5: {  	v0 =	vsub.f32 v0, v3;
	v1 =	vld.idx.msk [tilespmem:v1+s29+$0x0], $0xffff;
	v56 =	vmul.f32 v52, v9;
	v58 =	vmul.f32 v50, v7  }
0xd6: {  	v57 =	vmul.f32 v52, v11;
	v2 =	vadd.f32 v54, v2;
	v4 =	vadd.f32 v5, v4  }
0xd7: {  	v59 =	vmul.f32 v53, v13;
	v61 =	vmul.f32 v52, v12;
	v0 =	vadd.f32 v58, v0  }
0xd8: {  	v60 =	vmul.f32 v53, v55;
	v2 =	vadd.f32 v56, v2;
	v4 =	vadd.f32 v57, v4  }
0xd9: {  	v0 =	vadd.f32 v61, v0  }
0xda: {  	v1 =	vmul.f32 v53, v1;
	v2 =	vadd.f32 v59, v2;
	v4 =	vadd.f32 v60, v4;
	_ =	sdelay $0x1  }
0xdb: {  	v0 =	vadd.f32 v1, v0;
	v62 =	vmul.f32 v2, v2;
	v63 =	vmul.f32 v4, v4;
	_ =	sdelay $0x1  }
0xdc: {  	v0 =	vmul.f32 v0, v0;
	v1 =	vadd.f32 v63, v62;
	_ =	sdelay $0x1  }
0xdd: {  	v0 =	vadd.f32 v1, v0;
	_ =	sdelay $0x1  }
0xde: {  	p1 =	sne.s32 s11, $0x4D8;
	v0 =	vmax.f32 v0, $9.999999960e-13  }
.Ltmp0:
0xdf: {  	s15 =	sadd.s32 s11, s18;
	[tilespmem:$0xA340] =	vst v0;
	(pc) =	sbr.rel @p1 .LBB2_2-.Ltmp0, $4  }
0xe0: {  	[hbm4b:s15+s4] =	stream.linear.scatter [tilespmem:s5], [sflag:$0x2], $0x50, $0x38;
	[tilespmem:$0xCC00] =	vst v63  }
0xe1: {  	_ =	swait.ge [sflag:s24], $0x50  }
0xe2: {  	[sflag:s24] =	ssyncset.done $0x0  }
0xe3: {  	s11 =	sadd.s32 $0xA, s11;
	[sflag:s24] =	ssyncadd.s32 $0xFFFFFFB0  }
0xe4: {  	s11 =	rddreg [dreg:$0x9]  }
0xe5: {  	[tilespmem:s6], [sflag:$0x2] =	stream.linear.gather [hbm4b:s11+s4], $0x50, $0x38;
	[tilespmem:$0xCC00] =	vst v63  }
0xe6: {  	_ =	swait.ge [sflag:s24], $0x50  }
0xe7: {  	[sflag:s24] =	ssyncset.done $0x0  }
0xe8: {  	[sflag:s24] =	ssyncadd.s32 $0xFFFFFFB0  }
0xe9: {  	[tilespmem:s8], [sflag:$0x1] =	stream.indirect.gather [hbm4b:s2+s7], $0x80, s6, s7, $0xb8;
	[tilespmem:$0xCC00] =	vst v63  }
0xea: {  	_ =	swait.ge [sflag:s9], $0x2800  }
0xeb: {  	[sflag:s9] =	ssyncset.done $0x0  }
0xec: {  	s15 =	rddreg [dreg:$0xa];
	[sflag:s9] =	ssyncadd.s32 $0xFFFFD800  }
0xed: {  	[hbm4b:s15+s4] =	stream.linear.scatter [tilespmem:s8], [sflag:$0x2], $0x2800, $0x38;
	[tilespmem:$0xCC00] =	vst v63  }
0xee: {  	_ =	swait.ge [sflag:s24], $0x2800  }
0xef: {  	[sflag:s24] =	ssyncset.done $0x0  }
0xf0: {  	s12 =	rddreg [dreg:$0xb];
	[sflag:s24] =	ssyncadd.s32 $0xFFFFD800  }
0xf1: {  	[tilespmem:s6], [sflag:$0x2] =	stream.linear.gather [hbm4b:s12+s4], $0x50, $0x38;
	[tilespmem:$0xCC00] =	vst v63  }
0xf2: {  	_ =	swait.ge [sflag:s24], $0x50  }
0xf3: {  	[sflag:s24] =	ssyncset.done $0x0  }
0xf4: {  	[sflag:s24] =	ssyncadd.s32 $0xFFFFFFB0  }
0xf5: {  	[tilespmem:s8], [sflag:$0x1] =	stream.indirect.gather [hbm4b:s2+s7], $0x80, s6, s7, $0xb8;
	[tilespmem:$0xCC00] =	vst v63  }
0xf6: {  	_ =	swait.ge [sflag:s9], $0x2800  }
0xf7: {  	[sflag:s9] =	ssyncset.done $0x0  }
0xf8: {  	s13 =	rddreg [dreg:$0xc];
	[sflag:s9] =	ssyncadd.s32 $0xFFFFD800  }
0xf9: {  	[hbm4b:s13+s4] =	stream.linear.scatter [tilespmem:s8], [sflag:$0x2], $0x2800, $0x38;
	[tilespmem:$0xCC00] =	vst v63  }
0xfa: {  	_ =	swait.ge [sflag:s24], $0x2800  }
0xfb: {  	[sflag:s24] =	ssyncset.done $0x0  }
0xfc: {  	s14 =	rddreg [dreg:$0xd];
	[sflag:s24] =	ssyncadd.s32 $0xFFFFD800  }
0xfd: {  	[tilespmem:s6], [sflag:$0x2] =	stream.linear.gather [hbm4b:s14+s4], $0x50, $0x38;
	[tilespmem:$0xCC00] =	vst v63  }
0xfe: {  	_ =	swait.ge [sflag:s24], $0x50  }
0xff: {  	[sflag:s24] =	ssyncset.done $0x0  }
0x100: {  	[sflag:s24] =	ssyncadd.s32 $0xFFFFFFB0  }
0x101: {  	[tilespmem:s8], [sflag:$0x1] =	stream.indirect.gather [hbm4b:s2+s7], $0x80, s6, s7, $0xb8;
	[tilespmem:$0xCC00] =	vst v63  }
0x102: {  	_ =	swait.ge [sflag:s9], $0x2800  }
0x103: {  	[sflag:s9] =	ssyncset.done $0x0  }
0x104: {  	s15 =	rddreg [dreg:$0xe];
	[sflag:s9] =	ssyncadd.s32 $0xFFFFD800  }
0x105: {  	[hbm4b:s15+s4] =	stream.linear.scatter [tilespmem:s8], [sflag:$0x2], $0x2800, $0x38;
	[tilespmem:$0xCC00] =	vst v63  }
0x106: {  	_ =	swait.ge [sflag:s24], $0x2800  }
0x107: {  	s11 =	simm.s32 @!p0 $0x0;
	[sflag:s24] =	ssyncset.done $0x0  }
0x108: {  	s12 =	simm.s32 @!p0 $0xA380;
	s13 =	rddreg [dreg:$0xf];
	[sflag:s24] =	ssyncadd.s32 $0xFFFFD800  }
0x109: {  	[tilespmem:s12], [sflag:$0x2] =	stream.linear.gather @!p0 [hbm4b:s13+s11], $0x50, $0x38;
	[tilespmem:$0xCC00] =	vst v63  }
0x10a: {  	s13 =	simm.s32 @!p0 $0x2  }
0x10b: {  	_ =	swait.ge @!p0 [sflag:s13], $0x50  }
0x10c: {  	[sflag:s13] =	ssyncset.done @!p0 $0x0  }
0x10d: {  	s14 =	simm.s32 @!p0 $0x50;
	s15 =	simm.s32 @!p0 $0xA400;
	[sflag:s13] =	ssyncadd.s32 @!p0 $0xFFFFFFB0  }
0x10e: {  	[tilespmem:s15], [sflag:$0x1] =	stream.indirect.gather @!p0 [hbm4b:s2+s14], $0x80, s12, s14, $0xb8;
	[tilespmem:$0xCC00] =	vst v63  }
0x10f: {  	s12 =	simm.s32 @!p0 $0x1  }
0x110: {  	s10 =	sadd.s32 $0x1, s10;
	_ =	swait.ge @!p0 [sflag:s12], $0x2800  }
0x111: {  	p1 =	sne.s32 s10, s17;
	[sflag:s12] =	ssyncset.done @!p0 $0x0  }
.Ltmp1:
0x112: {  	[sflag:s12] =	ssyncadd.s32 @!p0 $0xFFFFD800;
	(pc) =	sbr.rel @p1 .LBB2_1-.Ltmp1, $4  }
0x113: {  	[hbm4b:s16+s11] =	stream.linear.scatter @!p0 [tilespmem:s15], [sflag:$0x2], $0x2800, $0x38;
	[tilespmem:$0xCC00] =	vst v63  }
0x114: {  	_ =	swait.ge @!p0 [sflag:s13], $0x2800  }
0x115: {  	[sflag:s13] =	ssyncset.done @!p0 $0x0  }
0x116: {  	[sflag:s13] =	ssyncadd.s32 @!p0 $0xFFFFD800  }
0x117: {  	_ =	sfence.sel $0x180000  }
0x118: {  	[bflag:$0x0] =	sbarrier.arrive $0xFFFF  }
0x119: {  	_ =	strace $0x90000047  }
0x11a: {  	s0 =	stileid.u32;
	[bflag:$0x2] =	sbarrier.arrive $0xFFFF  }
0x11b: {  	p0 =	sne.s32 s0, $0x0;
	s0 =	rddreg [dreg:$0x4]  }
0x11c: {  	s0 =	sadd.s32 @!p0 $0x100000, s0  }
0x11d: {  	[sflag:s0] =	ssyncadd.tile.s32 @!p0 $0x1;
	_ =	shalt  }
.Lfunc_end2:
_tile_overlayer_lowered:
.L_overlay_start_2:
0x11e: {  	(tag) =	ssettag $0x2  }
0x11f: {  	s0 =	rddreg [dreg:$0x0];
	s2 =	stileid.u32  }
0x120: {  	s1 =	rddreg [dreg:$0x1];
	p0 =	sne.s32 s2, $0x0  }
0x121: {  	s3 =	rddreg [dreg:$0x2];
	[bflag:$0x3] =	sbarrier.arrive $0xFFFF;
	s2 =	simm.s32 @!p0 $0x1C02  }
0x122: {  	[timem:s3], [sflag:s2] =	dma.local @!p0 [hbm:s0], s1  }
0x123: {  	s0 =	simm.s32 @!p0 $0x2  }
0x124: {  	_ =	swait.ge @!p0 [sflag:s0], s1  }
0x125: {  	s1 =	ssub.s32 @!p0 $0x0, s1;
	[sflag:s0] =	ssyncset.done @!p0 $0x0  }
0x126: {  	[sflag:s0] =	ssyncadd.s32 @!p0 s1  }
0x127: {  	[bflag:$0x3] =	sbarrier.arrive $0xFFFF  }
0x128: {  	_ =	shalt  }

// kernel: kernel.15.cloned.1.call-start
scs
__scs_entry_jumppad:
0x0: {  	(pc) =	sbr.rel $0x88, $3  }
0x1: {  	(tag) =	ssettag $0x0;
	lr =	simm.s32 $0x1  }
0x2: {  	[smem:$0x3F8D] =	sst lr;
	_ =	strace $0xD0000000  }
0x3: {  	_ = 	snop  }
0x4: {  	_ = 	snop  }
0x5: {  	_ = 	snop  }
0x6: {  	_ = 	snop  }
0x7: {  	_ = 	snop  }
__scs_overlays_trampoline_lowered:
0x8: {  	[smem:$0x3F9C] =	sst s0  }
0x9: {  	[smem:$0x3F9D] =	sst s1  }
0xa: {  	[smem:$0x3F9E] =	sst s2  }
0xb: {  	[smem:$0x3F9F] =	sst s3  }
0xc: {  	[smem:$0x3FA0] =	sst s4  }
0xd: {  	[smem:$0x3FA1] =	sst s5  }
0xe: {  	[smem:$0x3FA2] =	sst s6  }
0xf: {  	[smem:$0x3FA3] =	sst s7  }
0x10: {  	[smem:$0x3FA4] =	sst s8  }
0x11: {  	[smem:$0x3FA5] =	sst s9;
	s0 =	simm.s32 @!p0 $0x0  }
0x12: {  	s1 =	sld [smem:$0x3F8B];
	s0 =	simm.s32 @p0 $0x1  }
0x13: {  	[smem:$0x3FA6] =	sst s0;
	s0 =	simm.s32 @!p1 $0x0  }
0x14: {  	s2 =	sld [smem:$0x3F8A];
	s0 =	simm.s32 @p1 $0x1  }
0x15: {  	[smem:$0x3FA7] =	sst s0;
	s0 =	simm.s32 @!p2 $0x0  }
0x16: {  	s3 =	sld [smem:$0x3FDB];
	s0 =	simm.s32 @p2 $0x1  }
0x17: {  	s4 =	simm.s32 $0x1BF5;
	[smem:$0x3FA9] =	sst s0  }
0x18: {  	s0 =	sld [smem:$0x3F8C];
	_ =	swait.ge [sflag:s4], $0x0  }
0x19: {  	s7 =	sld [smem:$0x3F8D]  }
0x1a: {  	s8 =	sadd.s32 $0xFFFFE003, lr  }
0x1b: {  	s9 =	sadd.s32 $0xFFFFFEF7, lr;
	s5 =	simm.s32 $0xFFFFFFFF;
	p2 =	slt.u32 s8, $0xFFFFF086  }
0x1c: {  	p1 =	slt.u32 s9, $0xF7A;
	s5 =	simm.s32 @!p2 $0x0  }
0x1d: {  	s5 =	simm.s32 @p1 $0x1;
	p0 =	seq.s32 s7, s2  }
0x1e: {  	s7 =	smul.u32 @!p0 $0xF7A, s2;
	p2 =	seq.s32 @!p0 s5, $0x0  }
0x1f: {  	s9 =	smul.u32 $0xF7A, s1;
	s8 =	simm.s32 @!p0 $0x1BF5;
	p2 =	por !p2, p0  }
0x20: {  	[sflag:s8] =	ssyncset.s32 @!p0 $0xFFFFF086;
	s6 =	sadd.s32 @!p0 s3, s7;
	s7 =	simm.s32 @!p0 $0x108  }
0x21: {  	s3 =	sadd.s32 s3, s9;
	s6 =	sadd.s32 @!p0 $0x88, s6;
	s7 =	simm.s32 @p2 $0x1082  }
0x22: {  	[simem:s7], [sflag:s8] =	dma.local @!p0 [hbm:s6], $0xF7A  }
0x23: {  	s9 =	sor.u32 $0xD0000000, s2;
	s6 =	simm.s32 $0x108;
	_ =	swait.ge @!p0 [sflag:s8], $0x0  }
0x24: {  	s3 =	sadd.s32 $0x88, s3;
	s6 =	simm.s32 @!p1 $0x1082;
	[sflag:s4] =	ssyncset.s32 $0xFFFFF086  }
0x25: {  	[simem:s6], [sflag:s4] =	dma.local [hbm:s3], $0xF7A  }
0x26: {  	[smem:$0x3F8D] =	sst s1;
	(tag) =	ssettag s2;
	_ =	strace s9  }
0x27: {  	s1 =	sld [smem:$0x3F9D]  }
0x28: {  	s2 =	sld [smem:$0x3F9E]  }
0x29: {  	s4 =	sld [smem:$0x3FA0]  }
0x2a: {  	p0 =	seq.s32 s5, $0x0;
	s5 =	sld [smem:$0x3FA1]  }
0x2b: {  	s6 =	sld [smem:$0x3FA2]  }
0x2c: {  	s7 =	sld [smem:$0x3FA3]  }
0x2d: {  	s3 =	simm.s32 $0x108;
	s8 =	sld [smem:$0x3FA4]  }
0x2e: {  	s3 =	simm.s32 @!p0 $0x1082;
	s9 =	sld [smem:$0x3FA5]  }
0x2f: {  	lr =	sadd.s32 s0, s3;
	s0 =	sld [smem:$0x3F9C]  }
0x30: {  	s3 =	sld [smem:$0x3F9F]  }
0x31: {  	[smem:$0x3FA8] =	sst s10  }
0x32: {  	s10 =	sld [smem:$0x3FA6];
	_ =	sdelay $0x3  }
0x33: {  	p0 =	seq.s32 s10, $0x1;
	s10 =	sld [smem:$0x3FA8];
	_ =	sdelay $0x3  }
0x34: {  	[smem:$0x3FA8] =	sst s10  }
0x35: {  	s10 =	sld [smem:$0x3FA7];
	_ =	sdelay $0x3  }
0x36: {  	p1 =	seq.s32 s10, $0x1;
	s10 =	sld [smem:$0x3FA8];
	_ =	sdelay $0x3  }
0x37: {  	[smem:$0x3FA8] =	sst s10  }
0x38: {  	s10 =	sld [smem:$0x3FA9]  }
0x39: {  	_ = 	snop;
	(pc) =	sbr.ind lr, $3  }
0x3a: {  	_ = 	snop  }
0x3b: {  	_ = 	snop  }
0x3c: {  	p2 =	seq.s32 s10, $0x1;
	s10 =	sld [smem:$0x3FA8]  }
0x3d: {  	_ =	shalt  }
0x3e: {  	_ =	shalt  }
0x3f: {  	_ =	shalt  }
0x40: {  	_ =	shalt  }
0x41: {  	_ =	shalt  }
0x42: {  	_ =	shalt  }
0x43: {  	_ =	shalt  }
0x44: {  	_ =	shalt  }
0x45: {  	_ =	shalt  }
0x46: {  	_ =	shalt  }
0x47: {  	_ =	shalt  }
0x48: {  	_ =	shalt  }
0x49: {  	_ =	shalt  }
0x4a: {  	_ =	shalt  }
0x4b: {  	_ =	shalt  }
0x4c: {  	_ =	shalt  }
0x4d: {  	_ =	shalt  }
0x4e: {  	_ =	shalt  }
0x4f: {  	_ =	shalt  }
0x50: {  	_ =	shalt  }
0x51: {  	_ =	shalt  }
0x52: {  	_ =	shalt  }
0x53: {  	_ =	shalt  }
0x54: {  	_ =	shalt  }
0x55: {  	_ =	shalt  }
0x56: {  	_ =	shalt  }
0x57: {  	_ =	shalt  }
0x58: {  	_ =	shalt  }
0x59: {  	_ =	shalt  }
0x5a: {  	_ =	shalt  }
0x5b: {  	_ =	shalt  }
0x5c: {  	_ =	shalt  }
0x5d: {  	_ =	shalt  }
0x5e: {  	_ =	shalt  }
0x5f: {  	_ =	shalt  }
0x60: {  	_ =	shalt  }
0x61: {  	_ =	shalt  }
0x62: {  	_ =	shalt  }
0x63: {  	_ =	shalt  }
0x64: {  	_ =	shalt  }
0x65: {  	_ =	shalt  }
0x66: {  	_ =	shalt  }
0x67: {  	_ =	shalt  }
0x68: {  	_ =	shalt  }
0x69: {  	_ =	shalt  }
0x6a: {  	_ =	shalt  }
0x6b: {  	_ =	shalt  }
0x6c: {  	_ =	shalt  }
0x6d: {  	_ =	shalt  }
0x6e: {  	_ =	shalt  }
0x6f: {  	_ =	shalt  }
0x70: {  	_ =	shalt  }
0x71: {  	_ =	shalt  }
0x72: {  	_ =	shalt  }
0x73: {  	_ =	shalt  }
0x74: {  	_ =	shalt  }
0x75: {  	_ =	shalt  }
0x76: {  	_ =	shalt  }
0x77: {  	_ =	shalt  }
0x78: {  	_ =	shalt  }
0x79: {  	_ =	shalt  }
0x7a: {  	_ =	shalt  }
0x7b: {  	_ =	shalt  }
0x7c: {  	_ =	shalt  }
0x7d: {  	_ =	shalt  }
0x7e: {  	_ =	shalt  }
0x7f: {  	_ =	shalt  }
0x80: {  	_ =	shalt  }
0x81: {  	_ =	shalt  }
0x82: {  	_ =	shalt  }
0x83: {  	_ =	shalt  }
0x84: {  	_ =	shalt  }
0x85: {  	_ =	shalt  }
0x86: {  	_ =	shalt  }
0x87: {  	_ =	shalt  }
.Lfunc_end0:
.L_simem_size_0:
called_computation.1_lowered:
.L_overlay_start_0:
0x88: {  	s2 =	sld [smem:$0x3FD9]  }
0x89: {  	s3 =	sld [smem:$0x3FFE];
	_ =	sdelay $0x1  }
0x8a: {  	s1 =	srdreg.scid  }
0x8b: {  	s0 =	sand.u32 $0x1, s1  }
0x8c: {  	s16 =	sshll.u32 s0, $0xA;
	s2 =	sadd.s32 s3, s2  }
0x8d: {  	s2 =	sadd.s32 s2, s16  }
0x8e: {  	[smem:$0x3FB4] =	sst s2  }
0x8f: {  	_ = 	snop  }
0x90: {  	(tm) =	ssettm $0x1  }
0x91: {  	s17 =	sld [smem:$0x3FFB];
	_ =	sdelay $0x3  }
0x92: {  	_ =	strace s17  }
0x93: {  	s2 =	sld [smem:$0x3FFC];
	_ =	sdelay $0x3  }
0x94: {  	_ =	strace s2  }
0x95: {  	s2 =	sld [smem:$0x3FFD];
	_ =	sdelay $0x3  }
0x96: {  	_ =	strace s2  }
0x97: {  	_ =	strace $0x8FFFFFFF  }
0x98: {  	s18 =	sld [smem:$0x3FDB];
	_ =	sdelay $0x1  }
0x99: {  	s19 =	simm.s32 $_scs_section_size  }
0x9a: {  	s4 =	simm.s32 $_size__tile_overlayer_lowered;
	s5 =	simm.s32 $_tile_overlayer_lowered  }
0x9b: {  	s22 =	simm.s32 $0x1BFF;
	s21 =	sshll.u32 s5, $0x1;
	s2 =	sadd.s32 s19, s18  }
0x9c: {  	s6 =	simm.s32 $0x0;
	s20 =	sshll.u32 s4, $0x1;
	s4 =	sadd.s32 s21, s2  }
0x9d: {  	[timem:s6], [sflag:s22] =	dma.local [hbm:s4], s20  }
0x9e: {  	_ =	swait.ge [sflag:s22], s20  }
0x9f: {  	s3 =	ssub.s32 $0x0, s20;
	[sflag:s22] =	ssyncset.done $0x0  }
0xa0: {  	[sflag:s22] =	ssyncadd.s32 s3;
	_ =	sdelay $0x1  }
0xa1: {  	s23 =	simm.s32 $0x1B8B  }
0xa2: {  	_ =	swait.ge [sflag:s23], $0x1  }
0xa3: {  	[sflag:s23] =	ssyncset.done $0x0  }
0xa4: {  	s25 =	simm.s32 $0x1B8E;
	s24 =	sld [smem:$0x3FFE];
	[sflag:s23] =	ssyncadd.s32 $0xFFFFFFFF  }
0xa5: {  	s26 =	simm.s32 $execute0_lowered;
	[smem:$0x3FD2] =	sst s25  }
0xa6: {  	s4 =	sshll.u32 s26, $0x1;
	_ =	strace $0x80000049;
	[dreg:$0x1] =	wrdreg $0xFFFFFFFF  }
0xa7: {  	s28 =	simm.s32 $_size_execute0_lowered;
	s2 =	sadd.s32 s2, s4;
	[dreg:$0x0] =	wrdreg $0x0  }
0xa8: {  	s4 =	sshll.u32 s28, $0x1;
	[dreg:$0x2] =	wrdreg s2  }
0xa9: {  	[dreg:$0x3] =	wrdreg s4  }
0xaa: {  	[dreg:$0x4] =	wrdreg $0xC0  }
0xab: {  	_ =	task [dreg:s6], $0x5FFFF  }
0xac: {  	[dreg:$0x1] =	wrdreg $0xFFFFFFFF  }
0xad: {  	[dreg:$0x0] =	wrdreg $0x60  }
0xae: {  	[dreg:$0x2] =	wrdreg s24  }
0xaf: {  	[dreg:$0x3] =	wrdreg $0x0  }
0xb0: {  	[dreg:$0x4] =	wrdreg $0x9  }
0xb1: {  	_ =	task.clear_ibuf [dreg:s6], $0x5FFFF;
	_ =	strace $0x90000049  }
0xb2: {  	s29 =	simm.s32 $0x9;
	_ =	strace $0x8000004B  }
0xb3: {  	_ =	swait.ge [sflag:s29], $0x1  }
0xb4: {  	[sflag:s29] =	ssyncadd.s32 $0xFFFFFFFF  }
0xb5: {  	_ =	strace $0x9000004B  }
0xb6: {  	_ =	sfence  }
0xb7: {  	s30 =	sld [smem:$0x0];
	_ =	sdelay $0x2  }
0xb8: {  	s31 =	sshll.u32 s1, $0xD;
	s1 =	sshrl.u32 s1, $0x2  }
0xb9: {  	s3 =	sand.u32 $0x4000, s31;
	s1 =	sadd.s32 s1, s30  }
0xba: {  	s0 =	sor.u32 s3, s0;
	s1 =	sshll.u32 s1, $0x11  }
0xbb: {  	s0 =	sor.u32 s1, s0  }
0xbc: {  	s0 =	sadd.s32 $0x8F2B, s0  }
0xbd: {  	[sflag:s0] =	ssyncadd.remote.s32 $0x1  }
0xbe: {  	_ =	sfence.sel $0xFFFF  }
0xbf: {  	[dreg:$0x0] =	wrdreg $0xFFFFFFFF;
	(pc) =	sbr.abs _section_cstart, $3  }
0xc0: {  	[dreg:$0x1] =	wrdreg $0xFFFFFFFF  }
0xc1: {  	_ =	task.clear_ibuf [dreg:s6], $0x2FFFF;
	_ =	strace $0x9FFFFFFF  }
0xc2: {  	(tm) =	ssettm $0x7FFFFFFF  }
0xc3: {  	_ =	shalt  }
tec
execute0_lowered:
.L_overlay_start_1:
0x0: {  	(tag) =	ssettag $0x1  }
0x1: {  	s4 =	rddreg [dreg:$0x0];
	s8 =	srdreg.scid  }
0x2: {  	s3 =	sadd.s32 $0x17E00, s4;
	s5 =	sadd.s32 $0x54B400, s4;
	s6 =	sadd.s32 $0xE000, s4  }
0x3: {  	s7 =	sadd.s32 $0x4200, s4;
	s16 =	sadd.s32 $0x69400, s4;
	s4 =	stileid.u32  }
0x4: {  	s10 =	sand.u32 $0x1, s8;
	s9 =	smul.u32 $0x19000, s4  }
0x5: {  	s21 =	smul.u32 $0x138800, s10  }
0x6: {  	s12 =	sor.u32 $0x10, s4;
	s24 =	smul.u32 $0x6400, s4  }
0x7: {  	s13 =	sor.u32 $0x20, s4;
	s11 =	smul.u32 $0x19000, s12  }
0x8: {  	s15 =	sor.u32 $0x30, s4;
	s14 =	smul.u32 $0x19000, s13  }
0x9: {  	s2 =	simm.s32 $0x0;
	s20 =	sshll.u32 s4, $0x1;
	s18 =	smul.u32 $0x19000, s15  }
0xa: {  	[smem:$0x7FF] =	sst s2;
	s8 =	sor.u32 s10, s20;
	s20 =	smul.u32 $0x6400, s12  }
0xb: {  	s1 =	rddreg [dreg:$0x1];
	_ =	strace $0x8000004A;
	s26 =	smul.u32 $0x6400, s13  }
0xc: {  	s17 =	ssub.s32 $0x2, s10;
	p0 =	sgt.u32 s4, $0x1;
	s29 =	smul.u32 $0x6400, s15  }
0xd: {  	s19 =	sshrl.u32 s17, $0x1;
	s9 =	sshrl.u32 s9, $0x2;
	s8 =	smul.u32 $0x2710, s8  }
0xe: {  	s17 =	ssub.s32 s17, s19;
	s9 =	sadd.s32 s9, s1;
	s22 =	sshrl.u32 s11, $0x2  }
0xf: {  	s23 =	sshrl.u32 s14, $0x2;
	s25 =	sshrl.u32 s18, $0x2;
	s14 =	sadd.s32 s24, s21  }
0x10: {  	s30 =	sadd.s32 s21, s20;
	s18 =	sadd.s32 s21, s26;
	s19 =	sadd.s32 s21, s29  }
0x11: {  	s17 =	smax.u32 s17, $0x1;
	s20 =	simm.s32 $0x13880;
	s21 =	simm.s32 $0x13900  }
0x12: {  	s24 =	simm.s32 $0x13980;
	s26 =	simm.s32 $0x0;
	s10 =	sadd.s32 s22, s1  }
0x13: {  	s11 =	sadd.s32 s23, s1;
	s12 =	sadd.s32 s25, s1;
	s28 =	sshrl.u32 s14, $0x3  }
0x14: {  	s15 =	sshrl.u32 s30, $0x3;
	s18 =	sshrl.u32 s18, $0x3;
	s31 =	sshrl.u32 s19, $0x3  }
0x15: {  	s19 =	simm.s32 $0x2;
	s22 =	simm.s32 $0x16180;
	s23 =	simm.s32 $0x50  }
0x16: {  	s25 =	simm.s32 $0x1;
	s13 =	sadd.s32 s16, s28;
	s14 =	sadd.s32 s16, s15  }
0x17: {  	v0 =	vimm.f32 $0.0e+00;
	s15 =	sadd.s32 s16, s18;
	s16 =	sadd.s32 s16, s31;
	s18 =	simm.s32 $0x18980  }
.LBB2_1:
0x18: {  	s28 =	simm.s32 $0x0;
	s29 =	simm.s32 $0x200  }
.LBB2_2:
0x19: {  	p1 =	sne.s32 s29, $0x18E00;
	[tilespmem:s28+$0x189F0] =	vst v0  }
0x1a: {  	[tilespmem:s28+$0x18980] =	vst v0  }
0x1b: {  	[tilespmem:s28+$0x18990] =	vst v0  }
.Ltmp0:
0x1c: {  	[tilespmem:s28+$0x189A0] =	vst v0;
	(pc) =	sbr.rel @p1 .LBB2_2-.Ltmp0, $4  }
0x1d: {  	[tilespmem:s28+$0x189B0] =	vst v0  }
0x1e: {  	[tilespmem:s28+$0x189C0] =	vst v0  }
0x1f: {  	[tilespmem:s28+$0x189D0] =	vst v0  }
0x20: {  	[tilespmem:s28+$0x189E0] =	vst v0;
	s28 =	sshra.s32 s29, $0x2;
	s29 =	sadd.s32 $0x200, s29  }
0x21: {  	[tilespmem:s28+$0x189F0] =	vst v0  }
0x22: {  	[tilespmem:s28+$0x18980] =	vst v0  }
0x23: {  	[tilespmem:s28+$0x18990] =	vst v0  }
0x24: {  	[tilespmem:s28+$0x189A0] =	vst v0  }
0x25: {  	[tilespmem:s28+$0x189B0] =	vst v0  }
0x26: {  	[tilespmem:s28+$0x189C0] =	vst v0  }
0x27: {  	[tilespmem:s28+$0x189D0] =	vst v0  }
0x28: {  	[tilespmem:s28+$0x189E0] =	vst v0  }
0x29: {  	[spmem:s9] =	stream.linear.scatter [tilespmem:s18], [sflag:$0x2], $0x6400, $0x38;
	[tilespmem:$0x1ED80] =	vst v63  }
0x2a: {  	_ =	swait.ge [sflag:s19], $0x6400  }
0x2b: {  	[sflag:s19] =	ssyncset.done $0x0  }
0x2c: {  	[sflag:s19] =	ssyncadd.s32 $0xFFFF9C00  }
0x2d: {  	[spmem:s10] =	stream.linear.scatter [tilespmem:s18], [sflag:$0x2], $0x6400, $0x38;
	[tilespmem:$0x1ED80] =	vst v63  }
0x2e: {  	_ =	swait.ge [sflag:s19], $0x6400  }
0x2f: {  	[sflag:s19] =	ssyncset.done $0x0  }
0x30: {  	[sflag:s19] =	ssyncadd.s32 $0xFFFF9C00  }
0x31: {  	[spmem:s11] =	stream.linear.scatter [tilespmem:s18], [sflag:$0x2], $0x6400, $0x38;
	[tilespmem:$0x1ED80] =	vst v63  }
0x32: {  	_ =	swait.ge [sflag:s19], $0x6400  }
0x33: {  	[sflag:s19] =	ssyncset.done $0x0  }
0x34: {  	s28 =	simm.s32 @!p0 $0x18980;
	[sflag:s19] =	ssyncadd.s32 $0xFFFF9C00  }
0x35: {  	[spmem:s12] =	stream.linear.scatter @!p0 [tilespmem:s28], [sflag:$0x2], $0x6400, $0x38;
	[tilespmem:$0x1ED80] =	vst v63  }
0x36: {  	s28 =	simm.s32 @!p0 $0x2  }
0x37: {  	_ =	swait.ge @!p0 [sflag:s28], $0x6400  }
0x38: {  	[sflag:s28] =	ssyncset.done @!p0 $0x0  }
0x39: {  	[sflag:s28] =	ssyncadd.s32 @!p0 $0xFFFF9C00  }
0x3a: {  	s29 =	simm.s32 $0x0;
	s28 =	simm.s32 $0x0;
	[bflag:$0x0] =	sbarrier.arrive $0xFFFF  }
.LBB2_4:
0x3b: {  	s30 =	smul.u32 $0x50, s29;
	_ =	sdelay $0x1  }
0x3c: {  	s30 =	sadd.s32 s8, s30  }
0x3d: {  	s31 =	sshrl.u32 s30, $0x3  }
0x3e: {  	s0 =	sadd.s32 s6, s31  }
0x3f: {  	[tilespmem:s20], [sflag:$0x2] =	stream.linear.gather [hbm4b:s0+s28], $0x50, $0x38;
	[tilespmem:$0x1ED80] =	vst v63  }
0x40: {  	_ =	swait.ge [sflag:s19], $0x50  }
0x41: {  	[sflag:s19] =	ssyncset.done $0x0  }
0x42: {  	s0 =	sadd.s32 s7, s31;
	[sflag:s19] =	ssyncadd.s32 $0xFFFFFFB0  }
0x43: {  	[tilespmem:s21], [sflag:$0x2] =	stream.linear.gather [hbm4b:s0+s28], $0x50, $0x38;
	[tilespmem:$0x1ED80] =	vst v63  }
0x44: {  	_ =	swait.ge [sflag:s19], $0x50  }
0x45: {  	s0 =	sshll.u32 s30, $0x4;
	[sflag:s19] =	ssyncset.done $0x0  }
0x46: {  	s0 =	sadd.s32 s5, s0;
	[sflag:s19] =	ssyncadd.s32 $0xFFFFFFB0  }
0x47: {  	[tilespmem:s22], [sflag:$0x2] =	stream.linear.gather [hbm4b:s0+s28], $0x2800, $0x38;
	[tilespmem:$0x1ED80] =	vst v63  }
0x48: {  	_ =	swait.ge [sflag:s19], $0x2800  }
0x49: {  	[sflag:s19] =	ssyncset.done $0x0  }
0x4a: {  	[sflag:s19] =	ssyncadd.s32 $0xFFFFD800  }
0x4b: {  	[tilespmem:s24], [sflag:$0x1] =	stream.indirect.gather [hbm4b:s3+s23], $0x80, s20, s23, $0xb8;
	[tilespmem:$0x1ED80] =	vst v63  }
0x4c: {  	_ =	swait.ge [sflag:s25], $0x2800  }
0x4d: {  	[sflag:s25] =	ssyncset.done $0x0  }
0x4e: {  	s30 =	simm.s32 $0x0;
	[sflag:s25] =	ssyncadd.s32 $0xFFFFD800  }
0x4f: {  	v8 =	vld [tilespmem:s30+$0x16180]  }
0x50: {  	v12 =	vld [tilespmem:s30+$0x16190]  }
0x51: {  	v6 =	vld [tilespmem:s30+$0x161A0]  }
0x52: {  	v5 =	vld [tilespmem:s30+$0x161B0]  }
0x53: {  	v4 =	vld [tilespmem:s30+$0x161C0]  }
0x54: {  	v3 =	vld [tilespmem:s30+$0x161D0]  }
0x55: {  	v2 =	vld [tilespmem:s30+$0x161E0]  }
0x56: {  	v1 =	vld [tilespmem:s30+$0x161F0]  }
0x57: {  	v13 =	vld [tilespmem:s30+$0x13980]  }
0x58: {  	v14 =	vld [tilespmem:s30+$0x13990]  }
0x59: {  	v11 =	vld [tilespmem:s30+$0x139A0]  }
0x5a: {  	v10 =	vld [tilespmem:s30+$0x139B0]  }
0x5b: {  	v9 =	vld [tilespmem:s30+$0x139C0]  }
0x5c: {  	v7 =	vld [tilespmem:s30+$0x139D0];
	v13 =	vmul.f32 v8, v13  }
0x5d: {  	s31 =	simm.s32 $0x200;
	v12 =	vmul.f32 v12, v14;
	v8 =	vld [tilespmem:s30+$0x139E0]  }
.LBB2_5:
0x5e: {  	s0 =	sshra.s32 s31, $0x2;
	p1 =	sne.s32 s31, $0x9E00;
	[tilespmem:s30+$0x13980] =	vst v13;
	v6 =	vmul.f32 v6, v11;
	v11 =	vld [tilespmem:s30+$0x139F0]  }
0x5f: {  	v13 =	vld [tilespmem:s0+$0x16180];
	[tilespmem:s30+$0x13990] =	vst v12;
	v5 =	vmul.f32 v5, v10  }
0x60: {  	v12 =	vld [tilespmem:s0+$0x16190];
	[tilespmem:s30+$0x139A0] =	vst v6;
	v4 =	vmul.f32 v4, v9  }
0x61: {  	v6 =	vld [tilespmem:s0+$0x161A0];
	[tilespmem:s30+$0x139B0] =	vst v5;
	v3 =	vmul.f32 v3, v7  }
0x62: {  	v5 =	vld [tilespmem:s0+$0x161B0];
	[tilespmem:s30+$0x139C0] =	vst v4;
	v2 =	vmul.f32 v2, v8  }
0x63: {  	v4 =	vld [tilespmem:s0+$0x161C0];
	[tilespmem:s30+$0x139D0] =	vst v3;
	v1 =	vmul.f32 v1, v11  }
0x64: {  	v3 =	vld [tilespmem:s0+$0x161D0];
	[tilespmem:s30+$0x139E0] =	vst v2  }
0x65: {  	v2 =	vld [tilespmem:s0+$0x161E0];
	[tilespmem:s30+$0x139F0] =	vst v1;
	s30 =	smov.u32 s0  }
0x66: {  	v1 =	vld [tilespmem:s30+$0x161F0]  }
0x67: {  	v7 =	vld [tilespmem:s30+$0x13980]  }
0x68: {  	v8 =	vld [tilespmem:s30+$0x13990]  }
.Ltmp1:
0x69: {  	v11 =	vld [tilespmem:s30+$0x139A0];
	(pc) =	sbr.rel @p1 .LBB2_5-.Ltmp1, $4  }
0x6a: {  	v10 =	vld [tilespmem:s30+$0x139B0]  }
0x6b: {  	v9 =	vld [tilespmem:s30+$0x139C0]  }
0x6c: {  	v13 =	vmul.f32 v13, v7;
	v7 =	vld [tilespmem:s30+$0x139D0]  }
0x6d: {  	s31 =	sadd.s32 $0x200, s31;
	v12 =	vmul.f32 v12, v8;
	v8 =	vld [tilespmem:s30+$0x139E0]  }
0x6e: {  	[tilespmem:s30+$0x13980] =	vst v13;
	v6 =	vmul.f32 v6, v11;
	v63 =	vld [tilespmem:s30+$0x139F0]  }
0x6f: {  	[tilespmem:s30+$0x13990] =	vst v12;
	v5 =	vmul.f32 v5, v10  }
0x70: {  	[tilespmem:s30+$0x139A0] =	vst v6;
	v4 =	vmul.f32 v4, v9  }
0x71: {  	[tilespmem:s30+$0x139B0] =	vst v5;
	v3 =	vmul.f32 v3, v7  }
0x72: {  	[tilespmem:s30+$0x139C0] =	vst v4;
	v2 =	vmul.f32 v2, v8  }
0x73: {  	s29 =	sadd.s32 $0x1, s29;
	[tilespmem:s30+$0x139D0] =	vst v3;
	v1 =	vmul.f32 v1, v63  }
0x74: {  	p1 =	sne.s32 s29, $0x7D;
	[tilespmem:s30+$0x139E0] =	vst v2  }
.Ltmp2:
0x75: {  	[tilespmem:s30+$0x139F0] =	vst v1;
	(pc) =	sbr.rel @p1 .LBB2_4-.Ltmp2, $4  }
0x76: {  	[spmem:s1] =	stream.indirect.scatter.add.f32 [tilespmem:s24], [sflag:$0x2], $0x80, s21, s23, $0xb8;
	[tilespmem:$0x1ED80] =	vst v63  }
0x77: {  	_ =	swait.ge [sflag:s19], $0x2800  }
0x78: {  	[sflag:s19] =	ssyncset.done $0x0  }
0x79: {  	[sflag:s19] =	ssyncadd.s32 $0xFFFFD800  }
0x7a: {  	[bflag:$0x0] =	sbarrier.arrive $0xFFFF  }
0x7b: {  	[tilespmem:s18], [sflag:$0x2] =	stream.linear.gather [spmem:s9], $0x6400, $0x38;
	[tilespmem:$0x1ED80] =	vst v63  }
0x7c: {  	_ =	swait.ge [sflag:s19], $0x6400  }
0x7d: {  	[sflag:s19] =	ssyncset.done $0x0  }
0x7e: {  	[sflag:s19] =	ssyncadd.s32 $0xFFFF9C00  }
0x7f: {  	[hbm4b:s13+s2] =	stream.linear.scatter [tilespmem:s18], [sflag:$0x2], $0x6400, $0x38;
	[tilespmem:$0x1ED80] =	vst v63  }
0x80: {  	_ =	swait.ge [sflag:s19], $0x6400  }
0x81: {  	[sflag:s19] =	ssyncset.done $0x0  }
0x82: {  	[sflag:s19] =	ssyncadd.s32 $0xFFFF9C00  }
0x83: {  	[tilespmem:s18], [sflag:$0x2] =	stream.linear.gather [spmem:s10], $0x6400, $0x38;
	[tilespmem:$0x1ED80] =	vst v63  }
0x84: {  	_ =	swait.ge [sflag:s19], $0x6400  }
0x85: {  	[sflag:s19] =	ssyncset.done $0x0  }
0x86: {  	[sflag:s19] =	ssyncadd.s32 $0xFFFF9C00  }
0x87: {  	[hbm4b:s14+s2] =	stream.linear.scatter [tilespmem:s18], [sflag:$0x2], $0x6400, $0x38;
	[tilespmem:$0x1ED80] =	vst v63  }
0x88: {  	_ =	swait.ge [sflag:s19], $0x6400  }
0x89: {  	[sflag:s19] =	ssyncset.done $0x0  }
0x8a: {  	[sflag:s19] =	ssyncadd.s32 $0xFFFF9C00  }
0x8b: {  	[tilespmem:s18], [sflag:$0x2] =	stream.linear.gather [spmem:s11], $0x6400, $0x38;
	[tilespmem:$0x1ED80] =	vst v63  }
0x8c: {  	_ =	swait.ge [sflag:s19], $0x6400  }
0x8d: {  	[sflag:s19] =	ssyncset.done $0x0  }
0x8e: {  	[sflag:s19] =	ssyncadd.s32 $0xFFFF9C00  }
0x8f: {  	[hbm4b:s15+s2] =	stream.linear.scatter [tilespmem:s18], [sflag:$0x2], $0x6400, $0x38;
	[tilespmem:$0x1ED80] =	vst v63  }
0x90: {  	_ =	swait.ge [sflag:s19], $0x6400  }
0x91: {  	[sflag:s19] =	ssyncset.done $0x0  }
0x92: {  	s0 =	simm.s32 @!p0 $0x18980;
	s28 =	simm.s32 @!p0 $0x2;
	[sflag:s19] =	ssyncadd.s32 $0xFFFF9C00  }
0x93: {  	[tilespmem:s0], [sflag:$0x2] =	stream.linear.gather @!p0 [spmem:s12], $0x6400, $0x38;
	[tilespmem:$0x1ED80] =	vst v63  }
0x94: {  	s26 =	sadd.s32 $0x1, s26;
	_ =	swait.ge @!p0 [sflag:s28], $0x6400  }
0x95: {  	p1 =	sne.s32 s26, s17;
	[sflag:s28] =	ssyncset.done @!p0 $0x0  }
.Ltmp3:
0x96: {  	s29 =	simm.s32 @!p0 $0x0;
	[sflag:s28] =	ssyncadd.s32 @!p0 $0xFFFF9C00;
	(pc) =	sbr.rel @p1 .LBB2_1-.Ltmp3, $4  }
0x97: {  	[hbm4b:s16+s29] =	stream.linear.scatter @!p0 [tilespmem:s0], [sflag:$0x2], $0x6400, $0x38;
	[tilespmem:$0x1ED80] =	vst v63  }
0x98: {  	_ =	swait.ge @!p0 [sflag:s28], $0x6400  }
0x99: {  	[sflag:s28] =	ssyncset.done @!p0 $0x0  }
0x9a: {  	[sflag:s28] =	ssyncadd.s32 @!p0 $0xFFFF9C00  }
0x9b: {  	_ =	sfence.sel $0x180000  }
0x9c: {  	[bflag:$0x0] =	sbarrier.arrive $0xFFFF  }
0x9d: {  	_ =	strace $0x9000004A  }
0x9e: {  	[bflag:$0x2] =	sbarrier.arrive $0xFFFF  }
0x9f: {  	p0 =	sne.s32 s4, $0x0;
	s0 =	rddreg [dreg:$0x2]  }
0xa0: {  	s0 =	sadd.s32 @!p0 $0x100000, s0  }
0xa1: {  	[sflag:s0] =	ssyncadd.tile.s32 @!p0 $0x1;
	_ =	shalt  }
.Lfunc_end2:
_tile_overlayer_lowered:
.L_overlay_start_2:
0xa2: {  	(tag) =	ssettag $0x2  }
0xa3: {  	s0 =	rddreg [dreg:$0x0];
	s2 =	stileid.u32  }
0xa4: {  	s1 =	rddreg [dreg:$0x1];
	p0 =	sne.s32 s2, $0x0  }
0xa5: {  	s3 =	rddreg [dreg:$0x2];
	[bflag:$0x3] =	sbarrier.arrive $0xFFFF;
	s2 =	simm.s32 @!p0 $0x1C02  }
0xa6: {  	[timem:s3], [sflag:s2] =	dma.local @!p0 [hbm:s0], s1  }
0xa7: {  	s0 =	simm.s32 @!p0 $0x2  }
0xa8: {  	_ =	swait.ge @!p0 [sflag:s0], s1  }
0xa9: {  	s1 =	ssub.s32 @!p0 $0x0, s1;
	[sflag:s0] =	ssyncset.done @!p0 $0x0  }
0xaa: {  	[sflag:s0] =	ssyncadd.s32 @!p0 s1  }
0xab: {  	[bflag:$0x3] =	sbarrier.arrive $0xFFFF  }
0xac: {  	_ =	shalt  }

// kernel: kernel.18.cloned.1.call-start
scs
__scs_entry_jumppad:
0x0: {  	(pc) =	sbr.rel $0x88, $3  }
0x1: {  	(tag) =	ssettag $0x0;
	lr =	simm.s32 $0x1  }
0x2: {  	[smem:$0x3F8D] =	sst lr;
	_ =	strace $0xD0000000  }
0x3: {  	_ = 	snop  }
0x4: {  	_ = 	snop  }
0x5: {  	_ = 	snop  }
0x6: {  	_ = 	snop  }
0x7: {  	_ = 	snop  }
__scs_overlays_trampoline_lowered:
0x8: {  	[smem:$0x3F9C] =	sst s0  }
0x9: {  	[smem:$0x3F9D] =	sst s1  }
0xa: {  	[smem:$0x3F9E] =	sst s2  }
0xb: {  	[smem:$0x3F9F] =	sst s3  }
0xc: {  	[smem:$0x3FA0] =	sst s4  }
0xd: {  	[smem:$0x3FA1] =	sst s5  }
0xe: {  	[smem:$0x3FA2] =	sst s6  }
0xf: {  	[smem:$0x3FA3] =	sst s7  }
0x10: {  	[smem:$0x3FA4] =	sst s8  }
0x11: {  	[smem:$0x3FA5] =	sst s9;
	s0 =	simm.s32 @!p0 $0x0  }
0x12: {  	s1 =	sld [smem:$0x3F8B];
	s0 =	simm.s32 @p0 $0x1  }
0x13: {  	[smem:$0x3FA6] =	sst s0;
	s0 =	simm.s32 @!p1 $0x0  }
0x14: {  	s2 =	sld [smem:$0x3F8A];
	s0 =	simm.s32 @p1 $0x1  }
0x15: {  	[smem:$0x3FA7] =	sst s0;
	s0 =	simm.s32 @!p2 $0x0  }
0x16: {  	s3 =	sld [smem:$0x3FDB];
	s0 =	simm.s32 @p2 $0x1  }
0x17: {  	s4 =	simm.s32 $0x1BF5;
	[smem:$0x3FA9] =	sst s0  }
0x18: {  	s0 =	sld [smem:$0x3F8C];
	_ =	swait.ge [sflag:s4], $0x0  }
0x19: {  	s7 =	sld [smem:$0x3F8D]  }
0x1a: {  	s8 =	sadd.s32 $0xFFFFE003, lr  }
0x1b: {  	s9 =	sadd.s32 $0xFFFFFEF7, lr;
	s5 =	simm.s32 $0xFFFFFFFF;
	p2 =	slt.u32 s8, $0xFFFFF086  }
0x1c: {  	p1 =	slt.u32 s9, $0xF7A;
	s5 =	simm.s32 @!p2 $0x0  }
0x1d: {  	s5 =	simm.s32 @p1 $0x1;
	p0 =	seq.s32 s7, s2  }
0x1e: {  	s7 =	smul.u32 @!p0 $0xF7A, s2;
	p2 =	seq.s32 @!p0 s5, $0x0  }
0x1f: {  	s9 =	smul.u32 $0xF7A, s1;
	s8 =	simm.s32 @!p0 $0x1BF5;
	p2 =	por !p2, p0  }
0x20: {  	[sflag:s8] =	ssyncset.s32 @!p0 $0xFFFFF086;
	s6 =	sadd.s32 @!p0 s3, s7;
	s7 =	simm.s32 @!p0 $0x108  }
0x21: {  	s3 =	sadd.s32 s3, s9;
	s6 =	sadd.s32 @!p0 $0x88, s6;
	s7 =	simm.s32 @p2 $0x1082  }
0x22: {  	[simem:s7], [sflag:s8] =	dma.local @!p0 [hbm:s6], $0xF7A  }
0x23: {  	s9 =	sor.u32 $0xD0000000, s2;
	s6 =	simm.s32 $0x108;
	_ =	swait.ge @!p0 [sflag:s8], $0x0  }
0x24: {  	s3 =	sadd.s32 $0x88, s3;
	s6 =	simm.s32 @!p1 $0x1082;
	[sflag:s4] =	ssyncset.s32 $0xFFFFF086  }
0x25: {  	[simem:s6], [sflag:s4] =	dma.local [hbm:s3], $0xF7A  }
0x26: {  	[smem:$0x3F8D] =	sst s1;
	(tag) =	ssettag s2;
	_ =	strace s9  }
0x27: {  	s1 =	sld [smem:$0x3F9D]  }
0x28: {  	s2 =	sld [smem:$0x3F9E]  }
0x29: {  	s4 =	sld [smem:$0x3FA0]  }
0x2a: {  	p0 =	seq.s32 s5, $0x0;
	s5 =	sld [smem:$0x3FA1]  }
0x2b: {  	s6 =	sld [smem:$0x3FA2]  }
0x2c: {  	s7 =	sld [smem:$0x3FA3]  }
0x2d: {  	s3 =	simm.s32 $0x108;
	s8 =	sld [smem:$0x3FA4]  }
0x2e: {  	s3 =	simm.s32 @!p0 $0x1082;
	s9 =	sld [smem:$0x3FA5]  }
0x2f: {  	lr =	sadd.s32 s0, s3;
	s0 =	sld [smem:$0x3F9C]  }
0x30: {  	s3 =	sld [smem:$0x3F9F]  }
0x31: {  	[smem:$0x3FA8] =	sst s10  }
0x32: {  	s10 =	sld [smem:$0x3FA6];
	_ =	sdelay $0x3  }
0x33: {  	p0 =	seq.s32 s10, $0x1;
	s10 =	sld [smem:$0x3FA8];
	_ =	sdelay $0x3  }
0x34: {  	[smem:$0x3FA8] =	sst s10  }
0x35: {  	s10 =	sld [smem:$0x3FA7];
	_ =	sdelay $0x3  }
0x36: {  	p1 =	seq.s32 s10, $0x1;
	s10 =	sld [smem:$0x3FA8];
	_ =	sdelay $0x3  }
0x37: {  	[smem:$0x3FA8] =	sst s10  }
0x38: {  	s10 =	sld [smem:$0x3FA9]  }
0x39: {  	_ = 	snop;
	(pc) =	sbr.ind lr, $3  }
0x3a: {  	_ = 	snop  }
0x3b: {  	_ = 	snop  }
0x3c: {  	p2 =	seq.s32 s10, $0x1;
	s10 =	sld [smem:$0x3FA8]  }
0x3d: {  	_ =	shalt  }
0x3e: {  	_ =	shalt  }
0x3f: {  	_ =	shalt  }
0x40: {  	_ =	shalt  }
0x41: {  	_ =	shalt  }
0x42: {  	_ =	shalt  }
0x43: {  	_ =	shalt  }
0x44: {  	_ =	shalt  }
0x45: {  	_ =	shalt  }
0x46: {  	_ =	shalt  }
0x47: {  	_ =	shalt  }
0x48: {  	_ =	shalt  }
0x49: {  	_ =	shalt  }
0x4a: {  	_ =	shalt  }
0x4b: {  	_ =	shalt  }
0x4c: {  	_ =	shalt  }
0x4d: {  	_ =	shalt  }
0x4e: {  	_ =	shalt  }
0x4f: {  	_ =	shalt  }
0x50: {  	_ =	shalt  }
0x51: {  	_ =	shalt  }
0x52: {  	_ =	shalt  }
0x53: {  	_ =	shalt  }
0x54: {  	_ =	shalt  }
0x55: {  	_ =	shalt  }
0x56: {  	_ =	shalt  }
0x57: {  	_ =	shalt  }
0x58: {  	_ =	shalt  }
0x59: {  	_ =	shalt  }
0x5a: {  	_ =	shalt  }
0x5b: {  	_ =	shalt  }
0x5c: {  	_ =	shalt  }
0x5d: {  	_ =	shalt  }
0x5e: {  	_ =	shalt  }
0x5f: {  	_ =	shalt  }
0x60: {  	_ =	shalt  }
0x61: {  	_ =	shalt  }
0x62: {  	_ =	shalt  }
0x63: {  	_ =	shalt  }
0x64: {  	_ =	shalt  }
0x65: {  	_ =	shalt  }
0x66: {  	_ =	shalt  }
0x67: {  	_ =	shalt  }
0x68: {  	_ =	shalt  }
0x69: {  	_ =	shalt  }
0x6a: {  	_ =	shalt  }
0x6b: {  	_ =	shalt  }
0x6c: {  	_ =	shalt  }
0x6d: {  	_ =	shalt  }
0x6e: {  	_ =	shalt  }
0x6f: {  	_ =	shalt  }
0x70: {  	_ =	shalt  }
0x71: {  	_ =	shalt  }
0x72: {  	_ =	shalt  }
0x73: {  	_ =	shalt  }
0x74: {  	_ =	shalt  }
0x75: {  	_ =	shalt  }
0x76: {  	_ =	shalt  }
0x77: {  	_ =	shalt  }
0x78: {  	_ =	shalt  }
0x79: {  	_ =	shalt  }
0x7a: {  	_ =	shalt  }
0x7b: {  	_ =	shalt  }
0x7c: {  	_ =	shalt  }
0x7d: {  	_ =	shalt  }
0x7e: {  	_ =	shalt  }
0x7f: {  	_ =	shalt  }
0x80: {  	_ =	shalt  }
0x81: {  	_ =	shalt  }
0x82: {  	_ =	shalt  }
0x83: {  	_ =	shalt  }
0x84: {  	_ =	shalt  }
0x85: {  	_ =	shalt  }
0x86: {  	_ =	shalt  }
0x87: {  	_ =	shalt  }
.Lfunc_end0:
.L_simem_size_0:
called_computation.2_lowered:
.L_overlay_start_0:
0x88: {  	s2 =	sld [smem:$0x3FD9]  }
0x89: {  	s3 =	sld [smem:$0x3FFE];
	_ =	sdelay $0x1  }
0x8a: {  	s1 =	srdreg.scid  }
0x8b: {  	s0 =	sand.u32 $0x1, s1  }
0x8c: {  	s16 =	sshll.u32 s0, $0xA;
	s2 =	sadd.s32 s3, s2  }
0x8d: {  	s2 =	sadd.s32 s2, s16  }
0x8e: {  	[smem:$0x3FB4] =	sst s2  }
0x8f: {  	_ = 	snop  }
0x90: {  	(tm) =	ssettm $0x1  }
0x91: {  	s17 =	sld [smem:$0x3FFB];
	_ =	sdelay $0x3  }
0x92: {  	_ =	strace s17  }
0x93: {  	s2 =	sld [smem:$0x3FFC];
	_ =	sdelay $0x3  }
0x94: {  	_ =	strace s2  }
0x95: {  	s2 =	sld [smem:$0x3FFD];
	_ =	sdelay $0x3  }
0x96: {  	_ =	strace s2  }
0x97: {  	_ =	strace $0x8FFFFFFF  }
0x98: {  	s18 =	sld [smem:$0x3FDB];
	_ =	sdelay $0x1  }
0x99: {  	s19 =	simm.s32 $_scs_section_size  }
0x9a: {  	s4 =	simm.s32 $_size__tile_overlayer_lowered;
	s5 =	simm.s32 $_tile_overlayer_lowered  }
0x9b: {  	s22 =	simm.s32 $0x1BFF;
	s21 =	sshll.u32 s5, $0x1;
	s2 =	sadd.s32 s19, s18  }
0x9c: {  	s6 =	simm.s32 $0x0;
	s20 =	sshll.u32 s4, $0x1;
	s4 =	sadd.s32 s21, s2  }
0x9d: {  	[timem:s6], [sflag:s22] =	dma.local [hbm:s4], s20  }
0x9e: {  	_ =	swait.ge [sflag:s22], s20  }
0x9f: {  	s3 =	ssub.s32 $0x0, s20;
	[sflag:s22] =	ssyncset.done $0x0  }
0xa0: {  	[sflag:s22] =	ssyncadd.s32 s3;
	_ =	sdelay $0x1  }
0xa1: {  	s23 =	simm.s32 $0x1B8B  }
0xa2: {  	_ =	swait.ge [sflag:s23], $0x1  }
0xa3: {  	[sflag:s23] =	ssyncset.done $0x0  }
0xa4: {  	s25 =	simm.s32 $0x1B8E;
	s24 =	sld [smem:$0x3FFE];
	[sflag:s23] =	ssyncadd.s32 $0xFFFFFFFF  }
0xa5: {  	s26 =	simm.s32 $execute0_lowered;
	[smem:$0x3FD2] =	sst s25  }
0xa6: {  	s4 =	sshll.u32 s26, $0x1;
	_ =	strace $0x8000004C;
	[dreg:$0x1] =	wrdreg $0xFFFFFFFF  }
0xa7: {  	s28 =	simm.s32 $_size_execute0_lowered;
	s2 =	sadd.s32 s2, s4;
	[dreg:$0x0] =	wrdreg $0x0  }
0xa8: {  	s4 =	sshll.u32 s28, $0x1;
	[dreg:$0x2] =	wrdreg s2  }
0xa9: {  	[dreg:$0x3] =	wrdreg s4  }
0xaa: {  	[dreg:$0x4] =	wrdreg $0xC0  }
0xab: {  	_ =	task [dreg:s6], $0x5FFFF  }
0xac: {  	[dreg:$0x1] =	wrdreg $0xFFFFFFFF  }
0xad: {  	[dreg:$0x0] =	wrdreg $0x60  }
0xae: {  	[dreg:$0x2] =	wrdreg s24  }
0xaf: {  	[dreg:$0x3] =	wrdreg $0x0  }
0xb0: {  	[dreg:$0x4] =	wrdreg $0x9  }
0xb1: {  	_ =	task.clear_ibuf [dreg:s6], $0x5FFFF;
	_ =	strace $0x9000004C  }
0xb2: {  	s29 =	simm.s32 $0x9;
	_ =	strace $0x8000004E  }
0xb3: {  	_ =	swait.ge [sflag:s29], $0x1  }
0xb4: {  	[sflag:s29] =	ssyncadd.s32 $0xFFFFFFFF  }
0xb5: {  	_ =	strace $0x9000004E  }
0xb6: {  	_ =	sfence  }
0xb7: {  	s30 =	sld [smem:$0x0];
	_ =	sdelay $0x2  }
0xb8: {  	s31 =	sshll.u32 s1, $0xD;
	s1 =	sshrl.u32 s1, $0x2  }
0xb9: {  	s3 =	sand.u32 $0x4000, s31;
	s1 =	sadd.s32 s1, s30  }
0xba: {  	s0 =	sor.u32 s3, s0;
	s1 =	sshll.u32 s1, $0x11  }
0xbb: {  	s0 =	sor.u32 s1, s0  }
0xbc: {  	s0 =	sadd.s32 $0x8F2B, s0  }
0xbd: {  	[sflag:s0] =	ssyncadd.remote.s32 $0x1  }
0xbe: {  	_ =	sfence.sel $0xFFFF  }
0xbf: {  	[dreg:$0x0] =	wrdreg $0xFFFFFFFF;
	(pc) =	sbr.abs _section_cstart, $3  }
0xc0: {  	[dreg:$0x1] =	wrdreg $0xFFFFFFFF  }
0xc1: {  	_ =	task.clear_ibuf [dreg:s6], $0x2FFFF;
	_ =	strace $0x9FFFFFFF  }
0xc2: {  	(tm) =	ssettm $0x7FFFFFFF  }
0xc3: {  	_ =	shalt  }
tec
execute0_lowered:
.L_overlay_start_1:
0x0: {  	(tag) =	ssettag $0x1  }
0x1: {  	s4 =	rddreg [dreg:$0x0];
	s8 =	srdreg.scid  }
0x2: {  	s3 =	sadd.s32 $0x17E00, s4;
	s5 =	sadd.s32 $0xA2D400, s4;
	s6 =	sadd.s32 $0xE000, s4  }
0x3: {  	s7 =	sadd.s32 $0x4200, s4;
	s16 =	sadd.s32 $0x69400, s4;
	s4 =	stileid.u32  }
0x4: {  	s10 =	sand.u32 $0x1, s8;
	s9 =	smul.u32 $0x19000, s4  }
0x5: {  	s21 =	smul.u32 $0x138800, s10  }
0x6: {  	s12 =	sor.u32 $0x10, s4;
	s24 =	smul.u32 $0x6400, s4  }
0x7: {  	s13 =	sor.u32 $0x20, s4;
	s11 =	smul.u32 $0x19000, s12  }
0x8: {  	s15 =	sor.u32 $0x30, s4;
	s14 =	smul.u32 $0x19000, s13  }
0x9: {  	s2 =	simm.s32 $0x0;
	s20 =	sshll.u32 s4, $0x1;
	s18 =	smul.u32 $0x19000, s15  }
0xa: {  	[smem:$0x7FF] =	sst s2;
	s8 =	sor.u32 s10, s20;
	s20 =	smul.u32 $0x6400, s12  }
0xb: {  	s1 =	rddreg [dreg:$0x1];
	_ =	strace $0x8000004D;
	s26 =	smul.u32 $0x6400, s13  }
0xc: {  	s17 =	ssub.s32 $0x2, s10;
	p0 =	sgt.u32 s4, $0x1;
	s29 =	smul.u32 $0x6400, s15  }
0xd: {  	s19 =	sshrl.u32 s17, $0x1;
	s9 =	sshrl.u32 s9, $0x2;
	s8 =	smul.u32 $0x2710, s8  }
0xe: {  	s17 =	ssub.s32 s17, s19;
	s9 =	sadd.s32 s9, s1;
	s22 =	sshrl.u32 s11, $0x2  }
0xf: {  	s23 =	sshrl.u32 s14, $0x2;
	s25 =	sshrl.u32 s18, $0x2;
	s14 =	sadd.s32 s24, s21  }
0x10: {  	s30 =	sadd.s32 s21, s20;
	s18 =	sadd.s32 s21, s26;
	s19 =	sadd.s32 s21, s29  }
0x11: {  	s17 =	smax.u32 s17, $0x1;
	s20 =	simm.s32 $0x13880;
	s21 =	simm.s32 $0x13900  }
0x12: {  	s24 =	simm.s32 $0x13980;
	s26 =	simm.s32 $0x0;
	s10 =	sadd.s32 s22, s1  }
0x13: {  	s11 =	sadd.s32 s23, s1;
	s12 =	sadd.s32 s25, s1;
	s28 =	sshrl.u32 s14, $0x3  }
0x14: {  	s15 =	sshrl.u32 s30, $0x3;
	s18 =	sshrl.u32 s18, $0x3;
	s31 =	sshrl.u32 s19, $0x3  }
0x15: {  	s19 =	simm.s32 $0x2;
	s22 =	simm.s32 $0x16180;
	s23 =	simm.s32 $0x50  }
0x16: {  	s25 =	simm.s32 $0x1;
	s13 =	sadd.s32 s16, s28;
	s14 =	sadd.s32 s16, s15  }
0x17: {  	v0 =	vimm.f32 $0.0e+00;
	s15 =	sadd.s32 s16, s18;
	s16 =	sadd.s32 s16, s31;
	s18 =	simm.s32 $0x18980  }
.LBB2_1:
0x18: {  	s28 =	simm.s32 $0x0;
	s29 =	simm.s32 $0x200  }
.LBB2_2:
0x19: {  	p1 =	sne.s32 s29, $0x18E00;
	[tilespmem:s28+$0x189F0] =	vst v0  }
0x1a: {  	[tilespmem:s28+$0x18980] =	vst v0  }
0x1b: {  	[tilespmem:s28+$0x18990] =	vst v0  }
.Ltmp0:
0x1c: {  	[tilespmem:s28+$0x189A0] =	vst v0;
	(pc) =	sbr.rel @p1 .LBB2_2-.Ltmp0, $4  }
0x1d: {  	[tilespmem:s28+$0x189B0] =	vst v0  }
0x1e: {  	[tilespmem:s28+$0x189C0] =	vst v0  }
0x1f: {  	[tilespmem:s28+$0x189D0] =	vst v0  }
0x20: {  	[tilespmem:s28+$0x189E0] =	vst v0;
	s28 =	sshra.s32 s29, $0x2;
	s29 =	sadd.s32 $0x200, s29  }
0x21: {  	[tilespmem:s28+$0x189F0] =	vst v0  }
0x22: {  	[tilespmem:s28+$0x18980] =	vst v0  }
0x23: {  	[tilespmem:s28+$0x18990] =	vst v0  }
0x24: {  	[tilespmem:s28+$0x189A0] =	vst v0  }
0x25: {  	[tilespmem:s28+$0x189B0] =	vst v0  }
0x26: {  	[tilespmem:s28+$0x189C0] =	vst v0  }
0x27: {  	[tilespmem:s28+$0x189D0] =	vst v0  }
0x28: {  	[tilespmem:s28+$0x189E0] =	vst v0  }
0x29: {  	[spmem:s9] =	stream.linear.scatter [tilespmem:s18], [sflag:$0x2], $0x6400, $0x38;
	[tilespmem:$0x1ED80] =	vst v63  }
0x2a: {  	_ =	swait.ge [sflag:s19], $0x6400  }
0x2b: {  	[sflag:s19] =	ssyncset.done $0x0  }
0x2c: {  	[sflag:s19] =	ssyncadd.s32 $0xFFFF9C00  }
0x2d: {  	[spmem:s10] =	stream.linear.scatter [tilespmem:s18], [sflag:$0x2], $0x6400, $0x38;
	[tilespmem:$0x1ED80] =	vst v63  }
0x2e: {  	_ =	swait.ge [sflag:s19], $0x6400  }
0x2f: {  	[sflag:s19] =	ssyncset.done $0x0  }
0x30: {  	[sflag:s19] =	ssyncadd.s32 $0xFFFF9C00  }
0x31: {  	[spmem:s11] =	stream.linear.scatter [tilespmem:s18], [sflag:$0x2], $0x6400, $0x38;
	[tilespmem:$0x1ED80] =	vst v63  }
0x32: {  	_ =	swait.ge [sflag:s19], $0x6400  }
0x33: {  	[sflag:s19] =	ssyncset.done $0x0  }
0x34: {  	s28 =	simm.s32 @!p0 $0x18980;
	[sflag:s19] =	ssyncadd.s32 $0xFFFF9C00  }
0x35: {  	[spmem:s12] =	stream.linear.scatter @!p0 [tilespmem:s28], [sflag:$0x2], $0x6400, $0x38;
	[tilespmem:$0x1ED80] =	vst v63  }
0x36: {  	s28 =	simm.s32 @!p0 $0x2  }
0x37: {  	_ =	swait.ge @!p0 [sflag:s28], $0x6400  }
0x38: {  	[sflag:s28] =	ssyncset.done @!p0 $0x0  }
0x39: {  	[sflag:s28] =	ssyncadd.s32 @!p0 $0xFFFF9C00  }
0x3a: {  	s29 =	simm.s32 $0x0;
	s28 =	simm.s32 $0x0;
	[bflag:$0x0] =	sbarrier.arrive $0xFFFF  }
.LBB2_4:
0x3b: {  	s30 =	smul.u32 $0x50, s29;
	_ =	sdelay $0x1  }
0x3c: {  	s30 =	sadd.s32 s8, s30  }
0x3d: {  	s31 =	sshrl.u32 s30, $0x3  }
0x3e: {  	s0 =	sadd.s32 s6, s31  }
0x3f: {  	[tilespmem:s20], [sflag:$0x2] =	stream.linear.gather [hbm4b:s0+s28], $0x50, $0x38;
	[tilespmem:$0x1ED80] =	vst v63  }
0x40: {  	_ =	swait.ge [sflag:s19], $0x50  }
0x41: {  	[sflag:s19] =	ssyncset.done $0x0  }
0x42: {  	s0 =	sadd.s32 s7, s31;
	[sflag:s19] =	ssyncadd.s32 $0xFFFFFFB0  }
0x43: {  	[tilespmem:s21], [sflag:$0x2] =	stream.linear.gather [hbm4b:s0+s28], $0x50, $0x38;
	[tilespmem:$0x1ED80] =	vst v63  }
0x44: {  	_ =	swait.ge [sflag:s19], $0x50  }
0x45: {  	s0 =	sshll.u32 s30, $0x4;
	[sflag:s19] =	ssyncset.done $0x0  }
0x46: {  	s0 =	sadd.s32 s5, s0;
	[sflag:s19] =	ssyncadd.s32 $0xFFFFFFB0  }
0x47: {  	[tilespmem:s22], [sflag:$0x2] =	stream.linear.gather [hbm4b:s0+s28], $0x2800, $0x38;
	[tilespmem:$0x1ED80] =	vst v63  }
0x48: {  	_ =	swait.ge [sflag:s19], $0x2800  }
0x49: {  	[sflag:s19] =	ssyncset.done $0x0  }
0x4a: {  	[sflag:s19] =	ssyncadd.s32 $0xFFFFD800  }
0x4b: {  	[tilespmem:s24], [sflag:$0x1] =	stream.indirect.gather [hbm4b:s3+s23], $0x80, s20, s23, $0xb8;
	[tilespmem:$0x1ED80] =	vst v63  }
0x4c: {  	_ =	swait.ge [sflag:s25], $0x2800  }
0x4d: {  	[sflag:s25] =	ssyncset.done $0x0  }
0x4e: {  	s30 =	simm.s32 $0x0;
	[sflag:s25] =	ssyncadd.s32 $0xFFFFD800  }
0x4f: {  	v8 =	vld [tilespmem:s30+$0x16180]  }
0x50: {  	v12 =	vld [tilespmem:s30+$0x16190]  }
0x51: {  	v6 =	vld [tilespmem:s30+$0x161A0]  }
0x52: {  	v5 =	vld [tilespmem:s30+$0x161B0]  }
0x53: {  	v4 =	vld [tilespmem:s30+$0x161C0]  }
0x54: {  	v3 =	vld [tilespmem:s30+$0x161D0]  }
0x55: {  	v2 =	vld [tilespmem:s30+$0x161E0]  }
0x56: {  	v1 =	vld [tilespmem:s30+$0x161F0]  }
0x57: {  	v13 =	vld [tilespmem:s30+$0x13980]  }
0x58: {  	v14 =	vld [tilespmem:s30+$0x13990]  }
0x59: {  	v11 =	vld [tilespmem:s30+$0x139A0]  }
0x5a: {  	v10 =	vld [tilespmem:s30+$0x139B0]  }
0x5b: {  	v9 =	vld [tilespmem:s30+$0x139C0]  }
0x5c: {  	v7 =	vld [tilespmem:s30+$0x139D0];
	v13 =	vmul.f32 v8, v13  }
0x5d: {  	s31 =	simm.s32 $0x200;
	v12 =	vmul.f32 v12, v14;
	v8 =	vld [tilespmem:s30+$0x139E0]  }
.LBB2_5:
0x5e: {  	s0 =	sshra.s32 s31, $0x2;
	p1 =	sne.s32 s31, $0x9E00;
	[tilespmem:s30+$0x13980] =	vst v13;
	v6 =	vmul.f32 v6, v11;
	v11 =	vld [tilespmem:s30+$0x139F0]  }
0x5f: {  	v13 =	vld [tilespmem:s0+$0x16180];
	[tilespmem:s30+$0x13990] =	vst v12;
	v5 =	vmul.f32 v5, v10  }
0x60: {  	v12 =	vld [tilespmem:s0+$0x16190];
	[tilespmem:s30+$0x139A0] =	vst v6;
	v4 =	vmul.f32 v4, v9  }
0x61: {  	v6 =	vld [tilespmem:s0+$0x161A0];
	[tilespmem:s30+$0x139B0] =	vst v5;
	v3 =	vmul.f32 v3, v7  }
0x62: {  	v5 =	vld [tilespmem:s0+$0x161B0];
	[tilespmem:s30+$0x139C0] =	vst v4;
	v2 =	vmul.f32 v2, v8  }
0x63: {  	v4 =	vld [tilespmem:s0+$0x161C0];
	[tilespmem:s30+$0x139D0] =	vst v3;
	v1 =	vmul.f32 v1, v11  }
0x64: {  	v3 =	vld [tilespmem:s0+$0x161D0];
	[tilespmem:s30+$0x139E0] =	vst v2  }
0x65: {  	v2 =	vld [tilespmem:s0+$0x161E0];
	[tilespmem:s30+$0x139F0] =	vst v1;
	s30 =	smov.u32 s0  }
0x66: {  	v1 =	vld [tilespmem:s30+$0x161F0]  }
0x67: {  	v7 =	vld [tilespmem:s30+$0x13980]  }
0x68: {  	v8 =	vld [tilespmem:s30+$0x13990]  }
.Ltmp1:
0x69: {  	v11 =	vld [tilespmem:s30+$0x139A0];
	(pc) =	sbr.rel @p1 .LBB2_5-.Ltmp1, $4  }
0x6a: {  	v10 =	vld [tilespmem:s30+$0x139B0]  }
0x6b: {  	v9 =	vld [tilespmem:s30+$0x139C0]  }
0x6c: {  	v13 =	vmul.f32 v13, v7;
	v7 =	vld [tilespmem:s30+$0x139D0]  }
0x6d: {  	s31 =	sadd.s32 $0x200, s31;
	v12 =	vmul.f32 v12, v8;
	v8 =	vld [tilespmem:s30+$0x139E0]  }
0x6e: {  	[tilespmem:s30+$0x13980] =	vst v13;
	v6 =	vmul.f32 v6, v11;
	v63 =	vld [tilespmem:s30+$0x139F0]  }
0x6f: {  	[tilespmem:s30+$0x13990] =	vst v12;
	v5 =	vmul.f32 v5, v10  }
0x70: {  	[tilespmem:s30+$0x139A0] =	vst v6;
	v4 =	vmul.f32 v4, v9  }
0x71: {  	[tilespmem:s30+$0x139B0] =	vst v5;
	v3 =	vmul.f32 v3, v7  }
0x72: {  	[tilespmem:s30+$0x139C0] =	vst v4;
	v2 =	vmul.f32 v2, v8  }
0x73: {  	s29 =	sadd.s32 $0x1, s29;
	[tilespmem:s30+$0x139D0] =	vst v3;
	v1 =	vmul.f32 v1, v63  }
0x74: {  	p1 =	sne.s32 s29, $0x7D;
	[tilespmem:s30+$0x139E0] =	vst v2  }
.Ltmp2:
0x75: {  	[tilespmem:s30+$0x139F0] =	vst v1;
	(pc) =	sbr.rel @p1 .LBB2_4-.Ltmp2, $4  }
0x76: {  	[spmem:s1] =	stream.indirect.scatter.add.f32 [tilespmem:s24], [sflag:$0x2], $0x80, s21, s23, $0xb8;
	[tilespmem:$0x1ED80] =	vst v63  }
0x77: {  	_ =	swait.ge [sflag:s19], $0x2800  }
0x78: {  	[sflag:s19] =	ssyncset.done $0x0  }
0x79: {  	[sflag:s19] =	ssyncadd.s32 $0xFFFFD800  }
0x7a: {  	[bflag:$0x0] =	sbarrier.arrive $0xFFFF  }
0x7b: {  	[tilespmem:s18], [sflag:$0x2] =	stream.linear.gather [spmem:s9], $0x6400, $0x38;
	[tilespmem:$0x1ED80] =	vst v63  }
0x7c: {  	_ =	swait.ge [sflag:s19], $0x6400  }
0x7d: {  	[sflag:s19] =	ssyncset.done $0x0  }
0x7e: {  	[sflag:s19] =	ssyncadd.s32 $0xFFFF9C00  }
0x7f: {  	[hbm4b:s13+s2] =	stream.linear.scatter [tilespmem:s18], [sflag:$0x2], $0x6400, $0x38;
	[tilespmem:$0x1ED80] =	vst v63  }
0x80: {  	_ =	swait.ge [sflag:s19], $0x6400  }
0x81: {  	[sflag:s19] =	ssyncset.done $0x0  }
0x82: {  	[sflag:s19] =	ssyncadd.s32 $0xFFFF9C00  }
0x83: {  	[tilespmem:s18], [sflag:$0x2] =	stream.linear.gather [spmem:s10], $0x6400, $0x38;
	[tilespmem:$0x1ED80] =	vst v63  }
0x84: {  	_ =	swait.ge [sflag:s19], $0x6400  }
0x85: {  	[sflag:s19] =	ssyncset.done $0x0  }
0x86: {  	[sflag:s19] =	ssyncadd.s32 $0xFFFF9C00  }
0x87: {  	[hbm4b:s14+s2] =	stream.linear.scatter [tilespmem:s18], [sflag:$0x2], $0x6400, $0x38;
	[tilespmem:$0x1ED80] =	vst v63  }
0x88: {  	_ =	swait.ge [sflag:s19], $0x6400  }
0x89: {  	[sflag:s19] =	ssyncset.done $0x0  }
0x8a: {  	[sflag:s19] =	ssyncadd.s32 $0xFFFF9C00  }
0x8b: {  	[tilespmem:s18], [sflag:$0x2] =	stream.linear.gather [spmem:s11], $0x6400, $0x38;
	[tilespmem:$0x1ED80] =	vst v63  }
0x8c: {  	_ =	swait.ge [sflag:s19], $0x6400  }
0x8d: {  	[sflag:s19] =	ssyncset.done $0x0  }
0x8e: {  	[sflag:s19] =	ssyncadd.s32 $0xFFFF9C00  }
0x8f: {  	[hbm4b:s15+s2] =	stream.linear.scatter [tilespmem:s18], [sflag:$0x2], $0x6400, $0x38;
	[tilespmem:$0x1ED80] =	vst v63  }
0x90: {  	_ =	swait.ge [sflag:s19], $0x6400  }
0x91: {  	[sflag:s19] =	ssyncset.done $0x0  }
0x92: {  	s0 =	simm.s32 @!p0 $0x18980;
	s28 =	simm.s32 @!p0 $0x2;
	[sflag:s19] =	ssyncadd.s32 $0xFFFF9C00  }
0x93: {  	[tilespmem:s0], [sflag:$0x2] =	stream.linear.gather @!p0 [spmem:s12], $0x6400, $0x38;
	[tilespmem:$0x1ED80] =	vst v63  }
0x94: {  	s26 =	sadd.s32 $0x1, s26;
	_ =	swait.ge @!p0 [sflag:s28], $0x6400  }
0x95: {  	p1 =	sne.s32 s26, s17;
	[sflag:s28] =	ssyncset.done @!p0 $0x0  }
.Ltmp3:
0x96: {  	s29 =	simm.s32 @!p0 $0x0;
	[sflag:s28] =	ssyncadd.s32 @!p0 $0xFFFF9C00;
	(pc) =	sbr.rel @p1 .LBB2_1-.Ltmp3, $4  }
0x97: {  	[hbm4b:s16+s29] =	stream.linear.scatter @!p0 [tilespmem:s0], [sflag:$0x2], $0x6400, $0x38;
	[tilespmem:$0x1ED80] =	vst v63  }
0x98: {  	_ =	swait.ge @!p0 [sflag:s28], $0x6400  }
0x99: {  	[sflag:s28] =	ssyncset.done @!p0 $0x0  }
0x9a: {  	[sflag:s28] =	ssyncadd.s32 @!p0 $0xFFFF9C00  }
0x9b: {  	_ =	sfence.sel $0x180000  }
0x9c: {  	[bflag:$0x0] =	sbarrier.arrive $0xFFFF  }
0x9d: {  	_ =	strace $0x9000004D  }
0x9e: {  	[bflag:$0x2] =	sbarrier.arrive $0xFFFF  }
0x9f: {  	p0 =	sne.s32 s4, $0x0;
	s0 =	rddreg [dreg:$0x2]  }
0xa0: {  	s0 =	sadd.s32 @!p0 $0x100000, s0  }
0xa1: {  	[sflag:s0] =	ssyncadd.tile.s32 @!p0 $0x1;
	_ =	shalt  }
.Lfunc_end2:
_tile_overlayer_lowered:
.L_overlay_start_2:
0xa2: {  	(tag) =	ssettag $0x2  }
0xa3: {  	s0 =	rddreg [dreg:$0x0];
	s2 =	stileid.u32  }
0xa4: {  	s1 =	rddreg [dreg:$0x1];
	p0 =	sne.s32 s2, $0x0  }
0xa5: {  	s3 =	rddreg [dreg:$0x2];
	[bflag:$0x3] =	sbarrier.arrive $0xFFFF;
	s2 =	simm.s32 @!p0 $0x1C02  }
0xa6: {  	[timem:s3], [sflag:s2] =	dma.local @!p0 [hbm:s0], s1  }
0xa7: {  	s0 =	simm.s32 @!p0 $0x2  }
0xa8: {  	_ =	swait.ge @!p0 [sflag:s0], s1  }
0xa9: {  	s1 =	ssub.s32 @!p0 $0x0, s1;
	[sflag:s0] =	ssyncset.done @!p0 $0x0  }
0xaa: {  	[sflag:s0] =	ssyncadd.s32 @!p0 s1  }
0xab: {  	[bflag:$0x3] =	sbarrier.arrive $0xFFFF  }
0xac: {  	_ =	shalt  }

// kernel: kernel.21.cloned.1.call-start
scs
__scs_entry_jumppad:
0x0: {  	(pc) =	sbr.rel $0x88, $3  }
0x1: {  	(tag) =	ssettag $0x0;
	lr =	simm.s32 $0x1  }
0x2: {  	[smem:$0x3F8D] =	sst lr;
	_ =	strace $0xD0000000  }
0x3: {  	_ = 	snop  }
0x4: {  	_ = 	snop  }
0x5: {  	_ = 	snop  }
0x6: {  	_ = 	snop  }
0x7: {  	_ = 	snop  }
__scs_overlays_trampoline_lowered:
0x8: {  	[smem:$0x3F9C] =	sst s0  }
0x9: {  	[smem:$0x3F9D] =	sst s1  }
0xa: {  	[smem:$0x3F9E] =	sst s2  }
0xb: {  	[smem:$0x3F9F] =	sst s3  }
0xc: {  	[smem:$0x3FA0] =	sst s4  }
0xd: {  	[smem:$0x3FA1] =	sst s5  }
0xe: {  	[smem:$0x3FA2] =	sst s6  }
0xf: {  	[smem:$0x3FA3] =	sst s7  }
0x10: {  	[smem:$0x3FA4] =	sst s8  }
0x11: {  	[smem:$0x3FA5] =	sst s9;
	s0 =	simm.s32 @!p0 $0x0  }
0x12: {  	s1 =	sld [smem:$0x3F8B];
	s0 =	simm.s32 @p0 $0x1  }
0x13: {  	[smem:$0x3FA6] =	sst s0;
	s0 =	simm.s32 @!p1 $0x0  }
0x14: {  	s2 =	sld [smem:$0x3F8A];
	s0 =	simm.s32 @p1 $0x1  }
0x15: {  	[smem:$0x3FA7] =	sst s0;
	s0 =	simm.s32 @!p2 $0x0  }
0x16: {  	s3 =	sld [smem:$0x3FDB];
	s0 =	simm.s32 @p2 $0x1  }
0x17: {  	s4 =	simm.s32 $0x1BF5;
	[smem:$0x3FA9] =	sst s0  }
0x18: {  	s0 =	sld [smem:$0x3F8C];
	_ =	swait.ge [sflag:s4], $0x0  }
0x19: {  	s7 =	sld [smem:$0x3F8D]  }
0x1a: {  	s8 =	sadd.s32 $0xFFFFE003, lr  }
0x1b: {  	s9 =	sadd.s32 $0xFFFFFEF7, lr;
	s5 =	simm.s32 $0xFFFFFFFF;
	p2 =	slt.u32 s8, $0xFFFFF086  }
0x1c: {  	p1 =	slt.u32 s9, $0xF7A;
	s5 =	simm.s32 @!p2 $0x0  }
0x1d: {  	s5 =	simm.s32 @p1 $0x1;
	p0 =	seq.s32 s7, s2  }
0x1e: {  	s7 =	smul.u32 @!p0 $0xF7A, s2;
	p2 =	seq.s32 @!p0 s5, $0x0  }
0x1f: {  	s9 =	smul.u32 $0xF7A, s1;
	s8 =	simm.s32 @!p0 $0x1BF5;
	p2 =	por !p2, p0  }
0x20: {  	[sflag:s8] =	ssyncset.s32 @!p0 $0xFFFFF086;
	s6 =	sadd.s32 @!p0 s3, s7;
	s7 =	simm.s32 @!p0 $0x108  }
0x21: {  	s3 =	sadd.s32 s3, s9;
	s6 =	sadd.s32 @!p0 $0x88, s6;
	s7 =	simm.s32 @p2 $0x1082  }
0x22: {  	[simem:s7], [sflag:s8] =	dma.local @!p0 [hbm:s6], $0xF7A  }
0x23: {  	s9 =	sor.u32 $0xD0000000, s2;
	s6 =	simm.s32 $0x108;
	_ =	swait.ge @!p0 [sflag:s8], $0x0  }
0x24: {  	s3 =	sadd.s32 $0x88, s3;
	s6 =	simm.s32 @!p1 $0x1082;
	[sflag:s4] =	ssyncset.s32 $0xFFFFF086  }
0x25: {  	[simem:s6], [sflag:s4] =	dma.local [hbm:s3], $0xF7A  }
0x26: {  	[smem:$0x3F8D] =	sst s1;
	(tag) =	ssettag s2;
	_ =	strace s9  }
0x27: {  	s1 =	sld [smem:$0x3F9D]  }
0x28: {  	s2 =	sld [smem:$0x3F9E]  }
0x29: {  	s4 =	sld [smem:$0x3FA0]  }
0x2a: {  	p0 =	seq.s32 s5, $0x0;
	s5 =	sld [smem:$0x3FA1]  }
0x2b: {  	s6 =	sld [smem:$0x3FA2]  }
0x2c: {  	s7 =	sld [smem:$0x3FA3]  }
0x2d: {  	s3 =	simm.s32 $0x108;
	s8 =	sld [smem:$0x3FA4]  }
0x2e: {  	s3 =	simm.s32 @!p0 $0x1082;
	s9 =	sld [smem:$0x3FA5]  }
0x2f: {  	lr =	sadd.s32 s0, s3;
	s0 =	sld [smem:$0x3F9C]  }
0x30: {  	s3 =	sld [smem:$0x3F9F]  }
0x31: {  	[smem:$0x3FA8] =	sst s10  }
0x32: {  	s10 =	sld [smem:$0x3FA6];
	_ =	sdelay $0x3  }
0x33: {  	p0 =	seq.s32 s10, $0x1;
	s10 =	sld [smem:$0x3FA8];
	_ =	sdelay $0x3  }
0x34: {  	[smem:$0x3FA8] =	sst s10  }
0x35: {  	s10 =	sld [smem:$0x3FA7];
	_ =	sdelay $0x3  }
0x36: {  	p1 =	seq.s32 s10, $0x1;
	s10 =	sld [smem:$0x3FA8];
	_ =	sdelay $0x3  }
0x37: {  	[smem:$0x3FA8] =	sst s10  }
0x38: {  	s10 =	sld [smem:$0x3FA9]  }
0x39: {  	_ = 	snop;
	(pc) =	sbr.ind lr, $3  }
0x3a: {  	_ = 	snop  }
0x3b: {  	_ = 	snop  }
0x3c: {  	p2 =	seq.s32 s10, $0x1;
	s10 =	sld [smem:$0x3FA8]  }
0x3d: {  	_ =	shalt  }
0x3e: {  	_ =	shalt  }
0x3f: {  	_ =	shalt  }
0x40: {  	_ =	shalt  }
0x41: {  	_ =	shalt  }
0x42: {  	_ =	shalt  }
0x43: {  	_ =	shalt  }
0x44: {  	_ =	shalt  }
0x45: {  	_ =	shalt  }
0x46: {  	_ =	shalt  }
0x47: {  	_ =	shalt  }
0x48: {  	_ =	shalt  }
0x49: {  	_ =	shalt  }
0x4a: {  	_ =	shalt  }
0x4b: {  	_ =	shalt  }
0x4c: {  	_ =	shalt  }
0x4d: {  	_ =	shalt  }
0x4e: {  	_ =	shalt  }
0x4f: {  	_ =	shalt  }
0x50: {  	_ =	shalt  }
0x51: {  	_ =	shalt  }
0x52: {  	_ =	shalt  }
0x53: {  	_ =	shalt  }
0x54: {  	_ =	shalt  }
0x55: {  	_ =	shalt  }
0x56: {  	_ =	shalt  }
0x57: {  	_ =	shalt  }
0x58: {  	_ =	shalt  }
0x59: {  	_ =	shalt  }
0x5a: {  	_ =	shalt  }
0x5b: {  	_ =	shalt  }
0x5c: {  	_ =	shalt  }
0x5d: {  	_ =	shalt  }
0x5e: {  	_ =	shalt  }
0x5f: {  	_ =	shalt  }
0x60: {  	_ =	shalt  }
0x61: {  	_ =	shalt  }
0x62: {  	_ =	shalt  }
0x63: {  	_ =	shalt  }
0x64: {  	_ =	shalt  }
0x65: {  	_ =	shalt  }
0x66: {  	_ =	shalt  }
0x67: {  	_ =	shalt  }
0x68: {  	_ =	shalt  }
0x69: {  	_ =	shalt  }
0x6a: {  	_ =	shalt  }
0x6b: {  	_ =	shalt  }
0x6c: {  	_ =	shalt  }
0x6d: {  	_ =	shalt  }
0x6e: {  	_ =	shalt  }
0x6f: {  	_ =	shalt  }
0x70: {  	_ =	shalt  }
0x71: {  	_ =	shalt  }
0x72: {  	_ =	shalt  }
0x73: {  	_ =	shalt  }
0x74: {  	_ =	shalt  }
0x75: {  	_ =	shalt  }
0x76: {  	_ =	shalt  }
0x77: {  	_ =	shalt  }
0x78: {  	_ =	shalt  }
0x79: {  	_ =	shalt  }
0x7a: {  	_ =	shalt  }
0x7b: {  	_ =	shalt  }
0x7c: {  	_ =	shalt  }
0x7d: {  	_ =	shalt  }
0x7e: {  	_ =	shalt  }
0x7f: {  	_ =	shalt  }
0x80: {  	_ =	shalt  }
0x81: {  	_ =	shalt  }
0x82: {  	_ =	shalt  }
0x83: {  	_ =	shalt  }
0x84: {  	_ =	shalt  }
0x85: {  	_ =	shalt  }
0x86: {  	_ =	shalt  }
0x87: {  	_ =	shalt  }
.Lfunc_end0:
.L_simem_size_0:
called_computation.3_lowered:
.L_overlay_start_0:
0x88: {  	s2 =	sld [smem:$0x3FD9]  }
0x89: {  	s3 =	sld [smem:$0x3FFE];
	_ =	sdelay $0x1  }
0x8a: {  	s1 =	srdreg.scid  }
0x8b: {  	s0 =	sand.u32 $0x1, s1  }
0x8c: {  	s16 =	sshll.u32 s0, $0xA;
	s2 =	sadd.s32 s3, s2  }
0x8d: {  	s2 =	sadd.s32 s2, s16  }
0x8e: {  	[smem:$0x3FB4] =	sst s2  }
0x8f: {  	_ = 	snop  }
0x90: {  	(tm) =	ssettm $0x1  }
0x91: {  	s17 =	sld [smem:$0x3FFB];
	_ =	sdelay $0x3  }
0x92: {  	_ =	strace s17  }
0x93: {  	s2 =	sld [smem:$0x3FFC];
	_ =	sdelay $0x3  }
0x94: {  	_ =	strace s2  }
0x95: {  	s2 =	sld [smem:$0x3FFD];
	_ =	sdelay $0x3  }
0x96: {  	_ =	strace s2  }
0x97: {  	_ =	strace $0x8FFFFFFF  }
0x98: {  	s18 =	sld [smem:$0x3FDB];
	_ =	sdelay $0x1  }
0x99: {  	s19 =	simm.s32 $_scs_section_size  }
0x9a: {  	s4 =	simm.s32 $_size__tile_overlayer_lowered;
	s5 =	simm.s32 $_tile_overlayer_lowered  }
0x9b: {  	s22 =	simm.s32 $0x1BFF;
	s21 =	sshll.u32 s5, $0x1;
	s2 =	sadd.s32 s19, s18  }
0x9c: {  	s6 =	simm.s32 $0x0;
	s20 =	sshll.u32 s4, $0x1;
	s4 =	sadd.s32 s21, s2  }
0x9d: {  	[timem:s6], [sflag:s22] =	dma.local [hbm:s4], s20  }
0x9e: {  	_ =	swait.ge [sflag:s22], s20  }
0x9f: {  	s3 =	ssub.s32 $0x0, s20;
	[sflag:s22] =	ssyncset.done $0x0  }
0xa0: {  	[sflag:s22] =	ssyncadd.s32 s3;
	_ =	sdelay $0x1  }
0xa1: {  	s23 =	simm.s32 $0x1B8B  }
0xa2: {  	_ =	swait.ge [sflag:s23], $0x1  }
0xa3: {  	[sflag:s23] =	ssyncset.done $0x0  }
0xa4: {  	s25 =	simm.s32 $0x1B8E;
	s24 =	sld [smem:$0x3FFE];
	[sflag:s23] =	ssyncadd.s32 $0xFFFFFFFF  }
0xa5: {  	s26 =	simm.s32 $execute0_lowered;
	[smem:$0x3FD2] =	sst s25  }
0xa6: {  	s4 =	sshll.u32 s26, $0x1;
	_ =	strace $0x8000004F;
	[dreg:$0x1] =	wrdreg $0xFFFFFFFF  }
0xa7: {  	s28 =	simm.s32 $_size_execute0_lowered;
	s2 =	sadd.s32 s2, s4;
	[dreg:$0x0] =	wrdreg $0x0  }
0xa8: {  	s4 =	sshll.u32 s28, $0x1;
	[dreg:$0x2] =	wrdreg s2  }
0xa9: {  	[dreg:$0x3] =	wrdreg s4  }
0xaa: {  	[dreg:$0x4] =	wrdreg $0xC0  }
0xab: {  	_ =	task [dreg:s6], $0x5FFFF  }
0xac: {  	[dreg:$0x1] =	wrdreg $0xFFFFFFFF  }
0xad: {  	[dreg:$0x0] =	wrdreg $0x60  }
0xae: {  	[dreg:$0x2] =	wrdreg s24  }
0xaf: {  	[dreg:$0x3] =	wrdreg $0x0  }
0xb0: {  	[dreg:$0x4] =	wrdreg $0x9  }
0xb1: {  	_ =	task.clear_ibuf [dreg:s6], $0x5FFFF;
	_ =	strace $0x9000004F  }
0xb2: {  	s29 =	simm.s32 $0x9;
	_ =	strace $0x80000051  }
0xb3: {  	_ =	swait.ge [sflag:s29], $0x1  }
0xb4: {  	[sflag:s29] =	ssyncadd.s32 $0xFFFFFFFF  }
0xb5: {  	_ =	strace $0x90000051  }
0xb6: {  	_ =	sfence  }
0xb7: {  	s30 =	sld [smem:$0x0];
	_ =	sdelay $0x2  }
0xb8: {  	s31 =	sshll.u32 s1, $0xD;
	s1 =	sshrl.u32 s1, $0x2  }
0xb9: {  	s3 =	sand.u32 $0x4000, s31;
	s1 =	sadd.s32 s1, s30  }
0xba: {  	s0 =	sor.u32 s3, s0;
	s1 =	sshll.u32 s1, $0x11  }
0xbb: {  	s0 =	sor.u32 s1, s0  }
0xbc: {  	s0 =	sadd.s32 $0x8F2B, s0  }
0xbd: {  	[sflag:s0] =	ssyncadd.remote.s32 $0x1  }
0xbe: {  	_ =	sfence.sel $0xFFFF  }
0xbf: {  	[dreg:$0x0] =	wrdreg $0xFFFFFFFF;
	(pc) =	sbr.abs _section_cstart, $3  }
0xc0: {  	[dreg:$0x1] =	wrdreg $0xFFFFFFFF  }
0xc1: {  	_ =	task.clear_ibuf [dreg:s6], $0x2FFFF;
	_ =	strace $0x9FFFFFFF  }
0xc2: {  	(tm) =	ssettm $0x7FFFFFFF  }
0xc3: {  	_ =	shalt  }
tec
execute0_lowered:
.L_overlay_start_1:
0x0: {  	(tag) =	ssettag $0x1  }
0x1: {  	s4 =	rddreg [dreg:$0x0];
	s8 =	srdreg.scid  }
0x2: {  	s3 =	sadd.s32 $0x17E00, s4;
	s5 =	sadd.s32 $0xF0F400, s4;
	s6 =	sadd.s32 $0xE000, s4  }
0x3: {  	s7 =	sadd.s32 $0x4200, s4;
	s16 =	sadd.s32 $0x69400, s4;
	s4 =	stileid.u32  }
0x4: {  	s10 =	sand.u32 $0x1, s8;
	s9 =	smul.u32 $0x19000, s4  }
0x5: {  	s21 =	smul.u32 $0x138800, s10  }
0x6: {  	s12 =	sor.u32 $0x10, s4;
	s24 =	smul.u32 $0x6400, s4  }
0x7: {  	s13 =	sor.u32 $0x20, s4;
	s11 =	smul.u32 $0x19000, s12  }
0x8: {  	s15 =	sor.u32 $0x30, s4;
	s14 =	smul.u32 $0x19000, s13  }
0x9: {  	s2 =	simm.s32 $0x0;
	s20 =	sshll.u32 s4, $0x1;
	s18 =	smul.u32 $0x19000, s15  }
0xa: {  	[smem:$0x7FF] =	sst s2;
	s8 =	sor.u32 s10, s20;
	s20 =	smul.u32 $0x6400, s12  }
0xb: {  	s1 =	rddreg [dreg:$0x1];
	_ =	strace $0x80000050;
	s26 =	smul.u32 $0x6400, s13  }
0xc: {  	s17 =	ssub.s32 $0x2, s10;
	p0 =	sgt.u32 s4, $0x1;
	s29 =	smul.u32 $0x6400, s15  }
0xd: {  	s19 =	sshrl.u32 s17, $0x1;
	s9 =	sshrl.u32 s9, $0x2;
	s8 =	smul.u32 $0x2710, s8  }
0xe: {  	s17 =	ssub.s32 s17, s19;
	s9 =	sadd.s32 s9, s1;
	s22 =	sshrl.u32 s11, $0x2  }
0xf: {  	s23 =	sshrl.u32 s14, $0x2;
	s25 =	sshrl.u32 s18, $0x2;
	s14 =	sadd.s32 s24, s21  }
0x10: {  	s30 =	sadd.s32 s21, s20;
	s18 =	sadd.s32 s21, s26;
	s19 =	sadd.s32 s21, s29  }
0x11: {  	s17 =	smax.u32 s17, $0x1;
	s20 =	simm.s32 $0x13880;
	s21 =	simm.s32 $0x13900  }
0x12: {  	s24 =	simm.s32 $0x13980;
	s26 =	simm.s32 $0x0;
	s10 =	sadd.s32 s22, s1  }
0x13: {  	s11 =	sadd.s32 s23, s1;
	s12 =	sadd.s32 s25, s1;
	s28 =	sshrl.u32 s14, $0x3  }
0x14: {  	s15 =	sshrl.u32 s30, $0x3;
	s18 =	sshrl.u32 s18, $0x3;
	s31 =	sshrl.u32 s19, $0x3  }
0x15: {  	s19 =	simm.s32 $0x2;
	s22 =	simm.s32 $0x16180;
	s23 =	simm.s32 $0x50  }
0x16: {  	s25 =	simm.s32 $0x1;
	s13 =	sadd.s32 s16, s28;
	s14 =	sadd.s32 s16, s15  }
0x17: {  	v0 =	vimm.f32 $0.0e+00;
	s15 =	sadd.s32 s16, s18;
	s16 =	sadd.s32 s16, s31;
	s18 =	simm.s32 $0x18980  }
.LBB2_1:
0x18: {  	s28 =	simm.s32 $0x0;
	s29 =	simm.s32 $0x200  }
.LBB2_2:
0x19: {  	p1 =	sne.s32 s29, $0x18E00;
	[tilespmem:s28+$0x189F0] =	vst v0  }
0x1a: {  	[tilespmem:s28+$0x18980] =	vst v0  }
0x1b: {  	[tilespmem:s28+$0x18990] =	vst v0  }
.Ltmp0:
0x1c: {  	[tilespmem:s28+$0x189A0] =	vst v0;
	(pc) =	sbr.rel @p1 .LBB2_2-.Ltmp0, $4  }
0x1d: {  	[tilespmem:s28+$0x189B0] =	vst v0  }
0x1e: {  	[tilespmem:s28+$0x189C0] =	vst v0  }
0x1f: {  	[tilespmem:s28+$0x189D0] =	vst v0  }
0x20: {  	[tilespmem:s28+$0x189E0] =	vst v0;
	s28 =	sshra.s32 s29, $0x2;
	s29 =	sadd.s32 $0x200, s29  }
0x21: {  	[tilespmem:s28+$0x189F0] =	vst v0  }
0x22: {  	[tilespmem:s28+$0x18980] =	vst v0  }
0x23: {  	[tilespmem:s28+$0x18990] =	vst v0  }
0x24: {  	[tilespmem:s28+$0x189A0] =	vst v0  }
0x25: {  	[tilespmem:s28+$0x189B0] =	vst v0  }
0x26: {  	[tilespmem:s28+$0x189C0] =	vst v0  }
0x27: {  	[tilespmem:s28+$0x189D0] =	vst v0  }
0x28: {  	[tilespmem:s28+$0x189E0] =	vst v0  }
0x29: {  	[spmem:s9] =	stream.linear.scatter [tilespmem:s18], [sflag:$0x2], $0x6400, $0x38;
	[tilespmem:$0x1ED80] =	vst v63  }
0x2a: {  	_ =	swait.ge [sflag:s19], $0x6400  }
0x2b: {  	[sflag:s19] =	ssyncset.done $0x0  }
0x2c: {  	[sflag:s19] =	ssyncadd.s32 $0xFFFF9C00  }
0x2d: {  	[spmem:s10] =	stream.linear.scatter [tilespmem:s18], [sflag:$0x2], $0x6400, $0x38;
	[tilespmem:$0x1ED80] =	vst v63  }
0x2e: {  	_ =	swait.ge [sflag:s19], $0x6400  }
0x2f: {  	[sflag:s19] =	ssyncset.done $0x0  }
0x30: {  	[sflag:s19] =	ssyncadd.s32 $0xFFFF9C00  }
0x31: {  	[spmem:s11] =	stream.linear.scatter [tilespmem:s18], [sflag:$0x2], $0x6400, $0x38;
	[tilespmem:$0x1ED80] =	vst v63  }
0x32: {  	_ =	swait.ge [sflag:s19], $0x6400  }
0x33: {  	[sflag:s19] =	ssyncset.done $0x0  }
0x34: {  	s28 =	simm.s32 @!p0 $0x18980;
	[sflag:s19] =	ssyncadd.s32 $0xFFFF9C00  }
0x35: {  	[spmem:s12] =	stream.linear.scatter @!p0 [tilespmem:s28], [sflag:$0x2], $0x6400, $0x38;
	[tilespmem:$0x1ED80] =	vst v63  }
0x36: {  	s28 =	simm.s32 @!p0 $0x2  }
0x37: {  	_ =	swait.ge @!p0 [sflag:s28], $0x6400  }
0x38: {  	[sflag:s28] =	ssyncset.done @!p0 $0x0  }
0x39: {  	[sflag:s28] =	ssyncadd.s32 @!p0 $0xFFFF9C00  }
0x3a: {  	s29 =	simm.s32 $0x0;
	s28 =	simm.s32 $0x0;
	[bflag:$0x0] =	sbarrier.arrive $0xFFFF  }
.LBB2_4:
0x3b: {  	s30 =	smul.u32 $0x50, s29;
	_ =	sdelay $0x1  }
0x3c: {  	s30 =	sadd.s32 s8, s30  }
0x3d: {  	s31 =	sshrl.u32 s30, $0x3  }
0x3e: {  	s0 =	sadd.s32 s6, s31  }
0x3f: {  	[tilespmem:s20], [sflag:$0x2] =	stream.linear.gather [hbm4b:s0+s28], $0x50, $0x38;
	[tilespmem:$0x1ED80] =	vst v63  }
0x40: {  	_ =	swait.ge [sflag:s19], $0x50  }
0x41: {  	[sflag:s19] =	ssyncset.done $0x0  }
0x42: {  	s0 =	sadd.s32 s7, s31;
	[sflag:s19] =	ssyncadd.s32 $0xFFFFFFB0  }
0x43: {  	[tilespmem:s21], [sflag:$0x2] =	stream.linear.gather [hbm4b:s0+s28], $0x50, $0x38;
	[tilespmem:$0x1ED80] =	vst v63  }
0x44: {  	_ =	swait.ge [sflag:s19], $0x50  }
0x45: {  	s0 =	sshll.u32 s30, $0x4;
	[sflag:s19] =	ssyncset.done $0x0  }
0x46: {  	s0 =	sadd.s32 s5, s0;
	[sflag:s19] =	ssyncadd.s32 $0xFFFFFFB0  }
0x47: {  	[tilespmem:s22], [sflag:$0x2] =	stream.linear.gather [hbm4b:s0+s28], $0x2800, $0x38;
	[tilespmem:$0x1ED80] =	vst v63  }
0x48: {  	_ =	swait.ge [sflag:s19], $0x2800  }
0x49: {  	[sflag:s19] =	ssyncset.done $0x0  }
0x4a: {  	[sflag:s19] =	ssyncadd.s32 $0xFFFFD800  }
0x4b: {  	[tilespmem:s24], [sflag:$0x1] =	stream.indirect.gather [hbm4b:s3+s23], $0x80, s20, s23, $0xb8;
	[tilespmem:$0x1ED80] =	vst v63  }
0x4c: {  	_ =	swait.ge [sflag:s25], $0x2800  }
0x4d: {  	[sflag:s25] =	ssyncset.done $0x0  }
0x4e: {  	s30 =	simm.s32 $0x0;
	[sflag:s25] =	ssyncadd.s32 $0xFFFFD800  }
0x4f: {  	v8 =	vld [tilespmem:s30+$0x16180]  }
0x50: {  	v12 =	vld [tilespmem:s30+$0x16190]  }
0x51: {  	v6 =	vld [tilespmem:s30+$0x161A0]  }
0x52: {  	v5 =	vld [tilespmem:s30+$0x161B0]  }
0x53: {  	v4 =	vld [tilespmem:s30+$0x161C0]  }
0x54: {  	v3 =	vld [tilespmem:s30+$0x161D0]  }
0x55: {  	v2 =	vld [tilespmem:s30+$0x161E0]  }
0x56: {  	v1 =	vld [tilespmem:s30+$0x161F0]  }
0x57: {  	v13 =	vld [tilespmem:s30+$0x13980]  }
0x58: {  	v14 =	vld [tilespmem:s30+$0x13990]  }
0x59: {  	v11 =	vld [tilespmem:s30+$0x139A0]  }
0x5a: {  	v10 =	vld [tilespmem:s30+$0x139B0]  }
0x5b: {  	v9 =	vld [tilespmem:s30+$0x139C0]  }
0x5c: {  	v7 =	vld [tilespmem:s30+$0x139D0];
	v13 =	vmul.f32 v8, v13  }
0x5d: {  	s31 =	simm.s32 $0x200;
	v12 =	vmul.f32 v12, v14;
	v8 =	vld [tilespmem:s30+$0x139E0]  }
.LBB2_5:
0x5e: {  	s0 =	sshra.s32 s31, $0x2;
	p1 =	sne.s32 s31, $0x9E00;
	[tilespmem:s30+$0x13980] =	vst v13;
	v6 =	vmul.f32 v6, v11;
	v11 =	vld [tilespmem:s30+$0x139F0]  }
0x5f: {  	v13 =	vld [tilespmem:s0+$0x16180];
	[tilespmem:s30+$0x13990] =	vst v12;
	v5 =	vmul.f32 v5, v10  }
0x60: {  	v12 =	vld [tilespmem:s0+$0x16190];
	[tilespmem:s30+$0x139A0] =	vst v6;
	v4 =	vmul.f32 v4, v9  }
0x61: {  	v6 =	vld [tilespmem:s0+$0x161A0];
	[tilespmem:s30+$0x139B0] =	vst v5;
	v3 =	vmul.f32 v3, v7  }
0x62: {  	v5 =	vld [tilespmem:s0+$0x161B0];
	[tilespmem:s30+$0x139C0] =	vst v4;
	v2 =	vmul.f32 v2, v8  }
0x63: {  	v4 =	vld [tilespmem:s0+$0x161C0];
	[tilespmem:s30+$0x139D0] =	vst v3;
	v1 =	vmul.f32 v1, v11  }
0x64: {  	v3 =	vld [tilespmem:s0+$0x161D0];
	[tilespmem:s30+$0x139E0] =	vst v2  }
0x65: {  	v2 =	vld [tilespmem:s0+$0x161E0];
	[tilespmem:s30+$0x139F0] =	vst v1;
	s30 =	smov.u32 s0  }
0x66: {  	v1 =	vld [tilespmem:s30+$0x161F0]  }
0x67: {  	v7 =	vld [tilespmem:s30+$0x13980]  }
0x68: {  	v8 =	vld [tilespmem:s30+$0x13990]  }
.Ltmp1:
0x69: {  	v11 =	vld [tilespmem:s30+$0x139A0];
	(pc) =	sbr.rel @p1 .LBB2_5-.Ltmp1, $4  }
0x6a: {  	v10 =	vld [tilespmem:s30+$0x139B0]  }
0x6b: {  	v9 =	vld [tilespmem:s30+$0x139C0]  }
0x6c: {  	v13 =	vmul.f32 v13, v7;
	v7 =	vld [tilespmem:s30+$0x139D0]  }
0x6d: {  	s31 =	sadd.s32 $0x200, s31;
	v12 =	vmul.f32 v12, v8;
	v8 =	vld [tilespmem:s30+$0x139E0]  }
0x6e: {  	[tilespmem:s30+$0x13980] =	vst v13;
	v6 =	vmul.f32 v6, v11;
	v63 =	vld [tilespmem:s30+$0x139F0]  }
0x6f: {  	[tilespmem:s30+$0x13990] =	vst v12;
	v5 =	vmul.f32 v5, v10  }
0x70: {  	[tilespmem:s30+$0x139A0] =	vst v6;
	v4 =	vmul.f32 v4, v9  }
0x71: {  	[tilespmem:s30+$0x139B0] =	vst v5;
	v3 =	vmul.f32 v3, v7  }
0x72: {  	[tilespmem:s30+$0x139C0] =	vst v4;
	v2 =	vmul.f32 v2, v8  }
0x73: {  	s29 =	sadd.s32 $0x1, s29;
	[tilespmem:s30+$0x139D0] =	vst v3;
	v1 =	vmul.f32 v1, v63  }
0x74: {  	p1 =	sne.s32 s29, $0x7D;
	[tilespmem:s30+$0x139E0] =	vst v2  }
.Ltmp2:
0x75: {  	[tilespmem:s30+$0x139F0] =	vst v1;
	(pc) =	sbr.rel @p1 .LBB2_4-.Ltmp2, $4  }
0x76: {  	[spmem:s1] =	stream.indirect.scatter.add.f32 [tilespmem:s24], [sflag:$0x2], $0x80, s21, s23, $0xb8;
	[tilespmem:$0x1ED80] =	vst v63  }
0x77: {  	_ =	swait.ge [sflag:s19], $0x2800  }
0x78: {  	[sflag:s19] =	ssyncset.done $0x0  }
0x79: {  	[sflag:s19] =	ssyncadd.s32 $0xFFFFD800  }
0x7a: {  	[bflag:$0x0] =	sbarrier.arrive $0xFFFF  }
0x7b: {  	[tilespmem:s18], [sflag:$0x2] =	stream.linear.gather [spmem:s9], $0x6400, $0x38;
	[tilespmem:$0x1ED80] =	vst v63  }
0x7c: {  	_ =	swait.ge [sflag:s19], $0x6400  }
0x7d: {  	[sflag:s19] =	ssyncset.done $0x0  }
0x7e: {  	[sflag:s19] =	ssyncadd.s32 $0xFFFF9C00  }
0x7f: {  	[hbm4b:s13+s2] =	stream.linear.scatter [tilespmem:s18], [sflag:$0x2], $0x6400, $0x38;
	[tilespmem:$0x1ED80] =	vst v63  }
0x80: {  	_ =	swait.ge [sflag:s19], $0x6400  }
0x81: {  	[sflag:s19] =	ssyncset.done $0x0  }
0x82: {  	[sflag:s19] =	ssyncadd.s32 $0xFFFF9C00  }
0x83: {  	[tilespmem:s18], [sflag:$0x2] =	stream.linear.gather [spmem:s10], $0x6400, $0x38;
	[tilespmem:$0x1ED80] =	vst v63  }
0x84: {  	_ =	swait.ge [sflag:s19], $0x6400  }
0x85: {  	[sflag:s19] =	ssyncset.done $0x0  }
0x86: {  	[sflag:s19] =	ssyncadd.s32 $0xFFFF9C00  }
0x87: {  	[hbm4b:s14+s2] =	stream.linear.scatter [tilespmem:s18], [sflag:$0x2], $0x6400, $0x38;
	[tilespmem:$0x1ED80] =	vst v63  }
0x88: {  	_ =	swait.ge [sflag:s19], $0x6400  }
0x89: {  	[sflag:s19] =	ssyncset.done $0x0  }
0x8a: {  	[sflag:s19] =	ssyncadd.s32 $0xFFFF9C00  }
0x8b: {  	[tilespmem:s18], [sflag:$0x2] =	stream.linear.gather [spmem:s11], $0x6400, $0x38;
	[tilespmem:$0x1ED80] =	vst v63  }
0x8c: {  	_ =	swait.ge [sflag:s19], $0x6400  }
0x8d: {  	[sflag:s19] =	ssyncset.done $0x0  }
0x8e: {  	[sflag:s19] =	ssyncadd.s32 $0xFFFF9C00  }
0x8f: {  	[hbm4b:s15+s2] =	stream.linear.scatter [tilespmem:s18], [sflag:$0x2], $0x6400, $0x38;
	[tilespmem:$0x1ED80] =	vst v63  }
0x90: {  	_ =	swait.ge [sflag:s19], $0x6400  }
0x91: {  	[sflag:s19] =	ssyncset.done $0x0  }
0x92: {  	s0 =	simm.s32 @!p0 $0x18980;
	s28 =	simm.s32 @!p0 $0x2;
	[sflag:s19] =	ssyncadd.s32 $0xFFFF9C00  }
0x93: {  	[tilespmem:s0], [sflag:$0x2] =	stream.linear.gather @!p0 [spmem:s12], $0x6400, $0x38;
	[tilespmem:$0x1ED80] =	vst v63  }
0x94: {  	s26 =	sadd.s32 $0x1, s26;
	_ =	swait.ge @!p0 [sflag:s28], $0x6400  }
0x95: {  	p1 =	sne.s32 s26, s17;
	[sflag:s28] =	ssyncset.done @!p0 $0x0  }
.Ltmp3:
0x96: {  	s29 =	simm.s32 @!p0 $0x0;
	[sflag:s28] =	ssyncadd.s32 @!p0 $0xFFFF9C00;
	(pc) =	sbr.rel @p1 .LBB2_1-.Ltmp3, $4  }
0x97: {  	[hbm4b:s16+s29] =	stream.linear.scatter @!p0 [tilespmem:s0], [sflag:$0x2], $0x6400, $0x38;
	[tilespmem:$0x1ED80] =	vst v63  }
0x98: {  	_ =	swait.ge @!p0 [sflag:s28], $0x6400  }
0x99: {  	[sflag:s28] =	ssyncset.done @!p0 $0x0  }
0x9a: {  	[sflag:s28] =	ssyncadd.s32 @!p0 $0xFFFF9C00  }
0x9b: {  	_ =	sfence.sel $0x180000  }
0x9c: {  	[bflag:$0x0] =	sbarrier.arrive $0xFFFF  }
0x9d: {  	_ =	strace $0x90000050  }
0x9e: {  	[bflag:$0x2] =	sbarrier.arrive $0xFFFF  }
0x9f: {  	p0 =	sne.s32 s4, $0x0;
	s0 =	rddreg [dreg:$0x2]  }
0xa0: {  	s0 =	sadd.s32 @!p0 $0x100000, s0  }
0xa1: {  	[sflag:s0] =	ssyncadd.tile.s32 @!p0 $0x1;
	_ =	shalt  }
.Lfunc_end2:
_tile_overlayer_lowered:
.L_overlay_start_2:
0xa2: {  	(tag) =	ssettag $0x2  }
0xa3: {  	s0 =	rddreg [dreg:$0x0];
	s2 =	stileid.u32  }
0xa4: {  	s1 =	rddreg [dreg:$0x1];
	p0 =	sne.s32 s2, $0x0  }
0xa5: {  	s3 =	rddreg [dreg:$0x2];
	[bflag:$0x3] =	sbarrier.arrive $0xFFFF;
	s2 =	simm.s32 @!p0 $0x1C02  }
0xa6: {  	[timem:s3], [sflag:s2] =	dma.local @!p0 [hbm:s0], s1  }
0xa7: {  	s0 =	simm.s32 @!p0 $0x2  }
0xa8: {  	_ =	swait.ge @!p0 [sflag:s0], s1  }
0xa9: {  	s1 =	ssub.s32 @!p0 $0x0, s1;
	[sflag:s0] =	ssyncset.done @!p0 $0x0  }
0xaa: {  	[sflag:s0] =	ssyncadd.s32 @!p0 s1  }
0xab: {  	[bflag:$0x3] =	sbarrier.arrive $0xFFFF  }
0xac: {  	_ =	shalt  }

</sc_bundles>
